<compile_context>
chip_gen: v7x
topology: tpu7x:2x2x1
jax: 0.10.2.dev20260603
libtpu: 0.0.44.dev20260713+nightly
codegen_flags: <defaults>
</compile_context>

<pallas_src>
import jax
import jax.numpy as jnp
from jax import lax
from jax.experimental import pallas as pl
from jax.experimental.pallas import tpu as pltpu
from jax.experimental.pallas import tpu_sc as plsc

C = 64
NX = 512
NY = 512
BATCH = 4
L = 16
NC, NS = 2, 16
NW = NC * NS
KPW = BATCH * NX * NY // NW
XSPAN = KPW // NY
OUT_N = BATCH * C * NX * NY
CH = 6144
CAP = 2048
CAPB = CAP + 8 * L
ECH = 32
NDMA = ECH * C // 128
ZBLK = 1 << 20


def _zero_body(o_ref):
    o_ref[...] = jnp.zeros_like(o_ref)


def _route_body(cb, cy, cx, bsv, lk_out, pid_out, cnt_out,
                cbv, cyv, cxv, bsb, owner, lkbuf, pidbuf, lsem):
    npad = cb.shape[0]
    nchunks = npad // CH
    wid = lax.axis_index("s") * NC + lax.axis_index("c")
    myb = wid // (NW // BATCH)
    xlo = (wid % (NW // BATCH)) * XSPAN
    iota = lax.broadcasted_iota(jnp.int32, (L,), 0)
    zi32 = jnp.zeros((L,), jnp.int32)

    def ow_init(i, _):
        owner[pl.ds(i * L, L)] = zi32
        return 0
    lax.fori_loop(0, KPW // L, ow_init, 0)

    def cap_init(i, _):
        lkbuf[pl.ds(i * L, L)] = zi32
        pidbuf[pl.ds(i * L, L)] = zi32
        return 0
    lax.fori_loop(0, CAPB // L, cap_init, 0)

    pltpu.sync_copy(bsv, bsb)
    bs_vec = bsb[...]

    def issue(k):
        s = k % 2
        pltpu.async_copy(cb.at[pl.ds(k * CH, CH)], cbv.at[s], lsem)
        pltpu.async_copy(cy.at[pl.ds(k * CH, CH)], cyv.at[s], lsem)
        pltpu.async_copy(cx.at[pl.ds(k * CH, CH)], cxv.at[s], lsem)

    def drain(k):
        s = k % 2
        pltpu.make_async_copy(cb.at[pl.ds(k * CH, CH)], cbv.at[s], lsem).wait()
        pltpu.make_async_copy(cy.at[pl.ds(k * CH, CH)], cyv.at[s], lsem).wait()
        pltpu.make_async_copy(cx.at[pl.ds(k * CH, CH)], cxv.at[s], lsem).wait()

    issue(0)
    for k in range(nchunks):
        if k + 1 < nchunks:
            issue(k + 1)
        drain(k)
        bc, by, bx = cbv.at[k % 2], cyv.at[k % 2], cxv.at[k % 2]

        def scan(i, _, kbase=k * CH, bc=bc, by=by, bx=bx):
            base = i * L
            vb = bc[pl.ds(base, L)]
            vy = by[pl.ds(base, L)]
            vx = bx[pl.ds(base, L)]
            m = (vb == myb) & (vb < bs_vec) & (vx >= xlo) & (vx < xlo + XSPAN)
            lk = (vx - xlo) * NY + vy
            lk = jnp.where(m, lk, 0)
            pid = kbase + base + iota + 1
            plsc.store_scatter(owner, [lk], pid, mask=m)
            return 0
        lax.fori_loop(0, CH // L, scan, 0)

    def compact(i, cnt):
        v = owner[pl.ds(i * L, L)]
        m = v > 0
        plsc.store_compressed(lkbuf.at[pl.ds(cnt, L)], i * L + iota, mask=m)
        plsc.store_compressed(pidbuf.at[pl.ds(cnt, L)], v - 1, mask=m)
        nc2 = cnt + jnp.sum(m.astype(jnp.int32))
        return jnp.minimum(nc2, CAP - L)
    cnt = lax.fori_loop(0, KPW // L, compact, 0)

    pltpu.sync_copy(lkbuf, lk_out.at[wid])
    pltpu.sync_copy(pidbuf, pid_out.at[wid])
    bsb[...] = jnp.full((L,), cnt, jnp.int32)
    pltpu.sync_copy(bsb, cnt_out.at[wid])


def _patch_body(feat, lk_all, pid_all, cnt_all, canvas,
                lkbuf, pidbuf, cntb, rows, oidx, vals, gsem, ssem):
    wid = lax.axis_index("s") * NC + lax.axis_index("c")
    myb = wid // (NW // BATCH)
    xlo = (wid % (NW // BATCH)) * XSPAN
    gbase = myb * (C * NX * NY) + xlo * NY
    iota = lax.broadcasted_iota(jnp.int32, (L,), 0)

    pltpu.sync_copy(lk_all.at[wid], lkbuf)
    pltpu.sync_copy(pid_all.at[wid], pidbuf)
    pltpu.sync_copy(cnt_all.at[wid], cntb)
    cnt = jnp.max(cntb[...])

    def wchunk(d, _):
        @pl.when(d * ECH < cnt)
        def _():
            pltpu.async_copy(
                feat.at[pidbuf.at[pl.ds(d * ECH, ECH)]], rows, gsem).wait()

            def r2v(i, _):
                rv = plsc.load_gather(
                    rows, [jnp.full((L,), i >> 2, jnp.int32),
                           (i & 3) * L + iota])
                vals[pl.ds(i * L, L)] = rv
                return 0
            lax.fori_loop(0, ECH * C // L, r2v, 0)

            for ev in range(ECH // L):
                off = d * ECH + ev * L
                lkv = lkbuf[pl.ds(off, L)]

                def per_ch(c, _):
                    p = ev * (L * C) + iota * C + c
                    ov = gbase + c * (NX * NY) + lkv
                    plsc.store_scatter(oidx, [p >> 7, p & 127], ov)
                    return 0
                lax.fori_loop(0, C, per_ch, 0)

            n_e = jnp.minimum(cnt - d * ECH, ECH)
            nfull = n_e >> 1

            def s_issue(dd, _):
                pltpu.async_copy(
                    vals.at[pl.ds(dd * 128, 128)], canvas.at[oidx.at[dd]],
                    ssem)
                return 0
            lax.fori_loop(0, nfull, s_issue, 0)

            @pl.when((n_e & 1) == 1)
            def _():
                eb = d * ECH + n_e - 1
                lkb = plsc.load_gather(
                    lkbuf, [jnp.full((L,), eb, jnp.int32)])
                for q in range(C // L):
                    ib = gbase + (q * L + iota) * (NX * NY) + lkb
                    pltpu.async_copy(
                        vals.at[pl.ds((n_e - 1) * C + q * L, L)],
                        canvas.at[ib], ssem)

            def s_drain(dd, _):
                pltpu.make_async_copy(
                    vals.at[pl.ds(dd * 128, 128)], canvas.at[oidx.at[dd]],
                    ssem).wait()
                return 0
            lax.fori_loop(0, nfull, s_drain, 0)

            @pl.when((n_e & 1) == 1)
            def _():
                eb = d * ECH + n_e - 1
                lkb = plsc.load_gather(
                    lkbuf, [jnp.full((L,), eb, jnp.int32)])
                for q in range(C // L):
                    ib = gbase + (q * L + iota) * (NX * NY) + lkb
                    pltpu.make_async_copy(
                        vals.at[pl.ds((n_e - 1) * C + q * L, L)],
                        canvas.at[ib], ssem).wait()
        return 0
    lax.fori_loop(0, CAP // ECH, wchunk, 0)


def kernel(voxel_features, coords, batch_size):
    n = coords.shape[0]
    npad = ((n + CH - 1) // CH) * CH
    pad = npad - n
    cb = jnp.concatenate([coords[:, 0], jnp.full((pad,), 511, jnp.int32)])
    cy = jnp.concatenate([coords[:, 2], jnp.zeros((pad,), jnp.int32)])
    cx = jnp.concatenate([coords[:, 3], jnp.zeros((pad,), jnp.int32)])
    bsv = jnp.full((L,), batch_size, dtype=jnp.int32)

    mesh = plsc.VectorSubcoreMesh(core_axis_name="c", subcore_axis_name="s")
    params = pltpu.CompilerParams(needs_layout_passes=False,
                                  use_tc_tiling_on_sc=False)

    route = pl.kernel(
        _route_body,
        out_type=(
            jax.ShapeDtypeStruct((NW, CAPB), jnp.int32),
            jax.ShapeDtypeStruct((NW, CAPB), jnp.int32),
            jax.ShapeDtypeStruct((NW, L), jnp.int32),
        ),
        mesh=mesh,
        compiler_params=params,
        scratch_types=[
            pltpu.VMEM((2, CH), jnp.int32),
            pltpu.VMEM((2, CH), jnp.int32),
            pltpu.VMEM((2, CH), jnp.int32),
            pltpu.VMEM((L,), jnp.int32),
            pltpu.VMEM((KPW,), jnp.int32),
            pltpu.VMEM((CAPB,), jnp.int32),
            pltpu.VMEM((CAPB,), jnp.int32),
            pltpu.SemaphoreType.DMA,
        ],
    )
    lk_all, pid_all, cnt_all = route(cb, cy, cx, bsv)

    zeros = pl.pallas_call(
        _zero_body,
        out_shape=jax.ShapeDtypeStruct((OUT_N,), jnp.float32),
        grid=(OUT_N // ZBLK,),
        out_specs=pl.BlockSpec((ZBLK,), lambda i: (i,)),
    )()
    canvas = jax.new_ref(zeros)

    patch = pl.kernel(
        _patch_body,
        out_type=(),
        mesh=mesh,
        compiler_params=params,
        scratch_types=[
            pltpu.VMEM((CAPB,), jnp.int32),
            pltpu.VMEM((CAPB,), jnp.int32),
            pltpu.VMEM((L,), jnp.int32),
            pltpu.VMEM((ECH, C), jnp.float32),
            pltpu.VMEM((NDMA, 128), jnp.int32),
            pltpu.VMEM((ECH * C,), jnp.float32),
            pltpu.SemaphoreType.DMA,
            pltpu.SemaphoreType.DMA,
        ],
    )
    patch(voxel_features, lk_all, pid_all, cnt_all, canvas)
    return canvas[...].reshape(BATCH, C, NX, NY)

# --- scband reference (transcript-rebuilt; emitter-appended) ---
"""Pipeline reference for scband-point-pillars-scatter-88313117540620 (READ-ONLY COPY).

The authoritative reference and input builder live on the scoring server;
editing this copy changes nothing except your own understanding.
"""

import jax, jax.numpy as jnp
import numpy as np

IN_CHANNELS = 64
NX = 512
NY = 512
N_PILLARS = 120000


def setup_inputs(seed: int = 0) -> dict:
    key = jax.random.key(seed)
    k1, k2 = jax.random.split(key)
    voxel_features = jax.random.normal(k1, (N_PILLARS, IN_CHANNELS), dtype=jnp.float32)
    # coords: [N, 4] = (batch, z, y, x); values in [0, 512). Only rows with
    # coords[:, 0] < batch_size participate, matching the torch batch mask.
    coords = jax.random.randint(k2, (N_PILLARS, 4), 0, 512, dtype=jnp.int32)
    return {"voxel_features": voxel_features, "coords": coords, "batch_size": 4}


def reference(voxel_features, coords, batch_size):
    C = voxel_features.shape[1]
    dump = NX * NY  # out-of-canvas slot for pillars not in this batch item
    indices = coords[:, 3] * NY + coords[:, 2]
    BATCH = 4  # static structure for the value setup_inputs always passes
    batch_canvas = []
    for b in range(BATCH):
        mask = (coords[:, 0] == b) & (b < batch_size)
        idx_b = jnp.where(mask, indices, dump)
        canvas = jnp.zeros((C, NX * NY + 1), dtype=voxel_features.dtype)
        # scatter-overwrite: canvas[:, indices] = voxels.T
        canvas = canvas.at[:, idx_b].set(voxel_features.T)
        batch_canvas.append(canvas[:, : NX * NY])
    out = jnp.stack(batch_canvas, 0).reshape(BATCH, C, NX, NY)
    return out

if __name__ == "__main__":
    import jax
    _d = setup_inputs()
    print(jax.jit(kernel)(*tuple(_d.values())))

</pallas_src>

<mosaic_0001>
#map = affine_map<(d0, d1) -> (0, 0)>
#map1 = affine_map<(d0, d1) -> (0)>
module attributes {stable_mosaic.version = 14 : i64} {
  func.func @new_body(%arg0: i32, %arg1: i32, %arg2: memref<120000x64xf32, #tpu.memory_space<hbm>>, %arg3: memref<32x2176xi32, #tpu.memory_space<hbm>>, %arg4: memref<32x2176xi32, #tpu.memory_space<hbm>>, %arg5: memref<32x16xi32, #tpu.memory_space<hbm>>, %arg6: memref<67108864xf32, #tpu.memory_space<hbm>>, %arg7: memref<67108864xf32, #tpu.memory_space<hbm>>, %arg8: memref<2176xi32, #tpu.memory_space<vmem>>, %arg9: memref<2176xi32, #tpu.memory_space<vmem>>, %arg10: memref<16xi32, #tpu.memory_space<vmem>>, %arg11: memref<32x64xf32, #tpu.memory_space<vmem>>, %arg12: memref<16x128xi32, #tpu.memory_space<vmem>>, %arg13: memref<2048xf32, #tpu.memory_space<vmem>>, %arg14: memref<!tpu.dma_semaphore, #tpu.memory_space<semaphore_mem>>, %arg15: memref<!tpu.dma_semaphore, #tpu.memory_space<semaphore_mem>>) attributes {dimension_semantics = [#tpu.dimension_semantics<core_parallel>, #tpu.dimension_semantics<subcore_parallel>], iteration_bounds = array<i64: 2, 16>, scalar_prefetch = 0 : i64, scratch_operands = 8 : i64, tpu.core_type = #tpu.core_type<sc_vector_subcore>, window_params = [{transform_indices = #map}, {transform_indices = #map}, {transform_indices = #map}, {transform_indices = #map}, {transform_indices = #map1}, {transform_indices = #map1}]} {
    %mul3A = arith.constant 2 : i32
    %mul3A_0 = arith.muli %arg1, %mul3A : i32
    %add3A = arith.addi %mul3A_0, %arg0 : i32
    %jit3A = arith.constant 8 : i32
    %div3A = arith.divsi %add3A, %jit3A : i32
    %sign3A = arith.constant 0 : i32
    %sign3A_1 = arith.cmpi sgt, %add3A, %sign3A : i32
    %sign3A_2 = arith.extui %sign3A_1 : i1 to i32
    %sign3A_3 = arith.constant 0 : i32
    %sign3A_4 = arith.cmpi slt, %add3A, %sign3A_3 : i32
    %sign3A_5 = arith.extui %sign3A_4 : i1 to i32
    %sign3A_6 = arith.subi %sign3A_2, %sign3A_5 : i32
    %sign3A_7 = arith.constant 0 : i32
    %sign3A_8 = arith.cmpi sgt, %jit3A, %sign3A_7 : i32
    %sign3A_9 = arith.extui %sign3A_8 : i1 to i32
    %sign3A_10 = arith.constant 0 : i32
    %sign3A_11 = arith.cmpi slt, %jit3A, %sign3A_10 : i32
    %sign3A_12 = arith.extui %sign3A_11 : i1 to i32
    %sign3A_13 = arith.subi %sign3A_9, %sign3A_12 : i32
    %ne3A = arith.cmpi ne, %sign3A_6, %sign3A_13 : i32
    %rem3A = arith.remsi %add3A, %jit3A : i32
    %ne3A_14 = arith.constant 0 : i32
    %ne3A_15 = arith.cmpi ne, %rem3A, %ne3A_14 : i32
    %and3A = arith.andi %ne3A, %ne3A_15 : i1
    %sub3A = arith.constant 1 : i32
    %sub3A_16 = arith.subi %div3A, %sub3A : i32
    %select_n3A = arith.select %and3A, %sub3A_16, %div3A : i32
    %jit3A_17 = arith.constant 8 : i32
    %eq3A = arith.constant 0 : i32
    %eq3A_18 = arith.cmpi eq, %jit3A_17, %eq3A : i32
    %jit3A_19 = arith.constant 1 : i32
    %select_n3A_20 = arith.select %eq3A_18, %jit3A_19, %jit3A_17 : i32
    %rem3A_21 = arith.remsi %add3A, %select_n3A_20 : i32
    %ne3A_22 = arith.constant 0 : i32
    %ne3A_23 = arith.cmpi ne, %rem3A_21, %ne3A_22 : i32
    %lt3A = arith.constant 0 : i32
    %lt3A_24 = arith.cmpi slt, %rem3A_21, %lt3A : i32
    %lt3A_25 = arith.constant 0 : i32
    %lt3A_26 = arith.cmpi slt, %select_n3A_20, %lt3A_25 : i32
    %ne3A_27 = arith.xori %lt3A_24, %lt3A_26 : i1
    %and3A_28 = arith.andi %ne3A_27, %ne3A_23 : i1
    %add3A_29 = arith.addi %rem3A_21, %select_n3A_20 : i32
    %select_n3A_30 = arith.select %and3A_28, %add3A_29, %rem3A_21 : i32
    %mul3A_31 = arith.constant 64 : i32
    %mul3A_32 = arith.muli %select_n3A_30, %mul3A_31 : i32
    %mul3A_33 = arith.constant 16777216 : i32
    %mul3A_34 = arith.muli %select_n3A, %mul3A_33 : i32
    %mul3A_35 = arith.constant 512 : i32
    %mul3A_36 = arith.muli %mul3A_32, %mul3A_35 : i32
    %add3A_37 = arith.addi %mul3A_34, %mul3A_36 : i32
    %iota3A = tpu.iota {dimensions = array<i32: 0>} : vector<16xi32>
    "tpu.region"() ({
      %run_scoped3A = tpu.sem_alloc : memref<!tpu.dma_semaphore, #tpu.memory_space<semaphore_mem>>
      %dma_start3A = arith.constant 0 : i32
      %dma_start3A_52 = tpu.memref_slice %arg3[%add3A, %dma_start3A] : memref<32x2176xi32, #tpu.memory_space<hbm>> -> memref<1x2176xi32, #tpu.memory_space<hbm>>
      %dma_start3A_53 = tpu.memref_squeeze %dma_start3A_52 : memref<1x2176xi32, #tpu.memory_space<hbm>> -> memref<2176xi32, #tpu.memory_space<hbm>>
      %dma_start3A_54 = arith.constant 0 : i32
      %dma_start3A_55 = tpu.memref_slice %arg3[%add3A, %dma_start3A_54] : memref<32x2176xi32, #tpu.memory_space<hbm>> -> memref<1x2176xi32, #tpu.memory_space<hbm>>
      %dma_start3A_56 = tpu.memref_squeeze %dma_start3A_55 : memref<1x2176xi32, #tpu.memory_space<hbm>> -> memref<2176xi32, #tpu.memory_space<hbm>>
      tpu.enqueue_dma source(%dma_start3A_56 : memref<2176xi32, #tpu.memory_space<hbm>>) target(%arg8 : memref<2176xi32, #tpu.memory_space<vmem>>) target_semaphore(%run_scoped3A : memref<!tpu.dma_semaphore, #tpu.memory_space<semaphore_mem>>)
      %dma_wait3A = arith.constant 0 : i32
      %dma_wait3A_57 = tpu.memref_slice %arg3[%add3A, %dma_wait3A] : memref<32x2176xi32, #tpu.memory_space<hbm>> -> memref<1x2176xi32, #tpu.memory_space<hbm>>
      %dma_wait3A_58 = tpu.memref_squeeze %dma_wait3A_57 : memref<1x2176xi32, #tpu.memory_space<hbm>> -> memref<2176xi32, #tpu.memory_space<hbm>>
      %dma_wait3A_59 = arith.constant 0 : i32
      %dma_wait3A_60 = tpu.memref_slice %arg3[%add3A, %dma_wait3A_59] : memref<32x2176xi32, #tpu.memory_space<hbm>> -> memref<1x2176xi32, #tpu.memory_space<hbm>>
      %dma_wait3A_61 = tpu.memref_squeeze %dma_wait3A_60 : memref<1x2176xi32, #tpu.memory_space<hbm>> -> memref<2176xi32, #tpu.memory_space<hbm>>
      tpu.wait_dma2 semaphore(%run_scoped3A : memref<!tpu.dma_semaphore, #tpu.memory_space<semaphore_mem>>) src(%dma_wait3A_61 : memref<2176xi32, #tpu.memory_space<hbm>>) dst(%arg8 : memref<2176xi32, #tpu.memory_space<vmem>>)
      tpu.yield
    }) : () -> ()
    "tpu.region"() ({
      %run_scoped3A = tpu.sem_alloc : memref<!tpu.dma_semaphore, #tpu.memory_space<semaphore_mem>>
      %dma_start3A = arith.constant 0 : i32
      %dma_start3A_52 = tpu.memref_slice %arg4[%add3A, %dma_start3A] : memref<32x2176xi32, #tpu.memory_space<hbm>> -> memref<1x2176xi32, #tpu.memory_space<hbm>>
      %dma_start3A_53 = tpu.memref_squeeze %dma_start3A_52 : memref<1x2176xi32, #tpu.memory_space<hbm>> -> memref<2176xi32, #tpu.memory_space<hbm>>
      %dma_start3A_54 = arith.constant 0 : i32
      %dma_start3A_55 = tpu.memref_slice %arg4[%add3A, %dma_start3A_54] : memref<32x2176xi32, #tpu.memory_space<hbm>> -> memref<1x2176xi32, #tpu.memory_space<hbm>>
      %dma_start3A_56 = tpu.memref_squeeze %dma_start3A_55 : memref<1x2176xi32, #tpu.memory_space<hbm>> -> memref<2176xi32, #tpu.memory_space<hbm>>
      tpu.enqueue_dma source(%dma_start3A_56 : memref<2176xi32, #tpu.memory_space<hbm>>) target(%arg9 : memref<2176xi32, #tpu.memory_space<vmem>>) target_semaphore(%run_scoped3A : memref<!tpu.dma_semaphore, #tpu.memory_space<semaphore_mem>>)
      %dma_wait3A = arith.constant 0 : i32
      %dma_wait3A_57 = tpu.memref_slice %arg4[%add3A, %dma_wait3A] : memref<32x2176xi32, #tpu.memory_space<hbm>> -> memref<1x2176xi32, #tpu.memory_space<hbm>>
      %dma_wait3A_58 = tpu.memref_squeeze %dma_wait3A_57 : memref<1x2176xi32, #tpu.memory_space<hbm>> -> memref<2176xi32, #tpu.memory_space<hbm>>
      %dma_wait3A_59 = arith.constant 0 : i32
      %dma_wait3A_60 = tpu.memref_slice %arg4[%add3A, %dma_wait3A_59] : memref<32x2176xi32, #tpu.memory_space<hbm>> -> memref<1x2176xi32, #tpu.memory_space<hbm>>
      %dma_wait3A_61 = tpu.memref_squeeze %dma_wait3A_60 : memref<1x2176xi32, #tpu.memory_space<hbm>> -> memref<2176xi32, #tpu.memory_space<hbm>>
      tpu.wait_dma2 semaphore(%run_scoped3A : memref<!tpu.dma_semaphore, #tpu.memory_space<semaphore_mem>>) src(%dma_wait3A_61 : memref<2176xi32, #tpu.memory_space<hbm>>) dst(%arg9 : memref<2176xi32, #tpu.memory_space<vmem>>)
      tpu.yield
    }) : () -> ()
    "tpu.region"() ({
      %run_scoped3A = tpu.sem_alloc : memref<!tpu.dma_semaphore, #tpu.memory_space<semaphore_mem>>
      %dma_start3A = arith.constant 0 : i32
      %dma_start3A_52 = tpu.memref_slice %arg5[%add3A, %dma_start3A] : memref<32x16xi32, #tpu.memory_space<hbm>> -> memref<1x16xi32, #tpu.memory_space<hbm>>
      %dma_start3A_53 = tpu.memref_squeeze %dma_start3A_52 : memref<1x16xi32, #tpu.memory_space<hbm>> -> memref<16xi32, #tpu.memory_space<hbm>>
      %dma_start3A_54 = arith.constant 0 : i32
      %dma_start3A_55 = tpu.memref_slice %arg5[%add3A, %dma_start3A_54] : memref<32x16xi32, #tpu.memory_space<hbm>> -> memref<1x16xi32, #tpu.memory_space<hbm>>
      %dma_start3A_56 = tpu.memref_squeeze %dma_start3A_55 : memref<1x16xi32, #tpu.memory_space<hbm>> -> memref<16xi32, #tpu.memory_space<hbm>>
      tpu.enqueue_dma source(%dma_start3A_56 : memref<16xi32, #tpu.memory_space<hbm>>) target(%arg10 : memref<16xi32, #tpu.memory_space<vmem>>) target_semaphore(%run_scoped3A : memref<!tpu.dma_semaphore, #tpu.memory_space<semaphore_mem>>)
      %dma_wait3A = arith.constant 0 : i32
      %dma_wait3A_57 = tpu.memref_slice %arg5[%add3A, %dma_wait3A] : memref<32x16xi32, #tpu.memory_space<hbm>> -> memref<1x16xi32, #tpu.memory_space<hbm>>
      %dma_wait3A_58 = tpu.memref_squeeze %dma_wait3A_57 : memref<1x16xi32, #tpu.memory_space<hbm>> -> memref<16xi32, #tpu.memory_space<hbm>>
      %dma_wait3A_59 = arith.constant 0 : i32
      %dma_wait3A_60 = tpu.memref_slice %arg5[%add3A, %dma_wait3A_59] : memref<32x16xi32, #tpu.memory_space<hbm>> -> memref<1x16xi32, #tpu.memory_space<hbm>>
      %dma_wait3A_61 = tpu.memref_squeeze %dma_wait3A_60 : memref<1x16xi32, #tpu.memory_space<hbm>> -> memref<16xi32, #tpu.memory_space<hbm>>
      tpu.wait_dma2 semaphore(%run_scoped3A : memref<!tpu.dma_semaphore, #tpu.memory_space<semaphore_mem>>) src(%dma_wait3A_61 : memref<16xi32, #tpu.memory_space<hbm>>) dst(%arg10 : memref<16xi32, #tpu.memory_space<vmem>>)
      tpu.yield
    }) : () -> ()
    %get3A = arith.constant 0 : index
    %get3A_38 = tpu.vector_load %arg10[%get3A] {strides = array<i32>} : memref<16xi32, #tpu.memory_space<vmem>>, vector<16xi32>,
    %reduce_max3A = arith.constant true
    %reduce_max3A_39 = vector.broadcast %reduce_max3A : i1 to vector<16xi1>
    %reduce_max3A_40 = arith.constant -2147483648 : i32
    %reduce_max3A_41 = vector.broadcast %reduce_max3A_40 : i32 to vector<16xi32>
    %reduce_max3A_42 = arith.xori %get3A_38, %reduce_max3A_41 : vector<16xi32>
    %reduce_max3A_43 = tpu.scan <max>, %reduce_max3A_42 masked %reduce_max3A_39 : vector<16xi32>, vector<16xi1> -> vector<16xi32>
    %reduce_max3A_44 = arith.xori %reduce_max3A_43, %reduce_max3A_41 : vector<16xi32>
    %reduce_max3A_45 = vector.extract %reduce_max3A_44[15] : i32 from vector<16xi32>
    %scan3A = arith.constant 0 : i32
    %scan3A_46 = arith.constant 0 : i32
    %scan3A_47 = arith.constant 64 : i32
    %scan3A_48 = arith.addi %scan3A_46, %scan3A_47 : i32
    %scan3A_49 = arith.constant 1 : i32
    %scan3A_50 = scf.for %scan3A_52 = %scan3A_46 to %scan3A_48 step %scan3A_49 iter_args(%scan3A_53 = %scan3A) -> (i32)  : i32 {
      %mul3A_54 = arith.constant 32 : i32
      %mul3A_55 = arith.muli %scan3A_52, %mul3A_54 : i32
      %lt3A_56 = arith.cmpi slt, %mul3A_55, %reduce_max3A_45 : i32
      %convert_element_type3A = arith.extui %lt3A_56 : i1 to i32
      %cond3A = arith.constant 0 : i32
      %cond3A_57 = arith.cmpi ne, %convert_element_type3A, %cond3A : i32
      scf.if %cond3A_57 {
        %mul3A_59 = arith.constant 32 : i32
        %mul3A_60 = arith.muli %scan3A_52, %mul3A_59 : i32
        %dma_start3A = tpu.memref_slice %arg9[%mul3A_60] : memref<2176xi32, #tpu.memory_space<vmem>> -> memref<32xi32, #tpu.memory_space<vmem>>
        %dma_start3A_61 = arith.constant 0 : i32
        %dma_start3A_62 = arith.constant 0 : i32
        %dma_start3A_63 = tpu.memref_slice %arg2[%dma_start3A_61, %dma_start3A_62] : memref<120000x64xf32, #tpu.memory_space<hbm>> -> memref<120000x64xf32, #tpu.memory_space<hbm>>
        tpu.enqueue_indirect_dma source(%dma_start3A_63 : memref<120000x64xf32, #tpu.memory_space<hbm>>) target(%arg11 : memref<32x64xf32, #tpu.memory_space<vmem>>) offsets(%dma_start3A : memref<32xi32, #tpu.memory_space<vmem>>) semaphore(%arg14 : memref<!tpu.dma_semaphore, #tpu.memory_space<semaphore_mem>>)
        %dma_wait3A = tpu.memref_slice %arg9[%mul3A_60] : memref<2176xi32, #tpu.memory_space<vmem>> -> memref<32xi32, #tpu.memory_space<vmem>>
        %dma_wait3A_64 = arith.constant 0 : i32
        %dma_wait3A_65 = arith.constant 0 : i32
        %dma_wait3A_66 = tpu.memref_slice %arg2[%dma_wait3A_64, %dma_wait3A_65] : memref<120000x64xf32, #tpu.memory_space<hbm>> -> memref<120000x64xf32, #tpu.memory_space<hbm>>
        tpu.wait_indirect_dma semaphore(%arg14 : memref<!tpu.dma_semaphore, #tpu.memory_space<semaphore_mem>>) src(%dma_wait3A_66 : memref<120000x64xf32, #tpu.memory_space<hbm>>) dst(%arg11 : memref<32x64xf32, #tpu.memory_space<vmem>>)
        %scan3A_67 = arith.constant 0 : i32
        %scan3A_68 = arith.constant 0 : i32
        %scan3A_69 = arith.constant 128 : i32
        %scan3A_70 = arith.addi %scan3A_68, %scan3A_69 : i32
        %scan3A_71 = arith.constant 1 : i32
        %scan3A_72 = scf.for %scan3A_142 = %scan3A_68 to %scan3A_70 step %scan3A_71 iter_args(%scan3A_143 = %scan3A_67) -> (i32)  : i32 {
          %shift_right_arithmetic3A_144 = arith.constant 2 : i32
          %shift_right_arithmetic3A_145 = arith.shrsi %scan3A_142, %shift_right_arithmetic3A_144 : i32
          %broadcast_in_dim3A = vector.broadcast %shift_right_arithmetic3A_145 : i32 to vector<16xi32>
          %and3A_146 = arith.constant 3 : i32
          %and3A_147 = arith.andi %scan3A_142, %and3A_146 : i32
          %mul3A_148 = arith.constant 16 : i32
          %mul3A_149 = arith.muli %and3A_147, %mul3A_148 : i32
          %add3A_150 = vector.broadcast %mul3A_149 : i32 to vector<16xi32>
          %add3A_151 = arith.addi %add3A_150, %iota3A : vector<16xi32>
          %gather3A = tpu.vector_load_idx %arg11[%broadcast_in_dim3A, %add3A_151] : memref<32x64xf32, #tpu.memory_space<vmem>>[vector<16xi32>, vector<16xi32>], vector<16xf32>,
          %mul3A_152 = arith.constant 16 : i32
          %mul3A_153 = arith.muli %scan3A_142, %mul3A_152 : i32
          %swap3A = arith.index_cast %mul3A_153 : i32 to index
          %swap3A_154 = tpu.vector_load %arg13[%swap3A] {strides = array<i32>} : memref<2048xf32, #tpu.memory_space<vmem>>, vector<16xf32>,
          tpu.vector_store %arg13[%swap3A], %gather3A {strides = array<i32>} : memref<2048xf32, #tpu.memory_space<vmem>>, vector<16xf32>,
          %scan3A_155 = arith.constant 0 : i32
          scf.yield %scan3A_155 : i32
        }
        %scan3A_73 = arith.constant 128 : i32
        %mul3A_74 = arith.constant 32 : i32
        %mul3A_75 = arith.muli %scan3A_52, %mul3A_74 : i32
        %add3A_76 = arith.constant 0 : i32
        %add3A_77 = arith.addi %mul3A_75, %add3A_76 : i32
        %get3A_78 = arith.index_cast %add3A_77 : i32 to index
        %get3A_79 = tpu.vector_load %arg8[%get3A_78] {strides = array<i32>} : memref<2176xi32, #tpu.memory_space<vmem>>, vector<16xi32>,
        %scan3A_80 = arith.constant 0 : i32
        %scan3A_81 = arith.constant 0 : i32
        %scan3A_82 = arith.constant 64 : i32
        %scan3A_83 = arith.addi %scan3A_81, %scan3A_82 : i32
        %scan3A_84 = arith.constant 1 : i32
        %scan3A_85 = scf.for %scan3A_142 = %scan3A_81 to %scan3A_83 step %scan3A_84 iter_args(%scan3A_143 = %scan3A_80) -> (i32)  : i32 {
          %mul3A_144 = arith.constant 64 : i32
          %mul3A_145 = vector.broadcast %mul3A_144 : i32 to vector<16xi32>
          %mul3A_146 = arith.muli %iota3A, %mul3A_145 : vector<16xi32>
          %add3A_147 = arith.constant 0 : i32
          %add3A_148 = vector.broadcast %add3A_147 : i32 to vector<16xi32>
          %add3A_149 = arith.addi %add3A_148, %mul3A_146 : vector<16xi32>
          %add3A_150 = vector.broadcast %scan3A_142 : i32 to vector<16xi32>
          %add3A_151 = arith.addi %add3A_149, %add3A_150 : vector<16xi32>
          %mul3A_152 = arith.constant 262144 : i32
          %mul3A_153 = arith.muli %scan3A_142, %mul3A_152 : i32
          %add3A_154 = arith.addi %add3A_37, %mul3A_153 : i32
          %add3A_155 = vector.broadcast %add3A_154 : i32 to vector<16xi32>
          %add3A_156 = arith.addi %add3A_155, %get3A_79 : vector<16xi32>
          %shift_right_arithmetic3A_157 = arith.constant 7 : i32
          %shift_right_arithmetic3A_158 = vector.broadcast %shift_right_arithmetic3A_157 : i32 to vector<16xi32>
          %shift_right_arithmetic3A_159 = arith.shrsi %add3A_151, %shift_right_arithmetic3A_158 : vector<16xi32>
          %and3A_160 = arith.constant 127 : i32
          %and3A_161 = vector.broadcast %and3A_160 : i32 to vector<16xi32>
          %and3A_162 = arith.andi %add3A_151, %and3A_161 : vector<16xi32>
          tpu.vector_store_idx %arg12[%shift_right_arithmetic3A_159, %and3A_162], %add3A_156 : memref<16x128xi32, #tpu.memory_space<vmem>>[vector<16xi32>, vector<16xi32>], vector<16xi32>,
          %scan3A_163 = arith.constant 0 : i32
          scf.yield %scan3A_163 : i32
        }
        %scan3A_86 = arith.constant 64 : i32
        %mul3A_87 = arith.constant 32 : i32
        %mul3A_88 = arith.muli %scan3A_52, %mul3A_87 : i32
        %add3A_89 = arith.constant 16 : i32
        %add3A_90 = arith.addi %mul3A_88, %add3A_89 : i32
        %get3A_91 = arith.index_cast %add3A_90 : i32 to index
        %get3A_92 = tpu.vector_load %arg8[%get3A_91] {strides = array<i32>} : memref<2176xi32, #tpu.memory_space<vmem>>, vector<16xi32>,
        %scan3A_93 = arith.constant 0 : i32
        %scan3A_94 = arith.constant 0 : i32
        %scan3A_95 = arith.constant 64 : i32
        %scan3A_96 = arith.addi %scan3A_94, %scan3A_95 : i32
        %scan3A_97 = arith.constant 1 : i32
        %scan3A_98 = scf.for %scan3A_142 = %scan3A_94 to %scan3A_96 step %scan3A_97 iter_args(%scan3A_143 = %scan3A_93) -> (i32)  : i32 {
          %mul3A_144 = arith.constant 64 : i32
          %mul3A_145 = vector.broadcast %mul3A_144 : i32 to vector<16xi32>
          %mul3A_146 = arith.muli %iota3A, %mul3A_145 : vector<16xi32>
          %add3A_147 = arith.constant 1024 : i32
          %add3A_148 = vector.broadcast %add3A_147 : i32 to vector<16xi32>
          %add3A_149 = arith.addi %add3A_148, %mul3A_146 : vector<16xi32>
          %add3A_150 = vector.broadcast %scan3A_142 : i32 to vector<16xi32>
          %add3A_151 = arith.addi %add3A_149, %add3A_150 : vector<16xi32>
          %mul3A_152 = arith.constant 262144 : i32
          %mul3A_153 = arith.muli %scan3A_142, %mul3A_152 : i32
          %add3A_154 = arith.addi %add3A_37, %mul3A_153 : i32
          %add3A_155 = vector.broadcast %add3A_154 : i32 to vector<16xi32>
          %add3A_156 = arith.addi %add3A_155, %get3A_92 : vector<16xi32>
          %shift_right_arithmetic3A_157 = arith.constant 7 : i32
          %shift_right_arithmetic3A_158 = vector.broadcast %shift_right_arithmetic3A_157 : i32 to vector<16xi32>
          %shift_right_arithmetic3A_159 = arith.shrsi %add3A_151, %shift_right_arithmetic3A_158 : vector<16xi32>
          %and3A_160 = arith.constant 127 : i32
          %and3A_161 = vector.broadcast %and3A_160 : i32 to vector<16xi32>
          %and3A_162 = arith.andi %add3A_151, %and3A_161 : vector<16xi32>
          tpu.vector_store_idx %arg12[%shift_right_arithmetic3A_159, %and3A_162], %add3A_156 : memref<16x128xi32, #tpu.memory_space<vmem>>[vector<16xi32>, vector<16xi32>], vector<16xi32>,
          %scan3A_163 = arith.constant 0 : i32
          scf.yield %scan3A_163 : i32
        }
        %scan3A_99 = arith.constant 64 : i32
        %mul3A_100 = arith.constant 32 : i32
        %mul3A_101 = arith.muli %scan3A_52, %mul3A_100 : i32
        %sub3A_102 = arith.subi %reduce_max3A_45, %mul3A_101 : i32
        %min3A = arith.constant 32 : i32
        %min3A_103 = arith.minsi %sub3A_102, %min3A : i32
        %shift_right_arithmetic3A = arith.constant 1 : i32
        %shift_right_arithmetic3A_104 = arith.shrsi %min3A_103, %shift_right_arithmetic3A : i32
        %while3A = arith.constant 0 : i32
        %while3A_105 = arith.constant 0 : i32
        %while3A_106 = arith.subi %shift_right_arithmetic3A_104, %while3A : i32
        %while3A_107 = arith.addi %while3A, %while3A_106 : i32
        %while3A_108 = arith.constant 1 : i32
        %while3A_109 = arith.divsi %while3A_106, %while3A_108 : i32
        %while3A_110 = arith.muli %while3A_109, %while3A_108 : i32
        %while3A_111 = arith.addi %while3A, %while3A_110 : i32
        %while3A_112 = arith.constant 1 : i32
        %while3A_113 = scf.for %while3A_142 = %while3A to %while3A_111 step %while3A_112 iter_args(%while3A_143 = %while3A_105) -> (i32)  : i32 {
          %mul3A_144 = arith.constant 128 : i32
          %mul3A_145 = arith.muli %while3A_142, %mul3A_144 : i32
          %dma_start3A_146 = tpu.memref_slice %arg13[%mul3A_145] : memref<2048xf32, #tpu.memory_space<vmem>> -> memref<128xf32, #tpu.memory_space<vmem>>
          %dma_start3A_147 = arith.constant 0 : i32
          %dma_start3A_148 = tpu.memref_slice %arg12[%while3A_142, %dma_start3A_147] : memref<16x128xi32, #tpu.memory_space<vmem>> -> memref<1x128xi32, #tpu.memory_space<vmem>>
          %dma_start3A_149 = tpu.memref_squeeze %dma_start3A_148 : memref<1x128xi32, #tpu.memory_space<vmem>> -> memref<128xi32, #tpu.memory_space<vmem>>
          %dma_start3A_150 = arith.constant 0 : i32
          %dma_start3A_151 = tpu.memref_slice %arg6[%dma_start3A_150] : memref<67108864xf32, #tpu.memory_space<hbm>> -> memref<67108864xf32, #tpu.memory_space<hbm>>
          tpu.enqueue_indirect_dma source(%dma_start3A_146 : memref<128xf32, #tpu.memory_space<vmem>>) target(%dma_start3A_151 : memref<67108864xf32, #tpu.memory_space<hbm>>) offsets(%dma_start3A_149 : memref<128xi32, #tpu.memory_space<vmem>>) semaphore(%arg15 : memref<!tpu.dma_semaphore, #tpu.memory_space<semaphore_mem>>)
          %while3A_152 = arith.constant 0 : i32
          scf.yield %while3A_152 : i32
        }
        %while3A_114 = arith.constant 1 : i32
        %while3A_115 = scf.for %while3A_142 = %while3A_111 to %while3A_107 step %while3A_114 iter_args(%while3A_143 = %while3A_113) -> (i32)  : i32 {
          %mul3A_144 = arith.constant 128 : i32
          %mul3A_145 = arith.muli %while3A_142, %mul3A_144 : i32
          %dma_start3A_146 = tpu.memref_slice %arg13[%mul3A_145] : memref<2048xf32, #tpu.memory_space<vmem>> -> memref<128xf32, #tpu.memory_space<vmem>>
          %dma_start3A_147 = arith.constant 0 : i32
          %dma_start3A_148 = tpu.memref_slice %arg12[%while3A_142, %dma_start3A_147] : memref<16x128xi32, #tpu.memory_space<vmem>> -> memref<1x128xi32, #tpu.memory_space<vmem>>
          %dma_start3A_149 = tpu.memref_squeeze %dma_start3A_148 : memref<1x128xi32, #tpu.memory_space<vmem>> -> memref<128xi32, #tpu.memory_space<vmem>>
          %dma_start3A_150 = arith.constant 0 : i32
          %dma_start3A_151 = tpu.memref_slice %arg6[%dma_start3A_150] : memref<67108864xf32, #tpu.memory_space<hbm>> -> memref<67108864xf32, #tpu.memory_space<hbm>>
          tpu.enqueue_indirect_dma source(%dma_start3A_146 : memref<128xf32, #tpu.memory_space<vmem>>) target(%dma_start3A_151 : memref<67108864xf32, #tpu.memory_space<hbm>>) offsets(%dma_start3A_149 : memref<128xi32, #tpu.memory_space<vmem>>) semaphore(%arg15 : memref<!tpu.dma_semaphore, #tpu.memory_space<semaphore_mem>>)
          %while3A_152 = arith.constant 0 : i32
          scf.yield %while3A_152 : i32
        }
        %and3A_116 = arith.constant 1 : i32
        %and3A_117 = arith.andi %min3A_103, %and3A_116 : i32
        %eq3A_118 = arith.constant 1 : i32
        %eq3A_119 = arith.cmpi eq, %and3A_117, %eq3A_118 : i32
        %convert_element_type3A_120 = arith.extui %eq3A_119 : i1 to i32
        %cond3A_121 = arith.constant 0 : i32
        %cond3A_122 = arith.cmpi ne, %convert_element_type3A_120, %cond3A_121 : i32
        scf.if %cond3A_122 {
          %mul3A_142 = arith.constant 32 : i32
          %mul3A_143 = arith.muli %scan3A_52, %mul3A_142 : i32
          %add3A_144 = arith.addi %mul3A_143, %min3A_103 : i32
          %sub3A_145 = arith.constant 1 : i32
          %sub3A_146 = arith.subi %add3A_144, %sub3A_145 : i32
          %broadcast_in_dim3A = vector.broadcast %sub3A_146 : i32 to vector<16xi32>
          %gather3A = tpu.vector_load_idx %arg8[%broadcast_in_dim3A] : memref<2176xi32, #tpu.memory_space<vmem>>[vector<16xi32>], vector<16xi32>,
          %add3A_147 = arith.constant 0 : i32
          %add3A_148 = vector.broadcast %add3A_147 : i32 to vector<16xi32>
          %add3A_149 = arith.addi %add3A_148, %iota3A : vector<16xi32>
          %mul3A_150 = arith.constant 262144 : i32
          %mul3A_151 = vector.broadcast %mul3A_150 : i32 to vector<16xi32>
          %mul3A_152 = arith.muli %add3A_149, %mul3A_151 : vector<16xi32>
          %add3A_153 = vector.broadcast %add3A_37 : i32 to vector<16xi32>
          %add3A_154 = arith.addi %add3A_153, %mul3A_152 : vector<16xi32>
          %add3A_155 = arith.addi %add3A_154, %gather3A : vector<16xi32>
          %sub3A_156 = arith.constant 1 : i32
          %sub3A_157 = arith.subi %min3A_103, %sub3A_156 : i32
          %mul3A_158 = arith.constant 64 : i32
          %mul3A_159 = arith.muli %sub3A_157, %mul3A_158 : i32
          %add3A_160 = arith.constant 0 : i32
          %add3A_161 = arith.addi %mul3A_159, %add3A_160 : i32
          %dma_start3A_162 = tpu.memref_slice %arg13[%add3A_161] : memref<2048xf32, #tpu.memory_space<vmem>> -> memref<16xf32, #tpu.memory_space<vmem>>
          %dma_start3A_163 = arith.constant 0 : i32
          %dma_start3A_164 = tpu.memref_slice %arg6[%dma_start3A_163] : memref<67108864xf32, #tpu.memory_space<hbm>> -> memref<67108864xf32, #tpu.memory_space<hbm>>
          tpu.enqueue_indirect_dma source(%dma_start3A_162 : memref<16xf32, #tpu.memory_space<vmem>>) target(%dma_start3A_164 : memref<67108864xf32, #tpu.memory_space<hbm>>) offsets(%add3A_155 : vector<16xi32>) semaphore(%arg15 : memref<!tpu.dma_semaphore, #tpu.memory_space<semaphore_mem>>)
          %add3A_165 = arith.constant 16 : i32
          %add3A_166 = vector.broadcast %add3A_165 : i32 to vector<16xi32>
          %add3A_167 = arith.addi %add3A_166, %iota3A : vector<16xi32>
          %mul3A_168 = arith.constant 262144 : i32
          %mul3A_169 = vector.broadcast %mul3A_168 : i32 to vector<16xi32>
          %mul3A_170 = arith.muli %add3A_167, %mul3A_169 : vector<16xi32>
          %add3A_171 = vector.broadcast %add3A_37 : i32 to vector<16xi32>
          %add3A_172 = arith.addi %add3A_171, %mul3A_170 : vector<16xi32>
          %add3A_173 = arith.addi %add3A_172, %gather3A : vector<16xi32>
          %sub3A_174 = arith.constant 1 : i32
          %sub3A_175 = arith.subi %min3A_103, %sub3A_174 : i32
          %mul3A_176 = arith.constant 64 : i32
          %mul3A_177 = arith.muli %sub3A_175, %mul3A_176 : i32
          %add3A_178 = arith.constant 16 : i32
          %add3A_179 = arith.addi %mul3A_177, %add3A_178 : i32
          %dma_start3A_180 = tpu.memref_slice %arg13[%add3A_179] : memref<2048xf32, #tpu.memory_space<vmem>> -> memref<16xf32, #tpu.memory_space<vmem>>
          %dma_start3A_181 = arith.constant 0 : i32
          %dma_start3A_182 = tpu.memref_slice %arg6[%dma_start3A_181] : memref<67108864xf32, #tpu.memory_space<hbm>> -> memref<67108864xf32, #tpu.memory_space<hbm>>
          tpu.enqueue_indirect_dma source(%dma_start3A_180 : memref<16xf32, #tpu.memory_space<vmem>>) target(%dma_start3A_182 : memref<67108864xf32, #tpu.memory_space<hbm>>) offsets(%add3A_173 : vector<16xi32>) semaphore(%arg15 : memref<!tpu.dma_semaphore, #tpu.memory_space<semaphore_mem>>)
          %add3A_183 = arith.constant 32 : i32
          %add3A_184 = vector.broadcast %add3A_183 : i32 to vector<16xi32>
          %add3A_185 = arith.addi %add3A_184, %iota3A : vector<16xi32>
          %mul3A_186 = arith.constant 262144 : i32
          %mul3A_187 = vector.broadcast %mul3A_186 : i32 to vector<16xi32>
          %mul3A_188 = arith.muli %add3A_185, %mul3A_187 : vector<16xi32>
          %add3A_189 = vector.broadcast %add3A_37 : i32 to vector<16xi32>
          %add3A_190 = arith.addi %add3A_189, %mul3A_188 : vector<16xi32>
          %add3A_191 = arith.addi %add3A_190, %gather3A : vector<16xi32>
          %sub3A_192 = arith.constant 1 : i32
          %sub3A_193 = arith.subi %min3A_103, %sub3A_192 : i32
          %mul3A_194 = arith.constant 64 : i32
          %mul3A_195 = arith.muli %sub3A_193, %mul3A_194 : i32
          %add3A_196 = arith.constant 32 : i32
          %add3A_197 = arith.addi %mul3A_195, %add3A_196 : i32
          %dma_start3A_198 = tpu.memref_slice %arg13[%add3A_197] : memref<2048xf32, #tpu.memory_space<vmem>> -> memref<16xf32, #tpu.memory_space<vmem>>
          %dma_start3A_199 = arith.constant 0 : i32
          %dma_start3A_200 = tpu.memref_slice %arg6[%dma_start3A_199] : memref<67108864xf32, #tpu.memory_space<hbm>> -> memref<67108864xf32, #tpu.memory_space<hbm>>
          tpu.enqueue_indirect_dma source(%dma_start3A_198 : memref<16xf32, #tpu.memory_space<vmem>>) target(%dma_start3A_200 : memref<67108864xf32, #tpu.memory_space<hbm>>) offsets(%add3A_191 : vector<16xi32>) semaphore(%arg15 : memref<!tpu.dma_semaphore, #tpu.memory_space<semaphore_mem>>)
          %add3A_201 = arith.constant 48 : i32
          %add3A_202 = vector.broadcast %add3A_201 : i32 to vector<16xi32>
          %add3A_203 = arith.addi %add3A_202, %iota3A : vector<16xi32>
          %mul3A_204 = arith.constant 262144 : i32
          %mul3A_205 = vector.broadcast %mul3A_204 : i32 to vector<16xi32>
          %mul3A_206 = arith.muli %add3A_203, %mul3A_205 : vector<16xi32>
          %add3A_207 = vector.broadcast %add3A_37 : i32 to vector<16xi32>
          %add3A_208 = arith.addi %add3A_207, %mul3A_206 : vector<16xi32>
          %add3A_209 = arith.addi %add3A_208, %gather3A : vector<16xi32>
          %sub3A_210 = arith.constant 1 : i32
          %sub3A_211 = arith.subi %min3A_103, %sub3A_210 : i32
          %mul3A_212 = arith.constant 64 : i32
          %mul3A_213 = arith.muli %sub3A_211, %mul3A_212 : i32
          %add3A_214 = arith.constant 48 : i32
          %add3A_215 = arith.addi %mul3A_213, %add3A_214 : i32
          %dma_start3A_216 = tpu.memref_slice %arg13[%add3A_215] : memref<2048xf32, #tpu.memory_space<vmem>> -> memref<16xf32, #tpu.memory_space<vmem>>
          %dma_start3A_217 = arith.constant 0 : i32
          %dma_start3A_218 = tpu.memref_slice %arg6[%dma_start3A_217] : memref<67108864xf32, #tpu.memory_space<hbm>> -> memref<67108864xf32, #tpu.memory_space<hbm>>
          tpu.enqueue_indirect_dma source(%dma_start3A_216 : memref<16xf32, #tpu.memory_space<vmem>>) target(%dma_start3A_218 : memref<67108864xf32, #tpu.memory_space<hbm>>) offsets(%add3A_209 : vector<16xi32>) semaphore(%arg15 : memref<!tpu.dma_semaphore, #tpu.memory_space<semaphore_mem>>)
        } else {
        }
        %while3A_123 = arith.constant 0 : i32
        %while3A_124 = arith.constant 0 : i32
        %while3A_125 = arith.subi %shift_right_arithmetic3A_104, %while3A_123 : i32
        %while3A_126 = arith.addi %while3A_123, %while3A_125 : i32
        %while3A_127 = arith.constant 1 : i32
        %while3A_128 = arith.divsi %while3A_125, %while3A_127 : i32
        %while3A_129 = arith.muli %while3A_128, %while3A_127 : i32
        %while3A_130 = arith.addi %while3A_123, %while3A_129 : i32
        %while3A_131 = arith.constant 1 : i32
        %while3A_132 = scf.for %while3A_142 = %while3A_123 to %while3A_130 step %while3A_131 iter_args(%while3A_143 = %while3A_124) -> (i32)  : i32 {
          %mul3A_144 = arith.constant 128 : i32
          %mul3A_145 = arith.muli %while3A_142, %mul3A_144 : i32
          %dma_wait3A_146 = tpu.memref_slice %arg13[%mul3A_145] : memref<2048xf32, #tpu.memory_space<vmem>> -> memref<128xf32, #tpu.memory_space<vmem>>
          %dma_wait3A_147 = arith.constant 0 : i32
          %dma_wait3A_148 = tpu.memref_slice %arg12[%while3A_142, %dma_wait3A_147] : memref<16x128xi32, #tpu.memory_space<vmem>> -> memref<1x128xi32, #tpu.memory_space<vmem>>
          %dma_wait3A_149 = tpu.memref_squeeze %dma_wait3A_148 : memref<1x128xi32, #tpu.memory_space<vmem>> -> memref<128xi32, #tpu.memory_space<vmem>>
          %dma_wait3A_150 = arith.constant 0 : i32
          %dma_wait3A_151 = tpu.memref_slice %arg6[%dma_wait3A_150] : memref<67108864xf32, #tpu.memory_space<hbm>> -> memref<67108864xf32, #tpu.memory_space<hbm>>
          tpu.wait_indirect_dma semaphore(%arg15 : memref<!tpu.dma_semaphore, #tpu.memory_space<semaphore_mem>>) src(%dma_wait3A_146 : memref<128xf32, #tpu.memory_space<vmem>>) dst(%dma_wait3A_151 : memref<67108864xf32, #tpu.memory_space<hbm>>)
          %while3A_152 = arith.constant 0 : i32
          scf.yield %while3A_152 : i32
        }
        %while3A_133 = arith.constant 1 : i32
        %while3A_134 = scf.for %while3A_142 = %while3A_130 to %while3A_126 step %while3A_133 iter_args(%while3A_143 = %while3A_132) -> (i32)  : i32 {
          %mul3A_144 = arith.constant 128 : i32
          %mul3A_145 = arith.muli %while3A_142, %mul3A_144 : i32
          %dma_wait3A_146 = tpu.memref_slice %arg13[%mul3A_145] : memref<2048xf32, #tpu.memory_space<vmem>> -> memref<128xf32, #tpu.memory_space<vmem>>
          %dma_wait3A_147 = arith.constant 0 : i32
          %dma_wait3A_148 = tpu.memref_slice %arg12[%while3A_142, %dma_wait3A_147] : memref<16x128xi32, #tpu.memory_space<vmem>> -> memref<1x128xi32, #tpu.memory_space<vmem>>
          %dma_wait3A_149 = tpu.memref_squeeze %dma_wait3A_148 : memref<1x128xi32, #tpu.memory_space<vmem>> -> memref<128xi32, #tpu.memory_space<vmem>>
          %dma_wait3A_150 = arith.constant 0 : i32
          %dma_wait3A_151 = tpu.memref_slice %arg6[%dma_wait3A_150] : memref<67108864xf32, #tpu.memory_space<hbm>> -> memref<67108864xf32, #tpu.memory_space<hbm>>
          tpu.wait_indirect_dma semaphore(%arg15 : memref<!tpu.dma_semaphore, #tpu.memory_space<semaphore_mem>>) src(%dma_wait3A_146 : memref<128xf32, #tpu.memory_space<vmem>>) dst(%dma_wait3A_151 : memref<67108864xf32, #tpu.memory_space<hbm>>)
          %while3A_152 = arith.constant 0 : i32
          scf.yield %while3A_152 : i32
        }
        %and3A_135 = arith.constant 1 : i32
        %and3A_136 = arith.andi %min3A_103, %and3A_135 : i32
        %eq3A_137 = arith.constant 1 : i32
        %eq3A_138 = arith.cmpi eq, %and3A_136, %eq3A_137 : i32
        %convert_element_type3A_139 = arith.extui %eq3A_138 : i1 to i32
        %cond3A_140 = arith.constant 0 : i32
        %cond3A_141 = arith.cmpi ne, %convert_element_type3A_139, %cond3A_140 : i32
        scf.if %cond3A_141 {
          %mul3A_142 = arith.constant 32 : i32
          %mul3A_143 = arith.muli %scan3A_52, %mul3A_142 : i32
          %add3A_144 = arith.addi %mul3A_143, %min3A_103 : i32
          %sub3A_145 = arith.constant 1 : i32
          %sub3A_146 = arith.subi %add3A_144, %sub3A_145 : i32
          %broadcast_in_dim3A = vector.broadcast %sub3A_146 : i32 to vector<16xi32>
          %gather3A = tpu.vector_load_idx %arg8[%broadcast_in_dim3A] : memref<2176xi32, #tpu.memory_space<vmem>>[vector<16xi32>], vector<16xi32>,
          %add3A_147 = arith.constant 0 : i32
          %add3A_148 = vector.broadcast %add3A_147 : i32 to vector<16xi32>
          %add3A_149 = arith.addi %add3A_148, %iota3A : vector<16xi32>
          %mul3A_150 = arith.constant 262144 : i32
          %mul3A_151 = vector.broadcast %mul3A_150 : i32 to vector<16xi32>
          %mul3A_152 = arith.muli %add3A_149, %mul3A_151 : vector<16xi32>
          %add3A_153 = vector.broadcast %add3A_37 : i32 to vector<16xi32>
          %add3A_154 = arith.addi %add3A_153, %mul3A_152 : vector<16xi32>
          %add3A_155 = arith.addi %add3A_154, %gather3A : vector<16xi32>
          %sub3A_156 = arith.constant 1 : i32
          %sub3A_157 = arith.subi %min3A_103, %sub3A_156 : i32
          %mul3A_158 = arith.constant 64 : i32
          %mul3A_159 = arith.muli %sub3A_157, %mul3A_158 : i32
          %add3A_160 = arith.constant 0 : i32
          %add3A_161 = arith.addi %mul3A_159, %add3A_160 : i32
          %dma_wait3A_162 = tpu.memref_slice %arg13[%add3A_161] : memref<2048xf32, #tpu.memory_space<vmem>> -> memref<16xf32, #tpu.memory_space<vmem>>
          %dma_wait3A_163 = arith.constant 0 : i32
          %dma_wait3A_164 = tpu.memref_slice %arg6[%dma_wait3A_163] : memref<67108864xf32, #tpu.memory_space<hbm>> -> memref<67108864xf32, #tpu.memory_space<hbm>>
          tpu.wait_indirect_dma semaphore(%arg15 : memref<!tpu.dma_semaphore, #tpu.memory_space<semaphore_mem>>) src(%dma_wait3A_162 : memref<16xf32, #tpu.memory_space<vmem>>) dst(%dma_wait3A_164 : memref<67108864xf32, #tpu.memory_space<hbm>>)
          %add3A_165 = arith.constant 16 : i32
          %add3A_166 = vector.broadcast %add3A_165 : i32 to vector<16xi32>
          %add3A_167 = arith.addi %add3A_166, %iota3A : vector<16xi32>
          %mul3A_168 = arith.constant 262144 : i32
          %mul3A_169 = vector.broadcast %mul3A_168 : i32 to vector<16xi32>
          %mul3A_170 = arith.muli %add3A_167, %mul3A_169 : vector<16xi32>
          %add3A_171 = vector.broadcast %add3A_37 : i32 to vector<16xi32>
          %add3A_172 = arith.addi %add3A_171, %mul3A_170 : vector<16xi32>
          %add3A_173 = arith.addi %add3A_172, %gather3A : vector<16xi32>
          %sub3A_174 = arith.constant 1 : i32
          %sub3A_175 = arith.subi %min3A_103, %sub3A_174 : i32
          %mul3A_176 = arith.constant 64 : i32
          %mul3A_177 = arith.muli %sub3A_175, %mul3A_176 : i32
          %add3A_178 = arith.constant 16 : i32
          %add3A_179 = arith.addi %mul3A_177, %add3A_178 : i32
          %dma_wait3A_180 = tpu.memref_slice %arg13[%add3A_179] : memref<2048xf32, #tpu.memory_space<vmem>> -> memref<16xf32, #tpu.memory_space<vmem>>
          %dma_wait3A_181 = arith.constant 0 : i32
          %dma_wait3A_182 = tpu.memref_slice %arg6[%dma_wait3A_181] : memref<67108864xf32, #tpu.memory_space<hbm>> -> memref<67108864xf32, #tpu.memory_space<hbm>>
          tpu.wait_indirect_dma semaphore(%arg15 : memref<!tpu.dma_semaphore, #tpu.memory_space<semaphore_mem>>) src(%dma_wait3A_180 : memref<16xf32, #tpu.memory_space<vmem>>) dst(%dma_wait3A_182 : memref<67108864xf32, #tpu.memory_space<hbm>>)
          %add3A_183 = arith.constant 32 : i32
          %add3A_184 = vector.broadcast %add3A_183 : i32 to vector<16xi32>
          %add3A_185 = arith.addi %add3A_184, %iota3A : vector<16xi32>
          %mul3A_186 = arith.constant 262144 : i32
          %mul3A_187 = vector.broadcast %mul3A_186 : i32 to vector<16xi32>
          %mul3A_188 = arith.muli %add3A_185, %mul3A_187 : vector<16xi32>
          %add3A_189 = vector.broadcast %add3A_37 : i32 to vector<16xi32>
          %add3A_190 = arith.addi %add3A_189, %mul3A_188 : vector<16xi32>
          %add3A_191 = arith.addi %add3A_190, %gather3A : vector<16xi32>
          %sub3A_192 = arith.constant 1 : i32
          %sub3A_193 = arith.subi %min3A_103, %sub3A_192 : i32
          %mul3A_194 = arith.constant 64 : i32
          %mul3A_195 = arith.muli %sub3A_193, %mul3A_194 : i32
          %add3A_196 = arith.constant 32 : i32
          %add3A_197 = arith.addi %mul3A_195, %add3A_196 : i32
          %dma_wait3A_198 = tpu.memref_slice %arg13[%add3A_197] : memref<2048xf32, #tpu.memory_space<vmem>> -> memref<16xf32, #tpu.memory_space<vmem>>
          %dma_wait3A_199 = arith.constant 0 : i32
          %dma_wait3A_200 = tpu.memref_slice %arg6[%dma_wait3A_199] : memref<67108864xf32, #tpu.memory_space<hbm>> -> memref<67108864xf32, #tpu.memory_space<hbm>>
          tpu.wait_indirect_dma semaphore(%arg15 : memref<!tpu.dma_semaphore, #tpu.memory_space<semaphore_mem>>) src(%dma_wait3A_198 : memref<16xf32, #tpu.memory_space<vmem>>) dst(%dma_wait3A_200 : memref<67108864xf32, #tpu.memory_space<hbm>>)
          %add3A_201 = arith.constant 48 : i32
          %add3A_202 = vector.broadcast %add3A_201 : i32 to vector<16xi32>
          %add3A_203 = arith.addi %add3A_202, %iota3A : vector<16xi32>
          %mul3A_204 = arith.constant 262144 : i32
          %mul3A_205 = vector.broadcast %mul3A_204 : i32 to vector<16xi32>
          %mul3A_206 = arith.muli %add3A_203, %mul3A_205 : vector<16xi32>
          %add3A_207 = vector.broadcast %add3A_37 : i32 to vector<16xi32>
          %add3A_208 = arith.addi %add3A_207, %mul3A_206 : vector<16xi32>
          %add3A_209 = arith.addi %add3A_208, %gather3A : vector<16xi32>
          %sub3A_210 = arith.constant 1 : i32
          %sub3A_211 = arith.subi %min3A_103, %sub3A_210 : i32
          %mul3A_212 = arith.constant 64 : i32
          %mul3A_213 = arith.muli %sub3A_211, %mul3A_212 : i32
          %add3A_214 = arith.constant 48 : i32
          %add3A_215 = arith.addi %mul3A_213, %add3A_214 : i32
          %dma_wait3A_216 = tpu.memref_slice %arg13[%add3A_215] : memref<2048xf32, #tpu.memory_space<vmem>> -> memref<16xf32, #tpu.memory_space<vmem>>
          %dma_wait3A_217 = arith.constant 0 : i32
          %dma_wait3A_218 = tpu.memref_slice %arg6[%dma_wait3A_217] : memref<67108864xf32, #tpu.memory_space<hbm>> -> memref<67108864xf32, #tpu.memory_space<hbm>>
          tpu.wait_indirect_dma semaphore(%arg15 : memref<!tpu.dma_semaphore, #tpu.memory_space<semaphore_mem>>) src(%dma_wait3A_216 : memref<16xf32, #tpu.memory_space<vmem>>) dst(%dma_wait3A_218 : memref<67108864xf32, #tpu.memory_space<hbm>>)
        } else {
        }
      } else {
      }
      %scan3A_58 = arith.constant 0 : i32
      scf.yield %scan3A_58 : i32
    }
    %scan3A_51 = arith.constant 64 : i32
    return
  }
}

#map = affine_map<(d0, d1) -> (0)>
#map1 = affine_map<(d0, d1) -> (0, 0)>
module attributes {stable_mosaic.version = 14 : i64} {
  func.func @_route_body(%arg0: i32, %arg1: i32, %arg2: memref<122880xi32, #tpu.memory_space<hbm>>, %arg3: memref<122880xi32, #tpu.memory_space<hbm>>, %arg4: memref<122880xi32, #tpu.memory_space<hbm>>, %arg5: memref<16xi32, #tpu.memory_space<hbm>>, %arg6: memref<32x2176xi32, #tpu.memory_space<hbm>>, %arg7: memref<32x2176xi32, #tpu.memory_space<hbm>>, %arg8: memref<32x16xi32, #tpu.memory_space<hbm>>, %arg9: memref<2x6144xi32, #tpu.memory_space<vmem>>, %arg10: memref<2x6144xi32, #tpu.memory_space<vmem>>, %arg11: memref<2x6144xi32, #tpu.memory_space<vmem>>, %arg12: memref<16xi32, #tpu.memory_space<vmem>>, %arg13: memref<32768xi32, #tpu.memory_space<vmem>>, %arg14: memref<2176xi32, #tpu.memory_space<vmem>>, %arg15: memref<2176xi32, #tpu.memory_space<vmem>>, %arg16: memref<!tpu.dma_semaphore, #tpu.memory_space<semaphore_mem>>) attributes {dimension_semantics = [#tpu.dimension_semantics<core_parallel>, #tpu.dimension_semantics<subcore_parallel>], iteration_bounds = array<i64: 2, 16>, scalar_prefetch = 0 : i64, scratch_operands = 8 : i64, tpu.core_type = #tpu.core_type<sc_vector_subcore>, window_params = [{transform_indices = #map}, {transform_indices = #map}, {transform_indices = #map}, {transform_indices = #map}, {transform_indices = #map1}, {transform_indices = #map1}, {transform_indices = #map1}]} {
    %mul3A = arith.constant 2 : i32
    %mul3A_0 = arith.muli %arg1, %mul3A : i32
    %add3A = arith.addi %mul3A_0, %arg0 : i32
    %jit3A = arith.constant 8 : i32
    %div3A = arith.divsi %add3A, %jit3A : i32
    %sign3A = arith.constant 0 : i32
    %sign3A_1 = arith.cmpi sgt, %add3A, %sign3A : i32
    %sign3A_2 = arith.extui %sign3A_1 : i1 to i32
    %sign3A_3 = arith.constant 0 : i32
    %sign3A_4 = arith.cmpi slt, %add3A, %sign3A_3 : i32
    %sign3A_5 = arith.extui %sign3A_4 : i1 to i32
    %sign3A_6 = arith.subi %sign3A_2, %sign3A_5 : i32
    %sign3A_7 = arith.constant 0 : i32
    %sign3A_8 = arith.cmpi sgt, %jit3A, %sign3A_7 : i32
    %sign3A_9 = arith.extui %sign3A_8 : i1 to i32
    %sign3A_10 = arith.constant 0 : i32
    %sign3A_11 = arith.cmpi slt, %jit3A, %sign3A_10 : i32
    %sign3A_12 = arith.extui %sign3A_11 : i1 to i32
    %sign3A_13 = arith.subi %sign3A_9, %sign3A_12 : i32
    %ne3A = arith.cmpi ne, %sign3A_6, %sign3A_13 : i32
    %rem3A = arith.remsi %add3A, %jit3A : i32
    %ne3A_14 = arith.constant 0 : i32
    %ne3A_15 = arith.cmpi ne, %rem3A, %ne3A_14 : i32
    %and3A = arith.andi %ne3A, %ne3A_15 : i1
    %sub3A = arith.constant 1 : i32
    %sub3A_16 = arith.subi %div3A, %sub3A : i32
    %select_n3A = arith.select %and3A, %sub3A_16, %div3A : i32
    %jit3A_17 = arith.constant 8 : i32
    %eq3A = arith.constant 0 : i32
    %eq3A_18 = arith.cmpi eq, %jit3A_17, %eq3A : i32
    %jit3A_19 = arith.constant 1 : i32
    %select_n3A_20 = arith.select %eq3A_18, %jit3A_19, %jit3A_17 : i32
    %rem3A_21 = arith.remsi %add3A, %select_n3A_20 : i32
    %ne3A_22 = arith.constant 0 : i32
    %ne3A_23 = arith.cmpi ne, %rem3A_21, %ne3A_22 : i32
    %lt3A = arith.constant 0 : i32
    %lt3A_24 = arith.cmpi slt, %rem3A_21, %lt3A : i32
    %lt3A_25 = arith.constant 0 : i32
    %lt3A_26 = arith.cmpi slt, %select_n3A_20, %lt3A_25 : i32
    %ne3A_27 = arith.xori %lt3A_24, %lt3A_26 : i1
    %and3A_28 = arith.andi %ne3A_27, %ne3A_23 : i1
    %add3A_29 = arith.addi %rem3A_21, %select_n3A_20 : i32
    %select_n3A_30 = arith.select %and3A_28, %add3A_29, %rem3A_21 : i32
    %mul3A_31 = arith.constant 64 : i32
    %mul3A_32 = arith.muli %select_n3A_30, %mul3A_31 : i32
    %iota3A = tpu.iota {dimensions = array<i32: 0>} : vector<16xi32>
    %broadcast_in_dim3A = arith.constant 0 : i32
    %broadcast_in_dim3A_33 = vector.broadcast %broadcast_in_dim3A : i32 to vector<16xi32>
    %scan3A = arith.constant 0 : i32
    %scan3A_34 = arith.constant 0 : i32
    %scan3A_35 = arith.constant 2048 : i32
    %scan3A_36 = arith.addi %scan3A_34, %scan3A_35 : i32
    %scan3A_37 = arith.constant 1 : i32
    %scan3A_38 = scf.for %scan3A_1575 = %scan3A_34 to %scan3A_36 step %scan3A_37 iter_args(%scan3A_1576 = %scan3A) -> (i32)  : i32 {
      %mul3A_1577 = arith.constant 16 : i32
      %mul3A_1578 = arith.muli %scan3A_1575, %mul3A_1577 : i32
      %swap3A_1579 = arith.index_cast %mul3A_1578 : i32 to index
      %swap3A_1580 = tpu.vector_load %arg13[%swap3A_1579] {strides = array<i32>} : memref<32768xi32, #tpu.memory_space<vmem>>, vector<16xi32>,
      tpu.vector_store %arg13[%swap3A_1579], %broadcast_in_dim3A_33 {strides = array<i32>} : memref<32768xi32, #tpu.memory_space<vmem>>, vector<16xi32>,
      %scan3A_1581 = arith.constant 0 : i32
      scf.yield %scan3A_1581 : i32
    }
    %scan3A_39 = arith.constant 2048 : i32
    %scan3A_40 = arith.constant 0 : i32
    %scan3A_41 = arith.constant 0 : i32
    %scan3A_42 = arith.constant 136 : i32
    %scan3A_43 = arith.addi %scan3A_41, %scan3A_42 : i32
    %scan3A_44 = arith.constant 1 : i32
    %scan3A_45 = scf.for %scan3A_1575 = %scan3A_41 to %scan3A_43 step %scan3A_44 iter_args(%scan3A_1576 = %scan3A_40) -> (i32)  : i32 {
      %mul3A_1577 = arith.constant 16 : i32
      %mul3A_1578 = arith.muli %scan3A_1575, %mul3A_1577 : i32
      %swap3A_1579 = arith.index_cast %mul3A_1578 : i32 to index
      %swap3A_1580 = tpu.vector_load %arg14[%swap3A_1579] {strides = array<i32>} : memref<2176xi32, #tpu.memory_space<vmem>>, vector<16xi32>,
      tpu.vector_store %arg14[%swap3A_1579], %broadcast_in_dim3A_33 {strides = array<i32>} : memref<2176xi32, #tpu.memory_space<vmem>>, vector<16xi32>,
      %mul3A_1581 = arith.constant 16 : i32
      %mul3A_1582 = arith.muli %scan3A_1575, %mul3A_1581 : i32
      %swap3A_1583 = arith.index_cast %mul3A_1582 : i32 to index
      %swap3A_1584 = tpu.vector_load %arg15[%swap3A_1583] {strides = array<i32>} : memref<2176xi32, #tpu.memory_space<vmem>>, vector<16xi32>,
      tpu.vector_store %arg15[%swap3A_1583], %broadcast_in_dim3A_33 {strides = array<i32>} : memref<2176xi32, #tpu.memory_space<vmem>>, vector<16xi32>,
      %scan3A_1585 = arith.constant 0 : i32
      scf.yield %scan3A_1585 : i32
    }
    %scan3A_46 = arith.constant 136 : i32
    "tpu.region"() ({
      %run_scoped3A = tpu.sem_alloc : memref<!tpu.dma_semaphore, #tpu.memory_space<semaphore_mem>>
      tpu.enqueue_dma source(%arg5 : memref<16xi32, #tpu.memory_space<hbm>>) target(%arg12 : memref<16xi32, #tpu.memory_space<vmem>>) target_semaphore(%run_scoped3A : memref<!tpu.dma_semaphore, #tpu.memory_space<semaphore_mem>>)
      tpu.wait_dma2 semaphore(%run_scoped3A : memref<!tpu.dma_semaphore, #tpu.memory_space<semaphore_mem>>) src(%arg5 : memref<16xi32, #tpu.memory_space<hbm>>) dst(%arg12 : memref<16xi32, #tpu.memory_space<vmem>>)
      tpu.yield
    }) : () -> ()
    %get3A = arith.constant 0 : index
    %get3A_47 = tpu.vector_load %arg12[%get3A] {strides = array<i32>} : memref<16xi32, #tpu.memory_space<vmem>>, vector<16xi32>,
    %dma_start3A = arith.constant 0 : i32
    %dma_start3A_48 = arith.constant 0 : i32
    %dma_start3A_49 = tpu.memref_slice %arg9[%dma_start3A, %dma_start3A_48] : memref<2x6144xi32, #tpu.memory_space<vmem>> -> memref<1x6144xi32, #tpu.memory_space<vmem>>
    %dma_start3A_50 = tpu.memref_squeeze %dma_start3A_49 : memref<1x6144xi32, #tpu.memory_space<vmem>> -> memref<6144xi32, #tpu.memory_space<vmem>>
    %dma_start3A_51 = arith.constant 0 : i32
    %dma_start3A_52 = tpu.memref_slice %arg2[%dma_start3A_51] : memref<122880xi32, #tpu.memory_space<hbm>> -> memref<6144xi32, #tpu.memory_space<hbm>>
    %dma_start3A_53 = arith.constant 0 : i32
    %dma_start3A_54 = tpu.memref_slice %arg9[%dma_start3A, %dma_start3A_53] : memref<2x6144xi32, #tpu.memory_space<vmem>> -> memref<1x6144xi32, #tpu.memory_space<vmem>>
    %dma_start3A_55 = tpu.memref_squeeze %dma_start3A_54 : memref<1x6144xi32, #tpu.memory_space<vmem>> -> memref<6144xi32, #tpu.memory_space<vmem>>
    %dma_start3A_56 = arith.constant 0 : i32
    %dma_start3A_57 = tpu.memref_slice %arg2[%dma_start3A_56] : memref<122880xi32, #tpu.memory_space<hbm>> -> memref<6144xi32, #tpu.memory_space<hbm>>
    tpu.enqueue_dma source(%dma_start3A_57 : memref<6144xi32, #tpu.memory_space<hbm>>) target(%dma_start3A_55 : memref<6144xi32, #tpu.memory_space<vmem>>) target_semaphore(%arg16 : memref<!tpu.dma_semaphore, #tpu.memory_space<semaphore_mem>>)
    %dma_start3A_58 = arith.constant 0 : i32
    %dma_start3A_59 = arith.constant 0 : i32
    %dma_start3A_60 = tpu.memref_slice %arg10[%dma_start3A_58, %dma_start3A_59] : memref<2x6144xi32, #tpu.memory_space<vmem>> -> memref<1x6144xi32, #tpu.memory_space<vmem>>
    %dma_start3A_61 = tpu.memref_squeeze %dma_start3A_60 : memref<1x6144xi32, #tpu.memory_space<vmem>> -> memref<6144xi32, #tpu.memory_space<vmem>>
    %dma_start3A_62 = arith.constant 0 : i32
    %dma_start3A_63 = tpu.memref_slice %arg3[%dma_start3A_62] : memref<122880xi32, #tpu.memory_space<hbm>> -> memref<6144xi32, #tpu.memory_space<hbm>>
    %dma_start3A_64 = arith.constant 0 : i32
    %dma_start3A_65 = tpu.memref_slice %arg10[%dma_start3A_58, %dma_start3A_64] : memref<2x6144xi32, #tpu.memory_space<vmem>> -> memref<1x6144xi32, #tpu.memory_space<vmem>>
    %dma_start3A_66 = tpu.memref_squeeze %dma_start3A_65 : memref<1x6144xi32, #tpu.memory_space<vmem>> -> memref<6144xi32, #tpu.memory_space<vmem>>
    %dma_start3A_67 = arith.constant 0 : i32
    %dma_start3A_68 = tpu.memref_slice %arg3[%dma_start3A_67] : memref<122880xi32, #tpu.memory_space<hbm>> -> memref<6144xi32, #tpu.memory_space<hbm>>
    tpu.enqueue_dma source(%dma_start3A_68 : memref<6144xi32, #tpu.memory_space<hbm>>) target(%dma_start3A_66 : memref<6144xi32, #tpu.memory_space<vmem>>) target_semaphore(%arg16 : memref<!tpu.dma_semaphore, #tpu.memory_space<semaphore_mem>>)
    %dma_start3A_69 = arith.constant 0 : i32
    %dma_start3A_70 = arith.constant 0 : i32
    %dma_start3A_71 = tpu.memref_slice %arg11[%dma_start3A_69, %dma_start3A_70] : memref<2x6144xi32, #tpu.memory_space<vmem>> -> memref<1x6144xi32, #tpu.memory_space<vmem>>
    %dma_start3A_72 = tpu.memref_squeeze %dma_start3A_71 : memref<1x6144xi32, #tpu.memory_space<vmem>> -> memref<6144xi32, #tpu.memory_space<vmem>>
    %dma_start3A_73 = arith.constant 0 : i32
    %dma_start3A_74 = tpu.memref_slice %arg4[%dma_start3A_73] : memref<122880xi32, #tpu.memory_space<hbm>> -> memref<6144xi32, #tpu.memory_space<hbm>>
    %dma_start3A_75 = arith.constant 0 : i32
    %dma_start3A_76 = tpu.memref_slice %arg11[%dma_start3A_69, %dma_start3A_75] : memref<2x6144xi32, #tpu.memory_space<vmem>> -> memref<1x6144xi32, #tpu.memory_space<vmem>>
    %dma_start3A_77 = tpu.memref_squeeze %dma_start3A_76 : memref<1x6144xi32, #tpu.memory_space<vmem>> -> memref<6144xi32, #tpu.memory_space<vmem>>
    %dma_start3A_78 = arith.constant 0 : i32
    %dma_start3A_79 = tpu.memref_slice %arg4[%dma_start3A_78] : memref<122880xi32, #tpu.memory_space<hbm>> -> memref<6144xi32, #tpu.memory_space<hbm>>
    tpu.enqueue_dma source(%dma_start3A_79 : memref<6144xi32, #tpu.memory_space<hbm>>) target(%dma_start3A_77 : memref<6144xi32, #tpu.memory_space<vmem>>) target_semaphore(%arg16 : memref<!tpu.dma_semaphore, #tpu.memory_space<semaphore_mem>>)
    %dma_start3A_80 = arith.constant 1 : i32
    %dma_start3A_81 = arith.constant 0 : i32
    %dma_start3A_82 = tpu.memref_slice %arg9[%dma_start3A_80, %dma_start3A_81] : memref<2x6144xi32, #tpu.memory_space<vmem>> -> memref<1x6144xi32, #tpu.memory_space<vmem>>
    %dma_start3A_83 = tpu.memref_squeeze %dma_start3A_82 : memref<1x6144xi32, #tpu.memory_space<vmem>> -> memref<6144xi32, #tpu.memory_space<vmem>>
    %dma_start3A_84 = arith.constant 6144 : i32
    %dma_start3A_85 = tpu.memref_slice %arg2[%dma_start3A_84] : memref<122880xi32, #tpu.memory_space<hbm>> -> memref<6144xi32, #tpu.memory_space<hbm>>
    %dma_start3A_86 = arith.constant 0 : i32
    %dma_start3A_87 = tpu.memref_slice %arg9[%dma_start3A_80, %dma_start3A_86] : memref<2x6144xi32, #tpu.memory_space<vmem>> -> memref<1x6144xi32, #tpu.memory_space<vmem>>
    %dma_start3A_88 = tpu.memref_squeeze %dma_start3A_87 : memref<1x6144xi32, #tpu.memory_space<vmem>> -> memref<6144xi32, #tpu.memory_space<vmem>>
    %dma_start3A_89 = arith.constant 6144 : i32
    %dma_start3A_90 = tpu.memref_slice %arg2[%dma_start3A_89] : memref<122880xi32, #tpu.memory_space<hbm>> -> memref<6144xi32, #tpu.memory_space<hbm>>
    tpu.enqueue_dma source(%dma_start3A_90 : memref<6144xi32, #tpu.memory_space<hbm>>) target(%dma_start3A_88 : memref<6144xi32, #tpu.memory_space<vmem>>) target_semaphore(%arg16 : memref<!tpu.dma_semaphore, #tpu.memory_space<semaphore_mem>>)
    %dma_start3A_91 = arith.constant 1 : i32
    %dma_start3A_92 = arith.constant 0 : i32
    %dma_start3A_93 = tpu.memref_slice %arg10[%dma_start3A_91, %dma_start3A_92] : memref<2x6144xi32, #tpu.memory_space<vmem>> -> memref<1x6144xi32, #tpu.memory_space<vmem>>
    %dma_start3A_94 = tpu.memref_squeeze %dma_start3A_93 : memref<1x6144xi32, #tpu.memory_space<vmem>> -> memref<6144xi32, #tpu.memory_space<vmem>>
    %dma_start3A_95 = arith.constant 6144 : i32
    %dma_start3A_96 = tpu.memref_slice %arg3[%dma_start3A_95] : memref<122880xi32, #tpu.memory_space<hbm>> -> memref<6144xi32, #tpu.memory_space<hbm>>
    %dma_start3A_97 = arith.constant 0 : i32
    %dma_start3A_98 = tpu.memref_slice %arg10[%dma_start3A_91, %dma_start3A_97] : memref<2x6144xi32, #tpu.memory_space<vmem>> -> memref<1x6144xi32, #tpu.memory_space<vmem>>
    %dma_start3A_99 = tpu.memref_squeeze %dma_start3A_98 : memref<1x6144xi32, #tpu.memory_space<vmem>> -> memref<6144xi32, #tpu.memory_space<vmem>>
    %dma_start3A_100 = arith.constant 6144 : i32
    %dma_start3A_101 = tpu.memref_slice %arg3[%dma_start3A_100] : memref<122880xi32, #tpu.memory_space<hbm>> -> memref<6144xi32, #tpu.memory_space<hbm>>
    tpu.enqueue_dma source(%dma_start3A_101 : memref<6144xi32, #tpu.memory_space<hbm>>) target(%dma_start3A_99 : memref<6144xi32, #tpu.memory_space<vmem>>) target_semaphore(%arg16 : memref<!tpu.dma_semaphore, #tpu.memory_space<semaphore_mem>>)
    %dma_start3A_102 = arith.constant 1 : i32
    %dma_start3A_103 = arith.constant 0 : i32
    %dma_start3A_104 = tpu.memref_slice %arg11[%dma_start3A_102, %dma_start3A_103] : memref<2x6144xi32, #tpu.memory_space<vmem>> -> memref<1x6144xi32, #tpu.memory_space<vmem>>
    %dma_start3A_105 = tpu.memref_squeeze %dma_start3A_104 : memref<1x6144xi32, #tpu.memory_space<vmem>> -> memref<6144xi32, #tpu.memory_space<vmem>>
    %dma_start3A_106 = arith.constant 6144 : i32
    %dma_start3A_107 = tpu.memref_slice %arg4[%dma_start3A_106] : memref<122880xi32, #tpu.memory_space<hbm>> -> memref<6144xi32, #tpu.memory_space<hbm>>
    %dma_start3A_108 = arith.constant 0 : i32
    %dma_start3A_109 = tpu.memref_slice %arg11[%dma_start3A_102, %dma_start3A_108] : memref<2x6144xi32, #tpu.memory_space<vmem>> -> memref<1x6144xi32, #tpu.memory_space<vmem>>
    %dma_start3A_110 = tpu.memref_squeeze %dma_start3A_109 : memref<1x6144xi32, #tpu.memory_space<vmem>> -> memref<6144xi32, #tpu.memory_space<vmem>>
    %dma_start3A_111 = arith.constant 6144 : i32
    %dma_start3A_112 = tpu.memref_slice %arg4[%dma_start3A_111] : memref<122880xi32, #tpu.memory_space<hbm>> -> memref<6144xi32, #tpu.memory_space<hbm>>
    tpu.enqueue_dma source(%dma_start3A_112 : memref<6144xi32, #tpu.memory_space<hbm>>) target(%dma_start3A_110 : memref<6144xi32, #tpu.memory_space<vmem>>) target_semaphore(%arg16 : memref<!tpu.dma_semaphore, #tpu.memory_space<semaphore_mem>>)
    %dma_wait3A = arith.constant 0 : i32
    %dma_wait3A_113 = arith.constant 0 : i32
    %dma_wait3A_114 = tpu.memref_slice %arg9[%dma_wait3A, %dma_wait3A_113] : memref<2x6144xi32, #tpu.memory_space<vmem>> -> memref<1x6144xi32, #tpu.memory_space<vmem>>
    %dma_wait3A_115 = tpu.memref_squeeze %dma_wait3A_114 : memref<1x6144xi32, #tpu.memory_space<vmem>> -> memref<6144xi32, #tpu.memory_space<vmem>>
    %dma_wait3A_116 = arith.constant 0 : i32
    %dma_wait3A_117 = tpu.memref_slice %arg2[%dma_wait3A_116] : memref<122880xi32, #tpu.memory_space<hbm>> -> memref<6144xi32, #tpu.memory_space<hbm>>
    %dma_wait3A_118 = arith.constant 0 : i32
    %dma_wait3A_119 = tpu.memref_slice %arg9[%dma_wait3A, %dma_wait3A_118] : memref<2x6144xi32, #tpu.memory_space<vmem>> -> memref<1x6144xi32, #tpu.memory_space<vmem>>
    %dma_wait3A_120 = tpu.memref_squeeze %dma_wait3A_119 : memref<1x6144xi32, #tpu.memory_space<vmem>> -> memref<6144xi32, #tpu.memory_space<vmem>>
    %dma_wait3A_121 = arith.constant 0 : i32
    %dma_wait3A_122 = tpu.memref_slice %arg2[%dma_wait3A_121] : memref<122880xi32, #tpu.memory_space<hbm>> -> memref<6144xi32, #tpu.memory_space<hbm>>
    tpu.wait_dma2 semaphore(%arg16 : memref<!tpu.dma_semaphore, #tpu.memory_space<semaphore_mem>>) src(%dma_wait3A_122 : memref<6144xi32, #tpu.memory_space<hbm>>) dst(%dma_wait3A_120 : memref<6144xi32, #tpu.memory_space<vmem>>)
    %dma_wait3A_123 = arith.constant 0 : i32
    %dma_wait3A_124 = arith.constant 0 : i32
    %dma_wait3A_125 = tpu.memref_slice %arg10[%dma_wait3A_123, %dma_wait3A_124] : memref<2x6144xi32, #tpu.memory_space<vmem>> -> memref<1x6144xi32, #tpu.memory_space<vmem>>
    %dma_wait3A_126 = tpu.memref_squeeze %dma_wait3A_125 : memref<1x6144xi32, #tpu.memory_space<vmem>> -> memref<6144xi32, #tpu.memory_space<vmem>>
    %dma_wait3A_127 = arith.constant 0 : i32
    %dma_wait3A_128 = tpu.memref_slice %arg3[%dma_wait3A_127] : memref<122880xi32, #tpu.memory_space<hbm>> -> memref<6144xi32, #tpu.memory_space<hbm>>
    %dma_wait3A_129 = arith.constant 0 : i32
    %dma_wait3A_130 = tpu.memref_slice %arg10[%dma_wait3A_123, %dma_wait3A_129] : memref<2x6144xi32, #tpu.memory_space<vmem>> -> memref<1x6144xi32, #tpu.memory_space<vmem>>
    %dma_wait3A_131 = tpu.memref_squeeze %dma_wait3A_130 : memref<1x6144xi32, #tpu.memory_space<vmem>> -> memref<6144xi32, #tpu.memory_space<vmem>>
    %dma_wait3A_132 = arith.constant 0 : i32
    %dma_wait3A_133 = tpu.memref_slice %arg3[%dma_wait3A_132] : memref<122880xi32, #tpu.memory_space<hbm>> -> memref<6144xi32, #tpu.memory_space<hbm>>
    tpu.wait_dma2 semaphore(%arg16 : memref<!tpu.dma_semaphore, #tpu.memory_space<semaphore_mem>>) src(%dma_wait3A_133 : memref<6144xi32, #tpu.memory_space<hbm>>) dst(%dma_wait3A_131 : memref<6144xi32, #tpu.memory_space<vmem>>)
    %dma_wait3A_134 = arith.constant 0 : i32
    %dma_wait3A_135 = arith.constant 0 : i32
    %dma_wait3A_136 = tpu.memref_slice %arg11[%dma_wait3A_134, %dma_wait3A_135] : memref<2x6144xi32, #tpu.memory_space<vmem>> -> memref<1x6144xi32, #tpu.memory_space<vmem>>
    %dma_wait3A_137 = tpu.memref_squeeze %dma_wait3A_136 : memref<1x6144xi32, #tpu.memory_space<vmem>> -> memref<6144xi32, #tpu.memory_space<vmem>>
    %dma_wait3A_138 = arith.constant 0 : i32
    %dma_wait3A_139 = tpu.memref_slice %arg4[%dma_wait3A_138] : memref<122880xi32, #tpu.memory_space<hbm>> -> memref<6144xi32, #tpu.memory_space<hbm>>
    %dma_wait3A_140 = arith.constant 0 : i32
    %dma_wait3A_141 = tpu.memref_slice %arg11[%dma_wait3A_134, %dma_wait3A_140] : memref<2x6144xi32, #tpu.memory_space<vmem>> -> memref<1x6144xi32, #tpu.memory_space<vmem>>
    %dma_wait3A_142 = tpu.memref_squeeze %dma_wait3A_141 : memref<1x6144xi32, #tpu.memory_space<vmem>> -> memref<6144xi32, #tpu.memory_space<vmem>>
    %dma_wait3A_143 = arith.constant 0 : i32
    %dma_wait3A_144 = tpu.memref_slice %arg4[%dma_wait3A_143] : memref<122880xi32, #tpu.memory_space<hbm>> -> memref<6144xi32, #tpu.memory_space<hbm>>
    tpu.wait_dma2 semaphore(%arg16 : memref<!tpu.dma_semaphore, #tpu.memory_space<semaphore_mem>>) src(%dma_wait3A_144 : memref<6144xi32, #tpu.memory_space<hbm>>) dst(%dma_wait3A_142 : memref<6144xi32, #tpu.memory_space<vmem>>)
    %scan3A_145 = arith.constant 0 : i32
    %scan3A_146 = arith.constant 0 : i32
    %scan3A_147 = arith.constant 0 : i32
    %scan3A_148 = arith.constant 0 : i32
    %scan3A_149 = arith.constant 0 : i32
    %scan3A_150 = arith.constant 384 : i32
    %scan3A_151 = arith.addi %scan3A_149, %scan3A_150 : i32
    %scan3A_152 = arith.constant 1 : i32
    %scan3A_153 = scf.for %scan3A_1575 = %scan3A_149 to %scan3A_151 step %scan3A_152 iter_args(%scan3A_1576 = %scan3A_148) -> (i32)  : i32 {
      %mul3A_1577 = arith.constant 16 : i32
      %mul3A_1578 = arith.muli %scan3A_1575, %mul3A_1577 : i32
      %get3A_1579 = arith.constant 0 : i32
      %get3A_1580 = tpu.memref_slice %arg9[%scan3A_145, %get3A_1579] : memref<2x6144xi32, #tpu.memory_space<vmem>> -> memref<1x6144xi32, #tpu.memory_space<vmem>>
      %get3A_1581 = tpu.memref_squeeze %get3A_1580 : memref<1x6144xi32, #tpu.memory_space<vmem>> -> memref<6144xi32, #tpu.memory_space<vmem>>
      %get3A_1582 = arith.index_cast %mul3A_1578 : i32 to index
      %get3A_1583 = tpu.vector_load %get3A_1581[%get3A_1582] {strides = array<i32>} : memref<6144xi32, #tpu.memory_space<vmem>>, vector<16xi32>,
      %get3A_1584 = arith.constant 0 : i32
      %get3A_1585 = tpu.memref_slice %arg10[%scan3A_146, %get3A_1584] : memref<2x6144xi32, #tpu.memory_space<vmem>> -> memref<1x6144xi32, #tpu.memory_space<vmem>>
      %get3A_1586 = tpu.memref_squeeze %get3A_1585 : memref<1x6144xi32, #tpu.memory_space<vmem>> -> memref<6144xi32, #tpu.memory_space<vmem>>
      %get3A_1587 = arith.index_cast %mul3A_1578 : i32 to index
      %get3A_1588 = tpu.vector_load %get3A_1586[%get3A_1587] {strides = array<i32>} : memref<6144xi32, #tpu.memory_space<vmem>>, vector<16xi32>,
      %get3A_1589 = arith.constant 0 : i32
      %get3A_1590 = tpu.memref_slice %arg11[%scan3A_147, %get3A_1589] : memref<2x6144xi32, #tpu.memory_space<vmem>> -> memref<1x6144xi32, #tpu.memory_space<vmem>>
      %get3A_1591 = tpu.memref_squeeze %get3A_1590 : memref<1x6144xi32, #tpu.memory_space<vmem>> -> memref<6144xi32, #tpu.memory_space<vmem>>
      %get3A_1592 = arith.index_cast %mul3A_1578 : i32 to index
      %get3A_1593 = tpu.vector_load %get3A_1591[%get3A_1592] {strides = array<i32>} : memref<6144xi32, #tpu.memory_space<vmem>>, vector<16xi32>,
      %eq3A_1594 = vector.broadcast %select_n3A : i32 to vector<16xi32>
      %eq3A_1595 = arith.cmpi eq, %get3A_1583, %eq3A_1594 : vector<16xi32>
      %lt3A_1596 = arith.cmpi slt, %get3A_1583, %get3A_47 : vector<16xi32>
      %and3A_1597 = arith.andi %eq3A_1595, %lt3A_1596 : vector<16xi1>
      %ge3A = vector.broadcast %mul3A_32 : i32 to vector<16xi32>
      %ge3A_1598 = arith.cmpi sge, %get3A_1593, %ge3A : vector<16xi32>
      %and3A_1599 = arith.andi %and3A_1597, %ge3A_1598 : vector<16xi1>
      %add3A_1600 = arith.constant 64 : i32
      %add3A_1601 = arith.addi %mul3A_32, %add3A_1600 : i32
      %lt3A_1602 = vector.broadcast %add3A_1601 : i32 to vector<16xi32>
      %lt3A_1603 = arith.cmpi slt, %get3A_1593, %lt3A_1602 : vector<16xi32>
      %and3A_1604 = arith.andi %and3A_1599, %lt3A_1603 : vector<16xi1>
      %sub3A_1605 = vector.broadcast %mul3A_32 : i32 to vector<16xi32>
      %sub3A_1606 = arith.subi %get3A_1593, %sub3A_1605 : vector<16xi32>
      %mul3A_1607 = arith.constant 512 : i32
      %mul3A_1608 = vector.broadcast %mul3A_1607 : i32 to vector<16xi32>
      %mul3A_1609 = arith.muli %sub3A_1606, %mul3A_1608 : vector<16xi32>
      %add3A_1610 = arith.addi %mul3A_1609, %get3A_1588 : vector<16xi32>
      %jit3A_1611 = arith.constant 0 : i32
      %broadcast_in_dim3A_1612 = vector.broadcast %jit3A_1611 : i32 to vector<16xi32>
      %select_n3A_1613 = arith.select %and3A_1604, %add3A_1610, %broadcast_in_dim3A_1612 : vector<16xi1>, vector<16xi32>
      %add3A_1614 = arith.constant 0 : i32
      %add3A_1615 = arith.addi %add3A_1614, %mul3A_1578 : i32
      %add3A_1616 = vector.broadcast %add3A_1615 : i32 to vector<16xi32>
      %add3A_1617 = arith.addi %add3A_1616, %iota3A : vector<16xi32>
      %add3A_1618 = arith.constant 1 : i32
      %add3A_1619 = vector.broadcast %add3A_1618 : i32 to vector<16xi32>
      %add3A_1620 = arith.addi %add3A_1617, %add3A_1619 : vector<16xi32>
      tpu.vector_store_idx %arg13[%select_n3A_1613], %add3A_1620 masked %and3A_1604 : memref<32768xi32, #tpu.memory_space<vmem>>[vector<16xi32>], vector<16xi32>, vector<16xi1>
      %scan3A_1621 = arith.constant 0 : i32
      scf.yield %scan3A_1621 : i32
    }
    %scan3A_154 = arith.constant 384 : i32
    %dma_start3A_155 = arith.constant 0 : i32
    %dma_start3A_156 = arith.constant 0 : i32
    %dma_start3A_157 = tpu.memref_slice %arg9[%dma_start3A_155, %dma_start3A_156] : memref<2x6144xi32, #tpu.memory_space<vmem>> -> memref<1x6144xi32, #tpu.memory_space<vmem>>
    %dma_start3A_158 = tpu.memref_squeeze %dma_start3A_157 : memref<1x6144xi32, #tpu.memory_space<vmem>> -> memref<6144xi32, #tpu.memory_space<vmem>>
    %dma_start3A_159 = arith.constant 12288 : i32
    %dma_start3A_160 = tpu.memref_slice %arg2[%dma_start3A_159] : memref<122880xi32, #tpu.memory_space<hbm>> -> memref<6144xi32, #tpu.memory_space<hbm>>
    %dma_start3A_161 = arith.constant 0 : i32
    %dma_start3A_162 = tpu.memref_slice %arg9[%dma_start3A_155, %dma_start3A_161] : memref<2x6144xi32, #tpu.memory_space<vmem>> -> memref<1x6144xi32, #tpu.memory_space<vmem>>
    %dma_start3A_163 = tpu.memref_squeeze %dma_start3A_162 : memref<1x6144xi32, #tpu.memory_space<vmem>> -> memref<6144xi32, #tpu.memory_space<vmem>>
    %dma_start3A_164 = arith.constant 12288 : i32
    %dma_start3A_165 = tpu.memref_slice %arg2[%dma_start3A_164] : memref<122880xi32, #tpu.memory_space<hbm>> -> memref<6144xi32, #tpu.memory_space<hbm>>
    tpu.enqueue_dma source(%dma_start3A_165 : memref<6144xi32, #tpu.memory_space<hbm>>) target(%dma_start3A_163 : memref<6144xi32, #tpu.memory_space<vmem>>) target_semaphore(%arg16 : memref<!tpu.dma_semaphore, #tpu.memory_space<semaphore_mem>>)
    %dma_start3A_166 = arith.constant 0 : i32
    %dma_start3A_167 = arith.constant 0 : i32
    %dma_start3A_168 = tpu.memref_slice %arg10[%dma_start3A_166, %dma_start3A_167] : memref<2x6144xi32, #tpu.memory_space<vmem>> -> memref<1x6144xi32, #tpu.memory_space<vmem>>
    %dma_start3A_169 = tpu.memref_squeeze %dma_start3A_168 : memref<1x6144xi32, #tpu.memory_space<vmem>> -> memref<6144xi32, #tpu.memory_space<vmem>>
    %dma_start3A_170 = arith.constant 12288 : i32
    %dma_start3A_171 = tpu.memref_slice %arg3[%dma_start3A_170] : memref<122880xi32, #tpu.memory_space<hbm>> -> memref<6144xi32, #tpu.memory_space<hbm>>
    %dma_start3A_172 = arith.constant 0 : i32
    %dma_start3A_173 = tpu.memref_slice %arg10[%dma_start3A_166, %dma_start3A_172] : memref<2x6144xi32, #tpu.memory_space<vmem>> -> memref<1x6144xi32, #tpu.memory_space<vmem>>
    %dma_start3A_174 = tpu.memref_squeeze %dma_start3A_173 : memref<1x6144xi32, #tpu.memory_space<vmem>> -> memref<6144xi32, #tpu.memory_space<vmem>>
    %dma_start3A_175 = arith.constant 12288 : i32
    %dma_start3A_176 = tpu.memref_slice %arg3[%dma_start3A_175] : memref<122880xi32, #tpu.memory_space<hbm>> -> memref<6144xi32, #tpu.memory_space<hbm>>
    tpu.enqueue_dma source(%dma_start3A_176 : memref<6144xi32, #tpu.memory_space<hbm>>) target(%dma_start3A_174 : memref<6144xi32, #tpu.memory_space<vmem>>) target_semaphore(%arg16 : memref<!tpu.dma_semaphore, #tpu.memory_space<semaphore_mem>>)
    %dma_start3A_177 = arith.constant 0 : i32
    %dma_start3A_178 = arith.constant 0 : i32
    %dma_start3A_179 = tpu.memref_slice %arg11[%dma_start3A_177, %dma_start3A_178] : memref<2x6144xi32, #tpu.memory_space<vmem>> -> memref<1x6144xi32, #tpu.memory_space<vmem>>
    %dma_start3A_180 = tpu.memref_squeeze %dma_start3A_179 : memref<1x6144xi32, #tpu.memory_space<vmem>> -> memref<6144xi32, #tpu.memory_space<vmem>>
    %dma_start3A_181 = arith.constant 12288 : i32
    %dma_start3A_182 = tpu.memref_slice %arg4[%dma_start3A_181] : memref<122880xi32, #tpu.memory_space<hbm>> -> memref<6144xi32, #tpu.memory_space<hbm>>
    %dma_start3A_183 = arith.constant 0 : i32
    %dma_start3A_184 = tpu.memref_slice %arg11[%dma_start3A_177, %dma_start3A_183] : memref<2x6144xi32, #tpu.memory_space<vmem>> -> memref<1x6144xi32, #tpu.memory_space<vmem>>
    %dma_start3A_185 = tpu.memref_squeeze %dma_start3A_184 : memref<1x6144xi32, #tpu.memory_space<vmem>> -> memref<6144xi32, #tpu.memory_space<vmem>>
    %dma_start3A_186 = arith.constant 12288 : i32
    %dma_start3A_187 = tpu.memref_slice %arg4[%dma_start3A_186] : memref<122880xi32, #tpu.memory_space<hbm>> -> memref<6144xi32, #tpu.memory_space<hbm>>
    tpu.enqueue_dma source(%dma_start3A_187 : memref<6144xi32, #tpu.memory_space<hbm>>) target(%dma_start3A_185 : memref<6144xi32, #tpu.memory_space<vmem>>) target_semaphore(%arg16 : memref<!tpu.dma_semaphore, #tpu.memory_space<semaphore_mem>>)
    %dma_wait3A_188 = arith.constant 1 : i32
    %dma_wait3A_189 = arith.constant 0 : i32
    %dma_wait3A_190 = tpu.memref_slice %arg9[%dma_wait3A_188, %dma_wait3A_189] : memref<2x6144xi32, #tpu.memory_space<vmem>> -> memref<1x6144xi32, #tpu.memory_space<vmem>>
    %dma_wait3A_191 = tpu.memref_squeeze %dma_wait3A_190 : memref<1x6144xi32, #tpu.memory_space<vmem>> -> memref<6144xi32, #tpu.memory_space<vmem>>
    %dma_wait3A_192 = arith.constant 6144 : i32
    %dma_wait3A_193 = tpu.memref_slice %arg2[%dma_wait3A_192] : memref<122880xi32, #tpu.memory_space<hbm>> -> memref<6144xi32, #tpu.memory_space<hbm>>
    %dma_wait3A_194 = arith.constant 0 : i32
    %dma_wait3A_195 = tpu.memref_slice %arg9[%dma_wait3A_188, %dma_wait3A_194] : memref<2x6144xi32, #tpu.memory_space<vmem>> -> memref<1x6144xi32, #tpu.memory_space<vmem>>
    %dma_wait3A_196 = tpu.memref_squeeze %dma_wait3A_195 : memref<1x6144xi32, #tpu.memory_space<vmem>> -> memref<6144xi32, #tpu.memory_space<vmem>>
    %dma_wait3A_197 = arith.constant 6144 : i32
    %dma_wait3A_198 = tpu.memref_slice %arg2[%dma_wait3A_197] : memref<122880xi32, #tpu.memory_space<hbm>> -> memref<6144xi32, #tpu.memory_space<hbm>>
    tpu.wait_dma2 semaphore(%arg16 : memref<!tpu.dma_semaphore, #tpu.memory_space<semaphore_mem>>) src(%dma_wait3A_198 : memref<6144xi32, #tpu.memory_space<hbm>>) dst(%dma_wait3A_196 : memref<6144xi32, #tpu.memory_space<vmem>>)
    %dma_wait3A_199 = arith.constant 1 : i32
    %dma_wait3A_200 = arith.constant 0 : i32
    %dma_wait3A_201 = tpu.memref_slice %arg10[%dma_wait3A_199, %dma_wait3A_200] : memref<2x6144xi32, #tpu.memory_space<vmem>> -> memref<1x6144xi32, #tpu.memory_space<vmem>>
    %dma_wait3A_202 = tpu.memref_squeeze %dma_wait3A_201 : memref<1x6144xi32, #tpu.memory_space<vmem>> -> memref<6144xi32, #tpu.memory_space<vmem>>
    %dma_wait3A_203 = arith.constant 6144 : i32
    %dma_wait3A_204 = tpu.memref_slice %arg3[%dma_wait3A_203] : memref<122880xi32, #tpu.memory_space<hbm>> -> memref<6144xi32, #tpu.memory_space<hbm>>
    %dma_wait3A_205 = arith.constant 0 : i32
    %dma_wait3A_206 = tpu.memref_slice %arg10[%dma_wait3A_199, %dma_wait3A_205] : memref<2x6144xi32, #tpu.memory_space<vmem>> -> memref<1x6144xi32, #tpu.memory_space<vmem>>
    %dma_wait3A_207 = tpu.memref_squeeze %dma_wait3A_206 : memref<1x6144xi32, #tpu.memory_space<vmem>> -> memref<6144xi32, #tpu.memory_space<vmem>>
    %dma_wait3A_208 = arith.constant 6144 : i32
    %dma_wait3A_209 = tpu.memref_slice %arg3[%dma_wait3A_208] : memref<122880xi32, #tpu.memory_space<hbm>> -> memref<6144xi32, #tpu.memory_space<hbm>>
    tpu.wait_dma2 semaphore(%arg16 : memref<!tpu.dma_semaphore, #tpu.memory_space<semaphore_mem>>) src(%dma_wait3A_209 : memref<6144xi32, #tpu.memory_space<hbm>>) dst(%dma_wait3A_207 : memref<6144xi32, #tpu.memory_space<vmem>>)
    %dma_wait3A_210 = arith.constant 1 : i32
    %dma_wait3A_211 = arith.constant 0 : i32
    %dma_wait3A_212 = tpu.memref_slice %arg11[%dma_wait3A_210, %dma_wait3A_211] : memref<2x6144xi32, #tpu.memory_space<vmem>> -> memref<1x6144xi32, #tpu.memory_space<vmem>>
    %dma_wait3A_213 = tpu.memref_squeeze %dma_wait3A_212 : memref<1x6144xi32, #tpu.memory_space<vmem>> -> memref<6144xi32, #tpu.memory_space<vmem>>
    %dma_wait3A_214 = arith.constant 6144 : i32
    %dma_wait3A_215 = tpu.memref_slice %arg4[%dma_wait3A_214] : memref<122880xi32, #tpu.memory_space<hbm>> -> memref<6144xi32, #tpu.memory_space<hbm>>
    %dma_wait3A_216 = arith.constant 0 : i32
    %dma_wait3A_217 = tpu.memref_slice %arg11[%dma_wait3A_210, %dma_wait3A_216] : memref<2x6144xi32, #tpu.memory_space<vmem>> -> memref<1x6144xi32, #tpu.memory_space<vmem>>
    %dma_wait3A_218 = tpu.memref_squeeze %dma_wait3A_217 : memref<1x6144xi32, #tpu.memory_space<vmem>> -> memref<6144xi32, #tpu.memory_space<vmem>>
    %dma_wait3A_219 = arith.constant 6144 : i32
    %dma_wait3A_220 = tpu.memref_slice %arg4[%dma_wait3A_219] : memref<122880xi32, #tpu.memory_space<hbm>> -> memref<6144xi32, #tpu.memory_space<hbm>>
    tpu.wait_dma2 semaphore(%arg16 : memref<!tpu.dma_semaphore, #tpu.memory_space<semaphore_mem>>) src(%dma_wait3A_220 : memref<6144xi32, #tpu.memory_space<hbm>>) dst(%dma_wait3A_218 : memref<6144xi32, #tpu.memory_space<vmem>>)
    %scan3A_221 = arith.constant 1 : i32
    %scan3A_222 = arith.constant 1 : i32
    %scan3A_223 = arith.constant 1 : i32
    %scan3A_224 = arith.constant 0 : i32
    %scan3A_225 = arith.constant 0 : i32
    %scan3A_226 = arith.constant 384 : i32
    %scan3A_227 = arith.addi %scan3A_225, %scan3A_226 : i32
    %scan3A_228 = arith.constant 1 : i32
    %scan3A_229 = scf.for %scan3A_1575 = %scan3A_225 to %scan3A_227 step %scan3A_228 iter_args(%scan3A_1576 = %scan3A_224) -> (i32)  : i32 {
      %mul3A_1577 = arith.constant 16 : i32
      %mul3A_1578 = arith.muli %scan3A_1575, %mul3A_1577 : i32
      %get3A_1579 = arith.constant 0 : i32
      %get3A_1580 = tpu.memref_slice %arg9[%scan3A_221, %get3A_1579] : memref<2x6144xi32, #tpu.memory_space<vmem>> -> memref<1x6144xi32, #tpu.memory_space<vmem>>
      %get3A_1581 = tpu.memref_squeeze %get3A_1580 : memref<1x6144xi32, #tpu.memory_space<vmem>> -> memref<6144xi32, #tpu.memory_space<vmem>>
      %get3A_1582 = arith.index_cast %mul3A_1578 : i32 to index
      %get3A_1583 = tpu.vector_load %get3A_1581[%get3A_1582] {strides = array<i32>} : memref<6144xi32, #tpu.memory_space<vmem>>, vector<16xi32>,
      %get3A_1584 = arith.constant 0 : i32
      %get3A_1585 = tpu.memref_slice %arg10[%scan3A_222, %get3A_1584] : memref<2x6144xi32, #tpu.memory_space<vmem>> -> memref<1x6144xi32, #tpu.memory_space<vmem>>
      %get3A_1586 = tpu.memref_squeeze %get3A_1585 : memref<1x6144xi32, #tpu.memory_space<vmem>> -> memref<6144xi32, #tpu.memory_space<vmem>>
      %get3A_1587 = arith.index_cast %mul3A_1578 : i32 to index
      %get3A_1588 = tpu.vector_load %get3A_1586[%get3A_1587] {strides = array<i32>} : memref<6144xi32, #tpu.memory_space<vmem>>, vector<16xi32>,
      %get3A_1589 = arith.constant 0 : i32
      %get3A_1590 = tpu.memref_slice %arg11[%scan3A_223, %get3A_1589] : memref<2x6144xi32, #tpu.memory_space<vmem>> -> memref<1x6144xi32, #tpu.memory_space<vmem>>
      %get3A_1591 = tpu.memref_squeeze %get3A_1590 : memref<1x6144xi32, #tpu.memory_space<vmem>> -> memref<6144xi32, #tpu.memory_space<vmem>>
      %get3A_1592 = arith.index_cast %mul3A_1578 : i32 to index
      %get3A_1593 = tpu.vector_load %get3A_1591[%get3A_1592] {strides = array<i32>} : memref<6144xi32, #tpu.memory_space<vmem>>, vector<16xi32>,
      %eq3A_1594 = vector.broadcast %select_n3A : i32 to vector<16xi32>
      %eq3A_1595 = arith.cmpi eq, %get3A_1583, %eq3A_1594 : vector<16xi32>
      %lt3A_1596 = arith.cmpi slt, %get3A_1583, %get3A_47 : vector<16xi32>
      %and3A_1597 = arith.andi %eq3A_1595, %lt3A_1596 : vector<16xi1>
      %ge3A = vector.broadcast %mul3A_32 : i32 to vector<16xi32>
      %ge3A_1598 = arith.cmpi sge, %get3A_1593, %ge3A : vector<16xi32>
      %and3A_1599 = arith.andi %and3A_1597, %ge3A_1598 : vector<16xi1>
      %add3A_1600 = arith.constant 64 : i32
      %add3A_1601 = arith.addi %mul3A_32, %add3A_1600 : i32
      %lt3A_1602 = vector.broadcast %add3A_1601 : i32 to vector<16xi32>
      %lt3A_1603 = arith.cmpi slt, %get3A_1593, %lt3A_1602 : vector<16xi32>
      %and3A_1604 = arith.andi %and3A_1599, %lt3A_1603 : vector<16xi1>
      %sub3A_1605 = vector.broadcast %mul3A_32 : i32 to vector<16xi32>
      %sub3A_1606 = arith.subi %get3A_1593, %sub3A_1605 : vector<16xi32>
      %mul3A_1607 = arith.constant 512 : i32
      %mul3A_1608 = vector.broadcast %mul3A_1607 : i32 to vector<16xi32>
      %mul3A_1609 = arith.muli %sub3A_1606, %mul3A_1608 : vector<16xi32>
      %add3A_1610 = arith.addi %mul3A_1609, %get3A_1588 : vector<16xi32>
      %jit3A_1611 = arith.constant 0 : i32
      %broadcast_in_dim3A_1612 = vector.broadcast %jit3A_1611 : i32 to vector<16xi32>
      %select_n3A_1613 = arith.select %and3A_1604, %add3A_1610, %broadcast_in_dim3A_1612 : vector<16xi1>, vector<16xi32>
      %add3A_1614 = arith.constant 6144 : i32
      %add3A_1615 = arith.addi %add3A_1614, %mul3A_1578 : i32
      %add3A_1616 = vector.broadcast %add3A_1615 : i32 to vector<16xi32>
      %add3A_1617 = arith.addi %add3A_1616, %iota3A : vector<16xi32>
      %add3A_1618 = arith.constant 1 : i32
      %add3A_1619 = vector.broadcast %add3A_1618 : i32 to vector<16xi32>
      %add3A_1620 = arith.addi %add3A_1617, %add3A_1619 : vector<16xi32>
      tpu.vector_store_idx %arg13[%select_n3A_1613], %add3A_1620 masked %and3A_1604 : memref<32768xi32, #tpu.memory_space<vmem>>[vector<16xi32>], vector<16xi32>, vector<16xi1>
      %scan3A_1621 = arith.constant 0 : i32
      scf.yield %scan3A_1621 : i32
    }
    %scan3A_230 = arith.constant 384 : i32
    %dma_start3A_231 = arith.constant 1 : i32
    %dma_start3A_232 = arith.constant 0 : i32
    %dma_start3A_233 = tpu.memref_slice %arg9[%dma_start3A_231, %dma_start3A_232] : memref<2x6144xi32, #tpu.memory_space<vmem>> -> memref<1x6144xi32, #tpu.memory_space<vmem>>
    %dma_start3A_234 = tpu.memref_squeeze %dma_start3A_233 : memref<1x6144xi32, #tpu.memory_space<vmem>> -> memref<6144xi32, #tpu.memory_space<vmem>>
    %dma_start3A_235 = arith.constant 18432 : i32
    %dma_start3A_236 = tpu.memref_slice %arg2[%dma_start3A_235] : memref<122880xi32, #tpu.memory_space<hbm>> -> memref<6144xi32, #tpu.memory_space<hbm>>
    %dma_start3A_237 = arith.constant 0 : i32
    %dma_start3A_238 = tpu.memref_slice %arg9[%dma_start3A_231, %dma_start3A_237] : memref<2x6144xi32, #tpu.memory_space<vmem>> -> memref<1x6144xi32, #tpu.memory_space<vmem>>
    %dma_start3A_239 = tpu.memref_squeeze %dma_start3A_238 : memref<1x6144xi32, #tpu.memory_space<vmem>> -> memref<6144xi32, #tpu.memory_space<vmem>>
    %dma_start3A_240 = arith.constant 18432 : i32
    %dma_start3A_241 = tpu.memref_slice %arg2[%dma_start3A_240] : memref<122880xi32, #tpu.memory_space<hbm>> -> memref<6144xi32, #tpu.memory_space<hbm>>
    tpu.enqueue_dma source(%dma_start3A_241 : memref<6144xi32, #tpu.memory_space<hbm>>) target(%dma_start3A_239 : memref<6144xi32, #tpu.memory_space<vmem>>) target_semaphore(%arg16 : memref<!tpu.dma_semaphore, #tpu.memory_space<semaphore_mem>>)
    %dma_start3A_242 = arith.constant 1 : i32
    %dma_start3A_243 = arith.constant 0 : i32
    %dma_start3A_244 = tpu.memref_slice %arg10[%dma_start3A_242, %dma_start3A_243] : memref<2x6144xi32, #tpu.memory_space<vmem>> -> memref<1x6144xi32, #tpu.memory_space<vmem>>
    %dma_start3A_245 = tpu.memref_squeeze %dma_start3A_244 : memref<1x6144xi32, #tpu.memory_space<vmem>> -> memref<6144xi32, #tpu.memory_space<vmem>>
    %dma_start3A_246 = arith.constant 18432 : i32
    %dma_start3A_247 = tpu.memref_slice %arg3[%dma_start3A_246] : memref<122880xi32, #tpu.memory_space<hbm>> -> memref<6144xi32, #tpu.memory_space<hbm>>
    %dma_start3A_248 = arith.constant 0 : i32
    %dma_start3A_249 = tpu.memref_slice %arg10[%dma_start3A_242, %dma_start3A_248] : memref<2x6144xi32, #tpu.memory_space<vmem>> -> memref<1x6144xi32, #tpu.memory_space<vmem>>
    %dma_start3A_250 = tpu.memref_squeeze %dma_start3A_249 : memref<1x6144xi32, #tpu.memory_space<vmem>> -> memref<6144xi32, #tpu.memory_space<vmem>>
    %dma_start3A_251 = arith.constant 18432 : i32
    %dma_start3A_252 = tpu.memref_slice %arg3[%dma_start3A_251] : memref<122880xi32, #tpu.memory_space<hbm>> -> memref<6144xi32, #tpu.memory_space<hbm>>
    tpu.enqueue_dma source(%dma_start3A_252 : memref<6144xi32, #tpu.memory_space<hbm>>) target(%dma_start3A_250 : memref<6144xi32, #tpu.memory_space<vmem>>) target_semaphore(%arg16 : memref<!tpu.dma_semaphore, #tpu.memory_space<semaphore_mem>>)
    %dma_start3A_253 = arith.constant 1 : i32
    %dma_start3A_254 = arith.constant 0 : i32
    %dma_start3A_255 = tpu.memref_slice %arg11[%dma_start3A_253, %dma_start3A_254] : memref<2x6144xi32, #tpu.memory_space<vmem>> -> memref<1x6144xi32, #tpu.memory_space<vmem>>
    %dma_start3A_256 = tpu.memref_squeeze %dma_start3A_255 : memref<1x6144xi32, #tpu.memory_space<vmem>> -> memref<6144xi32, #tpu.memory_space<vmem>>
    %dma_start3A_257 = arith.constant 18432 : i32
    %dma_start3A_258 = tpu.memref_slice %arg4[%dma_start3A_257] : memref<122880xi32, #tpu.memory_space<hbm>> -> memref<6144xi32, #tpu.memory_space<hbm>>
    %dma_start3A_259 = arith.constant 0 : i32
    %dma_start3A_260 = tpu.memref_slice %arg11[%dma_start3A_253, %dma_start3A_259] : memref<2x6144xi32, #tpu.memory_space<vmem>> -> memref<1x6144xi32, #tpu.memory_space<vmem>>
    %dma_start3A_261 = tpu.memref_squeeze %dma_start3A_260 : memref<1x6144xi32, #tpu.memory_space<vmem>> -> memref<6144xi32, #tpu.memory_space<vmem>>
    %dma_start3A_262 = arith.constant 18432 : i32
    %dma_start3A_263 = tpu.memref_slice %arg4[%dma_start3A_262] : memref<122880xi32, #tpu.memory_space<hbm>> -> memref<6144xi32, #tpu.memory_space<hbm>>
    tpu.enqueue_dma source(%dma_start3A_263 : memref<6144xi32, #tpu.memory_space<hbm>>) target(%dma_start3A_261 : memref<6144xi32, #tpu.memory_space<vmem>>) target_semaphore(%arg16 : memref<!tpu.dma_semaphore, #tpu.memory_space<semaphore_mem>>)
    %dma_wait3A_264 = arith.constant 0 : i32
    %dma_wait3A_265 = arith.constant 0 : i32
    %dma_wait3A_266 = tpu.memref_slice %arg9[%dma_wait3A_264, %dma_wait3A_265] : memref<2x6144xi32, #tpu.memory_space<vmem>> -> memref<1x6144xi32, #tpu.memory_space<vmem>>
    %dma_wait3A_267 = tpu.memref_squeeze %dma_wait3A_266 : memref<1x6144xi32, #tpu.memory_space<vmem>> -> memref<6144xi32, #tpu.memory_space<vmem>>
    %dma_wait3A_268 = arith.constant 12288 : i32
    %dma_wait3A_269 = tpu.memref_slice %arg2[%dma_wait3A_268] : memref<122880xi32, #tpu.memory_space<hbm>> -> memref<6144xi32, #tpu.memory_space<hbm>>
    %dma_wait3A_270 = arith.constant 0 : i32
    %dma_wait3A_271 = tpu.memref_slice %arg9[%dma_wait3A_264, %dma_wait3A_270] : memref<2x6144xi32, #tpu.memory_space<vmem>> -> memref<1x6144xi32, #tpu.memory_space<vmem>>
    %dma_wait3A_272 = tpu.memref_squeeze %dma_wait3A_271 : memref<1x6144xi32, #tpu.memory_space<vmem>> -> memref<6144xi32, #tpu.memory_space<vmem>>
    %dma_wait3A_273 = arith.constant 12288 : i32
    %dma_wait3A_274 = tpu.memref_slice %arg2[%dma_wait3A_273] : memref<122880xi32, #tpu.memory_space<hbm>> -> memref<6144xi32, #tpu.memory_space<hbm>>
    tpu.wait_dma2 semaphore(%arg16 : memref<!tpu.dma_semaphore, #tpu.memory_space<semaphore_mem>>) src(%dma_wait3A_274 : memref<6144xi32, #tpu.memory_space<hbm>>) dst(%dma_wait3A_272 : memref<6144xi32, #tpu.memory_space<vmem>>)
    %dma_wait3A_275 = arith.constant 0 : i32
    %dma_wait3A_276 = arith.constant 0 : i32
    %dma_wait3A_277 = tpu.memref_slice %arg10[%dma_wait3A_275, %dma_wait3A_276] : memref<2x6144xi32, #tpu.memory_space<vmem>> -> memref<1x6144xi32, #tpu.memory_space<vmem>>
    %dma_wait3A_278 = tpu.memref_squeeze %dma_wait3A_277 : memref<1x6144xi32, #tpu.memory_space<vmem>> -> memref<6144xi32, #tpu.memory_space<vmem>>
    %dma_wait3A_279 = arith.constant 12288 : i32
    %dma_wait3A_280 = tpu.memref_slice %arg3[%dma_wait3A_279] : memref<122880xi32, #tpu.memory_space<hbm>> -> memref<6144xi32, #tpu.memory_space<hbm>>
    %dma_wait3A_281 = arith.constant 0 : i32
    %dma_wait3A_282 = tpu.memref_slice %arg10[%dma_wait3A_275, %dma_wait3A_281] : memref<2x6144xi32, #tpu.memory_space<vmem>> -> memref<1x6144xi32, #tpu.memory_space<vmem>>
    %dma_wait3A_283 = tpu.memref_squeeze %dma_wait3A_282 : memref<1x6144xi32, #tpu.memory_space<vmem>> -> memref<6144xi32, #tpu.memory_space<vmem>>
    %dma_wait3A_284 = arith.constant 12288 : i32
    %dma_wait3A_285 = tpu.memref_slice %arg3[%dma_wait3A_284] : memref<122880xi32, #tpu.memory_space<hbm>> -> memref<6144xi32, #tpu.memory_space<hbm>>
    tpu.wait_dma2 semaphore(%arg16 : memref<!tpu.dma_semaphore, #tpu.memory_space<semaphore_mem>>) src(%dma_wait3A_285 : memref<6144xi32, #tpu.memory_space<hbm>>) dst(%dma_wait3A_283 : memref<6144xi32, #tpu.memory_space<vmem>>)
    %dma_wait3A_286 = arith.constant 0 : i32
    %dma_wait3A_287 = arith.constant 0 : i32
    %dma_wait3A_288 = tpu.memref_slice %arg11[%dma_wait3A_286, %dma_wait3A_287] : memref<2x6144xi32, #tpu.memory_space<vmem>> -> memref<1x6144xi32, #tpu.memory_space<vmem>>
    %dma_wait3A_289 = tpu.memref_squeeze %dma_wait3A_288 : memref<1x6144xi32, #tpu.memory_space<vmem>> -> memref<6144xi32, #tpu.memory_space<vmem>>
    %dma_wait3A_290 = arith.constant 12288 : i32
    %dma_wait3A_291 = tpu.memref_slice %arg4[%dma_wait3A_290] : memref<122880xi32, #tpu.memory_space<hbm>> -> memref<6144xi32, #tpu.memory_space<hbm>>
    %dma_wait3A_292 = arith.constant 0 : i32
    %dma_wait3A_293 = tpu.memref_slice %arg11[%dma_wait3A_286, %dma_wait3A_292] : memref<2x6144xi32, #tpu.memory_space<vmem>> -> memref<1x6144xi32, #tpu.memory_space<vmem>>
    %dma_wait3A_294 = tpu.memref_squeeze %dma_wait3A_293 : memref<1x6144xi32, #tpu.memory_space<vmem>> -> memref<6144xi32, #tpu.memory_space<vmem>>
    %dma_wait3A_295 = arith.constant 12288 : i32
    %dma_wait3A_296 = tpu.memref_slice %arg4[%dma_wait3A_295] : memref<122880xi32, #tpu.memory_space<hbm>> -> memref<6144xi32, #tpu.memory_space<hbm>>
    tpu.wait_dma2 semaphore(%arg16 : memref<!tpu.dma_semaphore, #tpu.memory_space<semaphore_mem>>) src(%dma_wait3A_296 : memref<6144xi32, #tpu.memory_space<hbm>>) dst(%dma_wait3A_294 : memref<6144xi32, #tpu.memory_space<vmem>>)
    %scan3A_297 = arith.constant 0 : i32
    %scan3A_298 = arith.constant 0 : i32
    %scan3A_299 = arith.constant 0 : i32
    %scan3A_300 = arith.constant 0 : i32
    %scan3A_301 = arith.constant 0 : i32
    %scan3A_302 = arith.constant 384 : i32
    %scan3A_303 = arith.addi %scan3A_301, %scan3A_302 : i32
    %scan3A_304 = arith.constant 1 : i32
    %scan3A_305 = scf.for %scan3A_1575 = %scan3A_301 to %scan3A_303 step %scan3A_304 iter_args(%scan3A_1576 = %scan3A_300) -> (i32)  : i32 {
      %mul3A_1577 = arith.constant 16 : i32
      %mul3A_1578 = arith.muli %scan3A_1575, %mul3A_1577 : i32
      %get3A_1579 = arith.constant 0 : i32
      %get3A_1580 = tpu.memref_slice %arg9[%scan3A_297, %get3A_1579] : memref<2x6144xi32, #tpu.memory_space<vmem>> -> memref<1x6144xi32, #tpu.memory_space<vmem>>
      %get3A_1581 = tpu.memref_squeeze %get3A_1580 : memref<1x6144xi32, #tpu.memory_space<vmem>> -> memref<6144xi32, #tpu.memory_space<vmem>>
      %get3A_1582 = arith.index_cast %mul3A_1578 : i32 to index
      %get3A_1583 = tpu.vector_load %get3A_1581[%get3A_1582] {strides = array<i32>} : memref<6144xi32, #tpu.memory_space<vmem>>, vector<16xi32>,
      %get3A_1584 = arith.constant 0 : i32
      %get3A_1585 = tpu.memref_slice %arg10[%scan3A_298, %get3A_1584] : memref<2x6144xi32, #tpu.memory_space<vmem>> -> memref<1x6144xi32, #tpu.memory_space<vmem>>
      %get3A_1586 = tpu.memref_squeeze %get3A_1585 : memref<1x6144xi32, #tpu.memory_space<vmem>> -> memref<6144xi32, #tpu.memory_space<vmem>>
      %get3A_1587 = arith.index_cast %mul3A_1578 : i32 to index
      %get3A_1588 = tpu.vector_load %get3A_1586[%get3A_1587] {strides = array<i32>} : memref<6144xi32, #tpu.memory_space<vmem>>, vector<16xi32>,
      %get3A_1589 = arith.constant 0 : i32
      %get3A_1590 = tpu.memref_slice %arg11[%scan3A_299, %get3A_1589] : memref<2x6144xi32, #tpu.memory_space<vmem>> -> memref<1x6144xi32, #tpu.memory_space<vmem>>
      %get3A_1591 = tpu.memref_squeeze %get3A_1590 : memref<1x6144xi32, #tpu.memory_space<vmem>> -> memref<6144xi32, #tpu.memory_space<vmem>>
      %get3A_1592 = arith.index_cast %mul3A_1578 : i32 to index
      %get3A_1593 = tpu.vector_load %get3A_1591[%get3A_1592] {strides = array<i32>} : memref<6144xi32, #tpu.memory_space<vmem>>, vector<16xi32>,
      %eq3A_1594 = vector.broadcast %select_n3A : i32 to vector<16xi32>
      %eq3A_1595 = arith.cmpi eq, %get3A_1583, %eq3A_1594 : vector<16xi32>
      %lt3A_1596 = arith.cmpi slt, %get3A_1583, %get3A_47 : vector<16xi32>
      %and3A_1597 = arith.andi %eq3A_1595, %lt3A_1596 : vector<16xi1>
      %ge3A = vector.broadcast %mul3A_32 : i32 to vector<16xi32>
      %ge3A_1598 = arith.cmpi sge, %get3A_1593, %ge3A : vector<16xi32>
      %and3A_1599 = arith.andi %and3A_1597, %ge3A_1598 : vector<16xi1>
      %add3A_1600 = arith.constant 64 : i32
      %add3A_1601 = arith.addi %mul3A_32, %add3A_1600 : i32
      %lt3A_1602 = vector.broadcast %add3A_1601 : i32 to vector<16xi32>
      %lt3A_1603 = arith.cmpi slt, %get3A_1593, %lt3A_1602 : vector<16xi32>
      %and3A_1604 = arith.andi %and3A_1599, %lt3A_1603 : vector<16xi1>
      %sub3A_1605 = vector.broadcast %mul3A_32 : i32 to vector<16xi32>
      %sub3A_1606 = arith.subi %get3A_1593, %sub3A_1605 : vector<16xi32>
      %mul3A_1607 = arith.constant 512 : i32
      %mul3A_1608 = vector.broadcast %mul3A_1607 : i32 to vector<16xi32>
      %mul3A_1609 = arith.muli %sub3A_1606, %mul3A_1608 : vector<16xi32>
      %add3A_1610 = arith.addi %mul3A_1609, %get3A_1588 : vector<16xi32>
      %jit3A_1611 = arith.constant 0 : i32
      %broadcast_in_dim3A_1612 = vector.broadcast %jit3A_1611 : i32 to vector<16xi32>
      %select_n3A_1613 = arith.select %and3A_1604, %add3A_1610, %broadcast_in_dim3A_1612 : vector<16xi1>, vector<16xi32>
      %add3A_1614 = arith.constant 12288 : i32
      %add3A_1615 = arith.addi %add3A_1614, %mul3A_1578 : i32
      %add3A_1616 = vector.broadcast %add3A_1615 : i32 to vector<16xi32>
      %add3A_1617 = arith.addi %add3A_1616, %iota3A : vector<16xi32>
      %add3A_1618 = arith.constant 1 : i32
      %add3A_1619 = vector.broadcast %add3A_1618 : i32 to vector<16xi32>
      %add3A_1620 = arith.addi %add3A_1617, %add3A_1619 : vector<16xi32>
      tpu.vector_store_idx %arg13[%select_n3A_1613], %add3A_1620 masked %and3A_1604 : memref<32768xi32, #tpu.memory_space<vmem>>[vector<16xi32>], vector<16xi32>, vector<16xi1>
      %scan3A_1621 = arith.constant 0 : i32
      scf.yield %scan3A_1621 : i32
    }
    %scan3A_306 = arith.constant 384 : i32
    %dma_start3A_307 = arith.constant 0 : i32
    %dma_start3A_308 = arith.constant 0 : i32
    %dma_start3A_309 = tpu.memref_slice %arg9[%dma_start3A_307, %dma_start3A_308] : memref<2x6144xi32, #tpu.memory_space<vmem>> -> memref<1x6144xi32, #tpu.memory_space<vmem>>
    %dma_start3A_310 = tpu.memref_squeeze %dma_start3A_309 : memref<1x6144xi32, #tpu.memory_space<vmem>> -> memref<6144xi32, #tpu.memory_space<vmem>>
    %dma_start3A_311 = arith.constant 24576 : i32
    %dma_start3A_312 = tpu.memref_slice %arg2[%dma_start3A_311] : memref<122880xi32, #tpu.memory_space<hbm>> -> memref<6144xi32, #tpu.memory_space<hbm>>
    %dma_start3A_313 = arith.constant 0 : i32
    %dma_start3A_314 = tpu.memref_slice %arg9[%dma_start3A_307, %dma_start3A_313] : memref<2x6144xi32, #tpu.memory_space<vmem>> -> memref<1x6144xi32, #tpu.memory_space<vmem>>
    %dma_start3A_315 = tpu.memref_squeeze %dma_start3A_314 : memref<1x6144xi32, #tpu.memory_space<vmem>> -> memref<6144xi32, #tpu.memory_space<vmem>>
    %dma_start3A_316 = arith.constant 24576 : i32
    %dma_start3A_317 = tpu.memref_slice %arg2[%dma_start3A_316] : memref<122880xi32, #tpu.memory_space<hbm>> -> memref<6144xi32, #tpu.memory_space<hbm>>
    tpu.enqueue_dma source(%dma_start3A_317 : memref<6144xi32, #tpu.memory_space<hbm>>) target(%dma_start3A_315 : memref<6144xi32, #tpu.memory_space<vmem>>) target_semaphore(%arg16 : memref<!tpu.dma_semaphore, #tpu.memory_space<semaphore_mem>>)
    %dma_start3A_318 = arith.constant 0 : i32
    %dma_start3A_319 = arith.constant 0 : i32
    %dma_start3A_320 = tpu.memref_slice %arg10[%dma_start3A_318, %dma_start3A_319] : memref<2x6144xi32, #tpu.memory_space<vmem>> -> memref<1x6144xi32, #tpu.memory_space<vmem>>
    %dma_start3A_321 = tpu.memref_squeeze %dma_start3A_320 : memref<1x6144xi32, #tpu.memory_space<vmem>> -> memref<6144xi32, #tpu.memory_space<vmem>>
    %dma_start3A_322 = arith.constant 24576 : i32
    %dma_start3A_323 = tpu.memref_slice %arg3[%dma_start3A_322] : memref<122880xi32, #tpu.memory_space<hbm>> -> memref<6144xi32, #tpu.memory_space<hbm>>
    %dma_start3A_324 = arith.constant 0 : i32
    %dma_start3A_325 = tpu.memref_slice %arg10[%dma_start3A_318, %dma_start3A_324] : memref<2x6144xi32, #tpu.memory_space<vmem>> -> memref<1x6144xi32, #tpu.memory_space<vmem>>
    %dma_start3A_326 = tpu.memref_squeeze %dma_start3A_325 : memref<1x6144xi32, #tpu.memory_space<vmem>> -> memref<6144xi32, #tpu.memory_space<vmem>>
    %dma_start3A_327 = arith.constant 24576 : i32
    %dma_start3A_328 = tpu.memref_slice %arg3[%dma_start3A_327] : memref<122880xi32, #tpu.memory_space<hbm>> -> memref<6144xi32, #tpu.memory_space<hbm>>
    tpu.enqueue_dma source(%dma_start3A_328 : memref<6144xi32, #tpu.memory_space<hbm>>) target(%dma_start3A_326 : memref<6144xi32, #tpu.memory_space<vmem>>) target_semaphore(%arg16 : memref<!tpu.dma_semaphore, #tpu.memory_space<semaphore_mem>>)
    %dma_start3A_329 = arith.constant 0 : i32
    %dma_start3A_330 = arith.constant 0 : i32
    %dma_start3A_331 = tpu.memref_slice %arg11[%dma_start3A_329, %dma_start3A_330] : memref<2x6144xi32, #tpu.memory_space<vmem>> -> memref<1x6144xi32, #tpu.memory_space<vmem>>
    %dma_start3A_332 = tpu.memref_squeeze %dma_start3A_331 : memref<1x6144xi32, #tpu.memory_space<vmem>> -> memref<6144xi32, #tpu.memory_space<vmem>>
    %dma_start3A_333 = arith.constant 24576 : i32
    %dma_start3A_334 = tpu.memref_slice %arg4[%dma_start3A_333] : memref<122880xi32, #tpu.memory_space<hbm>> -> memref<6144xi32, #tpu.memory_space<hbm>>
    %dma_start3A_335 = arith.constant 0 : i32
    %dma_start3A_336 = tpu.memref_slice %arg11[%dma_start3A_329, %dma_start3A_335] : memref<2x6144xi32, #tpu.memory_space<vmem>> -> memref<1x6144xi32, #tpu.memory_space<vmem>>
    %dma_start3A_337 = tpu.memref_squeeze %dma_start3A_336 : memref<1x6144xi32, #tpu.memory_space<vmem>> -> memref<6144xi32, #tpu.memory_space<vmem>>
    %dma_start3A_338 = arith.constant 24576 : i32
    %dma_start3A_339 = tpu.memref_slice %arg4[%dma_start3A_338] : memref<122880xi32, #tpu.memory_space<hbm>> -> memref<6144xi32, #tpu.memory_space<hbm>>
    tpu.enqueue_dma source(%dma_start3A_339 : memref<6144xi32, #tpu.memory_space<hbm>>) target(%dma_start3A_337 : memref<6144xi32, #tpu.memory_space<vmem>>) target_semaphore(%arg16 : memref<!tpu.dma_semaphore, #tpu.memory_space<semaphore_mem>>)
    %dma_wait3A_340 = arith.constant 1 : i32
    %dma_wait3A_341 = arith.constant 0 : i32
    %dma_wait3A_342 = tpu.memref_slice %arg9[%dma_wait3A_340, %dma_wait3A_341] : memref<2x6144xi32, #tpu.memory_space<vmem>> -> memref<1x6144xi32, #tpu.memory_space<vmem>>
    %dma_wait3A_343 = tpu.memref_squeeze %dma_wait3A_342 : memref<1x6144xi32, #tpu.memory_space<vmem>> -> memref<6144xi32, #tpu.memory_space<vmem>>
    %dma_wait3A_344 = arith.constant 18432 : i32
    %dma_wait3A_345 = tpu.memref_slice %arg2[%dma_wait3A_344] : memref<122880xi32, #tpu.memory_space<hbm>> -> memref<6144xi32, #tpu.memory_space<hbm>>
    %dma_wait3A_346 = arith.constant 0 : i32
    %dma_wait3A_347 = tpu.memref_slice %arg9[%dma_wait3A_340, %dma_wait3A_346] : memref<2x6144xi32, #tpu.memory_space<vmem>> -> memref<1x6144xi32, #tpu.memory_space<vmem>>
    %dma_wait3A_348 = tpu.memref_squeeze %dma_wait3A_347 : memref<1x6144xi32, #tpu.memory_space<vmem>> -> memref<6144xi32, #tpu.memory_space<vmem>>
    %dma_wait3A_349 = arith.constant 18432 : i32
    %dma_wait3A_350 = tpu.memref_slice %arg2[%dma_wait3A_349] : memref<122880xi32, #tpu.memory_space<hbm>> -> memref<6144xi32, #tpu.memory_space<hbm>>
    tpu.wait_dma2 semaphore(%arg16 : memref<!tpu.dma_semaphore, #tpu.memory_space<semaphore_mem>>) src(%dma_wait3A_350 : memref<6144xi32, #tpu.memory_space<hbm>>) dst(%dma_wait3A_348 : memref<6144xi32, #tpu.memory_space<vmem>>)
    %dma_wait3A_351 = arith.constant 1 : i32
    %dma_wait3A_352 = arith.constant 0 : i32
    %dma_wait3A_353 = tpu.memref_slice %arg10[%dma_wait3A_351, %dma_wait3A_352] : memref<2x6144xi32, #tpu.memory_space<vmem>> -> memref<1x6144xi32, #tpu.memory_space<vmem>>
    %dma_wait3A_354 = tpu.memref_squeeze %dma_wait3A_353 : memref<1x6144xi32, #tpu.memory_space<vmem>> -> memref<6144xi32, #tpu.memory_space<vmem>>
    %dma_wait3A_355 = arith.constant 18432 : i32
    %dma_wait3A_356 = tpu.memref_slice %arg3[%dma_wait3A_355] : memref<122880xi32, #tpu.memory_space<hbm>> -> memref<6144xi32, #tpu.memory_space<hbm>>
    %dma_wait3A_357 = arith.constant 0 : i32
    %dma_wait3A_358 = tpu.memref_slice %arg10[%dma_wait3A_351, %dma_wait3A_357] : memref<2x6144xi32, #tpu.memory_space<vmem>> -> memref<1x6144xi32, #tpu.memory_space<vmem>>
    %dma_wait3A_359 = tpu.memref_squeeze %dma_wait3A_358 : memref<1x6144xi32, #tpu.memory_space<vmem>> -> memref<6144xi32, #tpu.memory_space<vmem>>
    %dma_wait3A_360 = arith.constant 18432 : i32
    %dma_wait3A_361 = tpu.memref_slice %arg3[%dma_wait3A_360] : memref<122880xi32, #tpu.memory_space<hbm>> -> memref<6144xi32, #tpu.memory_space<hbm>>
    tpu.wait_dma2 semaphore(%arg16 : memref<!tpu.dma_semaphore, #tpu.memory_space<semaphore_mem>>) src(%dma_wait3A_361 : memref<6144xi32, #tpu.memory_space<hbm>>) dst(%dma_wait3A_359 : memref<6144xi32, #tpu.memory_space<vmem>>)
    %dma_wait3A_362 = arith.constant 1 : i32
    %dma_wait3A_363 = arith.constant 0 : i32
    %dma_wait3A_364 = tpu.memref_slice %arg11[%dma_wait3A_362, %dma_wait3A_363] : memref<2x6144xi32, #tpu.memory_space<vmem>> -> memref<1x6144xi32, #tpu.memory_space<vmem>>
    %dma_wait3A_365 = tpu.memref_squeeze %dma_wait3A_364 : memref<1x6144xi32, #tpu.memory_space<vmem>> -> memref<6144xi32, #tpu.memory_space<vmem>>
    %dma_wait3A_366 = arith.constant 18432 : i32
    %dma_wait3A_367 = tpu.memref_slice %arg4[%dma_wait3A_366] : memref<122880xi32, #tpu.memory_space<hbm>> -> memref<6144xi32, #tpu.memory_space<hbm>>
    %dma_wait3A_368 = arith.constant 0 : i32
    %dma_wait3A_369 = tpu.memref_slice %arg11[%dma_wait3A_362, %dma_wait3A_368] : memref<2x6144xi32, #tpu.memory_space<vmem>> -> memref<1x6144xi32, #tpu.memory_space<vmem>>
    %dma_wait3A_370 = tpu.memref_squeeze %dma_wait3A_369 : memref<1x6144xi32, #tpu.memory_space<vmem>> -> memref<6144xi32, #tpu.memory_space<vmem>>
    %dma_wait3A_371 = arith.constant 18432 : i32
    %dma_wait3A_372 = tpu.memref_slice %arg4[%dma_wait3A_371] : memref<122880xi32, #tpu.memory_space<hbm>> -> memref<6144xi32, #tpu.memory_space<hbm>>
    tpu.wait_dma2 semaphore(%arg16 : memref<!tpu.dma_semaphore, #tpu.memory_space<semaphore_mem>>) src(%dma_wait3A_372 : memref<6144xi32, #tpu.memory_space<hbm>>) dst(%dma_wait3A_370 : memref<6144xi32, #tpu.memory_space<vmem>>)
    %scan3A_373 = arith.constant 1 : i32
    %scan3A_374 = arith.constant 1 : i32
    %scan3A_375 = arith.constant 1 : i32
    %scan3A_376 = arith.constant 0 : i32
    %scan3A_377 = arith.constant 0 : i32
    %scan3A_378 = arith.constant 384 : i32
    %scan3A_379 = arith.addi %scan3A_377, %scan3A_378 : i32
    %scan3A_380 = arith.constant 1 : i32
    %scan3A_381 = scf.for %scan3A_1575 = %scan3A_377 to %scan3A_379 step %scan3A_380 iter_args(%scan3A_1576 = %scan3A_376) -> (i32)  : i32 {
      %mul3A_1577 = arith.constant 16 : i32
      %mul3A_1578 = arith.muli %scan3A_1575, %mul3A_1577 : i32
      %get3A_1579 = arith.constant 0 : i32
      %get3A_1580 = tpu.memref_slice %arg9[%scan3A_373, %get3A_1579] : memref<2x6144xi32, #tpu.memory_space<vmem>> -> memref<1x6144xi32, #tpu.memory_space<vmem>>
      %get3A_1581 = tpu.memref_squeeze %get3A_1580 : memref<1x6144xi32, #tpu.memory_space<vmem>> -> memref<6144xi32, #tpu.memory_space<vmem>>
      %get3A_1582 = arith.index_cast %mul3A_1578 : i32 to index
      %get3A_1583 = tpu.vector_load %get3A_1581[%get3A_1582] {strides = array<i32>} : memref<6144xi32, #tpu.memory_space<vmem>>, vector<16xi32>,
      %get3A_1584 = arith.constant 0 : i32
      %get3A_1585 = tpu.memref_slice %arg10[%scan3A_374, %get3A_1584] : memref<2x6144xi32, #tpu.memory_space<vmem>> -> memref<1x6144xi32, #tpu.memory_space<vmem>>
      %get3A_1586 = tpu.memref_squeeze %get3A_1585 : memref<1x6144xi32, #tpu.memory_space<vmem>> -> memref<6144xi32, #tpu.memory_space<vmem>>
      %get3A_1587 = arith.index_cast %mul3A_1578 : i32 to index
      %get3A_1588 = tpu.vector_load %get3A_1586[%get3A_1587] {strides = array<i32>} : memref<6144xi32, #tpu.memory_space<vmem>>, vector<16xi32>,
      %get3A_1589 = arith.constant 0 : i32
      %get3A_1590 = tpu.memref_slice %arg11[%scan3A_375, %get3A_1589] : memref<2x6144xi32, #tpu.memory_space<vmem>> -> memref<1x6144xi32, #tpu.memory_space<vmem>>
      %get3A_1591 = tpu.memref_squeeze %get3A_1590 : memref<1x6144xi32, #tpu.memory_space<vmem>> -> memref<6144xi32, #tpu.memory_space<vmem>>
      %get3A_1592 = arith.index_cast %mul3A_1578 : i32 to index
      %get3A_1593 = tpu.vector_load %get3A_1591[%get3A_1592] {strides = array<i32>} : memref<6144xi32, #tpu.memory_space<vmem>>, vector<16xi32>,
      %eq3A_1594 = vector.broadcast %select_n3A : i32 to vector<16xi32>
      %eq3A_1595 = arith.cmpi eq, %get3A_1583, %eq3A_1594 : vector<16xi32>
      %lt3A_1596 = arith.cmpi slt, %get3A_1583, %get3A_47 : vector<16xi32>
      %and3A_1597 = arith.andi %eq3A_1595, %lt3A_1596 : vector<16xi1>
      %ge3A = vector.broadcast %mul3A_32 : i32 to vector<16xi32>
      %ge3A_1598 = arith.cmpi sge, %get3A_1593, %ge3A : vector<16xi32>
      %and3A_1599 = arith.andi %and3A_1597, %ge3A_1598 : vector<16xi1>
      %add3A_1600 = arith.constant 64 : i32
      %add3A_1601 = arith.addi %mul3A_32, %add3A_1600 : i32
      %lt3A_1602 = vector.broadcast %add3A_1601 : i32 to vector<16xi32>
      %lt3A_1603 = arith.cmpi slt, %get3A_1593, %lt3A_1602 : vector<16xi32>
      %and3A_1604 = arith.andi %and3A_1599, %lt3A_1603 : vector<16xi1>
      %sub3A_1605 = vector.broadcast %mul3A_32 : i32 to vector<16xi32>
      %sub3A_1606 = arith.subi %get3A_1593, %sub3A_1605 : vector<16xi32>
      %mul3A_1607 = arith.constant 512 : i32
      %mul3A_1608 = vector.broadcast %mul3A_1607 : i32 to vector<16xi32>
      %mul3A_1609 = arith.muli %sub3A_1606, %mul3A_1608 : vector<16xi32>
      %add3A_1610 = arith.addi %mul3A_1609, %get3A_1588 : vector<16xi32>
      %jit3A_1611 = arith.constant 0 : i32
      %broadcast_in_dim3A_1612 = vector.broadcast %jit3A_1611 : i32 to vector<16xi32>
      %select_n3A_1613 = arith.select %and3A_1604, %add3A_1610, %broadcast_in_dim3A_1612 : vector<16xi1>, vector<16xi32>
      %add3A_1614 = arith.constant 18432 : i32
      %add3A_1615 = arith.addi %add3A_1614, %mul3A_1578 : i32
      %add3A_1616 = vector.broadcast %add3A_1615 : i32 to vector<16xi32>
      %add3A_1617 = arith.addi %add3A_1616, %iota3A : vector<16xi32>
      %add3A_1618 = arith.constant 1 : i32
      %add3A_1619 = vector.broadcast %add3A_1618 : i32 to vector<16xi32>
      %add3A_1620 = arith.addi %add3A_1617, %add3A_1619 : vector<16xi32>
      tpu.vector_store_idx %arg13[%select_n3A_1613], %add3A_1620 masked %and3A_1604 : memref<32768xi32, #tpu.memory_space<vmem>>[vector<16xi32>], vector<16xi32>, vector<16xi1>
      %scan3A_1621 = arith.constant 0 : i32
      scf.yield %scan3A_1621 : i32
    }
    %scan3A_382 = arith.constant 384 : i32
    %dma_start3A_383 = arith.constant 1 : i32
    %dma_start3A_384 = arith.constant 0 : i32
    %dma_start3A_385 = tpu.memref_slice %arg9[%dma_start3A_383, %dma_start3A_384] : memref<2x6144xi32, #tpu.memory_space<vmem>> -> memref<1x6144xi32, #tpu.memory_space<vmem>>
    %dma_start3A_386 = tpu.memref_squeeze %dma_start3A_385 : memref<1x6144xi32, #tpu.memory_space<vmem>> -> memref<6144xi32, #tpu.memory_space<vmem>>
    %dma_start3A_387 = arith.constant 30720 : i32
    %dma_start3A_388 = tpu.memref_slice %arg2[%dma_start3A_387] : memref<122880xi32, #tpu.memory_space<hbm>> -> memref<6144xi32, #tpu.memory_space<hbm>>
    %dma_start3A_389 = arith.constant 0 : i32
    %dma_start3A_390 = tpu.memref_slice %arg9[%dma_start3A_383, %dma_start3A_389] : memref<2x6144xi32, #tpu.memory_space<vmem>> -> memref<1x6144xi32, #tpu.memory_space<vmem>>
    %dma_start3A_391 = tpu.memref_squeeze %dma_start3A_390 : memref<1x6144xi32, #tpu.memory_space<vmem>> -> memref<6144xi32, #tpu.memory_space<vmem>>
    %dma_start3A_392 = arith.constant 30720 : i32
    %dma_start3A_393 = tpu.memref_slice %arg2[%dma_start3A_392] : memref<122880xi32, #tpu.memory_space<hbm>> -> memref<6144xi32, #tpu.memory_space<hbm>>
    tpu.enqueue_dma source(%dma_start3A_393 : memref<6144xi32, #tpu.memory_space<hbm>>) target(%dma_start3A_391 : memref<6144xi32, #tpu.memory_space<vmem>>) target_semaphore(%arg16 : memref<!tpu.dma_semaphore, #tpu.memory_space<semaphore_mem>>)
    %dma_start3A_394 = arith.constant 1 : i32
    %dma_start3A_395 = arith.constant 0 : i32
    %dma_start3A_396 = tpu.memref_slice %arg10[%dma_start3A_394, %dma_start3A_395] : memref<2x6144xi32, #tpu.memory_space<vmem>> -> memref<1x6144xi32, #tpu.memory_space<vmem>>
    %dma_start3A_397 = tpu.memref_squeeze %dma_start3A_396 : memref<1x6144xi32, #tpu.memory_space<vmem>> -> memref<6144xi32, #tpu.memory_space<vmem>>
    %dma_start3A_398 = arith.constant 30720 : i32
    %dma_start3A_399 = tpu.memref_slice %arg3[%dma_start3A_398] : memref<122880xi32, #tpu.memory_space<hbm>> -> memref<6144xi32, #tpu.memory_space<hbm>>
    %dma_start3A_400 = arith.constant 0 : i32
    %dma_start3A_401 = tpu.memref_slice %arg10[%dma_start3A_394, %dma_start3A_400] : memref<2x6144xi32, #tpu.memory_space<vmem>> -> memref<1x6144xi32, #tpu.memory_space<vmem>>
    %dma_start3A_402 = tpu.memref_squeeze %dma_start3A_401 : memref<1x6144xi32, #tpu.memory_space<vmem>> -> memref<6144xi32, #tpu.memory_space<vmem>>
    %dma_start3A_403 = arith.constant 30720 : i32
    %dma_start3A_404 = tpu.memref_slice %arg3[%dma_start3A_403] : memref<122880xi32, #tpu.memory_space<hbm>> -> memref<6144xi32, #tpu.memory_space<hbm>>
    tpu.enqueue_dma source(%dma_start3A_404 : memref<6144xi32, #tpu.memory_space<hbm>>) target(%dma_start3A_402 : memref<6144xi32, #tpu.memory_space<vmem>>) target_semaphore(%arg16 : memref<!tpu.dma_semaphore, #tpu.memory_space<semaphore_mem>>)
    %dma_start3A_405 = arith.constant 1 : i32
    %dma_start3A_406 = arith.constant 0 : i32
    %dma_start3A_407 = tpu.memref_slice %arg11[%dma_start3A_405, %dma_start3A_406] : memref<2x6144xi32, #tpu.memory_space<vmem>> -> memref<1x6144xi32, #tpu.memory_space<vmem>>
    %dma_start3A_408 = tpu.memref_squeeze %dma_start3A_407 : memref<1x6144xi32, #tpu.memory_space<vmem>> -> memref<6144xi32, #tpu.memory_space<vmem>>
    %dma_start3A_409 = arith.constant 30720 : i32
    %dma_start3A_410 = tpu.memref_slice %arg4[%dma_start3A_409] : memref<122880xi32, #tpu.memory_space<hbm>> -> memref<6144xi32, #tpu.memory_space<hbm>>
    %dma_start3A_411 = arith.constant 0 : i32
    %dma_start3A_412 = tpu.memref_slice %arg11[%dma_start3A_405, %dma_start3A_411] : memref<2x6144xi32, #tpu.memory_space<vmem>> -> memref<1x6144xi32, #tpu.memory_space<vmem>>
    %dma_start3A_413 = tpu.memref_squeeze %dma_start3A_412 : memref<1x6144xi32, #tpu.memory_space<vmem>> -> memref<6144xi32, #tpu.memory_space<vmem>>
    %dma_start3A_414 = arith.constant 30720 : i32
    %dma_start3A_415 = tpu.memref_slice %arg4[%dma_start3A_414] : memref<122880xi32, #tpu.memory_space<hbm>> -> memref<6144xi32, #tpu.memory_space<hbm>>
    tpu.enqueue_dma source(%dma_start3A_415 : memref<6144xi32, #tpu.memory_space<hbm>>) target(%dma_start3A_413 : memref<6144xi32, #tpu.memory_space<vmem>>) target_semaphore(%arg16 : memref<!tpu.dma_semaphore, #tpu.memory_space<semaphore_mem>>)
    %dma_wait3A_416 = arith.constant 0 : i32
    %dma_wait3A_417 = arith.constant 0 : i32
    %dma_wait3A_418 = tpu.memref_slice %arg9[%dma_wait3A_416, %dma_wait3A_417] : memref<2x6144xi32, #tpu.memory_space<vmem>> -> memref<1x6144xi32, #tpu.memory_space<vmem>>
    %dma_wait3A_419 = tpu.memref_squeeze %dma_wait3A_418 : memref<1x6144xi32, #tpu.memory_space<vmem>> -> memref<6144xi32, #tpu.memory_space<vmem>>
    %dma_wait3A_420 = arith.constant 24576 : i32
    %dma_wait3A_421 = tpu.memref_slice %arg2[%dma_wait3A_420] : memref<122880xi32, #tpu.memory_space<hbm>> -> memref<6144xi32, #tpu.memory_space<hbm>>
    %dma_wait3A_422 = arith.constant 0 : i32
    %dma_wait3A_423 = tpu.memref_slice %arg9[%dma_wait3A_416, %dma_wait3A_422] : memref<2x6144xi32, #tpu.memory_space<vmem>> -> memref<1x6144xi32, #tpu.memory_space<vmem>>
    %dma_wait3A_424 = tpu.memref_squeeze %dma_wait3A_423 : memref<1x6144xi32, #tpu.memory_space<vmem>> -> memref<6144xi32, #tpu.memory_space<vmem>>
    %dma_wait3A_425 = arith.constant 24576 : i32
    %dma_wait3A_426 = tpu.memref_slice %arg2[%dma_wait3A_425] : memref<122880xi32, #tpu.memory_space<hbm>> -> memref<6144xi32, #tpu.memory_space<hbm>>
    tpu.wait_dma2 semaphore(%arg16 : memref<!tpu.dma_semaphore, #tpu.memory_space<semaphore_mem>>) src(%dma_wait3A_426 : memref<6144xi32, #tpu.memory_space<hbm>>) dst(%dma_wait3A_424 : memref<6144xi32, #tpu.memory_space<vmem>>)
    %dma_wait3A_427 = arith.constant 0 : i32
    %dma_wait3A_428 = arith.constant 0 : i32
    %dma_wait3A_429 = tpu.memref_slice %arg10[%dma_wait3A_427, %dma_wait3A_428] : memref<2x6144xi32, #tpu.memory_space<vmem>> -> memref<1x6144xi32, #tpu.memory_space<vmem>>
    %dma_wait3A_430 = tpu.memref_squeeze %dma_wait3A_429 : memref<1x6144xi32, #tpu.memory_space<vmem>> -> memref<6144xi32, #tpu.memory_space<vmem>>
    %dma_wait3A_431 = arith.constant 24576 : i32
    %dma_wait3A_432 = tpu.memref_slice %arg3[%dma_wait3A_431] : memref<122880xi32, #tpu.memory_space<hbm>> -> memref<6144xi32, #tpu.memory_space<hbm>>
    %dma_wait3A_433 = arith.constant 0 : i32
    %dma_wait3A_434 = tpu.memref_slice %arg10[%dma_wait3A_427, %dma_wait3A_433] : memref<2x6144xi32, #tpu.memory_space<vmem>> -> memref<1x6144xi32, #tpu.memory_space<vmem>>
    %dma_wait3A_435 = tpu.memref_squeeze %dma_wait3A_434 : memref<1x6144xi32, #tpu.memory_space<vmem>> -> memref<6144xi32, #tpu.memory_space<vmem>>
    %dma_wait3A_436 = arith.constant 24576 : i32
    %dma_wait3A_437 = tpu.memref_slice %arg3[%dma_wait3A_436] : memref<122880xi32, #tpu.memory_space<hbm>> -> memref<6144xi32, #tpu.memory_space<hbm>>
    tpu.wait_dma2 semaphore(%arg16 : memref<!tpu.dma_semaphore, #tpu.memory_space<semaphore_mem>>) src(%dma_wait3A_437 : memref<6144xi32, #tpu.memory_space<hbm>>) dst(%dma_wait3A_435 : memref<6144xi32, #tpu.memory_space<vmem>>)
    %dma_wait3A_438 = arith.constant 0 : i32
    %dma_wait3A_439 = arith.constant 0 : i32
    %dma_wait3A_440 = tpu.memref_slice %arg11[%dma_wait3A_438, %dma_wait3A_439] : memref<2x6144xi32, #tpu.memory_space<vmem>> -> memref<1x6144xi32, #tpu.memory_space<vmem>>
    %dma_wait3A_441 = tpu.memref_squeeze %dma_wait3A_440 : memref<1x6144xi32, #tpu.memory_space<vmem>> -> memref<6144xi32, #tpu.memory_space<vmem>>
    %dma_wait3A_442 = arith.constant 24576 : i32
    %dma_wait3A_443 = tpu.memref_slice %arg4[%dma_wait3A_442] : memref<122880xi32, #tpu.memory_space<hbm>> -> memref<6144xi32, #tpu.memory_space<hbm>>
    %dma_wait3A_444 = arith.constant 0 : i32
    %dma_wait3A_445 = tpu.memref_slice %arg11[%dma_wait3A_438, %dma_wait3A_444] : memref<2x6144xi32, #tpu.memory_space<vmem>> -> memref<1x6144xi32, #tpu.memory_space<vmem>>
    %dma_wait3A_446 = tpu.memref_squeeze %dma_wait3A_445 : memref<1x6144xi32, #tpu.memory_space<vmem>> -> memref<6144xi32, #tpu.memory_space<vmem>>
    %dma_wait3A_447 = arith.constant 24576 : i32
    %dma_wait3A_448 = tpu.memref_slice %arg4[%dma_wait3A_447] : memref<122880xi32, #tpu.memory_space<hbm>> -> memref<6144xi32, #tpu.memory_space<hbm>>
    tpu.wait_dma2 semaphore(%arg16 : memref<!tpu.dma_semaphore, #tpu.memory_space<semaphore_mem>>) src(%dma_wait3A_448 : memref<6144xi32, #tpu.memory_space<hbm>>) dst(%dma_wait3A_446 : memref<6144xi32, #tpu.memory_space<vmem>>)
    %scan3A_449 = arith.constant 0 : i32
    %scan3A_450 = arith.constant 0 : i32
    %scan3A_451 = arith.constant 0 : i32
    %scan3A_452 = arith.constant 0 : i32
    %scan3A_453 = arith.constant 0 : i32
    %scan3A_454 = arith.constant 384 : i32
    %scan3A_455 = arith.addi %scan3A_453, %scan3A_454 : i32
    %scan3A_456 = arith.constant 1 : i32
    %scan3A_457 = scf.for %scan3A_1575 = %scan3A_453 to %scan3A_455 step %scan3A_456 iter_args(%scan3A_1576 = %scan3A_452) -> (i32)  : i32 {
      %mul3A_1577 = arith.constant 16 : i32
      %mul3A_1578 = arith.muli %scan3A_1575, %mul3A_1577 : i32
      %get3A_1579 = arith.constant 0 : i32
      %get3A_1580 = tpu.memref_slice %arg9[%scan3A_449, %get3A_1579] : memref<2x6144xi32, #tpu.memory_space<vmem>> -> memref<1x6144xi32, #tpu.memory_space<vmem>>
      %get3A_1581 = tpu.memref_squeeze %get3A_1580 : memref<1x6144xi32, #tpu.memory_space<vmem>> -> memref<6144xi32, #tpu.memory_space<vmem>>
      %get3A_1582 = arith.index_cast %mul3A_1578 : i32 to index
      %get3A_1583 = tpu.vector_load %get3A_1581[%get3A_1582] {strides = array<i32>} : memref<6144xi32, #tpu.memory_space<vmem>>, vector<16xi32>,
      %get3A_1584 = arith.constant 0 : i32
      %get3A_1585 = tpu.memref_slice %arg10[%scan3A_450, %get3A_1584] : memref<2x6144xi32, #tpu.memory_space<vmem>> -> memref<1x6144xi32, #tpu.memory_space<vmem>>
      %get3A_1586 = tpu.memref_squeeze %get3A_1585 : memref<1x6144xi32, #tpu.memory_space<vmem>> -> memref<6144xi32, #tpu.memory_space<vmem>>
      %get3A_1587 = arith.index_cast %mul3A_1578 : i32 to index
      %get3A_1588 = tpu.vector_load %get3A_1586[%get3A_1587] {strides = array<i32>} : memref<6144xi32, #tpu.memory_space<vmem>>, vector<16xi32>,
      %get3A_1589 = arith.constant 0 : i32
      %get3A_1590 = tpu.memref_slice %arg11[%scan3A_451, %get3A_1589] : memref<2x6144xi32, #tpu.memory_space<vmem>> -> memref<1x6144xi32, #tpu.memory_space<vmem>>
      %get3A_1591 = tpu.memref_squeeze %get3A_1590 : memref<1x6144xi32, #tpu.memory_space<vmem>> -> memref<6144xi32, #tpu.memory_space<vmem>>
      %get3A_1592 = arith.index_cast %mul3A_1578 : i32 to index
      %get3A_1593 = tpu.vector_load %get3A_1591[%get3A_1592] {strides = array<i32>} : memref<6144xi32, #tpu.memory_space<vmem>>, vector<16xi32>,
      %eq3A_1594 = vector.broadcast %select_n3A : i32 to vector<16xi32>
      %eq3A_1595 = arith.cmpi eq, %get3A_1583, %eq3A_1594 : vector<16xi32>
      %lt3A_1596 = arith.cmpi slt, %get3A_1583, %get3A_47 : vector<16xi32>
      %and3A_1597 = arith.andi %eq3A_1595, %lt3A_1596 : vector<16xi1>
      %ge3A = vector.broadcast %mul3A_32 : i32 to vector<16xi32>
      %ge3A_1598 = arith.cmpi sge, %get3A_1593, %ge3A : vector<16xi32>
      %and3A_1599 = arith.andi %and3A_1597, %ge3A_1598 : vector<16xi1>
      %add3A_1600 = arith.constant 64 : i32
      %add3A_1601 = arith.addi %mul3A_32, %add3A_1600 : i32
      %lt3A_1602 = vector.broadcast %add3A_1601 : i32 to vector<16xi32>
      %lt3A_1603 = arith.cmpi slt, %get3A_1593, %lt3A_1602 : vector<16xi32>
      %and3A_1604 = arith.andi %and3A_1599, %lt3A_1603 : vector<16xi1>
      %sub3A_1605 = vector.broadcast %mul3A_32 : i32 to vector<16xi32>
      %sub3A_1606 = arith.subi %get3A_1593, %sub3A_1605 : vector<16xi32>
      %mul3A_1607 = arith.constant 512 : i32
      %mul3A_1608 = vector.broadcast %mul3A_1607 : i32 to vector<16xi32>
      %mul3A_1609 = arith.muli %sub3A_1606, %mul3A_1608 : vector<16xi32>
      %add3A_1610 = arith.addi %mul3A_1609, %get3A_1588 : vector<16xi32>
      %jit3A_1611 = arith.constant 0 : i32
      %broadcast_in_dim3A_1612 = vector.broadcast %jit3A_1611 : i32 to vector<16xi32>
      %select_n3A_1613 = arith.select %and3A_1604, %add3A_1610, %broadcast_in_dim3A_1612 : vector<16xi1>, vector<16xi32>
      %add3A_1614 = arith.constant 24576 : i32
      %add3A_1615 = arith.addi %add3A_1614, %mul3A_1578 : i32
      %add3A_1616 = vector.broadcast %add3A_1615 : i32 to vector<16xi32>
      %add3A_1617 = arith.addi %add3A_1616, %iota3A : vector<16xi32>
      %add3A_1618 = arith.constant 1 : i32
      %add3A_1619 = vector.broadcast %add3A_1618 : i32 to vector<16xi32>
      %add3A_1620 = arith.addi %add3A_1617, %add3A_1619 : vector<16xi32>
      tpu.vector_store_idx %arg13[%select_n3A_1613], %add3A_1620 masked %and3A_1604 : memref<32768xi32, #tpu.memory_space<vmem>>[vector<16xi32>], vector<16xi32>, vector<16xi1>
      %scan3A_1621 = arith.constant 0 : i32
      scf.yield %scan3A_1621 : i32
    }
    %scan3A_458 = arith.constant 384 : i32
    %dma_start3A_459 = arith.constant 0 : i32
    %dma_start3A_460 = arith.constant 0 : i32
    %dma_start3A_461 = tpu.memref_slice %arg9[%dma_start3A_459, %dma_start3A_460] : memref<2x6144xi32, #tpu.memory_space<vmem>> -> memref<1x6144xi32, #tpu.memory_space<vmem>>
    %dma_start3A_462 = tpu.memref_squeeze %dma_start3A_461 : memref<1x6144xi32, #tpu.memory_space<vmem>> -> memref<6144xi32, #tpu.memory_space<vmem>>
    %dma_start3A_463 = arith.constant 36864 : i32
    %dma_start3A_464 = tpu.memref_slice %arg2[%dma_start3A_463] : memref<122880xi32, #tpu.memory_space<hbm>> -> memref<6144xi32, #tpu.memory_space<hbm>>
    %dma_start3A_465 = arith.constant 0 : i32
    %dma_start3A_466 = tpu.memref_slice %arg9[%dma_start3A_459, %dma_start3A_465] : memref<2x6144xi32, #tpu.memory_space<vmem>> -> memref<1x6144xi32, #tpu.memory_space<vmem>>
    %dma_start3A_467 = tpu.memref_squeeze %dma_start3A_466 : memref<1x6144xi32, #tpu.memory_space<vmem>> -> memref<6144xi32, #tpu.memory_space<vmem>>
    %dma_start3A_468 = arith.constant 36864 : i32
    %dma_start3A_469 = tpu.memref_slice %arg2[%dma_start3A_468] : memref<122880xi32, #tpu.memory_space<hbm>> -> memref<6144xi32, #tpu.memory_space<hbm>>
    tpu.enqueue_dma source(%dma_start3A_469 : memref<6144xi32, #tpu.memory_space<hbm>>) target(%dma_start3A_467 : memref<6144xi32, #tpu.memory_space<vmem>>) target_semaphore(%arg16 : memref<!tpu.dma_semaphore, #tpu.memory_space<semaphore_mem>>)
    %dma_start3A_470 = arith.constant 0 : i32
    %dma_start3A_471 = arith.constant 0 : i32
    %dma_start3A_472 = tpu.memref_slice %arg10[%dma_start3A_470, %dma_start3A_471] : memref<2x6144xi32, #tpu.memory_space<vmem>> -> memref<1x6144xi32, #tpu.memory_space<vmem>>
    %dma_start3A_473 = tpu.memref_squeeze %dma_start3A_472 : memref<1x6144xi32, #tpu.memory_space<vmem>> -> memref<6144xi32, #tpu.memory_space<vmem>>
    %dma_start3A_474 = arith.constant 36864 : i32
    %dma_start3A_475 = tpu.memref_slice %arg3[%dma_start3A_474] : memref<122880xi32, #tpu.memory_space<hbm>> -> memref<6144xi32, #tpu.memory_space<hbm>>
    %dma_start3A_476 = arith.constant 0 : i32
    %dma_start3A_477 = tpu.memref_slice %arg10[%dma_start3A_470, %dma_start3A_476] : memref<2x6144xi32, #tpu.memory_space<vmem>> -> memref<1x6144xi32, #tpu.memory_space<vmem>>
    %dma_start3A_478 = tpu.memref_squeeze %dma_start3A_477 : memref<1x6144xi32, #tpu.memory_space<vmem>> -> memref<6144xi32, #tpu.memory_space<vmem>>
    %dma_start3A_479 = arith.constant 36864 : i32
    %dma_start3A_480 = tpu.memref_slice %arg3[%dma_start3A_479] : memref<122880xi32, #tpu.memory_space<hbm>> -> memref<6144xi32, #tpu.memory_space<hbm>>
    tpu.enqueue_dma source(%dma_start3A_480 : memref<6144xi32, #tpu.memory_space<hbm>>) target(%dma_start3A_478 : memref<6144xi32, #tpu.memory_space<vmem>>) target_semaphore(%arg16 : memref<!tpu.dma_semaphore, #tpu.memory_space<semaphore_mem>>)
    %dma_start3A_481 = arith.constant 0 : i32
    %dma_start3A_482 = arith.constant 0 : i32
    %dma_start3A_483 = tpu.memref_slice %arg11[%dma_start3A_481, %dma_start3A_482] : memref<2x6144xi32, #tpu.memory_space<vmem>> -> memref<1x6144xi32, #tpu.memory_space<vmem>>
    %dma_start3A_484 = tpu.memref_squeeze %dma_start3A_483 : memref<1x6144xi32, #tpu.memory_space<vmem>> -> memref<6144xi32, #tpu.memory_space<vmem>>
    %dma_start3A_485 = arith.constant 36864 : i32
    %dma_start3A_486 = tpu.memref_slice %arg4[%dma_start3A_485] : memref<122880xi32, #tpu.memory_space<hbm>> -> memref<6144xi32, #tpu.memory_space<hbm>>
    %dma_start3A_487 = arith.constant 0 : i32
    %dma_start3A_488 = tpu.memref_slice %arg11[%dma_start3A_481, %dma_start3A_487] : memref<2x6144xi32, #tpu.memory_space<vmem>> -> memref<1x6144xi32, #tpu.memory_space<vmem>>
    %dma_start3A_489 = tpu.memref_squeeze %dma_start3A_488 : memref<1x6144xi32, #tpu.memory_space<vmem>> -> memref<6144xi32, #tpu.memory_space<vmem>>
    %dma_start3A_490 = arith.constant 36864 : i32
    %dma_start3A_491 = tpu.memref_slice %arg4[%dma_start3A_490] : memref<122880xi32, #tpu.memory_space<hbm>> -> memref<6144xi32, #tpu.memory_space<hbm>>
    tpu.enqueue_dma source(%dma_start3A_491 : memref<6144xi32, #tpu.memory_space<hbm>>) target(%dma_start3A_489 : memref<6144xi32, #tpu.memory_space<vmem>>) target_semaphore(%arg16 : memref<!tpu.dma_semaphore, #tpu.memory_space<semaphore_mem>>)
    %dma_wait3A_492 = arith.constant 1 : i32
    %dma_wait3A_493 = arith.constant 0 : i32
    %dma_wait3A_494 = tpu.memref_slice %arg9[%dma_wait3A_492, %dma_wait3A_493] : memref<2x6144xi32, #tpu.memory_space<vmem>> -> memref<1x6144xi32, #tpu.memory_space<vmem>>
    %dma_wait3A_495 = tpu.memref_squeeze %dma_wait3A_494 : memref<1x6144xi32, #tpu.memory_space<vmem>> -> memref<6144xi32, #tpu.memory_space<vmem>>
    %dma_wait3A_496 = arith.constant 30720 : i32
    %dma_wait3A_497 = tpu.memref_slice %arg2[%dma_wait3A_496] : memref<122880xi32, #tpu.memory_space<hbm>> -> memref<6144xi32, #tpu.memory_space<hbm>>
    %dma_wait3A_498 = arith.constant 0 : i32
    %dma_wait3A_499 = tpu.memref_slice %arg9[%dma_wait3A_492, %dma_wait3A_498] : memref<2x6144xi32, #tpu.memory_space<vmem>> -> memref<1x6144xi32, #tpu.memory_space<vmem>>
    %dma_wait3A_500 = tpu.memref_squeeze %dma_wait3A_499 : memref<1x6144xi32, #tpu.memory_space<vmem>> -> memref<6144xi32, #tpu.memory_space<vmem>>
    %dma_wait3A_501 = arith.constant 30720 : i32
    %dma_wait3A_502 = tpu.memref_slice %arg2[%dma_wait3A_501] : memref<122880xi32, #tpu.memory_space<hbm>> -> memref<6144xi32, #tpu.memory_space<hbm>>
    tpu.wait_dma2 semaphore(%arg16 : memref<!tpu.dma_semaphore, #tpu.memory_space<semaphore_mem>>) src(%dma_wait3A_502 : memref<6144xi32, #tpu.memory_space<hbm>>) dst(%dma_wait3A_500 : memref<6144xi32, #tpu.memory_space<vmem>>)
    %dma_wait3A_503 = arith.constant 1 : i32
    %dma_wait3A_504 = arith.constant 0 : i32
    %dma_wait3A_505 = tpu.memref_slice %arg10[%dma_wait3A_503, %dma_wait3A_504] : memref<2x6144xi32, #tpu.memory_space<vmem>> -> memref<1x6144xi32, #tpu.memory_space<vmem>>
    %dma_wait3A_506 = tpu.memref_squeeze %dma_wait3A_505 : memref<1x6144xi32, #tpu.memory_space<vmem>> -> memref<6144xi32, #tpu.memory_space<vmem>>
    %dma_wait3A_507 = arith.constant 30720 : i32
    %dma_wait3A_508 = tpu.memref_slice %arg3[%dma_wait3A_507] : memref<122880xi32, #tpu.memory_space<hbm>> -> memref<6144xi32, #tpu.memory_space<hbm>>
    %dma_wait3A_509 = arith.constant 0 : i32
    %dma_wait3A_510 = tpu.memref_slice %arg10[%dma_wait3A_503, %dma_wait3A_509] : memref<2x6144xi32, #tpu.memory_space<vmem>> -> memref<1x6144xi32, #tpu.memory_space<vmem>>
    %dma_wait3A_511 = tpu.memref_squeeze %dma_wait3A_510 : memref<1x6144xi32, #tpu.memory_space<vmem>> -> memref<6144xi32, #tpu.memory_space<vmem>>
    %dma_wait3A_512 = arith.constant 30720 : i32
    %dma_wait3A_513 = tpu.memref_slice %arg3[%dma_wait3A_512] : memref<122880xi32, #tpu.memory_space<hbm>> -> memref<6144xi32, #tpu.memory_space<hbm>>
    tpu.wait_dma2 semaphore(%arg16 : memref<!tpu.dma_semaphore, #tpu.memory_space<semaphore_mem>>) src(%dma_wait3A_513 : memref<6144xi32, #tpu.memory_space<hbm>>) dst(%dma_wait3A_511 : memref<6144xi32, #tpu.memory_space<vmem>>)
    %dma_wait3A_514 = arith.constant 1 : i32
    %dma_wait3A_515 = arith.constant 0 : i32
    %dma_wait3A_516 = tpu.memref_slice %arg11[%dma_wait3A_514, %dma_wait3A_515] : memref<2x6144xi32, #tpu.memory_space<vmem>> -> memref<1x6144xi32, #tpu.memory_space<vmem>>
    %dma_wait3A_517 = tpu.memref_squeeze %dma_wait3A_516 : memref<1x6144xi32, #tpu.memory_space<vmem>> -> memref<6144xi32, #tpu.memory_space<vmem>>
    %dma_wait3A_518 = arith.constant 30720 : i32
    %dma_wait3A_519 = tpu.memref_slice %arg4[%dma_wait3A_518] : memref<122880xi32, #tpu.memory_space<hbm>> -> memref<6144xi32, #tpu.memory_space<hbm>>
    %dma_wait3A_520 = arith.constant 0 : i32
    %dma_wait3A_521 = tpu.memref_slice %arg11[%dma_wait3A_514, %dma_wait3A_520] : memref<2x6144xi32, #tpu.memory_space<vmem>> -> memref<1x6144xi32, #tpu.memory_space<vmem>>
    %dma_wait3A_522 = tpu.memref_squeeze %dma_wait3A_521 : memref<1x6144xi32, #tpu.memory_space<vmem>> -> memref<6144xi32, #tpu.memory_space<vmem>>
    %dma_wait3A_523 = arith.constant 30720 : i32
    %dma_wait3A_524 = tpu.memref_slice %arg4[%dma_wait3A_523] : memref<122880xi32, #tpu.memory_space<hbm>> -> memref<6144xi32, #tpu.memory_space<hbm>>
    tpu.wait_dma2 semaphore(%arg16 : memref<!tpu.dma_semaphore, #tpu.memory_space<semaphore_mem>>) src(%dma_wait3A_524 : memref<6144xi32, #tpu.memory_space<hbm>>) dst(%dma_wait3A_522 : memref<6144xi32, #tpu.memory_space<vmem>>)
    %scan3A_525 = arith.constant 1 : i32
    %scan3A_526 = arith.constant 1 : i32
    %scan3A_527 = arith.constant 1 : i32
    %scan3A_528 = arith.constant 0 : i32
    %scan3A_529 = arith.constant 0 : i32
    %scan3A_530 = arith.constant 384 : i32
    %scan3A_531 = arith.addi %scan3A_529, %scan3A_530 : i32
    %scan3A_532 = arith.constant 1 : i32
    %scan3A_533 = scf.for %scan3A_1575 = %scan3A_529 to %scan3A_531 step %scan3A_532 iter_args(%scan3A_1576 = %scan3A_528) -> (i32)  : i32 {
      %mul3A_1577 = arith.constant 16 : i32
      %mul3A_1578 = arith.muli %scan3A_1575, %mul3A_1577 : i32
      %get3A_1579 = arith.constant 0 : i32
      %get3A_1580 = tpu.memref_slice %arg9[%scan3A_525, %get3A_1579] : memref<2x6144xi32, #tpu.memory_space<vmem>> -> memref<1x6144xi32, #tpu.memory_space<vmem>>
      %get3A_1581 = tpu.memref_squeeze %get3A_1580 : memref<1x6144xi32, #tpu.memory_space<vmem>> -> memref<6144xi32, #tpu.memory_space<vmem>>
      %get3A_1582 = arith.index_cast %mul3A_1578 : i32 to index
      %get3A_1583 = tpu.vector_load %get3A_1581[%get3A_1582] {strides = array<i32>} : memref<6144xi32, #tpu.memory_space<vmem>>, vector<16xi32>,
      %get3A_1584 = arith.constant 0 : i32
      %get3A_1585 = tpu.memref_slice %arg10[%scan3A_526, %get3A_1584] : memref<2x6144xi32, #tpu.memory_space<vmem>> -> memref<1x6144xi32, #tpu.memory_space<vmem>>
      %get3A_1586 = tpu.memref_squeeze %get3A_1585 : memref<1x6144xi32, #tpu.memory_space<vmem>> -> memref<6144xi32, #tpu.memory_space<vmem>>
      %get3A_1587 = arith.index_cast %mul3A_1578 : i32 to index
      %get3A_1588 = tpu.vector_load %get3A_1586[%get3A_1587] {strides = array<i32>} : memref<6144xi32, #tpu.memory_space<vmem>>, vector<16xi32>,
      %get3A_1589 = arith.constant 0 : i32
      %get3A_1590 = tpu.memref_slice %arg11[%scan3A_527, %get3A_1589] : memref<2x6144xi32, #tpu.memory_space<vmem>> -> memref<1x6144xi32, #tpu.memory_space<vmem>>
      %get3A_1591 = tpu.memref_squeeze %get3A_1590 : memref<1x6144xi32, #tpu.memory_space<vmem>> -> memref<6144xi32, #tpu.memory_space<vmem>>
      %get3A_1592 = arith.index_cast %mul3A_1578 : i32 to index
      %get3A_1593 = tpu.vector_load %get3A_1591[%get3A_1592] {strides = array<i32>} : memref<6144xi32, #tpu.memory_space<vmem>>, vector<16xi32>,
      %eq3A_1594 = vector.broadcast %select_n3A : i32 to vector<16xi32>
      %eq3A_1595 = arith.cmpi eq, %get3A_1583, %eq3A_1594 : vector<16xi32>
      %lt3A_1596 = arith.cmpi slt, %get3A_1583, %get3A_47 : vector<16xi32>
      %and3A_1597 = arith.andi %eq3A_1595, %lt3A_1596 : vector<16xi1>
      %ge3A = vector.broadcast %mul3A_32 : i32 to vector<16xi32>
      %ge3A_1598 = arith.cmpi sge, %get3A_1593, %ge3A : vector<16xi32>
      %and3A_1599 = arith.andi %and3A_1597, %ge3A_1598 : vector<16xi1>
      %add3A_1600 = arith.constant 64 : i32
      %add3A_1601 = arith.addi %mul3A_32, %add3A_1600 : i32
      %lt3A_1602 = vector.broadcast %add3A_1601 : i32 to vector<16xi32>
      %lt3A_1603 = arith.cmpi slt, %get3A_1593, %lt3A_1602 : vector<16xi32>
      %and3A_1604 = arith.andi %and3A_1599, %lt3A_1603 : vector<16xi1>
      %sub3A_1605 = vector.broadcast %mul3A_32 : i32 to vector<16xi32>
      %sub3A_1606 = arith.subi %get3A_1593, %sub3A_1605 : vector<16xi32>
      %mul3A_1607 = arith.constant 512 : i32
      %mul3A_1608 = vector.broadcast %mul3A_1607 : i32 to vector<16xi32>
      %mul3A_1609 = arith.muli %sub3A_1606, %mul3A_1608 : vector<16xi32>
      %add3A_1610 = arith.addi %mul3A_1609, %get3A_1588 : vector<16xi32>
      %jit3A_1611 = arith.constant 0 : i32
      %broadcast_in_dim3A_1612 = vector.broadcast %jit3A_1611 : i32 to vector<16xi32>
      %select_n3A_1613 = arith.select %and3A_1604, %add3A_1610, %broadcast_in_dim3A_1612 : vector<16xi1>, vector<16xi32>
      %add3A_1614 = arith.constant 30720 : i32
      %add3A_1615 = arith.addi %add3A_1614, %mul3A_1578 : i32
      %add3A_1616 = vector.broadcast %add3A_1615 : i32 to vector<16xi32>
      %add3A_1617 = arith.addi %add3A_1616, %iota3A : vector<16xi32>
      %add3A_1618 = arith.constant 1 : i32
      %add3A_1619 = vector.broadcast %add3A_1618 : i32 to vector<16xi32>
      %add3A_1620 = arith.addi %add3A_1617, %add3A_1619 : vector<16xi32>
      tpu.vector_store_idx %arg13[%select_n3A_1613], %add3A_1620 masked %and3A_1604 : memref<32768xi32, #tpu.memory_space<vmem>>[vector<16xi32>], vector<16xi32>, vector<16xi1>
      %scan3A_1621 = arith.constant 0 : i32
      scf.yield %scan3A_1621 : i32
    }
    %scan3A_534 = arith.constant 384 : i32
    %dma_start3A_535 = arith.constant 1 : i32
    %dma_start3A_536 = arith.constant 0 : i32
    %dma_start3A_537 = tpu.memref_slice %arg9[%dma_start3A_535, %dma_start3A_536] : memref<2x6144xi32, #tpu.memory_space<vmem>> -> memref<1x6144xi32, #tpu.memory_space<vmem>>
    %dma_start3A_538 = tpu.memref_squeeze %dma_start3A_537 : memref<1x6144xi32, #tpu.memory_space<vmem>> -> memref<6144xi32, #tpu.memory_space<vmem>>
    %dma_start3A_539 = arith.constant 43008 : i32
    %dma_start3A_540 = tpu.memref_slice %arg2[%dma_start3A_539] : memref<122880xi32, #tpu.memory_space<hbm>> -> memref<6144xi32, #tpu.memory_space<hbm>>
    %dma_start3A_541 = arith.constant 0 : i32
    %dma_start3A_542 = tpu.memref_slice %arg9[%dma_start3A_535, %dma_start3A_541] : memref<2x6144xi32, #tpu.memory_space<vmem>> -> memref<1x6144xi32, #tpu.memory_space<vmem>>
    %dma_start3A_543 = tpu.memref_squeeze %dma_start3A_542 : memref<1x6144xi32, #tpu.memory_space<vmem>> -> memref<6144xi32, #tpu.memory_space<vmem>>
    %dma_start3A_544 = arith.constant 43008 : i32
    %dma_start3A_545 = tpu.memref_slice %arg2[%dma_start3A_544] : memref<122880xi32, #tpu.memory_space<hbm>> -> memref<6144xi32, #tpu.memory_space<hbm>>
    tpu.enqueue_dma source(%dma_start3A_545 : memref<6144xi32, #tpu.memory_space<hbm>>) target(%dma_start3A_543 : memref<6144xi32, #tpu.memory_space<vmem>>) target_semaphore(%arg16 : memref<!tpu.dma_semaphore, #tpu.memory_space<semaphore_mem>>)
    %dma_start3A_546 = arith.constant 1 : i32
    %dma_start3A_547 = arith.constant 0 : i32
    %dma_start3A_548 = tpu.memref_slice %arg10[%dma_start3A_546, %dma_start3A_547] : memref<2x6144xi32, #tpu.memory_space<vmem>> -> memref<1x6144xi32, #tpu.memory_space<vmem>>
    %dma_start3A_549 = tpu.memref_squeeze %dma_start3A_548 : memref<1x6144xi32, #tpu.memory_space<vmem>> -> memref<6144xi32, #tpu.memory_space<vmem>>
    %dma_start3A_550 = arith.constant 43008 : i32
    %dma_start3A_551 = tpu.memref_slice %arg3[%dma_start3A_550] : memref<122880xi32, #tpu.memory_space<hbm>> -> memref<6144xi32, #tpu.memory_space<hbm>>
    %dma_start3A_552 = arith.constant 0 : i32
    %dma_start3A_553 = tpu.memref_slice %arg10[%dma_start3A_546, %dma_start3A_552] : memref<2x6144xi32, #tpu.memory_space<vmem>> -> memref<1x6144xi32, #tpu.memory_space<vmem>>
    %dma_start3A_554 = tpu.memref_squeeze %dma_start3A_553 : memref<1x6144xi32, #tpu.memory_space<vmem>> -> memref<6144xi32, #tpu.memory_space<vmem>>
    %dma_start3A_555 = arith.constant 43008 : i32
    %dma_start3A_556 = tpu.memref_slice %arg3[%dma_start3A_555] : memref<122880xi32, #tpu.memory_space<hbm>> -> memref<6144xi32, #tpu.memory_space<hbm>>
    tpu.enqueue_dma source(%dma_start3A_556 : memref<6144xi32, #tpu.memory_space<hbm>>) target(%dma_start3A_554 : memref<6144xi32, #tpu.memory_space<vmem>>) target_semaphore(%arg16 : memref<!tpu.dma_semaphore, #tpu.memory_space<semaphore_mem>>)
    %dma_start3A_557 = arith.constant 1 : i32
    %dma_start3A_558 = arith.constant 0 : i32
    %dma_start3A_559 = tpu.memref_slice %arg11[%dma_start3A_557, %dma_start3A_558] : memref<2x6144xi32, #tpu.memory_space<vmem>> -> memref<1x6144xi32, #tpu.memory_space<vmem>>
    %dma_start3A_560 = tpu.memref_squeeze %dma_start3A_559 : memref<1x6144xi32, #tpu.memory_space<vmem>> -> memref<6144xi32, #tpu.memory_space<vmem>>
    %dma_start3A_561 = arith.constant 43008 : i32
    %dma_start3A_562 = tpu.memref_slice %arg4[%dma_start3A_561] : memref<122880xi32, #tpu.memory_space<hbm>> -> memref<6144xi32, #tpu.memory_space<hbm>>
    %dma_start3A_563 = arith.constant 0 : i32
    %dma_start3A_564 = tpu.memref_slice %arg11[%dma_start3A_557, %dma_start3A_563] : memref<2x6144xi32, #tpu.memory_space<vmem>> -> memref<1x6144xi32, #tpu.memory_space<vmem>>
    %dma_start3A_565 = tpu.memref_squeeze %dma_start3A_564 : memref<1x6144xi32, #tpu.memory_space<vmem>> -> memref<6144xi32, #tpu.memory_space<vmem>>
    %dma_start3A_566 = arith.constant 43008 : i32
    %dma_start3A_567 = tpu.memref_slice %arg4[%dma_start3A_566] : memref<122880xi32, #tpu.memory_space<hbm>> -> memref<6144xi32, #tpu.memory_space<hbm>>
    tpu.enqueue_dma source(%dma_start3A_567 : memref<6144xi32, #tpu.memory_space<hbm>>) target(%dma_start3A_565 : memref<6144xi32, #tpu.memory_space<vmem>>) target_semaphore(%arg16 : memref<!tpu.dma_semaphore, #tpu.memory_space<semaphore_mem>>)
    %dma_wait3A_568 = arith.constant 0 : i32
    %dma_wait3A_569 = arith.constant 0 : i32
    %dma_wait3A_570 = tpu.memref_slice %arg9[%dma_wait3A_568, %dma_wait3A_569] : memref<2x6144xi32, #tpu.memory_space<vmem>> -> memref<1x6144xi32, #tpu.memory_space<vmem>>
    %dma_wait3A_571 = tpu.memref_squeeze %dma_wait3A_570 : memref<1x6144xi32, #tpu.memory_space<vmem>> -> memref<6144xi32, #tpu.memory_space<vmem>>
    %dma_wait3A_572 = arith.constant 36864 : i32
    %dma_wait3A_573 = tpu.memref_slice %arg2[%dma_wait3A_572] : memref<122880xi32, #tpu.memory_space<hbm>> -> memref<6144xi32, #tpu.memory_space<hbm>>
    %dma_wait3A_574 = arith.constant 0 : i32
    %dma_wait3A_575 = tpu.memref_slice %arg9[%dma_wait3A_568, %dma_wait3A_574] : memref<2x6144xi32, #tpu.memory_space<vmem>> -> memref<1x6144xi32, #tpu.memory_space<vmem>>
    %dma_wait3A_576 = tpu.memref_squeeze %dma_wait3A_575 : memref<1x6144xi32, #tpu.memory_space<vmem>> -> memref<6144xi32, #tpu.memory_space<vmem>>
    %dma_wait3A_577 = arith.constant 36864 : i32
    %dma_wait3A_578 = tpu.memref_slice %arg2[%dma_wait3A_577] : memref<122880xi32, #tpu.memory_space<hbm>> -> memref<6144xi32, #tpu.memory_space<hbm>>
    tpu.wait_dma2 semaphore(%arg16 : memref<!tpu.dma_semaphore, #tpu.memory_space<semaphore_mem>>) src(%dma_wait3A_578 : memref<6144xi32, #tpu.memory_space<hbm>>) dst(%dma_wait3A_576 : memref<6144xi32, #tpu.memory_space<vmem>>)
    %dma_wait3A_579 = arith.constant 0 : i32
    %dma_wait3A_580 = arith.constant 0 : i32
    %dma_wait3A_581 = tpu.memref_slice %arg10[%dma_wait3A_579, %dma_wait3A_580] : memref<2x6144xi32, #tpu.memory_space<vmem>> -> memref<1x6144xi32, #tpu.memory_space<vmem>>
    %dma_wait3A_582 = tpu.memref_squeeze %dma_wait3A_581 : memref<1x6144xi32, #tpu.memory_space<vmem>> -> memref<6144xi32, #tpu.memory_space<vmem>>
    %dma_wait3A_583 = arith.constant 36864 : i32
    %dma_wait3A_584 = tpu.memref_slice %arg3[%dma_wait3A_583] : memref<122880xi32, #tpu.memory_space<hbm>> -> memref<6144xi32, #tpu.memory_space<hbm>>
    %dma_wait3A_585 = arith.constant 0 : i32
    %dma_wait3A_586 = tpu.memref_slice %arg10[%dma_wait3A_579, %dma_wait3A_585] : memref<2x6144xi32, #tpu.memory_space<vmem>> -> memref<1x6144xi32, #tpu.memory_space<vmem>>
    %dma_wait3A_587 = tpu.memref_squeeze %dma_wait3A_586 : memref<1x6144xi32, #tpu.memory_space<vmem>> -> memref<6144xi32, #tpu.memory_space<vmem>>
    %dma_wait3A_588 = arith.constant 36864 : i32
    %dma_wait3A_589 = tpu.memref_slice %arg3[%dma_wait3A_588] : memref<122880xi32, #tpu.memory_space<hbm>> -> memref<6144xi32, #tpu.memory_space<hbm>>
    tpu.wait_dma2 semaphore(%arg16 : memref<!tpu.dma_semaphore, #tpu.memory_space<semaphore_mem>>) src(%dma_wait3A_589 : memref<6144xi32, #tpu.memory_space<hbm>>) dst(%dma_wait3A_587 : memref<6144xi32, #tpu.memory_space<vmem>>)
    %dma_wait3A_590 = arith.constant 0 : i32
    %dma_wait3A_591 = arith.constant 0 : i32
    %dma_wait3A_592 = tpu.memref_slice %arg11[%dma_wait3A_590, %dma_wait3A_591] : memref<2x6144xi32, #tpu.memory_space<vmem>> -> memref<1x6144xi32, #tpu.memory_space<vmem>>
    %dma_wait3A_593 = tpu.memref_squeeze %dma_wait3A_592 : memref<1x6144xi32, #tpu.memory_space<vmem>> -> memref<6144xi32, #tpu.memory_space<vmem>>
    %dma_wait3A_594 = arith.constant 36864 : i32
    %dma_wait3A_595 = tpu.memref_slice %arg4[%dma_wait3A_594] : memref<122880xi32, #tpu.memory_space<hbm>> -> memref<6144xi32, #tpu.memory_space<hbm>>
    %dma_wait3A_596 = arith.constant 0 : i32
    %dma_wait3A_597 = tpu.memref_slice %arg11[%dma_wait3A_590, %dma_wait3A_596] : memref<2x6144xi32, #tpu.memory_space<vmem>> -> memref<1x6144xi32, #tpu.memory_space<vmem>>
    %dma_wait3A_598 = tpu.memref_squeeze %dma_wait3A_597 : memref<1x6144xi32, #tpu.memory_space<vmem>> -> memref<6144xi32, #tpu.memory_space<vmem>>
    %dma_wait3A_599 = arith.constant 36864 : i32
    %dma_wait3A_600 = tpu.memref_slice %arg4[%dma_wait3A_599] : memref<122880xi32, #tpu.memory_space<hbm>> -> memref<6144xi32, #tpu.memory_space<hbm>>
    tpu.wait_dma2 semaphore(%arg16 : memref<!tpu.dma_semaphore, #tpu.memory_space<semaphore_mem>>) src(%dma_wait3A_600 : memref<6144xi32, #tpu.memory_space<hbm>>) dst(%dma_wait3A_598 : memref<6144xi32, #tpu.memory_space<vmem>>)
    %scan3A_601 = arith.constant 0 : i32
    %scan3A_602 = arith.constant 0 : i32
    %scan3A_603 = arith.constant 0 : i32
    %scan3A_604 = arith.constant 0 : i32
    %scan3A_605 = arith.constant 0 : i32
    %scan3A_606 = arith.constant 384 : i32
    %scan3A_607 = arith.addi %scan3A_605, %scan3A_606 : i32
    %scan3A_608 = arith.constant 1 : i32
    %scan3A_609 = scf.for %scan3A_1575 = %scan3A_605 to %scan3A_607 step %scan3A_608 iter_args(%scan3A_1576 = %scan3A_604) -> (i32)  : i32 {
      %mul3A_1577 = arith.constant 16 : i32
      %mul3A_1578 = arith.muli %scan3A_1575, %mul3A_1577 : i32
      %get3A_1579 = arith.constant 0 : i32
      %get3A_1580 = tpu.memref_slice %arg9[%scan3A_601, %get3A_1579] : memref<2x6144xi32, #tpu.memory_space<vmem>> -> memref<1x6144xi32, #tpu.memory_space<vmem>>
      %get3A_1581 = tpu.memref_squeeze %get3A_1580 : memref<1x6144xi32, #tpu.memory_space<vmem>> -> memref<6144xi32, #tpu.memory_space<vmem>>
      %get3A_1582 = arith.index_cast %mul3A_1578 : i32 to index
      %get3A_1583 = tpu.vector_load %get3A_1581[%get3A_1582] {strides = array<i32>} : memref<6144xi32, #tpu.memory_space<vmem>>, vector<16xi32>,
      %get3A_1584 = arith.constant 0 : i32
      %get3A_1585 = tpu.memref_slice %arg10[%scan3A_602, %get3A_1584] : memref<2x6144xi32, #tpu.memory_space<vmem>> -> memref<1x6144xi32, #tpu.memory_space<vmem>>
      %get3A_1586 = tpu.memref_squeeze %get3A_1585 : memref<1x6144xi32, #tpu.memory_space<vmem>> -> memref<6144xi32, #tpu.memory_space<vmem>>
      %get3A_1587 = arith.index_cast %mul3A_1578 : i32 to index
      %get3A_1588 = tpu.vector_load %get3A_1586[%get3A_1587] {strides = array<i32>} : memref<6144xi32, #tpu.memory_space<vmem>>, vector<16xi32>,
      %get3A_1589 = arith.constant 0 : i32
      %get3A_1590 = tpu.memref_slice %arg11[%scan3A_603, %get3A_1589] : memref<2x6144xi32, #tpu.memory_space<vmem>> -> memref<1x6144xi32, #tpu.memory_space<vmem>>
      %get3A_1591 = tpu.memref_squeeze %get3A_1590 : memref<1x6144xi32, #tpu.memory_space<vmem>> -> memref<6144xi32, #tpu.memory_space<vmem>>
      %get3A_1592 = arith.index_cast %mul3A_1578 : i32 to index
      %get3A_1593 = tpu.vector_load %get3A_1591[%get3A_1592] {strides = array<i32>} : memref<6144xi32, #tpu.memory_space<vmem>>, vector<16xi32>,
      %eq3A_1594 = vector.broadcast %select_n3A : i32 to vector<16xi32>
      %eq3A_1595 = arith.cmpi eq, %get3A_1583, %eq3A_1594 : vector<16xi32>
      %lt3A_1596 = arith.cmpi slt, %get3A_1583, %get3A_47 : vector<16xi32>
      %and3A_1597 = arith.andi %eq3A_1595, %lt3A_1596 : vector<16xi1>
      %ge3A = vector.broadcast %mul3A_32 : i32 to vector<16xi32>
      %ge3A_1598 = arith.cmpi sge, %get3A_1593, %ge3A : vector<16xi32>
      %and3A_1599 = arith.andi %and3A_1597, %ge3A_1598 : vector<16xi1>
      %add3A_1600 = arith.constant 64 : i32
      %add3A_1601 = arith.addi %mul3A_32, %add3A_1600 : i32
      %lt3A_1602 = vector.broadcast %add3A_1601 : i32 to vector<16xi32>
      %lt3A_1603 = arith.cmpi slt, %get3A_1593, %lt3A_1602 : vector<16xi32>
      %and3A_1604 = arith.andi %and3A_1599, %lt3A_1603 : vector<16xi1>
      %sub3A_1605 = vector.broadcast %mul3A_32 : i32 to vector<16xi32>
      %sub3A_1606 = arith.subi %get3A_1593, %sub3A_1605 : vector<16xi32>
      %mul3A_1607 = arith.constant 512 : i32
      %mul3A_1608 = vector.broadcast %mul3A_1607 : i32 to vector<16xi32>
      %mul3A_1609 = arith.muli %sub3A_1606, %mul3A_1608 : vector<16xi32>
      %add3A_1610 = arith.addi %mul3A_1609, %get3A_1588 : vector<16xi32>
      %jit3A_1611 = arith.constant 0 : i32
      %broadcast_in_dim3A_1612 = vector.broadcast %jit3A_1611 : i32 to vector<16xi32>
      %select_n3A_1613 = arith.select %and3A_1604, %add3A_1610, %broadcast_in_dim3A_1612 : vector<16xi1>, vector<16xi32>
      %add3A_1614 = arith.constant 36864 : i32
      %add3A_1615 = arith.addi %add3A_1614, %mul3A_1578 : i32
      %add3A_1616 = vector.broadcast %add3A_1615 : i32 to vector<16xi32>
      %add3A_1617 = arith.addi %add3A_1616, %iota3A : vector<16xi32>
      %add3A_1618 = arith.constant 1 : i32
      %add3A_1619 = vector.broadcast %add3A_1618 : i32 to vector<16xi32>
      %add3A_1620 = arith.addi %add3A_1617, %add3A_1619 : vector<16xi32>
      tpu.vector_store_idx %arg13[%select_n3A_1613], %add3A_1620 masked %and3A_1604 : memref<32768xi32, #tpu.memory_space<vmem>>[vector<16xi32>], vector<16xi32>, vector<16xi1>
      %scan3A_1621 = arith.constant 0 : i32
      scf.yield %scan3A_1621 : i32
    }
    %scan3A_610 = arith.constant 384 : i32
    %dma_start3A_611 = arith.constant 0 : i32
    %dma_start3A_612 = arith.constant 0 : i32
    %dma_start3A_613 = tpu.memref_slice %arg9[%dma_start3A_611, %dma_start3A_612] : memref<2x6144xi32, #tpu.memory_space<vmem>> -> memref<1x6144xi32, #tpu.memory_space<vmem>>
    %dma_start3A_614 = tpu.memref_squeeze %dma_start3A_613 : memref<1x6144xi32, #tpu.memory_space<vmem>> -> memref<6144xi32, #tpu.memory_space<vmem>>
    %dma_start3A_615 = arith.constant 49152 : i32
    %dma_start3A_616 = tpu.memref_slice %arg2[%dma_start3A_615] : memref<122880xi32, #tpu.memory_space<hbm>> -> memref<6144xi32, #tpu.memory_space<hbm>>
    %dma_start3A_617 = arith.constant 0 : i32
    %dma_start3A_618 = tpu.memref_slice %arg9[%dma_start3A_611, %dma_start3A_617] : memref<2x6144xi32, #tpu.memory_space<vmem>> -> memref<1x6144xi32, #tpu.memory_space<vmem>>
    %dma_start3A_619 = tpu.memref_squeeze %dma_start3A_618 : memref<1x6144xi32, #tpu.memory_space<vmem>> -> memref<6144xi32, #tpu.memory_space<vmem>>
    %dma_start3A_620 = arith.constant 49152 : i32
    %dma_start3A_621 = tpu.memref_slice %arg2[%dma_start3A_620] : memref<122880xi32, #tpu.memory_space<hbm>> -> memref<6144xi32, #tpu.memory_space<hbm>>
    tpu.enqueue_dma source(%dma_start3A_621 : memref<6144xi32, #tpu.memory_space<hbm>>) target(%dma_start3A_619 : memref<6144xi32, #tpu.memory_space<vmem>>) target_semaphore(%arg16 : memref<!tpu.dma_semaphore, #tpu.memory_space<semaphore_mem>>)
    %dma_start3A_622 = arith.constant 0 : i32
    %dma_start3A_623 = arith.constant 0 : i32
    %dma_start3A_624 = tpu.memref_slice %arg10[%dma_start3A_622, %dma_start3A_623] : memref<2x6144xi32, #tpu.memory_space<vmem>> -> memref<1x6144xi32, #tpu.memory_space<vmem>>
    %dma_start3A_625 = tpu.memref_squeeze %dma_start3A_624 : memref<1x6144xi32, #tpu.memory_space<vmem>> -> memref<6144xi32, #tpu.memory_space<vmem>>
    %dma_start3A_626 = arith.constant 49152 : i32
    %dma_start3A_627 = tpu.memref_slice %arg3[%dma_start3A_626] : memref<122880xi32, #tpu.memory_space<hbm>> -> memref<6144xi32, #tpu.memory_space<hbm>>
    %dma_start3A_628 = arith.constant 0 : i32
    %dma_start3A_629 = tpu.memref_slice %arg10[%dma_start3A_622, %dma_start3A_628] : memref<2x6144xi32, #tpu.memory_space<vmem>> -> memref<1x6144xi32, #tpu.memory_space<vmem>>
    %dma_start3A_630 = tpu.memref_squeeze %dma_start3A_629 : memref<1x6144xi32, #tpu.memory_space<vmem>> -> memref<6144xi32, #tpu.memory_space<vmem>>
    %dma_start3A_631 = arith.constant 49152 : i32
    %dma_start3A_632 = tpu.memref_slice %arg3[%dma_start3A_631] : memref<122880xi32, #tpu.memory_space<hbm>> -> memref<6144xi32, #tpu.memory_space<hbm>>
    tpu.enqueue_dma source(%dma_start3A_632 : memref<6144xi32, #tpu.memory_space<hbm>>) target(%dma_start3A_630 : memref<6144xi32, #tpu.memory_space<vmem>>) target_semaphore(%arg16 : memref<!tpu.dma_semaphore, #tpu.memory_space<semaphore_mem>>)
    %dma_start3A_633 = arith.constant 0 : i32
    %dma_start3A_634 = arith.constant 0 : i32
    %dma_start3A_635 = tpu.memref_slice %arg11[%dma_start3A_633, %dma_start3A_634] : memref<2x6144xi32, #tpu.memory_space<vmem>> -> memref<1x6144xi32, #tpu.memory_space<vmem>>
    %dma_start3A_636 = tpu.memref_squeeze %dma_start3A_635 : memref<1x6144xi32, #tpu.memory_space<vmem>> -> memref<6144xi32, #tpu.memory_space<vmem>>
    %dma_start3A_637 = arith.constant 49152 : i32
    %dma_start3A_638 = tpu.memref_slice %arg4[%dma_start3A_637] : memref<122880xi32, #tpu.memory_space<hbm>> -> memref<6144xi32, #tpu.memory_space<hbm>>
    %dma_start3A_639 = arith.constant 0 : i32
    %dma_start3A_640 = tpu.memref_slice %arg11[%dma_start3A_633, %dma_start3A_639] : memref<2x6144xi32, #tpu.memory_space<vmem>> -> memref<1x6144xi32, #tpu.memory_space<vmem>>
    %dma_start3A_641 = tpu.memref_squeeze %dma_start3A_640 : memref<1x6144xi32, #tpu.memory_space<vmem>> -> memref<6144xi32, #tpu.memory_space<vmem>>
    %dma_start3A_642 = arith.constant 49152 : i32
    %dma_start3A_643 = tpu.memref_slice %arg4[%dma_start3A_642] : memref<122880xi32, #tpu.memory_space<hbm>> -> memref<6144xi32, #tpu.memory_space<hbm>>
    tpu.enqueue_dma source(%dma_start3A_643 : memref<6144xi32, #tpu.memory_space<hbm>>) target(%dma_start3A_641 : memref<6144xi32, #tpu.memory_space<vmem>>) target_semaphore(%arg16 : memref<!tpu.dma_semaphore, #tpu.memory_space<semaphore_mem>>)
    %dma_wait3A_644 = arith.constant 1 : i32
    %dma_wait3A_645 = arith.constant 0 : i32
    %dma_wait3A_646 = tpu.memref_slice %arg9[%dma_wait3A_644, %dma_wait3A_645] : memref<2x6144xi32, #tpu.memory_space<vmem>> -> memref<1x6144xi32, #tpu.memory_space<vmem>>
    %dma_wait3A_647 = tpu.memref_squeeze %dma_wait3A_646 : memref<1x6144xi32, #tpu.memory_space<vmem>> -> memref<6144xi32, #tpu.memory_space<vmem>>
    %dma_wait3A_648 = arith.constant 43008 : i32
    %dma_wait3A_649 = tpu.memref_slice %arg2[%dma_wait3A_648] : memref<122880xi32, #tpu.memory_space<hbm>> -> memref<6144xi32, #tpu.memory_space<hbm>>
    %dma_wait3A_650 = arith.constant 0 : i32
    %dma_wait3A_651 = tpu.memref_slice %arg9[%dma_wait3A_644, %dma_wait3A_650] : memref<2x6144xi32, #tpu.memory_space<vmem>> -> memref<1x6144xi32, #tpu.memory_space<vmem>>
    %dma_wait3A_652 = tpu.memref_squeeze %dma_wait3A_651 : memref<1x6144xi32, #tpu.memory_space<vmem>> -> memref<6144xi32, #tpu.memory_space<vmem>>
    %dma_wait3A_653 = arith.constant 43008 : i32
    %dma_wait3A_654 = tpu.memref_slice %arg2[%dma_wait3A_653] : memref<122880xi32, #tpu.memory_space<hbm>> -> memref<6144xi32, #tpu.memory_space<hbm>>
    tpu.wait_dma2 semaphore(%arg16 : memref<!tpu.dma_semaphore, #tpu.memory_space<semaphore_mem>>) src(%dma_wait3A_654 : memref<6144xi32, #tpu.memory_space<hbm>>) dst(%dma_wait3A_652 : memref<6144xi32, #tpu.memory_space<vmem>>)
    %dma_wait3A_655 = arith.constant 1 : i32
    %dma_wait3A_656 = arith.constant 0 : i32
    %dma_wait3A_657 = tpu.memref_slice %arg10[%dma_wait3A_655, %dma_wait3A_656] : memref<2x6144xi32, #tpu.memory_space<vmem>> -> memref<1x6144xi32, #tpu.memory_space<vmem>>
    %dma_wait3A_658 = tpu.memref_squeeze %dma_wait3A_657 : memref<1x6144xi32, #tpu.memory_space<vmem>> -> memref<6144xi32, #tpu.memory_space<vmem>>
    %dma_wait3A_659 = arith.constant 43008 : i32
    %dma_wait3A_660 = tpu.memref_slice %arg3[%dma_wait3A_659] : memref<122880xi32, #tpu.memory_space<hbm>> -> memref<6144xi32, #tpu.memory_space<hbm>>
    %dma_wait3A_661 = arith.constant 0 : i32
    %dma_wait3A_662 = tpu.memref_slice %arg10[%dma_wait3A_655, %dma_wait3A_661] : memref<2x6144xi32, #tpu.memory_space<vmem>> -> memref<1x6144xi32, #tpu.memory_space<vmem>>
    %dma_wait3A_663 = tpu.memref_squeeze %dma_wait3A_662 : memref<1x6144xi32, #tpu.memory_space<vmem>> -> memref<6144xi32, #tpu.memory_space<vmem>>
    %dma_wait3A_664 = arith.constant 43008 : i32
    %dma_wait3A_665 = tpu.memref_slice %arg3[%dma_wait3A_664] : memref<122880xi32, #tpu.memory_space<hbm>> -> memref<6144xi32, #tpu.memory_space<hbm>>
    tpu.wait_dma2 semaphore(%arg16 : memref<!tpu.dma_semaphore, #tpu.memory_space<semaphore_mem>>) src(%dma_wait3A_665 : memref<6144xi32, #tpu.memory_space<hbm>>) dst(%dma_wait3A_663 : memref<6144xi32, #tpu.memory_space<vmem>>)
    %dma_wait3A_666 = arith.constant 1 : i32
    %dma_wait3A_667 = arith.constant 0 : i32
    %dma_wait3A_668 = tpu.memref_slice %arg11[%dma_wait3A_666, %dma_wait3A_667] : memref<2x6144xi32, #tpu.memory_space<vmem>> -> memref<1x6144xi32, #tpu.memory_space<vmem>>
    %dma_wait3A_669 = tpu.memref_squeeze %dma_wait3A_668 : memref<1x6144xi32, #tpu.memory_space<vmem>> -> memref<6144xi32, #tpu.memory_space<vmem>>
    %dma_wait3A_670 = arith.constant 43008 : i32
    %dma_wait3A_671 = tpu.memref_slice %arg4[%dma_wait3A_670] : memref<122880xi32, #tpu.memory_space<hbm>> -> memref<6144xi32, #tpu.memory_space<hbm>>
    %dma_wait3A_672 = arith.constant 0 : i32
    %dma_wait3A_673 = tpu.memref_slice %arg11[%dma_wait3A_666, %dma_wait3A_672] : memref<2x6144xi32, #tpu.memory_space<vmem>> -> memref<1x6144xi32, #tpu.memory_space<vmem>>
    %dma_wait3A_674 = tpu.memref_squeeze %dma_wait3A_673 : memref<1x6144xi32, #tpu.memory_space<vmem>> -> memref<6144xi32, #tpu.memory_space<vmem>>
    %dma_wait3A_675 = arith.constant 43008 : i32
    %dma_wait3A_676 = tpu.memref_slice %arg4[%dma_wait3A_675] : memref<122880xi32, #tpu.memory_space<hbm>> -> memref<6144xi32, #tpu.memory_space<hbm>>
    tpu.wait_dma2 semaphore(%arg16 : memref<!tpu.dma_semaphore, #tpu.memory_space<semaphore_mem>>) src(%dma_wait3A_676 : memref<6144xi32, #tpu.memory_space<hbm>>) dst(%dma_wait3A_674 : memref<6144xi32, #tpu.memory_space<vmem>>)
    %scan3A_677 = arith.constant 1 : i32
    %scan3A_678 = arith.constant 1 : i32
    %scan3A_679 = arith.constant 1 : i32
    %scan3A_680 = arith.constant 0 : i32
    %scan3A_681 = arith.constant 0 : i32
    %scan3A_682 = arith.constant 384 : i32
    %scan3A_683 = arith.addi %scan3A_681, %scan3A_682 : i32
    %scan3A_684 = arith.constant 1 : i32
    %scan3A_685 = scf.for %scan3A_1575 = %scan3A_681 to %scan3A_683 step %scan3A_684 iter_args(%scan3A_1576 = %scan3A_680) -> (i32)  : i32 {
      %mul3A_1577 = arith.constant 16 : i32
      %mul3A_1578 = arith.muli %scan3A_1575, %mul3A_1577 : i32
      %get3A_1579 = arith.constant 0 : i32
      %get3A_1580 = tpu.memref_slice %arg9[%scan3A_677, %get3A_1579] : memref<2x6144xi32, #tpu.memory_space<vmem>> -> memref<1x6144xi32, #tpu.memory_space<vmem>>
      %get3A_1581 = tpu.memref_squeeze %get3A_1580 : memref<1x6144xi32, #tpu.memory_space<vmem>> -> memref<6144xi32, #tpu.memory_space<vmem>>
      %get3A_1582 = arith.index_cast %mul3A_1578 : i32 to index
      %get3A_1583 = tpu.vector_load %get3A_1581[%get3A_1582] {strides = array<i32>} : memref<6144xi32, #tpu.memory_space<vmem>>, vector<16xi32>,
      %get3A_1584 = arith.constant 0 : i32
      %get3A_1585 = tpu.memref_slice %arg10[%scan3A_678, %get3A_1584] : memref<2x6144xi32, #tpu.memory_space<vmem>> -> memref<1x6144xi32, #tpu.memory_space<vmem>>
      %get3A_1586 = tpu.memref_squeeze %get3A_1585 : memref<1x6144xi32, #tpu.memory_space<vmem>> -> memref<6144xi32, #tpu.memory_space<vmem>>
      %get3A_1587 = arith.index_cast %mul3A_1578 : i32 to index
      %get3A_1588 = tpu.vector_load %get3A_1586[%get3A_1587] {strides = array<i32>} : memref<6144xi32, #tpu.memory_space<vmem>>, vector<16xi32>,
      %get3A_1589 = arith.constant 0 : i32
      %get3A_1590 = tpu.memref_slice %arg11[%scan3A_679, %get3A_1589] : memref<2x6144xi32, #tpu.memory_space<vmem>> -> memref<1x6144xi32, #tpu.memory_space<vmem>>
      %get3A_1591 = tpu.memref_squeeze %get3A_1590 : memref<1x6144xi32, #tpu.memory_space<vmem>> -> memref<6144xi32, #tpu.memory_space<vmem>>
      %get3A_1592 = arith.index_cast %mul3A_1578 : i32 to index
      %get3A_1593 = tpu.vector_load %get3A_1591[%get3A_1592] {strides = array<i32>} : memref<6144xi32, #tpu.memory_space<vmem>>, vector<16xi32>,
      %eq3A_1594 = vector.broadcast %select_n3A : i32 to vector<16xi32>
      %eq3A_1595 = arith.cmpi eq, %get3A_1583, %eq3A_1594 : vector<16xi32>
      %lt3A_1596 = arith.cmpi slt, %get3A_1583, %get3A_47 : vector<16xi32>
      %and3A_1597 = arith.andi %eq3A_1595, %lt3A_1596 : vector<16xi1>
      %ge3A = vector.broadcast %mul3A_32 : i32 to vector<16xi32>
      %ge3A_1598 = arith.cmpi sge, %get3A_1593, %ge3A : vector<16xi32>
      %and3A_1599 = arith.andi %and3A_1597, %ge3A_1598 : vector<16xi1>
      %add3A_1600 = arith.constant 64 : i32
      %add3A_1601 = arith.addi %mul3A_32, %add3A_1600 : i32
      %lt3A_1602 = vector.broadcast %add3A_1601 : i32 to vector<16xi32>
      %lt3A_1603 = arith.cmpi slt, %get3A_1593, %lt3A_1602 : vector<16xi32>
      %and3A_1604 = arith.andi %and3A_1599, %lt3A_1603 : vector<16xi1>
      %sub3A_1605 = vector.broadcast %mul3A_32 : i32 to vector<16xi32>
      %sub3A_1606 = arith.subi %get3A_1593, %sub3A_1605 : vector<16xi32>
      %mul3A_1607 = arith.constant 512 : i32
      %mul3A_1608 = vector.broadcast %mul3A_1607 : i32 to vector<16xi32>
      %mul3A_1609 = arith.muli %sub3A_1606, %mul3A_1608 : vector<16xi32>
      %add3A_1610 = arith.addi %mul3A_1609, %get3A_1588 : vector<16xi32>
      %jit3A_1611 = arith.constant 0 : i32
      %broadcast_in_dim3A_1612 = vector.broadcast %jit3A_1611 : i32 to vector<16xi32>
      %select_n3A_1613 = arith.select %and3A_1604, %add3A_1610, %broadcast_in_dim3A_1612 : vector<16xi1>, vector<16xi32>
      %add3A_1614 = arith.constant 43008 : i32
      %add3A_1615 = arith.addi %add3A_1614, %mul3A_1578 : i32
      %add3A_1616 = vector.broadcast %add3A_1615 : i32 to vector<16xi32>
      %add3A_1617 = arith.addi %add3A_1616, %iota3A : vector<16xi32>
      %add3A_1618 = arith.constant 1 : i32
      %add3A_1619 = vector.broadcast %add3A_1618 : i32 to vector<16xi32>
      %add3A_1620 = arith.addi %add3A_1617, %add3A_1619 : vector<16xi32>
      tpu.vector_store_idx %arg13[%select_n3A_1613], %add3A_1620 masked %and3A_1604 : memref<32768xi32, #tpu.memory_space<vmem>>[vector<16xi32>], vector<16xi32>, vector<16xi1>
      %scan3A_1621 = arith.constant 0 : i32
      scf.yield %scan3A_1621 : i32
    }
    %scan3A_686 = arith.constant 384 : i32
    %dma_start3A_687 = arith.constant 1 : i32
    %dma_start3A_688 = arith.constant 0 : i32
    %dma_start3A_689 = tpu.memref_slice %arg9[%dma_start3A_687, %dma_start3A_688] : memref<2x6144xi32, #tpu.memory_space<vmem>> -> memref<1x6144xi32, #tpu.memory_space<vmem>>
    %dma_start3A_690 = tpu.memref_squeeze %dma_start3A_689 : memref<1x6144xi32, #tpu.memory_space<vmem>> -> memref<6144xi32, #tpu.memory_space<vmem>>
    %dma_start3A_691 = arith.constant 55296 : i32
    %dma_start3A_692 = tpu.memref_slice %arg2[%dma_start3A_691] : memref<122880xi32, #tpu.memory_space<hbm>> -> memref<6144xi32, #tpu.memory_space<hbm>>
    %dma_start3A_693 = arith.constant 0 : i32
    %dma_start3A_694 = tpu.memref_slice %arg9[%dma_start3A_687, %dma_start3A_693] : memref<2x6144xi32, #tpu.memory_space<vmem>> -> memref<1x6144xi32, #tpu.memory_space<vmem>>
    %dma_start3A_695 = tpu.memref_squeeze %dma_start3A_694 : memref<1x6144xi32, #tpu.memory_space<vmem>> -> memref<6144xi32, #tpu.memory_space<vmem>>
    %dma_start3A_696 = arith.constant 55296 : i32
    %dma_start3A_697 = tpu.memref_slice %arg2[%dma_start3A_696] : memref<122880xi32, #tpu.memory_space<hbm>> -> memref<6144xi32, #tpu.memory_space<hbm>>
    tpu.enqueue_dma source(%dma_start3A_697 : memref<6144xi32, #tpu.memory_space<hbm>>) target(%dma_start3A_695 : memref<6144xi32, #tpu.memory_space<vmem>>) target_semaphore(%arg16 : memref<!tpu.dma_semaphore, #tpu.memory_space<semaphore_mem>>)
    %dma_start3A_698 = arith.constant 1 : i32
    %dma_start3A_699 = arith.constant 0 : i32
    %dma_start3A_700 = tpu.memref_slice %arg10[%dma_start3A_698, %dma_start3A_699] : memref<2x6144xi32, #tpu.memory_space<vmem>> -> memref<1x6144xi32, #tpu.memory_space<vmem>>
    %dma_start3A_701 = tpu.memref_squeeze %dma_start3A_700 : memref<1x6144xi32, #tpu.memory_space<vmem>> -> memref<6144xi32, #tpu.memory_space<vmem>>
    %dma_start3A_702 = arith.constant 55296 : i32
    %dma_start3A_703 = tpu.memref_slice %arg3[%dma_start3A_702] : memref<122880xi32, #tpu.memory_space<hbm>> -> memref<6144xi32, #tpu.memory_space<hbm>>
    %dma_start3A_704 = arith.constant 0 : i32
    %dma_start3A_705 = tpu.memref_slice %arg10[%dma_start3A_698, %dma_start3A_704] : memref<2x6144xi32, #tpu.memory_space<vmem>> -> memref<1x6144xi32, #tpu.memory_space<vmem>>
    %dma_start3A_706 = tpu.memref_squeeze %dma_start3A_705 : memref<1x6144xi32, #tpu.memory_space<vmem>> -> memref<6144xi32, #tpu.memory_space<vmem>>
    %dma_start3A_707 = arith.constant 55296 : i32
    %dma_start3A_708 = tpu.memref_slice %arg3[%dma_start3A_707] : memref<122880xi32, #tpu.memory_space<hbm>> -> memref<6144xi32, #tpu.memory_space<hbm>>
    tpu.enqueue_dma source(%dma_start3A_708 : memref<6144xi32, #tpu.memory_space<hbm>>) target(%dma_start3A_706 : memref<6144xi32, #tpu.memory_space<vmem>>) target_semaphore(%arg16 : memref<!tpu.dma_semaphore, #tpu.memory_space<semaphore_mem>>)
    %dma_start3A_709 = arith.constant 1 : i32
    %dma_start3A_710 = arith.constant 0 : i32
    %dma_start3A_711 = tpu.memref_slice %arg11[%dma_start3A_709, %dma_start3A_710] : memref<2x6144xi32, #tpu.memory_space<vmem>> -> memref<1x6144xi32, #tpu.memory_space<vmem>>
    %dma_start3A_712 = tpu.memref_squeeze %dma_start3A_711 : memref<1x6144xi32, #tpu.memory_space<vmem>> -> memref<6144xi32, #tpu.memory_space<vmem>>
    %dma_start3A_713 = arith.constant 55296 : i32
    %dma_start3A_714 = tpu.memref_slice %arg4[%dma_start3A_713] : memref<122880xi32, #tpu.memory_space<hbm>> -> memref<6144xi32, #tpu.memory_space<hbm>>
    %dma_start3A_715 = arith.constant 0 : i32
    %dma_start3A_716 = tpu.memref_slice %arg11[%dma_start3A_709, %dma_start3A_715] : memref<2x6144xi32, #tpu.memory_space<vmem>> -> memref<1x6144xi32, #tpu.memory_space<vmem>>
    %dma_start3A_717 = tpu.memref_squeeze %dma_start3A_716 : memref<1x6144xi32, #tpu.memory_space<vmem>> -> memref<6144xi32, #tpu.memory_space<vmem>>
    %dma_start3A_718 = arith.constant 55296 : i32
    %dma_start3A_719 = tpu.memref_slice %arg4[%dma_start3A_718] : memref<122880xi32, #tpu.memory_space<hbm>> -> memref<6144xi32, #tpu.memory_space<hbm>>
    tpu.enqueue_dma source(%dma_start3A_719 : memref<6144xi32, #tpu.memory_space<hbm>>) target(%dma_start3A_717 : memref<6144xi32, #tpu.memory_space<vmem>>) target_semaphore(%arg16 : memref<!tpu.dma_semaphore, #tpu.memory_space<semaphore_mem>>)
    %dma_wait3A_720 = arith.constant 0 : i32
    %dma_wait3A_721 = arith.constant 0 : i32
    %dma_wait3A_722 = tpu.memref_slice %arg9[%dma_wait3A_720, %dma_wait3A_721] : memref<2x6144xi32, #tpu.memory_space<vmem>> -> memref<1x6144xi32, #tpu.memory_space<vmem>>
    %dma_wait3A_723 = tpu.memref_squeeze %dma_wait3A_722 : memref<1x6144xi32, #tpu.memory_space<vmem>> -> memref<6144xi32, #tpu.memory_space<vmem>>
    %dma_wait3A_724 = arith.constant 49152 : i32
    %dma_wait3A_725 = tpu.memref_slice %arg2[%dma_wait3A_724] : memref<122880xi32, #tpu.memory_space<hbm>> -> memref<6144xi32, #tpu.memory_space<hbm>>
    %dma_wait3A_726 = arith.constant 0 : i32
    %dma_wait3A_727 = tpu.memref_slice %arg9[%dma_wait3A_720, %dma_wait3A_726] : memref<2x6144xi32, #tpu.memory_space<vmem>> -> memref<1x6144xi32, #tpu.memory_space<vmem>>
    %dma_wait3A_728 = tpu.memref_squeeze %dma_wait3A_727 : memref<1x6144xi32, #tpu.memory_space<vmem>> -> memref<6144xi32, #tpu.memory_space<vmem>>
    %dma_wait3A_729 = arith.constant 49152 : i32
    %dma_wait3A_730 = tpu.memref_slice %arg2[%dma_wait3A_729] : memref<122880xi32, #tpu.memory_space<hbm>> -> memref<6144xi32, #tpu.memory_space<hbm>>
    tpu.wait_dma2 semaphore(%arg16 : memref<!tpu.dma_semaphore, #tpu.memory_space<semaphore_mem>>) src(%dma_wait3A_730 : memref<6144xi32, #tpu.memory_space<hbm>>) dst(%dma_wait3A_728 : memref<6144xi32, #tpu.memory_space<vmem>>)
    %dma_wait3A_731 = arith.constant 0 : i32
    %dma_wait3A_732 = arith.constant 0 : i32
    %dma_wait3A_733 = tpu.memref_slice %arg10[%dma_wait3A_731, %dma_wait3A_732] : memref<2x6144xi32, #tpu.memory_space<vmem>> -> memref<1x6144xi32, #tpu.memory_space<vmem>>
    %dma_wait3A_734 = tpu.memref_squeeze %dma_wait3A_733 : memref<1x6144xi32, #tpu.memory_space<vmem>> -> memref<6144xi32, #tpu.memory_space<vmem>>
    %dma_wait3A_735 = arith.constant 49152 : i32
    %dma_wait3A_736 = tpu.memref_slice %arg3[%dma_wait3A_735] : memref<122880xi32, #tpu.memory_space<hbm>> -> memref<6144xi32, #tpu.memory_space<hbm>>
    %dma_wait3A_737 = arith.constant 0 : i32
    %dma_wait3A_738 = tpu.memref_slice %arg10[%dma_wait3A_731, %dma_wait3A_737] : memref<2x6144xi32, #tpu.memory_space<vmem>> -> memref<1x6144xi32, #tpu.memory_space<vmem>>
    %dma_wait3A_739 = tpu.memref_squeeze %dma_wait3A_738 : memref<1x6144xi32, #tpu.memory_space<vmem>> -> memref<6144xi32, #tpu.memory_space<vmem>>
    %dma_wait3A_740 = arith.constant 49152 : i32
    %dma_wait3A_741 = tpu.memref_slice %arg3[%dma_wait3A_740] : memref<122880xi32, #tpu.memory_space<hbm>> -> memref<6144xi32, #tpu.memory_space<hbm>>
    tpu.wait_dma2 semaphore(%arg16 : memref<!tpu.dma_semaphore, #tpu.memory_space<semaphore_mem>>) src(%dma_wait3A_741 : memref<6144xi32, #tpu.memory_space<hbm>>) dst(%dma_wait3A_739 : memref<6144xi32, #tpu.memory_space<vmem>>)
    %dma_wait3A_742 = arith.constant 0 : i32
    %dma_wait3A_743 = arith.constant 0 : i32
    %dma_wait3A_744 = tpu.memref_slice %arg11[%dma_wait3A_742, %dma_wait3A_743] : memref<2x6144xi32, #tpu.memory_space<vmem>> -> memref<1x6144xi32, #tpu.memory_space<vmem>>
    %dma_wait3A_745 = tpu.memref_squeeze %dma_wait3A_744 : memref<1x6144xi32, #tpu.memory_space<vmem>> -> memref<6144xi32, #tpu.memory_space<vmem>>
    %dma_wait3A_746 = arith.constant 49152 : i32
    %dma_wait3A_747 = tpu.memref_slice %arg4[%dma_wait3A_746] : memref<122880xi32, #tpu.memory_space<hbm>> -> memref<6144xi32, #tpu.memory_space<hbm>>
    %dma_wait3A_748 = arith.constant 0 : i32
    %dma_wait3A_749 = tpu.memref_slice %arg11[%dma_wait3A_742, %dma_wait3A_748] : memref<2x6144xi32, #tpu.memory_space<vmem>> -> memref<1x6144xi32, #tpu.memory_space<vmem>>
    %dma_wait3A_750 = tpu.memref_squeeze %dma_wait3A_749 : memref<1x6144xi32, #tpu.memory_space<vmem>> -> memref<6144xi32, #tpu.memory_space<vmem>>
    %dma_wait3A_751 = arith.constant 49152 : i32
    %dma_wait3A_752 = tpu.memref_slice %arg4[%dma_wait3A_751] : memref<122880xi32, #tpu.memory_space<hbm>> -> memref<6144xi32, #tpu.memory_space<hbm>>
    tpu.wait_dma2 semaphore(%arg16 : memref<!tpu.dma_semaphore, #tpu.memory_space<semaphore_mem>>) src(%dma_wait3A_752 : memref<6144xi32, #tpu.memory_space<hbm>>) dst(%dma_wait3A_750 : memref<6144xi32, #tpu.memory_space<vmem>>)
    %scan3A_753 = arith.constant 0 : i32
    %scan3A_754 = arith.constant 0 : i32
    %scan3A_755 = arith.constant 0 : i32
    %scan3A_756 = arith.constant 0 : i32
    %scan3A_757 = arith.constant 0 : i32
    %scan3A_758 = arith.constant 384 : i32
    %scan3A_759 = arith.addi %scan3A_757, %scan3A_758 : i32
    %scan3A_760 = arith.constant 1 : i32
    %scan3A_761 = scf.for %scan3A_1575 = %scan3A_757 to %scan3A_759 step %scan3A_760 iter_args(%scan3A_1576 = %scan3A_756) -> (i32)  : i32 {
      %mul3A_1577 = arith.constant 16 : i32
      %mul3A_1578 = arith.muli %scan3A_1575, %mul3A_1577 : i32
      %get3A_1579 = arith.constant 0 : i32
      %get3A_1580 = tpu.memref_slice %arg9[%scan3A_753, %get3A_1579] : memref<2x6144xi32, #tpu.memory_space<vmem>> -> memref<1x6144xi32, #tpu.memory_space<vmem>>
      %get3A_1581 = tpu.memref_squeeze %get3A_1580 : memref<1x6144xi32, #tpu.memory_space<vmem>> -> memref<6144xi32, #tpu.memory_space<vmem>>
      %get3A_1582 = arith.index_cast %mul3A_1578 : i32 to index
      %get3A_1583 = tpu.vector_load %get3A_1581[%get3A_1582] {strides = array<i32>} : memref<6144xi32, #tpu.memory_space<vmem>>, vector<16xi32>,
      %get3A_1584 = arith.constant 0 : i32
      %get3A_1585 = tpu.memref_slice %arg10[%scan3A_754, %get3A_1584] : memref<2x6144xi32, #tpu.memory_space<vmem>> -> memref<1x6144xi32, #tpu.memory_space<vmem>>
      %get3A_1586 = tpu.memref_squeeze %get3A_1585 : memref<1x6144xi32, #tpu.memory_space<vmem>> -> memref<6144xi32, #tpu.memory_space<vmem>>
      %get3A_1587 = arith.index_cast %mul3A_1578 : i32 to index
      %get3A_1588 = tpu.vector_load %get3A_1586[%get3A_1587] {strides = array<i32>} : memref<6144xi32, #tpu.memory_space<vmem>>, vector<16xi32>,
      %get3A_1589 = arith.constant 0 : i32
      %get3A_1590 = tpu.memref_slice %arg11[%scan3A_755, %get3A_1589] : memref<2x6144xi32, #tpu.memory_space<vmem>> -> memref<1x6144xi32, #tpu.memory_space<vmem>>
      %get3A_1591 = tpu.memref_squeeze %get3A_1590 : memref<1x6144xi32, #tpu.memory_space<vmem>> -> memref<6144xi32, #tpu.memory_space<vmem>>
      %get3A_1592 = arith.index_cast %mul3A_1578 : i32 to index
      %get3A_1593 = tpu.vector_load %get3A_1591[%get3A_1592] {strides = array<i32>} : memref<6144xi32, #tpu.memory_space<vmem>>, vector<16xi32>,
      %eq3A_1594 = vector.broadcast %select_n3A : i32 to vector<16xi32>
      %eq3A_1595 = arith.cmpi eq, %get3A_1583, %eq3A_1594 : vector<16xi32>
      %lt3A_1596 = arith.cmpi slt, %get3A_1583, %get3A_47 : vector<16xi32>
      %and3A_1597 = arith.andi %eq3A_1595, %lt3A_1596 : vector<16xi1>
      %ge3A = vector.broadcast %mul3A_32 : i32 to vector<16xi32>
      %ge3A_1598 = arith.cmpi sge, %get3A_1593, %ge3A : vector<16xi32>
      %and3A_1599 = arith.andi %and3A_1597, %ge3A_1598 : vector<16xi1>
      %add3A_1600 = arith.constant 64 : i32
      %add3A_1601 = arith.addi %mul3A_32, %add3A_1600 : i32
      %lt3A_1602 = vector.broadcast %add3A_1601 : i32 to vector<16xi32>
      %lt3A_1603 = arith.cmpi slt, %get3A_1593, %lt3A_1602 : vector<16xi32>
      %and3A_1604 = arith.andi %and3A_1599, %lt3A_1603 : vector<16xi1>
      %sub3A_1605 = vector.broadcast %mul3A_32 : i32 to vector<16xi32>
      %sub3A_1606 = arith.subi %get3A_1593, %sub3A_1605 : vector<16xi32>
      %mul3A_1607 = arith.constant 512 : i32
      %mul3A_1608 = vector.broadcast %mul3A_1607 : i32 to vector<16xi32>
      %mul3A_1609 = arith.muli %sub3A_1606, %mul3A_1608 : vector<16xi32>
      %add3A_1610 = arith.addi %mul3A_1609, %get3A_1588 : vector<16xi32>
      %jit3A_1611 = arith.constant 0 : i32
      %broadcast_in_dim3A_1612 = vector.broadcast %jit3A_1611 : i32 to vector<16xi32>
      %select_n3A_1613 = arith.select %and3A_1604, %add3A_1610, %broadcast_in_dim3A_1612 : vector<16xi1>, vector<16xi32>
      %add3A_1614 = arith.constant 49152 : i32
      %add3A_1615 = arith.addi %add3A_1614, %mul3A_1578 : i32
      %add3A_1616 = vector.broadcast %add3A_1615 : i32 to vector<16xi32>
      %add3A_1617 = arith.addi %add3A_1616, %iota3A : vector<16xi32>
      %add3A_1618 = arith.constant 1 : i32
      %add3A_1619 = vector.broadcast %add3A_1618 : i32 to vector<16xi32>
      %add3A_1620 = arith.addi %add3A_1617, %add3A_1619 : vector<16xi32>
      tpu.vector_store_idx %arg13[%select_n3A_1613], %add3A_1620 masked %and3A_1604 : memref<32768xi32, #tpu.memory_space<vmem>>[vector<16xi32>], vector<16xi32>, vector<16xi1>
      %scan3A_1621 = arith.constant 0 : i32
      scf.yield %scan3A_1621 : i32
    }
    %scan3A_762 = arith.constant 384 : i32
    %dma_start3A_763 = arith.constant 0 : i32
    %dma_start3A_764 = arith.constant 0 : i32
    %dma_start3A_765 = tpu.memref_slice %arg9[%dma_start3A_763, %dma_start3A_764] : memref<2x6144xi32, #tpu.memory_space<vmem>> -> memref<1x6144xi32, #tpu.memory_space<vmem>>
    %dma_start3A_766 = tpu.memref_squeeze %dma_start3A_765 : memref<1x6144xi32, #tpu.memory_space<vmem>> -> memref<6144xi32, #tpu.memory_space<vmem>>
    %dma_start3A_767 = arith.constant 61440 : i32
    %dma_start3A_768 = tpu.memref_slice %arg2[%dma_start3A_767] : memref<122880xi32, #tpu.memory_space<hbm>> -> memref<6144xi32, #tpu.memory_space<hbm>>
    %dma_start3A_769 = arith.constant 0 : i32
    %dma_start3A_770 = tpu.memref_slice %arg9[%dma_start3A_763, %dma_start3A_769] : memref<2x6144xi32, #tpu.memory_space<vmem>> -> memref<1x6144xi32, #tpu.memory_space<vmem>>
    %dma_start3A_771 = tpu.memref_squeeze %dma_start3A_770 : memref<1x6144xi32, #tpu.memory_space<vmem>> -> memref<6144xi32, #tpu.memory_space<vmem>>
    %dma_start3A_772 = arith.constant 61440 : i32
    %dma_start3A_773 = tpu.memref_slice %arg2[%dma_start3A_772] : memref<122880xi32, #tpu.memory_space<hbm>> -> memref<6144xi32, #tpu.memory_space<hbm>>
    tpu.enqueue_dma source(%dma_start3A_773 : memref<6144xi32, #tpu.memory_space<hbm>>) target(%dma_start3A_771 : memref<6144xi32, #tpu.memory_space<vmem>>) target_semaphore(%arg16 : memref<!tpu.dma_semaphore, #tpu.memory_space<semaphore_mem>>)
    %dma_start3A_774 = arith.constant 0 : i32
    %dma_start3A_775 = arith.constant 0 : i32
    %dma_start3A_776 = tpu.memref_slice %arg10[%dma_start3A_774, %dma_start3A_775] : memref<2x6144xi32, #tpu.memory_space<vmem>> -> memref<1x6144xi32, #tpu.memory_space<vmem>>
    %dma_start3A_777 = tpu.memref_squeeze %dma_start3A_776 : memref<1x6144xi32, #tpu.memory_space<vmem>> -> memref<6144xi32, #tpu.memory_space<vmem>>
    %dma_start3A_778 = arith.constant 61440 : i32
    %dma_start3A_779 = tpu.memref_slice %arg3[%dma_start3A_778] : memref<122880xi32, #tpu.memory_space<hbm>> -> memref<6144xi32, #tpu.memory_space<hbm>>
    %dma_start3A_780 = arith.constant 0 : i32
    %dma_start3A_781 = tpu.memref_slice %arg10[%dma_start3A_774, %dma_start3A_780] : memref<2x6144xi32, #tpu.memory_space<vmem>> -> memref<1x6144xi32, #tpu.memory_space<vmem>>
    %dma_start3A_782 = tpu.memref_squeeze %dma_start3A_781 : memref<1x6144xi32, #tpu.memory_space<vmem>> -> memref<6144xi32, #tpu.memory_space<vmem>>
    %dma_start3A_783 = arith.constant 61440 : i32
    %dma_start3A_784 = tpu.memref_slice %arg3[%dma_start3A_783] : memref<122880xi32, #tpu.memory_space<hbm>> -> memref<6144xi32, #tpu.memory_space<hbm>>
    tpu.enqueue_dma source(%dma_start3A_784 : memref<6144xi32, #tpu.memory_space<hbm>>) target(%dma_start3A_782 : memref<6144xi32, #tpu.memory_space<vmem>>) target_semaphore(%arg16 : memref<!tpu.dma_semaphore, #tpu.memory_space<semaphore_mem>>)
    %dma_start3A_785 = arith.constant 0 : i32
    %dma_start3A_786 = arith.constant 0 : i32
    %dma_start3A_787 = tpu.memref_slice %arg11[%dma_start3A_785, %dma_start3A_786] : memref<2x6144xi32, #tpu.memory_space<vmem>> -> memref<1x6144xi32, #tpu.memory_space<vmem>>
    %dma_start3A_788 = tpu.memref_squeeze %dma_start3A_787 : memref<1x6144xi32, #tpu.memory_space<vmem>> -> memref<6144xi32, #tpu.memory_space<vmem>>
    %dma_start3A_789 = arith.constant 61440 : i32
    %dma_start3A_790 = tpu.memref_slice %arg4[%dma_start3A_789] : memref<122880xi32, #tpu.memory_space<hbm>> -> memref<6144xi32, #tpu.memory_space<hbm>>
    %dma_start3A_791 = arith.constant 0 : i32
    %dma_start3A_792 = tpu.memref_slice %arg11[%dma_start3A_785, %dma_start3A_791] : memref<2x6144xi32, #tpu.memory_space<vmem>> -> memref<1x6144xi32, #tpu.memory_space<vmem>>
    %dma_start3A_793 = tpu.memref_squeeze %dma_start3A_792 : memref<1x6144xi32, #tpu.memory_space<vmem>> -> memref<6144xi32, #tpu.memory_space<vmem>>
    %dma_start3A_794 = arith.constant 61440 : i32
    %dma_start3A_795 = tpu.memref_slice %arg4[%dma_start3A_794] : memref<122880xi32, #tpu.memory_space<hbm>> -> memref<6144xi32, #tpu.memory_space<hbm>>
    tpu.enqueue_dma source(%dma_start3A_795 : memref<6144xi32, #tpu.memory_space<hbm>>) target(%dma_start3A_793 : memref<6144xi32, #tpu.memory_space<vmem>>) target_semaphore(%arg16 : memref<!tpu.dma_semaphore, #tpu.memory_space<semaphore_mem>>)
    %dma_wait3A_796 = arith.constant 1 : i32
    %dma_wait3A_797 = arith.constant 0 : i32
    %dma_wait3A_798 = tpu.memref_slice %arg9[%dma_wait3A_796, %dma_wait3A_797] : memref<2x6144xi32, #tpu.memory_space<vmem>> -> memref<1x6144xi32, #tpu.memory_space<vmem>>
    %dma_wait3A_799 = tpu.memref_squeeze %dma_wait3A_798 : memref<1x6144xi32, #tpu.memory_space<vmem>> -> memref<6144xi32, #tpu.memory_space<vmem>>
    %dma_wait3A_800 = arith.constant 55296 : i32
    %dma_wait3A_801 = tpu.memref_slice %arg2[%dma_wait3A_800] : memref<122880xi32, #tpu.memory_space<hbm>> -> memref<6144xi32, #tpu.memory_space<hbm>>
    %dma_wait3A_802 = arith.constant 0 : i32
    %dma_wait3A_803 = tpu.memref_slice %arg9[%dma_wait3A_796, %dma_wait3A_802] : memref<2x6144xi32, #tpu.memory_space<vmem>> -> memref<1x6144xi32, #tpu.memory_space<vmem>>
    %dma_wait3A_804 = tpu.memref_squeeze %dma_wait3A_803 : memref<1x6144xi32, #tpu.memory_space<vmem>> -> memref<6144xi32, #tpu.memory_space<vmem>>
    %dma_wait3A_805 = arith.constant 55296 : i32
    %dma_wait3A_806 = tpu.memref_slice %arg2[%dma_wait3A_805] : memref<122880xi32, #tpu.memory_space<hbm>> -> memref<6144xi32, #tpu.memory_space<hbm>>
    tpu.wait_dma2 semaphore(%arg16 : memref<!tpu.dma_semaphore, #tpu.memory_space<semaphore_mem>>) src(%dma_wait3A_806 : memref<6144xi32, #tpu.memory_space<hbm>>) dst(%dma_wait3A_804 : memref<6144xi32, #tpu.memory_space<vmem>>)
    %dma_wait3A_807 = arith.constant 1 : i32
    %dma_wait3A_808 = arith.constant 0 : i32
    %dma_wait3A_809 = tpu.memref_slice %arg10[%dma_wait3A_807, %dma_wait3A_808] : memref<2x6144xi32, #tpu.memory_space<vmem>> -> memref<1x6144xi32, #tpu.memory_space<vmem>>
    %dma_wait3A_810 = tpu.memref_squeeze %dma_wait3A_809 : memref<1x6144xi32, #tpu.memory_space<vmem>> -> memref<6144xi32, #tpu.memory_space<vmem>>
    %dma_wait3A_811 = arith.constant 55296 : i32
    %dma_wait3A_812 = tpu.memref_slice %arg3[%dma_wait3A_811] : memref<122880xi32, #tpu.memory_space<hbm>> -> memref<6144xi32, #tpu.memory_space<hbm>>
    %dma_wait3A_813 = arith.constant 0 : i32
    %dma_wait3A_814 = tpu.memref_slice %arg10[%dma_wait3A_807, %dma_wait3A_813] : memref<2x6144xi32, #tpu.memory_space<vmem>> -> memref<1x6144xi32, #tpu.memory_space<vmem>>
    %dma_wait3A_815 = tpu.memref_squeeze %dma_wait3A_814 : memref<1x6144xi32, #tpu.memory_space<vmem>> -> memref<6144xi32, #tpu.memory_space<vmem>>
    %dma_wait3A_816 = arith.constant 55296 : i32
    %dma_wait3A_817 = tpu.memref_slice %arg3[%dma_wait3A_816] : memref<122880xi32, #tpu.memory_space<hbm>> -> memref<6144xi32, #tpu.memory_space<hbm>>
    tpu.wait_dma2 semaphore(%arg16 : memref<!tpu.dma_semaphore, #tpu.memory_space<semaphore_mem>>) src(%dma_wait3A_817 : memref<6144xi32, #tpu.memory_space<hbm>>) dst(%dma_wait3A_815 : memref<6144xi32, #tpu.memory_space<vmem>>)
    %dma_wait3A_818 = arith.constant 1 : i32
    %dma_wait3A_819 = arith.constant 0 : i32
    %dma_wait3A_820 = tpu.memref_slice %arg11[%dma_wait3A_818, %dma_wait3A_819] : memref<2x6144xi32, #tpu.memory_space<vmem>> -> memref<1x6144xi32, #tpu.memory_space<vmem>>
    %dma_wait3A_821 = tpu.memref_squeeze %dma_wait3A_820 : memref<1x6144xi32, #tpu.memory_space<vmem>> -> memref<6144xi32, #tpu.memory_space<vmem>>
    %dma_wait3A_822 = arith.constant 55296 : i32
    %dma_wait3A_823 = tpu.memref_slice %arg4[%dma_wait3A_822] : memref<122880xi32, #tpu.memory_space<hbm>> -> memref<6144xi32, #tpu.memory_space<hbm>>
    %dma_wait3A_824 = arith.constant 0 : i32
    %dma_wait3A_825 = tpu.memref_slice %arg11[%dma_wait3A_818, %dma_wait3A_824] : memref<2x6144xi32, #tpu.memory_space<vmem>> -> memref<1x6144xi32, #tpu.memory_space<vmem>>
    %dma_wait3A_826 = tpu.memref_squeeze %dma_wait3A_825 : memref<1x6144xi32, #tpu.memory_space<vmem>> -> memref<6144xi32, #tpu.memory_space<vmem>>
    %dma_wait3A_827 = arith.constant 55296 : i32
    %dma_wait3A_828 = tpu.memref_slice %arg4[%dma_wait3A_827] : memref<122880xi32, #tpu.memory_space<hbm>> -> memref<6144xi32, #tpu.memory_space<hbm>>
    tpu.wait_dma2 semaphore(%arg16 : memref<!tpu.dma_semaphore, #tpu.memory_space<semaphore_mem>>) src(%dma_wait3A_828 : memref<6144xi32, #tpu.memory_space<hbm>>) dst(%dma_wait3A_826 : memref<6144xi32, #tpu.memory_space<vmem>>)
    %scan3A_829 = arith.constant 1 : i32
    %scan3A_830 = arith.constant 1 : i32
    %scan3A_831 = arith.constant 1 : i32
    %scan3A_832 = arith.constant 0 : i32
    %scan3A_833 = arith.constant 0 : i32
    %scan3A_834 = arith.constant 384 : i32
    %scan3A_835 = arith.addi %scan3A_833, %scan3A_834 : i32
    %scan3A_836 = arith.constant 1 : i32
    %scan3A_837 = scf.for %scan3A_1575 = %scan3A_833 to %scan3A_835 step %scan3A_836 iter_args(%scan3A_1576 = %scan3A_832) -> (i32)  : i32 {
      %mul3A_1577 = arith.constant 16 : i32
      %mul3A_1578 = arith.muli %scan3A_1575, %mul3A_1577 : i32
      %get3A_1579 = arith.constant 0 : i32
      %get3A_1580 = tpu.memref_slice %arg9[%scan3A_829, %get3A_1579] : memref<2x6144xi32, #tpu.memory_space<vmem>> -> memref<1x6144xi32, #tpu.memory_space<vmem>>
      %get3A_1581 = tpu.memref_squeeze %get3A_1580 : memref<1x6144xi32, #tpu.memory_space<vmem>> -> memref<6144xi32, #tpu.memory_space<vmem>>
      %get3A_1582 = arith.index_cast %mul3A_1578 : i32 to index
      %get3A_1583 = tpu.vector_load %get3A_1581[%get3A_1582] {strides = array<i32>} : memref<6144xi32, #tpu.memory_space<vmem>>, vector<16xi32>,
      %get3A_1584 = arith.constant 0 : i32
      %get3A_1585 = tpu.memref_slice %arg10[%scan3A_830, %get3A_1584] : memref<2x6144xi32, #tpu.memory_space<vmem>> -> memref<1x6144xi32, #tpu.memory_space<vmem>>
      %get3A_1586 = tpu.memref_squeeze %get3A_1585 : memref<1x6144xi32, #tpu.memory_space<vmem>> -> memref<6144xi32, #tpu.memory_space<vmem>>
      %get3A_1587 = arith.index_cast %mul3A_1578 : i32 to index
      %get3A_1588 = tpu.vector_load %get3A_1586[%get3A_1587] {strides = array<i32>} : memref<6144xi32, #tpu.memory_space<vmem>>, vector<16xi32>,
      %get3A_1589 = arith.constant 0 : i32
      %get3A_1590 = tpu.memref_slice %arg11[%scan3A_831, %get3A_1589] : memref<2x6144xi32, #tpu.memory_space<vmem>> -> memref<1x6144xi32, #tpu.memory_space<vmem>>
      %get3A_1591 = tpu.memref_squeeze %get3A_1590 : memref<1x6144xi32, #tpu.memory_space<vmem>> -> memref<6144xi32, #tpu.memory_space<vmem>>
      %get3A_1592 = arith.index_cast %mul3A_1578 : i32 to index
      %get3A_1593 = tpu.vector_load %get3A_1591[%get3A_1592] {strides = array<i32>} : memref<6144xi32, #tpu.memory_space<vmem>>, vector<16xi32>,
      %eq3A_1594 = vector.broadcast %select_n3A : i32 to vector<16xi32>
      %eq3A_1595 = arith.cmpi eq, %get3A_1583, %eq3A_1594 : vector<16xi32>
      %lt3A_1596 = arith.cmpi slt, %get3A_1583, %get3A_47 : vector<16xi32>
      %and3A_1597 = arith.andi %eq3A_1595, %lt3A_1596 : vector<16xi1>
      %ge3A = vector.broadcast %mul3A_32 : i32 to vector<16xi32>
      %ge3A_1598 = arith.cmpi sge, %get3A_1593, %ge3A : vector<16xi32>
      %and3A_1599 = arith.andi %and3A_1597, %ge3A_1598 : vector<16xi1>
      %add3A_1600 = arith.constant 64 : i32
      %add3A_1601 = arith.addi %mul3A_32, %add3A_1600 : i32
      %lt3A_1602 = vector.broadcast %add3A_1601 : i32 to vector<16xi32>
      %lt3A_1603 = arith.cmpi slt, %get3A_1593, %lt3A_1602 : vector<16xi32>
      %and3A_1604 = arith.andi %and3A_1599, %lt3A_1603 : vector<16xi1>
      %sub3A_1605 = vector.broadcast %mul3A_32 : i32 to vector<16xi32>
      %sub3A_1606 = arith.subi %get3A_1593, %sub3A_1605 : vector<16xi32>
      %mul3A_1607 = arith.constant 512 : i32
      %mul3A_1608 = vector.broadcast %mul3A_1607 : i32 to vector<16xi32>
      %mul3A_1609 = arith.muli %sub3A_1606, %mul3A_1608 : vector<16xi32>
      %add3A_1610 = arith.addi %mul3A_1609, %get3A_1588 : vector<16xi32>
      %jit3A_1611 = arith.constant 0 : i32
      %broadcast_in_dim3A_1612 = vector.broadcast %jit3A_1611 : i32 to vector<16xi32>
      %select_n3A_1613 = arith.select %and3A_1604, %add3A_1610, %broadcast_in_dim3A_1612 : vector<16xi1>, vector<16xi32>
      %add3A_1614 = arith.constant 55296 : i32
      %add3A_1615 = arith.addi %add3A_1614, %mul3A_1578 : i32
      %add3A_1616 = vector.broadcast %add3A_1615 : i32 to vector<16xi32>
      %add3A_1617 = arith.addi %add3A_1616, %iota3A : vector<16xi32>
      %add3A_1618 = arith.constant 1 : i32
      %add3A_1619 = vector.broadcast %add3A_1618 : i32 to vector<16xi32>
      %add3A_1620 = arith.addi %add3A_1617, %add3A_1619 : vector<16xi32>
      tpu.vector_store_idx %arg13[%select_n3A_1613], %add3A_1620 masked %and3A_1604 : memref<32768xi32, #tpu.memory_space<vmem>>[vector<16xi32>], vector<16xi32>, vector<16xi1>
      %scan3A_1621 = arith.constant 0 : i32
      scf.yield %scan3A_1621 : i32
    }
    %scan3A_838 = arith.constant 384 : i32
    %dma_start3A_839 = arith.constant 1 : i32
    %dma_start3A_840 = arith.constant 0 : i32
    %dma_start3A_841 = tpu.memref_slice %arg9[%dma_start3A_839, %dma_start3A_840] : memref<2x6144xi32, #tpu.memory_space<vmem>> -> memref<1x6144xi32, #tpu.memory_space<vmem>>
    %dma_start3A_842 = tpu.memref_squeeze %dma_start3A_841 : memref<1x6144xi32, #tpu.memory_space<vmem>> -> memref<6144xi32, #tpu.memory_space<vmem>>
    %dma_start3A_843 = arith.constant 67584 : i32
    %dma_start3A_844 = tpu.memref_slice %arg2[%dma_start3A_843] : memref<122880xi32, #tpu.memory_space<hbm>> -> memref<6144xi32, #tpu.memory_space<hbm>>
    %dma_start3A_845 = arith.constant 0 : i32
    %dma_start3A_846 = tpu.memref_slice %arg9[%dma_start3A_839, %dma_start3A_845] : memref<2x6144xi32, #tpu.memory_space<vmem>> -> memref<1x6144xi32, #tpu.memory_space<vmem>>
    %dma_start3A_847 = tpu.memref_squeeze %dma_start3A_846 : memref<1x6144xi32, #tpu.memory_space<vmem>> -> memref<6144xi32, #tpu.memory_space<vmem>>
    %dma_start3A_848 = arith.constant 67584 : i32
    %dma_start3A_849 = tpu.memref_slice %arg2[%dma_start3A_848] : memref<122880xi32, #tpu.memory_space<hbm>> -> memref<6144xi32, #tpu.memory_space<hbm>>
    tpu.enqueue_dma source(%dma_start3A_849 : memref<6144xi32, #tpu.memory_space<hbm>>) target(%dma_start3A_847 : memref<6144xi32, #tpu.memory_space<vmem>>) target_semaphore(%arg16 : memref<!tpu.dma_semaphore, #tpu.memory_space<semaphore_mem>>)
    %dma_start3A_850 = arith.constant 1 : i32
    %dma_start3A_851 = arith.constant 0 : i32
    %dma_start3A_852 = tpu.memref_slice %arg10[%dma_start3A_850, %dma_start3A_851] : memref<2x6144xi32, #tpu.memory_space<vmem>> -> memref<1x6144xi32, #tpu.memory_space<vmem>>
    %dma_start3A_853 = tpu.memref_squeeze %dma_start3A_852 : memref<1x6144xi32, #tpu.memory_space<vmem>> -> memref<6144xi32, #tpu.memory_space<vmem>>
    %dma_start3A_854 = arith.constant 67584 : i32
    %dma_start3A_855 = tpu.memref_slice %arg3[%dma_start3A_854] : memref<122880xi32, #tpu.memory_space<hbm>> -> memref<6144xi32, #tpu.memory_space<hbm>>
    %dma_start3A_856 = arith.constant 0 : i32
    %dma_start3A_857 = tpu.memref_slice %arg10[%dma_start3A_850, %dma_start3A_856] : memref<2x6144xi32, #tpu.memory_space<vmem>> -> memref<1x6144xi32, #tpu.memory_space<vmem>>
    %dma_start3A_858 = tpu.memref_squeeze %dma_start3A_857 : memref<1x6144xi32, #tpu.memory_space<vmem>> -> memref<6144xi32, #tpu.memory_space<vmem>>
    %dma_start3A_859 = arith.constant 67584 : i32
    %dma_start3A_860 = tpu.memref_slice %arg3[%dma_start3A_859] : memref<122880xi32, #tpu.memory_space<hbm>> -> memref<6144xi32, #tpu.memory_space<hbm>>
    tpu.enqueue_dma source(%dma_start3A_860 : memref<6144xi32, #tpu.memory_space<hbm>>) target(%dma_start3A_858 : memref<6144xi32, #tpu.memory_space<vmem>>) target_semaphore(%arg16 : memref<!tpu.dma_semaphore, #tpu.memory_space<semaphore_mem>>)
    %dma_start3A_861 = arith.constant 1 : i32
    %dma_start3A_862 = arith.constant 0 : i32
    %dma_start3A_863 = tpu.memref_slice %arg11[%dma_start3A_861, %dma_start3A_862] : memref<2x6144xi32, #tpu.memory_space<vmem>> -> memref<1x6144xi32, #tpu.memory_space<vmem>>
    %dma_start3A_864 = tpu.memref_squeeze %dma_start3A_863 : memref<1x6144xi32, #tpu.memory_space<vmem>> -> memref<6144xi32, #tpu.memory_space<vmem>>
    %dma_start3A_865 = arith.constant 67584 : i32
    %dma_start3A_866 = tpu.memref_slice %arg4[%dma_start3A_865] : memref<122880xi32, #tpu.memory_space<hbm>> -> memref<6144xi32, #tpu.memory_space<hbm>>
    %dma_start3A_867 = arith.constant 0 : i32
    %dma_start3A_868 = tpu.memref_slice %arg11[%dma_start3A_861, %dma_start3A_867] : memref<2x6144xi32, #tpu.memory_space<vmem>> -> memref<1x6144xi32, #tpu.memory_space<vmem>>
    %dma_start3A_869 = tpu.memref_squeeze %dma_start3A_868 : memref<1x6144xi32, #tpu.memory_space<vmem>> -> memref<6144xi32, #tpu.memory_space<vmem>>
    %dma_start3A_870 = arith.constant 67584 : i32
    %dma_start3A_871 = tpu.memref_slice %arg4[%dma_start3A_870] : memref<122880xi32, #tpu.memory_space<hbm>> -> memref<6144xi32, #tpu.memory_space<hbm>>
    tpu.enqueue_dma source(%dma_start3A_871 : memref<6144xi32, #tpu.memory_space<hbm>>) target(%dma_start3A_869 : memref<6144xi32, #tpu.memory_space<vmem>>) target_semaphore(%arg16 : memref<!tpu.dma_semaphore, #tpu.memory_space<semaphore_mem>>)
    %dma_wait3A_872 = arith.constant 0 : i32
    %dma_wait3A_873 = arith.constant 0 : i32
    %dma_wait3A_874 = tpu.memref_slice %arg9[%dma_wait3A_872, %dma_wait3A_873] : memref<2x6144xi32, #tpu.memory_space<vmem>> -> memref<1x6144xi32, #tpu.memory_space<vmem>>
    %dma_wait3A_875 = tpu.memref_squeeze %dma_wait3A_874 : memref<1x6144xi32, #tpu.memory_space<vmem>> -> memref<6144xi32, #tpu.memory_space<vmem>>
    %dma_wait3A_876 = arith.constant 61440 : i32
    %dma_wait3A_877 = tpu.memref_slice %arg2[%dma_wait3A_876] : memref<122880xi32, #tpu.memory_space<hbm>> -> memref<6144xi32, #tpu.memory_space<hbm>>
    %dma_wait3A_878 = arith.constant 0 : i32
    %dma_wait3A_879 = tpu.memref_slice %arg9[%dma_wait3A_872, %dma_wait3A_878] : memref<2x6144xi32, #tpu.memory_space<vmem>> -> memref<1x6144xi32, #tpu.memory_space<vmem>>
    %dma_wait3A_880 = tpu.memref_squeeze %dma_wait3A_879 : memref<1x6144xi32, #tpu.memory_space<vmem>> -> memref<6144xi32, #tpu.memory_space<vmem>>
    %dma_wait3A_881 = arith.constant 61440 : i32
    %dma_wait3A_882 = tpu.memref_slice %arg2[%dma_wait3A_881] : memref<122880xi32, #tpu.memory_space<hbm>> -> memref<6144xi32, #tpu.memory_space<hbm>>
    tpu.wait_dma2 semaphore(%arg16 : memref<!tpu.dma_semaphore, #tpu.memory_space<semaphore_mem>>) src(%dma_wait3A_882 : memref<6144xi32, #tpu.memory_space<hbm>>) dst(%dma_wait3A_880 : memref<6144xi32, #tpu.memory_space<vmem>>)
    %dma_wait3A_883 = arith.constant 0 : i32
    %dma_wait3A_884 = arith.constant 0 : i32
    %dma_wait3A_885 = tpu.memref_slice %arg10[%dma_wait3A_883, %dma_wait3A_884] : memref<2x6144xi32, #tpu.memory_space<vmem>> -> memref<1x6144xi32, #tpu.memory_space<vmem>>
    %dma_wait3A_886 = tpu.memref_squeeze %dma_wait3A_885 : memref<1x6144xi32, #tpu.memory_space<vmem>> -> memref<6144xi32, #tpu.memory_space<vmem>>
    %dma_wait3A_887 = arith.constant 61440 : i32
    %dma_wait3A_888 = tpu.memref_slice %arg3[%dma_wait3A_887] : memref<122880xi32, #tpu.memory_space<hbm>> -> memref<6144xi32, #tpu.memory_space<hbm>>
    %dma_wait3A_889 = arith.constant 0 : i32
    %dma_wait3A_890 = tpu.memref_slice %arg10[%dma_wait3A_883, %dma_wait3A_889] : memref<2x6144xi32, #tpu.memory_space<vmem>> -> memref<1x6144xi32, #tpu.memory_space<vmem>>
    %dma_wait3A_891 = tpu.memref_squeeze %dma_wait3A_890 : memref<1x6144xi32, #tpu.memory_space<vmem>> -> memref<6144xi32, #tpu.memory_space<vmem>>
    %dma_wait3A_892 = arith.constant 61440 : i32
    %dma_wait3A_893 = tpu.memref_slice %arg3[%dma_wait3A_892] : memref<122880xi32, #tpu.memory_space<hbm>> -> memref<6144xi32, #tpu.memory_space<hbm>>
    tpu.wait_dma2 semaphore(%arg16 : memref<!tpu.dma_semaphore, #tpu.memory_space<semaphore_mem>>) src(%dma_wait3A_893 : memref<6144xi32, #tpu.memory_space<hbm>>) dst(%dma_wait3A_891 : memref<6144xi32, #tpu.memory_space<vmem>>)
    %dma_wait3A_894 = arith.constant 0 : i32
    %dma_wait3A_895 = arith.constant 0 : i32
    %dma_wait3A_896 = tpu.memref_slice %arg11[%dma_wait3A_894, %dma_wait3A_895] : memref<2x6144xi32, #tpu.memory_space<vmem>> -> memref<1x6144xi32, #tpu.memory_space<vmem>>
    %dma_wait3A_897 = tpu.memref_squeeze %dma_wait3A_896 : memref<1x6144xi32, #tpu.memory_space<vmem>> -> memref<6144xi32, #tpu.memory_space<vmem>>
    %dma_wait3A_898 = arith.constant 61440 : i32
    %dma_wait3A_899 = tpu.memref_slice %arg4[%dma_wait3A_898] : memref<122880xi32, #tpu.memory_space<hbm>> -> memref<6144xi32, #tpu.memory_space<hbm>>
    %dma_wait3A_900 = arith.constant 0 : i32
    %dma_wait3A_901 = tpu.memref_slice %arg11[%dma_wait3A_894, %dma_wait3A_900] : memref<2x6144xi32, #tpu.memory_space<vmem>> -> memref<1x6144xi32, #tpu.memory_space<vmem>>
    %dma_wait3A_902 = tpu.memref_squeeze %dma_wait3A_901 : memref<1x6144xi32, #tpu.memory_space<vmem>> -> memref<6144xi32, #tpu.memory_space<vmem>>
    %dma_wait3A_903 = arith.constant 61440 : i32
    %dma_wait3A_904 = tpu.memref_slice %arg4[%dma_wait3A_903] : memref<122880xi32, #tpu.memory_space<hbm>> -> memref<6144xi32, #tpu.memory_space<hbm>>
    tpu.wait_dma2 semaphore(%arg16 : memref<!tpu.dma_semaphore, #tpu.memory_space<semaphore_mem>>) src(%dma_wait3A_904 : memref<6144xi32, #tpu.memory_space<hbm>>) dst(%dma_wait3A_902 : memref<6144xi32, #tpu.memory_space<vmem>>)
    %scan3A_905 = arith.constant 0 : i32
    %scan3A_906 = arith.constant 0 : i32
    %scan3A_907 = arith.constant 0 : i32
    %scan3A_908 = arith.constant 0 : i32
    %scan3A_909 = arith.constant 0 : i32
    %scan3A_910 = arith.constant 384 : i32
    %scan3A_911 = arith.addi %scan3A_909, %scan3A_910 : i32
    %scan3A_912 = arith.constant 1 : i32
    %scan3A_913 = scf.for %scan3A_1575 = %scan3A_909 to %scan3A_911 step %scan3A_912 iter_args(%scan3A_1576 = %scan3A_908) -> (i32)  : i32 {
      %mul3A_1577 = arith.constant 16 : i32
      %mul3A_1578 = arith.muli %scan3A_1575, %mul3A_1577 : i32
      %get3A_1579 = arith.constant 0 : i32
      %get3A_1580 = tpu.memref_slice %arg9[%scan3A_905, %get3A_1579] : memref<2x6144xi32, #tpu.memory_space<vmem>> -> memref<1x6144xi32, #tpu.memory_space<vmem>>
      %get3A_1581 = tpu.memref_squeeze %get3A_1580 : memref<1x6144xi32, #tpu.memory_space<vmem>> -> memref<6144xi32, #tpu.memory_space<vmem>>
      %get3A_1582 = arith.index_cast %mul3A_1578 : i32 to index
      %get3A_1583 = tpu.vector_load %get3A_1581[%get3A_1582] {strides = array<i32>} : memref<6144xi32, #tpu.memory_space<vmem>>, vector<16xi32>,
      %get3A_1584 = arith.constant 0 : i32
      %get3A_1585 = tpu.memref_slice %arg10[%scan3A_906, %get3A_1584] : memref<2x6144xi32, #tpu.memory_space<vmem>> -> memref<1x6144xi32, #tpu.memory_space<vmem>>
      %get3A_1586 = tpu.memref_squeeze %get3A_1585 : memref<1x6144xi32, #tpu.memory_space<vmem>> -> memref<6144xi32, #tpu.memory_space<vmem>>
      %get3A_1587 = arith.index_cast %mul3A_1578 : i32 to index
      %get3A_1588 = tpu.vector_load %get3A_1586[%get3A_1587] {strides = array<i32>} : memref<6144xi32, #tpu.memory_space<vmem>>, vector<16xi32>,
      %get3A_1589 = arith.constant 0 : i32
      %get3A_1590 = tpu.memref_slice %arg11[%scan3A_907, %get3A_1589] : memref<2x6144xi32, #tpu.memory_space<vmem>> -> memref<1x6144xi32, #tpu.memory_space<vmem>>
      %get3A_1591 = tpu.memref_squeeze %get3A_1590 : memref<1x6144xi32, #tpu.memory_space<vmem>> -> memref<6144xi32, #tpu.memory_space<vmem>>
      %get3A_1592 = arith.index_cast %mul3A_1578 : i32 to index
      %get3A_1593 = tpu.vector_load %get3A_1591[%get3A_1592] {strides = array<i32>} : memref<6144xi32, #tpu.memory_space<vmem>>, vector<16xi32>,
      %eq3A_1594 = vector.broadcast %select_n3A : i32 to vector<16xi32>
      %eq3A_1595 = arith.cmpi eq, %get3A_1583, %eq3A_1594 : vector<16xi32>
      %lt3A_1596 = arith.cmpi slt, %get3A_1583, %get3A_47 : vector<16xi32>
      %and3A_1597 = arith.andi %eq3A_1595, %lt3A_1596 : vector<16xi1>
      %ge3A = vector.broadcast %mul3A_32 : i32 to vector<16xi32>
      %ge3A_1598 = arith.cmpi sge, %get3A_1593, %ge3A : vector<16xi32>
      %and3A_1599 = arith.andi %and3A_1597, %ge3A_1598 : vector<16xi1>
      %add3A_1600 = arith.constant 64 : i32
      %add3A_1601 = arith.addi %mul3A_32, %add3A_1600 : i32
      %lt3A_1602 = vector.broadcast %add3A_1601 : i32 to vector<16xi32>
      %lt3A_1603 = arith.cmpi slt, %get3A_1593, %lt3A_1602 : vector<16xi32>
      %and3A_1604 = arith.andi %and3A_1599, %lt3A_1603 : vector<16xi1>
      %sub3A_1605 = vector.broadcast %mul3A_32 : i32 to vector<16xi32>
      %sub3A_1606 = arith.subi %get3A_1593, %sub3A_1605 : vector<16xi32>
      %mul3A_1607 = arith.constant 512 : i32
      %mul3A_1608 = vector.broadcast %mul3A_1607 : i32 to vector<16xi32>
      %mul3A_1609 = arith.muli %sub3A_1606, %mul3A_1608 : vector<16xi32>
      %add3A_1610 = arith.addi %mul3A_1609, %get3A_1588 : vector<16xi32>
      %jit3A_1611 = arith.constant 0 : i32
      %broadcast_in_dim3A_1612 = vector.broadcast %jit3A_1611 : i32 to vector<16xi32>
      %select_n3A_1613 = arith.select %and3A_1604, %add3A_1610, %broadcast_in_dim3A_1612 : vector<16xi1>, vector<16xi32>
      %add3A_1614 = arith.constant 61440 : i32
      %add3A_1615 = arith.addi %add3A_1614, %mul3A_1578 : i32
      %add3A_1616 = vector.broadcast %add3A_1615 : i32 to vector<16xi32>
      %add3A_1617 = arith.addi %add3A_1616, %iota3A : vector<16xi32>
      %add3A_1618 = arith.constant 1 : i32
      %add3A_1619 = vector.broadcast %add3A_1618 : i32 to vector<16xi32>
      %add3A_1620 = arith.addi %add3A_1617, %add3A_1619 : vector<16xi32>
      tpu.vector_store_idx %arg13[%select_n3A_1613], %add3A_1620 masked %and3A_1604 : memref<32768xi32, #tpu.memory_space<vmem>>[vector<16xi32>], vector<16xi32>, vector<16xi1>
      %scan3A_1621 = arith.constant 0 : i32
      scf.yield %scan3A_1621 : i32
    }
    %scan3A_914 = arith.constant 384 : i32
    %dma_start3A_915 = arith.constant 0 : i32
    %dma_start3A_916 = arith.constant 0 : i32
    %dma_start3A_917 = tpu.memref_slice %arg9[%dma_start3A_915, %dma_start3A_916] : memref<2x6144xi32, #tpu.memory_space<vmem>> -> memref<1x6144xi32, #tpu.memory_space<vmem>>
    %dma_start3A_918 = tpu.memref_squeeze %dma_start3A_917 : memref<1x6144xi32, #tpu.memory_space<vmem>> -> memref<6144xi32, #tpu.memory_space<vmem>>
    %dma_start3A_919 = arith.constant 73728 : i32
    %dma_start3A_920 = tpu.memref_slice %arg2[%dma_start3A_919] : memref<122880xi32, #tpu.memory_space<hbm>> -> memref<6144xi32, #tpu.memory_space<hbm>>
    %dma_start3A_921 = arith.constant 0 : i32
    %dma_start3A_922 = tpu.memref_slice %arg9[%dma_start3A_915, %dma_start3A_921] : memref<2x6144xi32, #tpu.memory_space<vmem>> -> memref<1x6144xi32, #tpu.memory_space<vmem>>
    %dma_start3A_923 = tpu.memref_squeeze %dma_start3A_922 : memref<1x6144xi32, #tpu.memory_space<vmem>> -> memref<6144xi32, #tpu.memory_space<vmem>>
    %dma_start3A_924 = arith.constant 73728 : i32
    %dma_start3A_925 = tpu.memref_slice %arg2[%dma_start3A_924] : memref<122880xi32, #tpu.memory_space<hbm>> -> memref<6144xi32, #tpu.memory_space<hbm>>
    tpu.enqueue_dma source(%dma_start3A_925 : memref<6144xi32, #tpu.memory_space<hbm>>) target(%dma_start3A_923 : memref<6144xi32, #tpu.memory_space<vmem>>) target_semaphore(%arg16 : memref<!tpu.dma_semaphore, #tpu.memory_space<semaphore_mem>>)
    %dma_start3A_926 = arith.constant 0 : i32
    %dma_start3A_927 = arith.constant 0 : i32
    %dma_start3A_928 = tpu.memref_slice %arg10[%dma_start3A_926, %dma_start3A_927] : memref<2x6144xi32, #tpu.memory_space<vmem>> -> memref<1x6144xi32, #tpu.memory_space<vmem>>
    %dma_start3A_929 = tpu.memref_squeeze %dma_start3A_928 : memref<1x6144xi32, #tpu.memory_space<vmem>> -> memref<6144xi32, #tpu.memory_space<vmem>>
    %dma_start3A_930 = arith.constant 73728 : i32
    %dma_start3A_931 = tpu.memref_slice %arg3[%dma_start3A_930] : memref<122880xi32, #tpu.memory_space<hbm>> -> memref<6144xi32, #tpu.memory_space<hbm>>
    %dma_start3A_932 = arith.constant 0 : i32
    %dma_start3A_933 = tpu.memref_slice %arg10[%dma_start3A_926, %dma_start3A_932] : memref<2x6144xi32, #tpu.memory_space<vmem>> -> memref<1x6144xi32, #tpu.memory_space<vmem>>
    %dma_start3A_934 = tpu.memref_squeeze %dma_start3A_933 : memref<1x6144xi32, #tpu.memory_space<vmem>> -> memref<6144xi32, #tpu.memory_space<vmem>>
    %dma_start3A_935 = arith.constant 73728 : i32
    %dma_start3A_936 = tpu.memref_slice %arg3[%dma_start3A_935] : memref<122880xi32, #tpu.memory_space<hbm>> -> memref<6144xi32, #tpu.memory_space<hbm>>
    tpu.enqueue_dma source(%dma_start3A_936 : memref<6144xi32, #tpu.memory_space<hbm>>) target(%dma_start3A_934 : memref<6144xi32, #tpu.memory_space<vmem>>) target_semaphore(%arg16 : memref<!tpu.dma_semaphore, #tpu.memory_space<semaphore_mem>>)
    %dma_start3A_937 = arith.constant 0 : i32
    %dma_start3A_938 = arith.constant 0 : i32
    %dma_start3A_939 = tpu.memref_slice %arg11[%dma_start3A_937, %dma_start3A_938] : memref<2x6144xi32, #tpu.memory_space<vmem>> -> memref<1x6144xi32, #tpu.memory_space<vmem>>
    %dma_start3A_940 = tpu.memref_squeeze %dma_start3A_939 : memref<1x6144xi32, #tpu.memory_space<vmem>> -> memref<6144xi32, #tpu.memory_space<vmem>>
    %dma_start3A_941 = arith.constant 73728 : i32
    %dma_start3A_942 = tpu.memref_slice %arg4[%dma_start3A_941] : memref<122880xi32, #tpu.memory_space<hbm>> -> memref<6144xi32, #tpu.memory_space<hbm>>
    %dma_start3A_943 = arith.constant 0 : i32
    %dma_start3A_944 = tpu.memref_slice %arg11[%dma_start3A_937, %dma_start3A_943] : memref<2x6144xi32, #tpu.memory_space<vmem>> -> memref<1x6144xi32, #tpu.memory_space<vmem>>
    %dma_start3A_945 = tpu.memref_squeeze %dma_start3A_944 : memref<1x6144xi32, #tpu.memory_space<vmem>> -> memref<6144xi32, #tpu.memory_space<vmem>>
    %dma_start3A_946 = arith.constant 73728 : i32
    %dma_start3A_947 = tpu.memref_slice %arg4[%dma_start3A_946] : memref<122880xi32, #tpu.memory_space<hbm>> -> memref<6144xi32, #tpu.memory_space<hbm>>
    tpu.enqueue_dma source(%dma_start3A_947 : memref<6144xi32, #tpu.memory_space<hbm>>) target(%dma_start3A_945 : memref<6144xi32, #tpu.memory_space<vmem>>) target_semaphore(%arg16 : memref<!tpu.dma_semaphore, #tpu.memory_space<semaphore_mem>>)
    %dma_wait3A_948 = arith.constant 1 : i32
    %dma_wait3A_949 = arith.constant 0 : i32
    %dma_wait3A_950 = tpu.memref_slice %arg9[%dma_wait3A_948, %dma_wait3A_949] : memref<2x6144xi32, #tpu.memory_space<vmem>> -> memref<1x6144xi32, #tpu.memory_space<vmem>>
    %dma_wait3A_951 = tpu.memref_squeeze %dma_wait3A_950 : memref<1x6144xi32, #tpu.memory_space<vmem>> -> memref<6144xi32, #tpu.memory_space<vmem>>
    %dma_wait3A_952 = arith.constant 67584 : i32
    %dma_wait3A_953 = tpu.memref_slice %arg2[%dma_wait3A_952] : memref<122880xi32, #tpu.memory_space<hbm>> -> memref<6144xi32, #tpu.memory_space<hbm>>
    %dma_wait3A_954 = arith.constant 0 : i32
    %dma_wait3A_955 = tpu.memref_slice %arg9[%dma_wait3A_948, %dma_wait3A_954] : memref<2x6144xi32, #tpu.memory_space<vmem>> -> memref<1x6144xi32, #tpu.memory_space<vmem>>
    %dma_wait3A_956 = tpu.memref_squeeze %dma_wait3A_955 : memref<1x6144xi32, #tpu.memory_space<vmem>> -> memref<6144xi32, #tpu.memory_space<vmem>>
    %dma_wait3A_957 = arith.constant 67584 : i32
    %dma_wait3A_958 = tpu.memref_slice %arg2[%dma_wait3A_957] : memref<122880xi32, #tpu.memory_space<hbm>> -> memref<6144xi32, #tpu.memory_space<hbm>>
    tpu.wait_dma2 semaphore(%arg16 : memref<!tpu.dma_semaphore, #tpu.memory_space<semaphore_mem>>) src(%dma_wait3A_958 : memref<6144xi32, #tpu.memory_space<hbm>>) dst(%dma_wait3A_956 : memref<6144xi32, #tpu.memory_space<vmem>>)
    %dma_wait3A_959 = arith.constant 1 : i32
    %dma_wait3A_960 = arith.constant 0 : i32
    %dma_wait3A_961 = tpu.memref_slice %arg10[%dma_wait3A_959, %dma_wait3A_960] : memref<2x6144xi32, #tpu.memory_space<vmem>> -> memref<1x6144xi32, #tpu.memory_space<vmem>>
    %dma_wait3A_962 = tpu.memref_squeeze %dma_wait3A_961 : memref<1x6144xi32, #tpu.memory_space<vmem>> -> memref<6144xi32, #tpu.memory_space<vmem>>
    %dma_wait3A_963 = arith.constant 67584 : i32
    %dma_wait3A_964 = tpu.memref_slice %arg3[%dma_wait3A_963] : memref<122880xi32, #tpu.memory_space<hbm>> -> memref<6144xi32, #tpu.memory_space<hbm>>
    %dma_wait3A_965 = arith.constant 0 : i32
    %dma_wait3A_966 = tpu.memref_slice %arg10[%dma_wait3A_959, %dma_wait3A_965] : memref<2x6144xi32, #tpu.memory_space<vmem>> -> memref<1x6144xi32, #tpu.memory_space<vmem>>
    %dma_wait3A_967 = tpu.memref_squeeze %dma_wait3A_966 : memref<1x6144xi32, #tpu.memory_space<vmem>> -> memref<6144xi32, #tpu.memory_space<vmem>>
    %dma_wait3A_968 = arith.constant 67584 : i32
    %dma_wait3A_969 = tpu.memref_slice %arg3[%dma_wait3A_968] : memref<122880xi32, #tpu.memory_space<hbm>> -> memref<6144xi32, #tpu.memory_space<hbm>>
    tpu.wait_dma2 semaphore(%arg16 : memref<!tpu.dma_semaphore, #tpu.memory_space<semaphore_mem>>) src(%dma_wait3A_969 : memref<6144xi32, #tpu.memory_space<hbm>>) dst(%dma_wait3A_967 : memref<6144xi32, #tpu.memory_space<vmem>>)
    %dma_wait3A_970 = arith.constant 1 : i32
    %dma_wait3A_971 = arith.constant 0 : i32
    %dma_wait3A_972 = tpu.memref_slice %arg11[%dma_wait3A_970, %dma_wait3A_971] : memref<2x6144xi32, #tpu.memory_space<vmem>> -> memref<1x6144xi32, #tpu.memory_space<vmem>>
    %dma_wait3A_973 = tpu.memref_squeeze %dma_wait3A_972 : memref<1x6144xi32, #tpu.memory_space<vmem>> -> memref<6144xi32, #tpu.memory_space<vmem>>
    %dma_wait3A_974 = arith.constant 67584 : i32
    %dma_wait3A_975 = tpu.memref_slice %arg4[%dma_wait3A_974] : memref<122880xi32, #tpu.memory_space<hbm>> -> memref<6144xi32, #tpu.memory_space<hbm>>
    %dma_wait3A_976 = arith.constant 0 : i32
    %dma_wait3A_977 = tpu.memref_slice %arg11[%dma_wait3A_970, %dma_wait3A_976] : memref<2x6144xi32, #tpu.memory_space<vmem>> -> memref<1x6144xi32, #tpu.memory_space<vmem>>
    %dma_wait3A_978 = tpu.memref_squeeze %dma_wait3A_977 : memref<1x6144xi32, #tpu.memory_space<vmem>> -> memref<6144xi32, #tpu.memory_space<vmem>>
    %dma_wait3A_979 = arith.constant 67584 : i32
    %dma_wait3A_980 = tpu.memref_slice %arg4[%dma_wait3A_979] : memref<122880xi32, #tpu.memory_space<hbm>> -> memref<6144xi32, #tpu.memory_space<hbm>>
    tpu.wait_dma2 semaphore(%arg16 : memref<!tpu.dma_semaphore, #tpu.memory_space<semaphore_mem>>) src(%dma_wait3A_980 : memref<6144xi32, #tpu.memory_space<hbm>>) dst(%dma_wait3A_978 : memref<6144xi32, #tpu.memory_space<vmem>>)
    %scan3A_981 = arith.constant 1 : i32
    %scan3A_982 = arith.constant 1 : i32
    %scan3A_983 = arith.constant 1 : i32
    %scan3A_984 = arith.constant 0 : i32
    %scan3A_985 = arith.constant 0 : i32
    %scan3A_986 = arith.constant 384 : i32
    %scan3A_987 = arith.addi %scan3A_985, %scan3A_986 : i32
    %scan3A_988 = arith.constant 1 : i32
    %scan3A_989 = scf.for %scan3A_1575 = %scan3A_985 to %scan3A_987 step %scan3A_988 iter_args(%scan3A_1576 = %scan3A_984) -> (i32)  : i32 {
      %mul3A_1577 = arith.constant 16 : i32
      %mul3A_1578 = arith.muli %scan3A_1575, %mul3A_1577 : i32
      %get3A_1579 = arith.constant 0 : i32
      %get3A_1580 = tpu.memref_slice %arg9[%scan3A_981, %get3A_1579] : memref<2x6144xi32, #tpu.memory_space<vmem>> -> memref<1x6144xi32, #tpu.memory_space<vmem>>
      %get3A_1581 = tpu.memref_squeeze %get3A_1580 : memref<1x6144xi32, #tpu.memory_space<vmem>> -> memref<6144xi32, #tpu.memory_space<vmem>>
      %get3A_1582 = arith.index_cast %mul3A_1578 : i32 to index
      %get3A_1583 = tpu.vector_load %get3A_1581[%get3A_1582] {strides = array<i32>} : memref<6144xi32, #tpu.memory_space<vmem>>, vector<16xi32>,
      %get3A_1584 = arith.constant 0 : i32
      %get3A_1585 = tpu.memref_slice %arg10[%scan3A_982, %get3A_1584] : memref<2x6144xi32, #tpu.memory_space<vmem>> -> memref<1x6144xi32, #tpu.memory_space<vmem>>
      %get3A_1586 = tpu.memref_squeeze %get3A_1585 : memref<1x6144xi32, #tpu.memory_space<vmem>> -> memref<6144xi32, #tpu.memory_space<vmem>>
      %get3A_1587 = arith.index_cast %mul3A_1578 : i32 to index
      %get3A_1588 = tpu.vector_load %get3A_1586[%get3A_1587] {strides = array<i32>} : memref<6144xi32, #tpu.memory_space<vmem>>, vector<16xi32>,
      %get3A_1589 = arith.constant 0 : i32
      %get3A_1590 = tpu.memref_slice %arg11[%scan3A_983, %get3A_1589] : memref<2x6144xi32, #tpu.memory_space<vmem>> -> memref<1x6144xi32, #tpu.memory_space<vmem>>
      %get3A_1591 = tpu.memref_squeeze %get3A_1590 : memref<1x6144xi32, #tpu.memory_space<vmem>> -> memref<6144xi32, #tpu.memory_space<vmem>>
      %get3A_1592 = arith.index_cast %mul3A_1578 : i32 to index
      %get3A_1593 = tpu.vector_load %get3A_1591[%get3A_1592] {strides = array<i32>} : memref<6144xi32, #tpu.memory_space<vmem>>, vector<16xi32>,
      %eq3A_1594 = vector.broadcast %select_n3A : i32 to vector<16xi32>
      %eq3A_1595 = arith.cmpi eq, %get3A_1583, %eq3A_1594 : vector<16xi32>
      %lt3A_1596 = arith.cmpi slt, %get3A_1583, %get3A_47 : vector<16xi32>
      %and3A_1597 = arith.andi %eq3A_1595, %lt3A_1596 : vector<16xi1>
      %ge3A = vector.broadcast %mul3A_32 : i32 to vector<16xi32>
      %ge3A_1598 = arith.cmpi sge, %get3A_1593, %ge3A : vector<16xi32>
      %and3A_1599 = arith.andi %and3A_1597, %ge3A_1598 : vector<16xi1>
      %add3A_1600 = arith.constant 64 : i32
      %add3A_1601 = arith.addi %mul3A_32, %add3A_1600 : i32
      %lt3A_1602 = vector.broadcast %add3A_1601 : i32 to vector<16xi32>
      %lt3A_1603 = arith.cmpi slt, %get3A_1593, %lt3A_1602 : vector<16xi32>
      %and3A_1604 = arith.andi %and3A_1599, %lt3A_1603 : vector<16xi1>
      %sub3A_1605 = vector.broadcast %mul3A_32 : i32 to vector<16xi32>
      %sub3A_1606 = arith.subi %get3A_1593, %sub3A_1605 : vector<16xi32>
      %mul3A_1607 = arith.constant 512 : i32
      %mul3A_1608 = vector.broadcast %mul3A_1607 : i32 to vector<16xi32>
      %mul3A_1609 = arith.muli %sub3A_1606, %mul3A_1608 : vector<16xi32>
      %add3A_1610 = arith.addi %mul3A_1609, %get3A_1588 : vector<16xi32>
      %jit3A_1611 = arith.constant 0 : i32
      %broadcast_in_dim3A_1612 = vector.broadcast %jit3A_1611 : i32 to vector<16xi32>
      %select_n3A_1613 = arith.select %and3A_1604, %add3A_1610, %broadcast_in_dim3A_1612 : vector<16xi1>, vector<16xi32>
      %add3A_1614 = arith.constant 67584 : i32
      %add3A_1615 = arith.addi %add3A_1614, %mul3A_1578 : i32
      %add3A_1616 = vector.broadcast %add3A_1615 : i32 to vector<16xi32>
      %add3A_1617 = arith.addi %add3A_1616, %iota3A : vector<16xi32>
      %add3A_1618 = arith.constant 1 : i32
      %add3A_1619 = vector.broadcast %add3A_1618 : i32 to vector<16xi32>
      %add3A_1620 = arith.addi %add3A_1617, %add3A_1619 : vector<16xi32>
      tpu.vector_store_idx %arg13[%select_n3A_1613], %add3A_1620 masked %and3A_1604 : memref<32768xi32, #tpu.memory_space<vmem>>[vector<16xi32>], vector<16xi32>, vector<16xi1>
      %scan3A_1621 = arith.constant 0 : i32
      scf.yield %scan3A_1621 : i32
    }
    %scan3A_990 = arith.constant 384 : i32
    %dma_start3A_991 = arith.constant 1 : i32
    %dma_start3A_992 = arith.constant 0 : i32
    %dma_start3A_993 = tpu.memref_slice %arg9[%dma_start3A_991, %dma_start3A_992] : memref<2x6144xi32, #tpu.memory_space<vmem>> -> memref<1x6144xi32, #tpu.memory_space<vmem>>
    %dma_start3A_994 = tpu.memref_squeeze %dma_start3A_993 : memref<1x6144xi32, #tpu.memory_space<vmem>> -> memref<6144xi32, #tpu.memory_space<vmem>>
    %dma_start3A_995 = arith.constant 79872 : i32
    %dma_start3A_996 = tpu.memref_slice %arg2[%dma_start3A_995] : memref<122880xi32, #tpu.memory_space<hbm>> -> memref<6144xi32, #tpu.memory_space<hbm>>
    %dma_start3A_997 = arith.constant 0 : i32
    %dma_start3A_998 = tpu.memref_slice %arg9[%dma_start3A_991, %dma_start3A_997] : memref<2x6144xi32, #tpu.memory_space<vmem>> -> memref<1x6144xi32, #tpu.memory_space<vmem>>
    %dma_start3A_999 = tpu.memref_squeeze %dma_start3A_998 : memref<1x6144xi32, #tpu.memory_space<vmem>> -> memref<6144xi32, #tpu.memory_space<vmem>>
    %dma_start3A_1000 = arith.constant 79872 : i32
    %dma_start3A_1001 = tpu.memref_slice %arg2[%dma_start3A_1000] : memref<122880xi32, #tpu.memory_space<hbm>> -> memref<6144xi32, #tpu.memory_space<hbm>>
    tpu.enqueue_dma source(%dma_start3A_1001 : memref<6144xi32, #tpu.memory_space<hbm>>) target(%dma_start3A_999 : memref<6144xi32, #tpu.memory_space<vmem>>) target_semaphore(%arg16 : memref<!tpu.dma_semaphore, #tpu.memory_space<semaphore_mem>>)
    %dma_start3A_1002 = arith.constant 1 : i32
    %dma_start3A_1003 = arith.constant 0 : i32
    %dma_start3A_1004 = tpu.memref_slice %arg10[%dma_start3A_1002, %dma_start3A_1003] : memref<2x6144xi32, #tpu.memory_space<vmem>> -> memref<1x6144xi32, #tpu.memory_space<vmem>>
    %dma_start3A_1005 = tpu.memref_squeeze %dma_start3A_1004 : memref<1x6144xi32, #tpu.memory_space<vmem>> -> memref<6144xi32, #tpu.memory_space<vmem>>
    %dma_start3A_1006 = arith.constant 79872 : i32
    %dma_start3A_1007 = tpu.memref_slice %arg3[%dma_start3A_1006] : memref<122880xi32, #tpu.memory_space<hbm>> -> memref<6144xi32, #tpu.memory_space<hbm>>
    %dma_start3A_1008 = arith.constant 0 : i32
    %dma_start3A_1009 = tpu.memref_slice %arg10[%dma_start3A_1002, %dma_start3A_1008] : memref<2x6144xi32, #tpu.memory_space<vmem>> -> memref<1x6144xi32, #tpu.memory_space<vmem>>
    %dma_start3A_1010 = tpu.memref_squeeze %dma_start3A_1009 : memref<1x6144xi32, #tpu.memory_space<vmem>> -> memref<6144xi32, #tpu.memory_space<vmem>>
    %dma_start3A_1011 = arith.constant 79872 : i32
    %dma_start3A_1012 = tpu.memref_slice %arg3[%dma_start3A_1011] : memref<122880xi32, #tpu.memory_space<hbm>> -> memref<6144xi32, #tpu.memory_space<hbm>>
    tpu.enqueue_dma source(%dma_start3A_1012 : memref<6144xi32, #tpu.memory_space<hbm>>) target(%dma_start3A_1010 : memref<6144xi32, #tpu.memory_space<vmem>>) target_semaphore(%arg16 : memref<!tpu.dma_semaphore, #tpu.memory_space<semaphore_mem>>)
    %dma_start3A_1013 = arith.constant 1 : i32
    %dma_start3A_1014 = arith.constant 0 : i32
    %dma_start3A_1015 = tpu.memref_slice %arg11[%dma_start3A_1013, %dma_start3A_1014] : memref<2x6144xi32, #tpu.memory_space<vmem>> -> memref<1x6144xi32, #tpu.memory_space<vmem>>
    %dma_start3A_1016 = tpu.memref_squeeze %dma_start3A_1015 : memref<1x6144xi32, #tpu.memory_space<vmem>> -> memref<6144xi32, #tpu.memory_space<vmem>>
    %dma_start3A_1017 = arith.constant 79872 : i32
    %dma_start3A_1018 = tpu.memref_slice %arg4[%dma_start3A_1017] : memref<122880xi32, #tpu.memory_space<hbm>> -> memref<6144xi32, #tpu.memory_space<hbm>>
    %dma_start3A_1019 = arith.constant 0 : i32
    %dma_start3A_1020 = tpu.memref_slice %arg11[%dma_start3A_1013, %dma_start3A_1019] : memref<2x6144xi32, #tpu.memory_space<vmem>> -> memref<1x6144xi32, #tpu.memory_space<vmem>>
    %dma_start3A_1021 = tpu.memref_squeeze %dma_start3A_1020 : memref<1x6144xi32, #tpu.memory_space<vmem>> -> memref<6144xi32, #tpu.memory_space<vmem>>
    %dma_start3A_1022 = arith.constant 79872 : i32
    %dma_start3A_1023 = tpu.memref_slice %arg4[%dma_start3A_1022] : memref<122880xi32, #tpu.memory_space<hbm>> -> memref<6144xi32, #tpu.memory_space<hbm>>
    tpu.enqueue_dma source(%dma_start3A_1023 : memref<6144xi32, #tpu.memory_space<hbm>>) target(%dma_start3A_1021 : memref<6144xi32, #tpu.memory_space<vmem>>) target_semaphore(%arg16 : memref<!tpu.dma_semaphore, #tpu.memory_space<semaphore_mem>>)
    %dma_wait3A_1024 = arith.constant 0 : i32
    %dma_wait3A_1025 = arith.constant 0 : i32
    %dma_wait3A_1026 = tpu.memref_slice %arg9[%dma_wait3A_1024, %dma_wait3A_1025] : memref<2x6144xi32, #tpu.memory_space<vmem>> -> memref<1x6144xi32, #tpu.memory_space<vmem>>
    %dma_wait3A_1027 = tpu.memref_squeeze %dma_wait3A_1026 : memref<1x6144xi32, #tpu.memory_space<vmem>> -> memref<6144xi32, #tpu.memory_space<vmem>>
    %dma_wait3A_1028 = arith.constant 73728 : i32
    %dma_wait3A_1029 = tpu.memref_slice %arg2[%dma_wait3A_1028] : memref<122880xi32, #tpu.memory_space<hbm>> -> memref<6144xi32, #tpu.memory_space<hbm>>
    %dma_wait3A_1030 = arith.constant 0 : i32
    %dma_wait3A_1031 = tpu.memref_slice %arg9[%dma_wait3A_1024, %dma_wait3A_1030] : memref<2x6144xi32, #tpu.memory_space<vmem>> -> memref<1x6144xi32, #tpu.memory_space<vmem>>
    %dma_wait3A_1032 = tpu.memref_squeeze %dma_wait3A_1031 : memref<1x6144xi32, #tpu.memory_space<vmem>> -> memref<6144xi32, #tpu.memory_space<vmem>>
    %dma_wait3A_1033 = arith.constant 73728 : i32
    %dma_wait3A_1034 = tpu.memref_slice %arg2[%dma_wait3A_1033] : memref<122880xi32, #tpu.memory_space<hbm>> -> memref<6144xi32, #tpu.memory_space<hbm>>
    tpu.wait_dma2 semaphore(%arg16 : memref<!tpu.dma_semaphore, #tpu.memory_space<semaphore_mem>>) src(%dma_wait3A_1034 : memref<6144xi32, #tpu.memory_space<hbm>>) dst(%dma_wait3A_1032 : memref<6144xi32, #tpu.memory_space<vmem>>)
    %dma_wait3A_1035 = arith.constant 0 : i32
    %dma_wait3A_1036 = arith.constant 0 : i32
    %dma_wait3A_1037 = tpu.memref_slice %arg10[%dma_wait3A_1035, %dma_wait3A_1036] : memref<2x6144xi32, #tpu.memory_space<vmem>> -> memref<1x6144xi32, #tpu.memory_space<vmem>>
    %dma_wait3A_1038 = tpu.memref_squeeze %dma_wait3A_1037 : memref<1x6144xi32, #tpu.memory_space<vmem>> -> memref<6144xi32, #tpu.memory_space<vmem>>
    %dma_wait3A_1039 = arith.constant 73728 : i32
    %dma_wait3A_1040 = tpu.memref_slice %arg3[%dma_wait3A_1039] : memref<122880xi32, #tpu.memory_space<hbm>> -> memref<6144xi32, #tpu.memory_space<hbm>>
    %dma_wait3A_1041 = arith.constant 0 : i32
    %dma_wait3A_1042 = tpu.memref_slice %arg10[%dma_wait3A_1035, %dma_wait3A_1041] : memref<2x6144xi32, #tpu.memory_space<vmem>> -> memref<1x6144xi32, #tpu.memory_space<vmem>>
    %dma_wait3A_1043 = tpu.memref_squeeze %dma_wait3A_1042 : memref<1x6144xi32, #tpu.memory_space<vmem>> -> memref<6144xi32, #tpu.memory_space<vmem>>
    %dma_wait3A_1044 = arith.constant 73728 : i32
    %dma_wait3A_1045 = tpu.memref_slice %arg3[%dma_wait3A_1044] : memref<122880xi32, #tpu.memory_space<hbm>> -> memref<6144xi32, #tpu.memory_space<hbm>>
    tpu.wait_dma2 semaphore(%arg16 : memref<!tpu.dma_semaphore, #tpu.memory_space<semaphore_mem>>) src(%dma_wait3A_1045 : memref<6144xi32, #tpu.memory_space<hbm>>) dst(%dma_wait3A_1043 : memref<6144xi32, #tpu.memory_space<vmem>>)
    %dma_wait3A_1046 = arith.constant 0 : i32
    %dma_wait3A_1047 = arith.constant 0 : i32
    %dma_wait3A_1048 = tpu.memref_slice %arg11[%dma_wait3A_1046, %dma_wait3A_1047] : memref<2x6144xi32, #tpu.memory_space<vmem>> -> memref<1x6144xi32, #tpu.memory_space<vmem>>
    %dma_wait3A_1049 = tpu.memref_squeeze %dma_wait3A_1048 : memref<1x6144xi32, #tpu.memory_space<vmem>> -> memref<6144xi32, #tpu.memory_space<vmem>>
    %dma_wait3A_1050 = arith.constant 73728 : i32
    %dma_wait3A_1051 = tpu.memref_slice %arg4[%dma_wait3A_1050] : memref<122880xi32, #tpu.memory_space<hbm>> -> memref<6144xi32, #tpu.memory_space<hbm>>
    %dma_wait3A_1052 = arith.constant 0 : i32
    %dma_wait3A_1053 = tpu.memref_slice %arg11[%dma_wait3A_1046, %dma_wait3A_1052] : memref<2x6144xi32, #tpu.memory_space<vmem>> -> memref<1x6144xi32, #tpu.memory_space<vmem>>
    %dma_wait3A_1054 = tpu.memref_squeeze %dma_wait3A_1053 : memref<1x6144xi32, #tpu.memory_space<vmem>> -> memref<6144xi32, #tpu.memory_space<vmem>>
    %dma_wait3A_1055 = arith.constant 73728 : i32
    %dma_wait3A_1056 = tpu.memref_slice %arg4[%dma_wait3A_1055] : memref<122880xi32, #tpu.memory_space<hbm>> -> memref<6144xi32, #tpu.memory_space<hbm>>
    tpu.wait_dma2 semaphore(%arg16 : memref<!tpu.dma_semaphore, #tpu.memory_space<semaphore_mem>>) src(%dma_wait3A_1056 : memref<6144xi32, #tpu.memory_space<hbm>>) dst(%dma_wait3A_1054 : memref<6144xi32, #tpu.memory_space<vmem>>)
    %scan3A_1057 = arith.constant 0 : i32
    %scan3A_1058 = arith.constant 0 : i32
    %scan3A_1059 = arith.constant 0 : i32
    %scan3A_1060 = arith.constant 0 : i32
    %scan3A_1061 = arith.constant 0 : i32
    %scan3A_1062 = arith.constant 384 : i32
    %scan3A_1063 = arith.addi %scan3A_1061, %scan3A_1062 : i32
    %scan3A_1064 = arith.constant 1 : i32
    %scan3A_1065 = scf.for %scan3A_1575 = %scan3A_1061 to %scan3A_1063 step %scan3A_1064 iter_args(%scan3A_1576 = %scan3A_1060) -> (i32)  : i32 {
      %mul3A_1577 = arith.constant 16 : i32
      %mul3A_1578 = arith.muli %scan3A_1575, %mul3A_1577 : i32
      %get3A_1579 = arith.constant 0 : i32
      %get3A_1580 = tpu.memref_slice %arg9[%scan3A_1057, %get3A_1579] : memref<2x6144xi32, #tpu.memory_space<vmem>> -> memref<1x6144xi32, #tpu.memory_space<vmem>>
      %get3A_1581 = tpu.memref_squeeze %get3A_1580 : memref<1x6144xi32, #tpu.memory_space<vmem>> -> memref<6144xi32, #tpu.memory_space<vmem>>
      %get3A_1582 = arith.index_cast %mul3A_1578 : i32 to index
      %get3A_1583 = tpu.vector_load %get3A_1581[%get3A_1582] {strides = array<i32>} : memref<6144xi32, #tpu.memory_space<vmem>>, vector<16xi32>,
      %get3A_1584 = arith.constant 0 : i32
      %get3A_1585 = tpu.memref_slice %arg10[%scan3A_1058, %get3A_1584] : memref<2x6144xi32, #tpu.memory_space<vmem>> -> memref<1x6144xi32, #tpu.memory_space<vmem>>
      %get3A_1586 = tpu.memref_squeeze %get3A_1585 : memref<1x6144xi32, #tpu.memory_space<vmem>> -> memref<6144xi32, #tpu.memory_space<vmem>>
      %get3A_1587 = arith.index_cast %mul3A_1578 : i32 to index
      %get3A_1588 = tpu.vector_load %get3A_1586[%get3A_1587] {strides = array<i32>} : memref<6144xi32, #tpu.memory_space<vmem>>, vector<16xi32>,
      %get3A_1589 = arith.constant 0 : i32
      %get3A_1590 = tpu.memref_slice %arg11[%scan3A_1059, %get3A_1589] : memref<2x6144xi32, #tpu.memory_space<vmem>> -> memref<1x6144xi32, #tpu.memory_space<vmem>>
      %get3A_1591 = tpu.memref_squeeze %get3A_1590 : memref<1x6144xi32, #tpu.memory_space<vmem>> -> memref<6144xi32, #tpu.memory_space<vmem>>
      %get3A_1592 = arith.index_cast %mul3A_1578 : i32 to index
      %get3A_1593 = tpu.vector_load %get3A_1591[%get3A_1592] {strides = array<i32>} : memref<6144xi32, #tpu.memory_space<vmem>>, vector<16xi32>,
      %eq3A_1594 = vector.broadcast %select_n3A : i32 to vector<16xi32>
      %eq3A_1595 = arith.cmpi eq, %get3A_1583, %eq3A_1594 : vector<16xi32>
      %lt3A_1596 = arith.cmpi slt, %get3A_1583, %get3A_47 : vector<16xi32>
      %and3A_1597 = arith.andi %eq3A_1595, %lt3A_1596 : vector<16xi1>
      %ge3A = vector.broadcast %mul3A_32 : i32 to vector<16xi32>
      %ge3A_1598 = arith.cmpi sge, %get3A_1593, %ge3A : vector<16xi32>
      %and3A_1599 = arith.andi %and3A_1597, %ge3A_1598 : vector<16xi1>
      %add3A_1600 = arith.constant 64 : i32
      %add3A_1601 = arith.addi %mul3A_32, %add3A_1600 : i32
      %lt3A_1602 = vector.broadcast %add3A_1601 : i32 to vector<16xi32>
      %lt3A_1603 = arith.cmpi slt, %get3A_1593, %lt3A_1602 : vector<16xi32>
      %and3A_1604 = arith.andi %and3A_1599, %lt3A_1603 : vector<16xi1>
      %sub3A_1605 = vector.broadcast %mul3A_32 : i32 to vector<16xi32>
      %sub3A_1606 = arith.subi %get3A_1593, %sub3A_1605 : vector<16xi32>
      %mul3A_1607 = arith.constant 512 : i32
      %mul3A_1608 = vector.broadcast %mul3A_1607 : i32 to vector<16xi32>
      %mul3A_1609 = arith.muli %sub3A_1606, %mul3A_1608 : vector<16xi32>
      %add3A_1610 = arith.addi %mul3A_1609, %get3A_1588 : vector<16xi32>
      %jit3A_1611 = arith.constant 0 : i32
      %broadcast_in_dim3A_1612 = vector.broadcast %jit3A_1611 : i32 to vector<16xi32>
      %select_n3A_1613 = arith.select %and3A_1604, %add3A_1610, %broadcast_in_dim3A_1612 : vector<16xi1>, vector<16xi32>
      %add3A_1614 = arith.constant 73728 : i32
      %add3A_1615 = arith.addi %add3A_1614, %mul3A_1578 : i32
      %add3A_1616 = vector.broadcast %add3A_1615 : i32 to vector<16xi32>
      %add3A_1617 = arith.addi %add3A_1616, %iota3A : vector<16xi32>
      %add3A_1618 = arith.constant 1 : i32
      %add3A_1619 = vector.broadcast %add3A_1618 : i32 to vector<16xi32>
      %add3A_1620 = arith.addi %add3A_1617, %add3A_1619 : vector<16xi32>
      tpu.vector_store_idx %arg13[%select_n3A_1613], %add3A_1620 masked %and3A_1604 : memref<32768xi32, #tpu.memory_space<vmem>>[vector<16xi32>], vector<16xi32>, vector<16xi1>
      %scan3A_1621 = arith.constant 0 : i32
      scf.yield %scan3A_1621 : i32
    }
    %scan3A_1066 = arith.constant 384 : i32
    %dma_start3A_1067 = arith.constant 0 : i32
    %dma_start3A_1068 = arith.constant 0 : i32
    %dma_start3A_1069 = tpu.memref_slice %arg9[%dma_start3A_1067, %dma_start3A_1068] : memref<2x6144xi32, #tpu.memory_space<vmem>> -> memref<1x6144xi32, #tpu.memory_space<vmem>>
    %dma_start3A_1070 = tpu.memref_squeeze %dma_start3A_1069 : memref<1x6144xi32, #tpu.memory_space<vmem>> -> memref<6144xi32, #tpu.memory_space<vmem>>
    %dma_start3A_1071 = arith.constant 86016 : i32
    %dma_start3A_1072 = tpu.memref_slice %arg2[%dma_start3A_1071] : memref<122880xi32, #tpu.memory_space<hbm>> -> memref<6144xi32, #tpu.memory_space<hbm>>
    %dma_start3A_1073 = arith.constant 0 : i32
    %dma_start3A_1074 = tpu.memref_slice %arg9[%dma_start3A_1067, %dma_start3A_1073] : memref<2x6144xi32, #tpu.memory_space<vmem>> -> memref<1x6144xi32, #tpu.memory_space<vmem>>
    %dma_start3A_1075 = tpu.memref_squeeze %dma_start3A_1074 : memref<1x6144xi32, #tpu.memory_space<vmem>> -> memref<6144xi32, #tpu.memory_space<vmem>>
    %dma_start3A_1076 = arith.constant 86016 : i32
    %dma_start3A_1077 = tpu.memref_slice %arg2[%dma_start3A_1076] : memref<122880xi32, #tpu.memory_space<hbm>> -> memref<6144xi32, #tpu.memory_space<hbm>>
    tpu.enqueue_dma source(%dma_start3A_1077 : memref<6144xi32, #tpu.memory_space<hbm>>) target(%dma_start3A_1075 : memref<6144xi32, #tpu.memory_space<vmem>>) target_semaphore(%arg16 : memref<!tpu.dma_semaphore, #tpu.memory_space<semaphore_mem>>)
    %dma_start3A_1078 = arith.constant 0 : i32
    %dma_start3A_1079 = arith.constant 0 : i32
    %dma_start3A_1080 = tpu.memref_slice %arg10[%dma_start3A_1078, %dma_start3A_1079] : memref<2x6144xi32, #tpu.memory_space<vmem>> -> memref<1x6144xi32, #tpu.memory_space<vmem>>
    %dma_start3A_1081 = tpu.memref_squeeze %dma_start3A_1080 : memref<1x6144xi32, #tpu.memory_space<vmem>> -> memref<6144xi32, #tpu.memory_space<vmem>>
    %dma_start3A_1082 = arith.constant 86016 : i32
    %dma_start3A_1083 = tpu.memref_slice %arg3[%dma_start3A_1082] : memref<122880xi32, #tpu.memory_space<hbm>> -> memref<6144xi32, #tpu.memory_space<hbm>>
    %dma_start3A_1084 = arith.constant 0 : i32
    %dma_start3A_1085 = tpu.memref_slice %arg10[%dma_start3A_1078, %dma_start3A_1084] : memref<2x6144xi32, #tpu.memory_space<vmem>> -> memref<1x6144xi32, #tpu.memory_space<vmem>>
    %dma_start3A_1086 = tpu.memref_squeeze %dma_start3A_1085 : memref<1x6144xi32, #tpu.memory_space<vmem>> -> memref<6144xi32, #tpu.memory_space<vmem>>
    %dma_start3A_1087 = arith.constant 86016 : i32
    %dma_start3A_1088 = tpu.memref_slice %arg3[%dma_start3A_1087] : memref<122880xi32, #tpu.memory_space<hbm>> -> memref<6144xi32, #tpu.memory_space<hbm>>
    tpu.enqueue_dma source(%dma_start3A_1088 : memref<6144xi32, #tpu.memory_space<hbm>>) target(%dma_start3A_1086 : memref<6144xi32, #tpu.memory_space<vmem>>) target_semaphore(%arg16 : memref<!tpu.dma_semaphore, #tpu.memory_space<semaphore_mem>>)
    %dma_start3A_1089 = arith.constant 0 : i32
    %dma_start3A_1090 = arith.constant 0 : i32
    %dma_start3A_1091 = tpu.memref_slice %arg11[%dma_start3A_1089, %dma_start3A_1090] : memref<2x6144xi32, #tpu.memory_space<vmem>> -> memref<1x6144xi32, #tpu.memory_space<vmem>>
    %dma_start3A_1092 = tpu.memref_squeeze %dma_start3A_1091 : memref<1x6144xi32, #tpu.memory_space<vmem>> -> memref<6144xi32, #tpu.memory_space<vmem>>
    %dma_start3A_1093 = arith.constant 86016 : i32
    %dma_start3A_1094 = tpu.memref_slice %arg4[%dma_start3A_1093] : memref<122880xi32, #tpu.memory_space<hbm>> -> memref<6144xi32, #tpu.memory_space<hbm>>
    %dma_start3A_1095 = arith.constant 0 : i32
    %dma_start3A_1096 = tpu.memref_slice %arg11[%dma_start3A_1089, %dma_start3A_1095] : memref<2x6144xi32, #tpu.memory_space<vmem>> -> memref<1x6144xi32, #tpu.memory_space<vmem>>
    %dma_start3A_1097 = tpu.memref_squeeze %dma_start3A_1096 : memref<1x6144xi32, #tpu.memory_space<vmem>> -> memref<6144xi32, #tpu.memory_space<vmem>>
    %dma_start3A_1098 = arith.constant 86016 : i32
    %dma_start3A_1099 = tpu.memref_slice %arg4[%dma_start3A_1098] : memref<122880xi32, #tpu.memory_space<hbm>> -> memref<6144xi32, #tpu.memory_space<hbm>>
    tpu.enqueue_dma source(%dma_start3A_1099 : memref<6144xi32, #tpu.memory_space<hbm>>) target(%dma_start3A_1097 : memref<6144xi32, #tpu.memory_space<vmem>>) target_semaphore(%arg16 : memref<!tpu.dma_semaphore, #tpu.memory_space<semaphore_mem>>)
    %dma_wait3A_1100 = arith.constant 1 : i32
    %dma_wait3A_1101 = arith.constant 0 : i32
    %dma_wait3A_1102 = tpu.memref_slice %arg9[%dma_wait3A_1100, %dma_wait3A_1101] : memref<2x6144xi32, #tpu.memory_space<vmem>> -> memref<1x6144xi32, #tpu.memory_space<vmem>>
    %dma_wait3A_1103 = tpu.memref_squeeze %dma_wait3A_1102 : memref<1x6144xi32, #tpu.memory_space<vmem>> -> memref<6144xi32, #tpu.memory_space<vmem>>
    %dma_wait3A_1104 = arith.constant 79872 : i32
    %dma_wait3A_1105 = tpu.memref_slice %arg2[%dma_wait3A_1104] : memref<122880xi32, #tpu.memory_space<hbm>> -> memref<6144xi32, #tpu.memory_space<hbm>>
    %dma_wait3A_1106 = arith.constant 0 : i32
    %dma_wait3A_1107 = tpu.memref_slice %arg9[%dma_wait3A_1100, %dma_wait3A_1106] : memref<2x6144xi32, #tpu.memory_space<vmem>> -> memref<1x6144xi32, #tpu.memory_space<vmem>>
    %dma_wait3A_1108 = tpu.memref_squeeze %dma_wait3A_1107 : memref<1x6144xi32, #tpu.memory_space<vmem>> -> memref<6144xi32, #tpu.memory_space<vmem>>
    %dma_wait3A_1109 = arith.constant 79872 : i32
    %dma_wait3A_1110 = tpu.memref_slice %arg2[%dma_wait3A_1109] : memref<122880xi32, #tpu.memory_space<hbm>> -> memref<6144xi32, #tpu.memory_space<hbm>>
    tpu.wait_dma2 semaphore(%arg16 : memref<!tpu.dma_semaphore, #tpu.memory_space<semaphore_mem>>) src(%dma_wait3A_1110 : memref<6144xi32, #tpu.memory_space<hbm>>) dst(%dma_wait3A_1108 : memref<6144xi32, #tpu.memory_space<vmem>>)
    %dma_wait3A_1111 = arith.constant 1 : i32
    %dma_wait3A_1112 = arith.constant 0 : i32
    %dma_wait3A_1113 = tpu.memref_slice %arg10[%dma_wait3A_1111, %dma_wait3A_1112] : memref<2x6144xi32, #tpu.memory_space<vmem>> -> memref<1x6144xi32, #tpu.memory_space<vmem>>
    %dma_wait3A_1114 = tpu.memref_squeeze %dma_wait3A_1113 : memref<1x6144xi32, #tpu.memory_space<vmem>> -> memref<6144xi32, #tpu.memory_space<vmem>>
    %dma_wait3A_1115 = arith.constant 79872 : i32
    %dma_wait3A_1116 = tpu.memref_slice %arg3[%dma_wait3A_1115] : memref<122880xi32, #tpu.memory_space<hbm>> -> memref<6144xi32, #tpu.memory_space<hbm>>
    %dma_wait3A_1117 = arith.constant 0 : i32
    %dma_wait3A_1118 = tpu.memref_slice %arg10[%dma_wait3A_1111, %dma_wait3A_1117] : memref<2x6144xi32, #tpu.memory_space<vmem>> -> memref<1x6144xi32, #tpu.memory_space<vmem>>
    %dma_wait3A_1119 = tpu.memref_squeeze %dma_wait3A_1118 : memref<1x6144xi32, #tpu.memory_space<vmem>> -> memref<6144xi32, #tpu.memory_space<vmem>>
    %dma_wait3A_1120 = arith.constant 79872 : i32
    %dma_wait3A_1121 = tpu.memref_slice %arg3[%dma_wait3A_1120] : memref<122880xi32, #tpu.memory_space<hbm>> -> memref<6144xi32, #tpu.memory_space<hbm>>
    tpu.wait_dma2 semaphore(%arg16 : memref<!tpu.dma_semaphore, #tpu.memory_space<semaphore_mem>>) src(%dma_wait3A_1121 : memref<6144xi32, #tpu.memory_space<hbm>>) dst(%dma_wait3A_1119 : memref<6144xi32, #tpu.memory_space<vmem>>)
    %dma_wait3A_1122 = arith.constant 1 : i32
    %dma_wait3A_1123 = arith.constant 0 : i32
    %dma_wait3A_1124 = tpu.memref_slice %arg11[%dma_wait3A_1122, %dma_wait3A_1123] : memref<2x6144xi32, #tpu.memory_space<vmem>> -> memref<1x6144xi32, #tpu.memory_space<vmem>>
    %dma_wait3A_1125 = tpu.memref_squeeze %dma_wait3A_1124 : memref<1x6144xi32, #tpu.memory_space<vmem>> -> memref<6144xi32, #tpu.memory_space<vmem>>
    %dma_wait3A_1126 = arith.constant 79872 : i32
    %dma_wait3A_1127 = tpu.memref_slice %arg4[%dma_wait3A_1126] : memref<122880xi32, #tpu.memory_space<hbm>> -> memref<6144xi32, #tpu.memory_space<hbm>>
    %dma_wait3A_1128 = arith.constant 0 : i32
    %dma_wait3A_1129 = tpu.memref_slice %arg11[%dma_wait3A_1122, %dma_wait3A_1128] : memref<2x6144xi32, #tpu.memory_space<vmem>> -> memref<1x6144xi32, #tpu.memory_space<vmem>>
    %dma_wait3A_1130 = tpu.memref_squeeze %dma_wait3A_1129 : memref<1x6144xi32, #tpu.memory_space<vmem>> -> memref<6144xi32, #tpu.memory_space<vmem>>
    %dma_wait3A_1131 = arith.constant 79872 : i32
    %dma_wait3A_1132 = tpu.memref_slice %arg4[%dma_wait3A_1131] : memref<122880xi32, #tpu.memory_space<hbm>> -> memref<6144xi32, #tpu.memory_space<hbm>>
    tpu.wait_dma2 semaphore(%arg16 : memref<!tpu.dma_semaphore, #tpu.memory_space<semaphore_mem>>) src(%dma_wait3A_1132 : memref<6144xi32, #tpu.memory_space<hbm>>) dst(%dma_wait3A_1130 : memref<6144xi32, #tpu.memory_space<vmem>>)
    %scan3A_1133 = arith.constant 1 : i32
    %scan3A_1134 = arith.constant 1 : i32
    %scan3A_1135 = arith.constant 1 : i32
    %scan3A_1136 = arith.constant 0 : i32
    %scan3A_1137 = arith.constant 0 : i32
    %scan3A_1138 = arith.constant 384 : i32
    %scan3A_1139 = arith.addi %scan3A_1137, %scan3A_1138 : i32
    %scan3A_1140 = arith.constant 1 : i32
    %scan3A_1141 = scf.for %scan3A_1575 = %scan3A_1137 to %scan3A_1139 step %scan3A_1140 iter_args(%scan3A_1576 = %scan3A_1136) -> (i32)  : i32 {
      %mul3A_1577 = arith.constant 16 : i32
      %mul3A_1578 = arith.muli %scan3A_1575, %mul3A_1577 : i32
      %get3A_1579 = arith.constant 0 : i32
      %get3A_1580 = tpu.memref_slice %arg9[%scan3A_1133, %get3A_1579] : memref<2x6144xi32, #tpu.memory_space<vmem>> -> memref<1x6144xi32, #tpu.memory_space<vmem>>
      %get3A_1581 = tpu.memref_squeeze %get3A_1580 : memref<1x6144xi32, #tpu.memory_space<vmem>> -> memref<6144xi32, #tpu.memory_space<vmem>>
      %get3A_1582 = arith.index_cast %mul3A_1578 : i32 to index
      %get3A_1583 = tpu.vector_load %get3A_1581[%get3A_1582] {strides = array<i32>} : memref<6144xi32, #tpu.memory_space<vmem>>, vector<16xi32>,
      %get3A_1584 = arith.constant 0 : i32
      %get3A_1585 = tpu.memref_slice %arg10[%scan3A_1134, %get3A_1584] : memref<2x6144xi32, #tpu.memory_space<vmem>> -> memref<1x6144xi32, #tpu.memory_space<vmem>>
      %get3A_1586 = tpu.memref_squeeze %get3A_1585 : memref<1x6144xi32, #tpu.memory_space<vmem>> -> memref<6144xi32, #tpu.memory_space<vmem>>
      %get3A_1587 = arith.index_cast %mul3A_1578 : i32 to index
      %get3A_1588 = tpu.vector_load %get3A_1586[%get3A_1587] {strides = array<i32>} : memref<6144xi32, #tpu.memory_space<vmem>>, vector<16xi32>,
      %get3A_1589 = arith.constant 0 : i32
      %get3A_1590 = tpu.memref_slice %arg11[%scan3A_1135, %get3A_1589] : memref<2x6144xi32, #tpu.memory_space<vmem>> -> memref<1x6144xi32, #tpu.memory_space<vmem>>
      %get3A_1591 = tpu.memref_squeeze %get3A_1590 : memref<1x6144xi32, #tpu.memory_space<vmem>> -> memref<6144xi32, #tpu.memory_space<vmem>>
      %get3A_1592 = arith.index_cast %mul3A_1578 : i32 to index
      %get3A_1593 = tpu.vector_load %get3A_1591[%get3A_1592] {strides = array<i32>} : memref<6144xi32, #tpu.memory_space<vmem>>, vector<16xi32>,
      %eq3A_1594 = vector.broadcast %select_n3A : i32 to vector<16xi32>
      %eq3A_1595 = arith.cmpi eq, %get3A_1583, %eq3A_1594 : vector<16xi32>
      %lt3A_1596 = arith.cmpi slt, %get3A_1583, %get3A_47 : vector<16xi32>
      %and3A_1597 = arith.andi %eq3A_1595, %lt3A_1596 : vector<16xi1>
      %ge3A = vector.broadcast %mul3A_32 : i32 to vector<16xi32>
      %ge3A_1598 = arith.cmpi sge, %get3A_1593, %ge3A : vector<16xi32>
      %and3A_1599 = arith.andi %and3A_1597, %ge3A_1598 : vector<16xi1>
      %add3A_1600 = arith.constant 64 : i32
      %add3A_1601 = arith.addi %mul3A_32, %add3A_1600 : i32
      %lt3A_1602 = vector.broadcast %add3A_1601 : i32 to vector<16xi32>
      %lt3A_1603 = arith.cmpi slt, %get3A_1593, %lt3A_1602 : vector<16xi32>
      %and3A_1604 = arith.andi %and3A_1599, %lt3A_1603 : vector<16xi1>
      %sub3A_1605 = vector.broadcast %mul3A_32 : i32 to vector<16xi32>
      %sub3A_1606 = arith.subi %get3A_1593, %sub3A_1605 : vector<16xi32>
      %mul3A_1607 = arith.constant 512 : i32
      %mul3A_1608 = vector.broadcast %mul3A_1607 : i32 to vector<16xi32>
      %mul3A_1609 = arith.muli %sub3A_1606, %mul3A_1608 : vector<16xi32>
      %add3A_1610 = arith.addi %mul3A_1609, %get3A_1588 : vector<16xi32>
      %jit3A_1611 = arith.constant 0 : i32
      %broadcast_in_dim3A_1612 = vector.broadcast %jit3A_1611 : i32 to vector<16xi32>
      %select_n3A_1613 = arith.select %and3A_1604, %add3A_1610, %broadcast_in_dim3A_1612 : vector<16xi1>, vector<16xi32>
      %add3A_1614 = arith.constant 79872 : i32
      %add3A_1615 = arith.addi %add3A_1614, %mul3A_1578 : i32
      %add3A_1616 = vector.broadcast %add3A_1615 : i32 to vector<16xi32>
      %add3A_1617 = arith.addi %add3A_1616, %iota3A : vector<16xi32>
      %add3A_1618 = arith.constant 1 : i32
      %add3A_1619 = vector.broadcast %add3A_1618 : i32 to vector<16xi32>
      %add3A_1620 = arith.addi %add3A_1617, %add3A_1619 : vector<16xi32>
      tpu.vector_store_idx %arg13[%select_n3A_1613], %add3A_1620 masked %and3A_1604 : memref<32768xi32, #tpu.memory_space<vmem>>[vector<16xi32>], vector<16xi32>, vector<16xi1>
      %scan3A_1621 = arith.constant 0 : i32
      scf.yield %scan3A_1621 : i32
    }
    %scan3A_1142 = arith.constant 384 : i32
    %dma_start3A_1143 = arith.constant 1 : i32
    %dma_start3A_1144 = arith.constant 0 : i32
    %dma_start3A_1145 = tpu.memref_slice %arg9[%dma_start3A_1143, %dma_start3A_1144] : memref<2x6144xi32, #tpu.memory_space<vmem>> -> memref<1x6144xi32, #tpu.memory_space<vmem>>
    %dma_start3A_1146 = tpu.memref_squeeze %dma_start3A_1145 : memref<1x6144xi32, #tpu.memory_space<vmem>> -> memref<6144xi32, #tpu.memory_space<vmem>>
    %dma_start3A_1147 = arith.constant 92160 : i32
    %dma_start3A_1148 = tpu.memref_slice %arg2[%dma_start3A_1147] : memref<122880xi32, #tpu.memory_space<hbm>> -> memref<6144xi32, #tpu.memory_space<hbm>>
    %dma_start3A_1149 = arith.constant 0 : i32
    %dma_start3A_1150 = tpu.memref_slice %arg9[%dma_start3A_1143, %dma_start3A_1149] : memref<2x6144xi32, #tpu.memory_space<vmem>> -> memref<1x6144xi32, #tpu.memory_space<vmem>>
    %dma_start3A_1151 = tpu.memref_squeeze %dma_start3A_1150 : memref<1x6144xi32, #tpu.memory_space<vmem>> -> memref<6144xi32, #tpu.memory_space<vmem>>
    %dma_start3A_1152 = arith.constant 92160 : i32
    %dma_start3A_1153 = tpu.memref_slice %arg2[%dma_start3A_1152] : memref<122880xi32, #tpu.memory_space<hbm>> -> memref<6144xi32, #tpu.memory_space<hbm>>
    tpu.enqueue_dma source(%dma_start3A_1153 : memref<6144xi32, #tpu.memory_space<hbm>>) target(%dma_start3A_1151 : memref<6144xi32, #tpu.memory_space<vmem>>) target_semaphore(%arg16 : memref<!tpu.dma_semaphore, #tpu.memory_space<semaphore_mem>>)
    %dma_start3A_1154 = arith.constant 1 : i32
    %dma_start3A_1155 = arith.constant 0 : i32
    %dma_start3A_1156 = tpu.memref_slice %arg10[%dma_start3A_1154, %dma_start3A_1155] : memref<2x6144xi32, #tpu.memory_space<vmem>> -> memref<1x6144xi32, #tpu.memory_space<vmem>>
    %dma_start3A_1157 = tpu.memref_squeeze %dma_start3A_1156 : memref<1x6144xi32, #tpu.memory_space<vmem>> -> memref<6144xi32, #tpu.memory_space<vmem>>
    %dma_start3A_1158 = arith.constant 92160 : i32
    %dma_start3A_1159 = tpu.memref_slice %arg3[%dma_start3A_1158] : memref<122880xi32, #tpu.memory_space<hbm>> -> memref<6144xi32, #tpu.memory_space<hbm>>
    %dma_start3A_1160 = arith.constant 0 : i32
    %dma_start3A_1161 = tpu.memref_slice %arg10[%dma_start3A_1154, %dma_start3A_1160] : memref<2x6144xi32, #tpu.memory_space<vmem>> -> memref<1x6144xi32, #tpu.memory_space<vmem>>
    %dma_start3A_1162 = tpu.memref_squeeze %dma_start3A_1161 : memref<1x6144xi32, #tpu.memory_space<vmem>> -> memref<6144xi32, #tpu.memory_space<vmem>>
    %dma_start3A_1163 = arith.constant 92160 : i32
    %dma_start3A_1164 = tpu.memref_slice %arg3[%dma_start3A_1163] : memref<122880xi32, #tpu.memory_space<hbm>> -> memref<6144xi32, #tpu.memory_space<hbm>>
    tpu.enqueue_dma source(%dma_start3A_1164 : memref<6144xi32, #tpu.memory_space<hbm>>) target(%dma_start3A_1162 : memref<6144xi32, #tpu.memory_space<vmem>>) target_semaphore(%arg16 : memref<!tpu.dma_semaphore, #tpu.memory_space<semaphore_mem>>)
    %dma_start3A_1165 = arith.constant 1 : i32
    %dma_start3A_1166 = arith.constant 0 : i32
    %dma_start3A_1167 = tpu.memref_slice %arg11[%dma_start3A_1165, %dma_start3A_1166] : memref<2x6144xi32, #tpu.memory_space<vmem>> -> memref<1x6144xi32, #tpu.memory_space<vmem>>
    %dma_start3A_1168 = tpu.memref_squeeze %dma_start3A_1167 : memref<1x6144xi32, #tpu.memory_space<vmem>> -> memref<6144xi32, #tpu.memory_space<vmem>>
    %dma_start3A_1169 = arith.constant 92160 : i32
    %dma_start3A_1170 = tpu.memref_slice %arg4[%dma_start3A_1169] : memref<122880xi32, #tpu.memory_space<hbm>> -> memref<6144xi32, #tpu.memory_space<hbm>>
    %dma_start3A_1171 = arith.constant 0 : i32
    %dma_start3A_1172 = tpu.memref_slice %arg11[%dma_start3A_1165, %dma_start3A_1171] : memref<2x6144xi32, #tpu.memory_space<vmem>> -> memref<1x6144xi32, #tpu.memory_space<vmem>>
    %dma_start3A_1173 = tpu.memref_squeeze %dma_start3A_1172 : memref<1x6144xi32, #tpu.memory_space<vmem>> -> memref<6144xi32, #tpu.memory_space<vmem>>
    %dma_start3A_1174 = arith.constant 92160 : i32
    %dma_start3A_1175 = tpu.memref_slice %arg4[%dma_start3A_1174] : memref<122880xi32, #tpu.memory_space<hbm>> -> memref<6144xi32, #tpu.memory_space<hbm>>
    tpu.enqueue_dma source(%dma_start3A_1175 : memref<6144xi32, #tpu.memory_space<hbm>>) target(%dma_start3A_1173 : memref<6144xi32, #tpu.memory_space<vmem>>) target_semaphore(%arg16 : memref<!tpu.dma_semaphore, #tpu.memory_space<semaphore_mem>>)
    %dma_wait3A_1176 = arith.constant 0 : i32
    %dma_wait3A_1177 = arith.constant 0 : i32
    %dma_wait3A_1178 = tpu.memref_slice %arg9[%dma_wait3A_1176, %dma_wait3A_1177] : memref<2x6144xi32, #tpu.memory_space<vmem>> -> memref<1x6144xi32, #tpu.memory_space<vmem>>
    %dma_wait3A_1179 = tpu.memref_squeeze %dma_wait3A_1178 : memref<1x6144xi32, #tpu.memory_space<vmem>> -> memref<6144xi32, #tpu.memory_space<vmem>>
    %dma_wait3A_1180 = arith.constant 86016 : i32
    %dma_wait3A_1181 = tpu.memref_slice %arg2[%dma_wait3A_1180] : memref<122880xi32, #tpu.memory_space<hbm>> -> memref<6144xi32, #tpu.memory_space<hbm>>
    %dma_wait3A_1182 = arith.constant 0 : i32
    %dma_wait3A_1183 = tpu.memref_slice %arg9[%dma_wait3A_1176, %dma_wait3A_1182] : memref<2x6144xi32, #tpu.memory_space<vmem>> -> memref<1x6144xi32, #tpu.memory_space<vmem>>
    %dma_wait3A_1184 = tpu.memref_squeeze %dma_wait3A_1183 : memref<1x6144xi32, #tpu.memory_space<vmem>> -> memref<6144xi32, #tpu.memory_space<vmem>>
    %dma_wait3A_1185 = arith.constant 86016 : i32
    %dma_wait3A_1186 = tpu.memref_slice %arg2[%dma_wait3A_1185] : memref<122880xi32, #tpu.memory_space<hbm>> -> memref<6144xi32, #tpu.memory_space<hbm>>
    tpu.wait_dma2 semaphore(%arg16 : memref<!tpu.dma_semaphore, #tpu.memory_space<semaphore_mem>>) src(%dma_wait3A_1186 : memref<6144xi32, #tpu.memory_space<hbm>>) dst(%dma_wait3A_1184 : memref<6144xi32, #tpu.memory_space<vmem>>)
    %dma_wait3A_1187 = arith.constant 0 : i32
    %dma_wait3A_1188 = arith.constant 0 : i32
    %dma_wait3A_1189 = tpu.memref_slice %arg10[%dma_wait3A_1187, %dma_wait3A_1188] : memref<2x6144xi32, #tpu.memory_space<vmem>> -> memref<1x6144xi32, #tpu.memory_space<vmem>>
    %dma_wait3A_1190 = tpu.memref_squeeze %dma_wait3A_1189 : memref<1x6144xi32, #tpu.memory_space<vmem>> -> memref<6144xi32, #tpu.memory_space<vmem>>
    %dma_wait3A_1191 = arith.constant 86016 : i32
    %dma_wait3A_1192 = tpu.memref_slice %arg3[%dma_wait3A_1191] : memref<122880xi32, #tpu.memory_space<hbm>> -> memref<6144xi32, #tpu.memory_space<hbm>>
    %dma_wait3A_1193 = arith.constant 0 : i32
    %dma_wait3A_1194 = tpu.memref_slice %arg10[%dma_wait3A_1187, %dma_wait3A_1193] : memref<2x6144xi32, #tpu.memory_space<vmem>> -> memref<1x6144xi32, #tpu.memory_space<vmem>>
    %dma_wait3A_1195 = tpu.memref_squeeze %dma_wait3A_1194 : memref<1x6144xi32, #tpu.memory_space<vmem>> -> memref<6144xi32, #tpu.memory_space<vmem>>
    %dma_wait3A_1196 = arith.constant 86016 : i32
    %dma_wait3A_1197 = tpu.memref_slice %arg3[%dma_wait3A_1196] : memref<122880xi32, #tpu.memory_space<hbm>> -> memref<6144xi32, #tpu.memory_space<hbm>>
    tpu.wait_dma2 semaphore(%arg16 : memref<!tpu.dma_semaphore, #tpu.memory_space<semaphore_mem>>) src(%dma_wait3A_1197 : memref<6144xi32, #tpu.memory_space<hbm>>) dst(%dma_wait3A_1195 : memref<6144xi32, #tpu.memory_space<vmem>>)
    %dma_wait3A_1198 = arith.constant 0 : i32
    %dma_wait3A_1199 = arith.constant 0 : i32
    %dma_wait3A_1200 = tpu.memref_slice %arg11[%dma_wait3A_1198, %dma_wait3A_1199] : memref<2x6144xi32, #tpu.memory_space<vmem>> -> memref<1x6144xi32, #tpu.memory_space<vmem>>
    %dma_wait3A_1201 = tpu.memref_squeeze %dma_wait3A_1200 : memref<1x6144xi32, #tpu.memory_space<vmem>> -> memref<6144xi32, #tpu.memory_space<vmem>>
    %dma_wait3A_1202 = arith.constant 86016 : i32
    %dma_wait3A_1203 = tpu.memref_slice %arg4[%dma_wait3A_1202] : memref<122880xi32, #tpu.memory_space<hbm>> -> memref<6144xi32, #tpu.memory_space<hbm>>
    %dma_wait3A_1204 = arith.constant 0 : i32
    %dma_wait3A_1205 = tpu.memref_slice %arg11[%dma_wait3A_1198, %dma_wait3A_1204] : memref<2x6144xi32, #tpu.memory_space<vmem>> -> memref<1x6144xi32, #tpu.memory_space<vmem>>
    %dma_wait3A_1206 = tpu.memref_squeeze %dma_wait3A_1205 : memref<1x6144xi32, #tpu.memory_space<vmem>> -> memref<6144xi32, #tpu.memory_space<vmem>>
    %dma_wait3A_1207 = arith.constant 86016 : i32
    %dma_wait3A_1208 = tpu.memref_slice %arg4[%dma_wait3A_1207] : memref<122880xi32, #tpu.memory_space<hbm>> -> memref<6144xi32, #tpu.memory_space<hbm>>
    tpu.wait_dma2 semaphore(%arg16 : memref<!tpu.dma_semaphore, #tpu.memory_space<semaphore_mem>>) src(%dma_wait3A_1208 : memref<6144xi32, #tpu.memory_space<hbm>>) dst(%dma_wait3A_1206 : memref<6144xi32, #tpu.memory_space<vmem>>)
    %scan3A_1209 = arith.constant 0 : i32
    %scan3A_1210 = arith.constant 0 : i32
    %scan3A_1211 = arith.constant 0 : i32
    %scan3A_1212 = arith.constant 0 : i32
    %scan3A_1213 = arith.constant 0 : i32
    %scan3A_1214 = arith.constant 384 : i32
    %scan3A_1215 = arith.addi %scan3A_1213, %scan3A_1214 : i32
    %scan3A_1216 = arith.constant 1 : i32
    %scan3A_1217 = scf.for %scan3A_1575 = %scan3A_1213 to %scan3A_1215 step %scan3A_1216 iter_args(%scan3A_1576 = %scan3A_1212) -> (i32)  : i32 {
      %mul3A_1577 = arith.constant 16 : i32
      %mul3A_1578 = arith.muli %scan3A_1575, %mul3A_1577 : i32
      %get3A_1579 = arith.constant 0 : i32
      %get3A_1580 = tpu.memref_slice %arg9[%scan3A_1209, %get3A_1579] : memref<2x6144xi32, #tpu.memory_space<vmem>> -> memref<1x6144xi32, #tpu.memory_space<vmem>>
      %get3A_1581 = tpu.memref_squeeze %get3A_1580 : memref<1x6144xi32, #tpu.memory_space<vmem>> -> memref<6144xi32, #tpu.memory_space<vmem>>
      %get3A_1582 = arith.index_cast %mul3A_1578 : i32 to index
      %get3A_1583 = tpu.vector_load %get3A_1581[%get3A_1582] {strides = array<i32>} : memref<6144xi32, #tpu.memory_space<vmem>>, vector<16xi32>,
      %get3A_1584 = arith.constant 0 : i32
      %get3A_1585 = tpu.memref_slice %arg10[%scan3A_1210, %get3A_1584] : memref<2x6144xi32, #tpu.memory_space<vmem>> -> memref<1x6144xi32, #tpu.memory_space<vmem>>
      %get3A_1586 = tpu.memref_squeeze %get3A_1585 : memref<1x6144xi32, #tpu.memory_space<vmem>> -> memref<6144xi32, #tpu.memory_space<vmem>>
      %get3A_1587 = arith.index_cast %mul3A_1578 : i32 to index
      %get3A_1588 = tpu.vector_load %get3A_1586[%get3A_1587] {strides = array<i32>} : memref<6144xi32, #tpu.memory_space<vmem>>, vector<16xi32>,
      %get3A_1589 = arith.constant 0 : i32
      %get3A_1590 = tpu.memref_slice %arg11[%scan3A_1211, %get3A_1589] : memref<2x6144xi32, #tpu.memory_space<vmem>> -> memref<1x6144xi32, #tpu.memory_space<vmem>>
      %get3A_1591 = tpu.memref_squeeze %get3A_1590 : memref<1x6144xi32, #tpu.memory_space<vmem>> -> memref<6144xi32, #tpu.memory_space<vmem>>
      %get3A_1592 = arith.index_cast %mul3A_1578 : i32 to index
      %get3A_1593 = tpu.vector_load %get3A_1591[%get3A_1592] {strides = array<i32>} : memref<6144xi32, #tpu.memory_space<vmem>>, vector<16xi32>,
      %eq3A_1594 = vector.broadcast %select_n3A : i32 to vector<16xi32>
      %eq3A_1595 = arith.cmpi eq, %get3A_1583, %eq3A_1594 : vector<16xi32>
      %lt3A_1596 = arith.cmpi slt, %get3A_1583, %get3A_47 : vector<16xi32>
      %and3A_1597 = arith.andi %eq3A_1595, %lt3A_1596 : vector<16xi1>
      %ge3A = vector.broadcast %mul3A_32 : i32 to vector<16xi32>
      %ge3A_1598 = arith.cmpi sge, %get3A_1593, %ge3A : vector<16xi32>
      %and3A_1599 = arith.andi %and3A_1597, %ge3A_1598 : vector<16xi1>
      %add3A_1600 = arith.constant 64 : i32
      %add3A_1601 = arith.addi %mul3A_32, %add3A_1600 : i32
      %lt3A_1602 = vector.broadcast %add3A_1601 : i32 to vector<16xi32>
      %lt3A_1603 = arith.cmpi slt, %get3A_1593, %lt3A_1602 : vector<16xi32>
      %and3A_1604 = arith.andi %and3A_1599, %lt3A_1603 : vector<16xi1>
      %sub3A_1605 = vector.broadcast %mul3A_32 : i32 to vector<16xi32>
      %sub3A_1606 = arith.subi %get3A_1593, %sub3A_1605 : vector<16xi32>
      %mul3A_1607 = arith.constant 512 : i32
      %mul3A_1608 = vector.broadcast %mul3A_1607 : i32 to vector<16xi32>
      %mul3A_1609 = arith.muli %sub3A_1606, %mul3A_1608 : vector<16xi32>
      %add3A_1610 = arith.addi %mul3A_1609, %get3A_1588 : vector<16xi32>
      %jit3A_1611 = arith.constant 0 : i32
      %broadcast_in_dim3A_1612 = vector.broadcast %jit3A_1611 : i32 to vector<16xi32>
      %select_n3A_1613 = arith.select %and3A_1604, %add3A_1610, %broadcast_in_dim3A_1612 : vector<16xi1>, vector<16xi32>
      %add3A_1614 = arith.constant 86016 : i32
      %add3A_1615 = arith.addi %add3A_1614, %mul3A_1578 : i32
      %add3A_1616 = vector.broadcast %add3A_1615 : i32 to vector<16xi32>
      %add3A_1617 = arith.addi %add3A_1616, %iota3A : vector<16xi32>
      %add3A_1618 = arith.constant 1 : i32
      %add3A_1619 = vector.broadcast %add3A_1618 : i32 to vector<16xi32>
      %add3A_1620 = arith.addi %add3A_1617, %add3A_1619 : vector<16xi32>
      tpu.vector_store_idx %arg13[%select_n3A_1613], %add3A_1620 masked %and3A_1604 : memref<32768xi32, #tpu.memory_space<vmem>>[vector<16xi32>], vector<16xi32>, vector<16xi1>
      %scan3A_1621 = arith.constant 0 : i32
      scf.yield %scan3A_1621 : i32
    }
    %scan3A_1218 = arith.constant 384 : i32
    %dma_start3A_1219 = arith.constant 0 : i32
    %dma_start3A_1220 = arith.constant 0 : i32
    %dma_start3A_1221 = tpu.memref_slice %arg9[%dma_start3A_1219, %dma_start3A_1220] : memref<2x6144xi32, #tpu.memory_space<vmem>> -> memref<1x6144xi32, #tpu.memory_space<vmem>>
    %dma_start3A_1222 = tpu.memref_squeeze %dma_start3A_1221 : memref<1x6144xi32, #tpu.memory_space<vmem>> -> memref<6144xi32, #tpu.memory_space<vmem>>
    %dma_start3A_1223 = arith.constant 98304 : i32
    %dma_start3A_1224 = tpu.memref_slice %arg2[%dma_start3A_1223] : memref<122880xi32, #tpu.memory_space<hbm>> -> memref<6144xi32, #tpu.memory_space<hbm>>
    %dma_start3A_1225 = arith.constant 0 : i32
    %dma_start3A_1226 = tpu.memref_slice %arg9[%dma_start3A_1219, %dma_start3A_1225] : memref<2x6144xi32, #tpu.memory_space<vmem>> -> memref<1x6144xi32, #tpu.memory_space<vmem>>
    %dma_start3A_1227 = tpu.memref_squeeze %dma_start3A_1226 : memref<1x6144xi32, #tpu.memory_space<vmem>> -> memref<6144xi32, #tpu.memory_space<vmem>>
    %dma_start3A_1228 = arith.constant 98304 : i32
    %dma_start3A_1229 = tpu.memref_slice %arg2[%dma_start3A_1228] : memref<122880xi32, #tpu.memory_space<hbm>> -> memref<6144xi32, #tpu.memory_space<hbm>>
    tpu.enqueue_dma source(%dma_start3A_1229 : memref<6144xi32, #tpu.memory_space<hbm>>) target(%dma_start3A_1227 : memref<6144xi32, #tpu.memory_space<vmem>>) target_semaphore(%arg16 : memref<!tpu.dma_semaphore, #tpu.memory_space<semaphore_mem>>)
    %dma_start3A_1230 = arith.constant 0 : i32
    %dma_start3A_1231 = arith.constant 0 : i32
    %dma_start3A_1232 = tpu.memref_slice %arg10[%dma_start3A_1230, %dma_start3A_1231] : memref<2x6144xi32, #tpu.memory_space<vmem>> -> memref<1x6144xi32, #tpu.memory_space<vmem>>
    %dma_start3A_1233 = tpu.memref_squeeze %dma_start3A_1232 : memref<1x6144xi32, #tpu.memory_space<vmem>> -> memref<6144xi32, #tpu.memory_space<vmem>>
    %dma_start3A_1234 = arith.constant 98304 : i32
    %dma_start3A_1235 = tpu.memref_slice %arg3[%dma_start3A_1234] : memref<122880xi32, #tpu.memory_space<hbm>> -> memref<6144xi32, #tpu.memory_space<hbm>>
    %dma_start3A_1236 = arith.constant 0 : i32
    %dma_start3A_1237 = tpu.memref_slice %arg10[%dma_start3A_1230, %dma_start3A_1236] : memref<2x6144xi32, #tpu.memory_space<vmem>> -> memref<1x6144xi32, #tpu.memory_space<vmem>>
    %dma_start3A_1238 = tpu.memref_squeeze %dma_start3A_1237 : memref<1x6144xi32, #tpu.memory_space<vmem>> -> memref<6144xi32, #tpu.memory_space<vmem>>
    %dma_start3A_1239 = arith.constant 98304 : i32
    %dma_start3A_1240 = tpu.memref_slice %arg3[%dma_start3A_1239] : memref<122880xi32, #tpu.memory_space<hbm>> -> memref<6144xi32, #tpu.memory_space<hbm>>
    tpu.enqueue_dma source(%dma_start3A_1240 : memref<6144xi32, #tpu.memory_space<hbm>>) target(%dma_start3A_1238 : memref<6144xi32, #tpu.memory_space<vmem>>) target_semaphore(%arg16 : memref<!tpu.dma_semaphore, #tpu.memory_space<semaphore_mem>>)
    %dma_start3A_1241 = arith.constant 0 : i32
    %dma_start3A_1242 = arith.constant 0 : i32
    %dma_start3A_1243 = tpu.memref_slice %arg11[%dma_start3A_1241, %dma_start3A_1242] : memref<2x6144xi32, #tpu.memory_space<vmem>> -> memref<1x6144xi32, #tpu.memory_space<vmem>>
    %dma_start3A_1244 = tpu.memref_squeeze %dma_start3A_1243 : memref<1x6144xi32, #tpu.memory_space<vmem>> -> memref<6144xi32, #tpu.memory_space<vmem>>
    %dma_start3A_1245 = arith.constant 98304 : i32
    %dma_start3A_1246 = tpu.memref_slice %arg4[%dma_start3A_1245] : memref<122880xi32, #tpu.memory_space<hbm>> -> memref<6144xi32, #tpu.memory_space<hbm>>
    %dma_start3A_1247 = arith.constant 0 : i32
    %dma_start3A_1248 = tpu.memref_slice %arg11[%dma_start3A_1241, %dma_start3A_1247] : memref<2x6144xi32, #tpu.memory_space<vmem>> -> memref<1x6144xi32, #tpu.memory_space<vmem>>
    %dma_start3A_1249 = tpu.memref_squeeze %dma_start3A_1248 : memref<1x6144xi32, #tpu.memory_space<vmem>> -> memref<6144xi32, #tpu.memory_space<vmem>>
    %dma_start3A_1250 = arith.constant 98304 : i32
    %dma_start3A_1251 = tpu.memref_slice %arg4[%dma_start3A_1250] : memref<122880xi32, #tpu.memory_space<hbm>> -> memref<6144xi32, #tpu.memory_space<hbm>>
    tpu.enqueue_dma source(%dma_start3A_1251 : memref<6144xi32, #tpu.memory_space<hbm>>) target(%dma_start3A_1249 : memref<6144xi32, #tpu.memory_space<vmem>>) target_semaphore(%arg16 : memref<!tpu.dma_semaphore, #tpu.memory_space<semaphore_mem>>)
    %dma_wait3A_1252 = arith.constant 1 : i32
    %dma_wait3A_1253 = arith.constant 0 : i32
    %dma_wait3A_1254 = tpu.memref_slice %arg9[%dma_wait3A_1252, %dma_wait3A_1253] : memref<2x6144xi32, #tpu.memory_space<vmem>> -> memref<1x6144xi32, #tpu.memory_space<vmem>>
    %dma_wait3A_1255 = tpu.memref_squeeze %dma_wait3A_1254 : memref<1x6144xi32, #tpu.memory_space<vmem>> -> memref<6144xi32, #tpu.memory_space<vmem>>
    %dma_wait3A_1256 = arith.constant 92160 : i32
    %dma_wait3A_1257 = tpu.memref_slice %arg2[%dma_wait3A_1256] : memref<122880xi32, #tpu.memory_space<hbm>> -> memref<6144xi32, #tpu.memory_space<hbm>>
    %dma_wait3A_1258 = arith.constant 0 : i32
    %dma_wait3A_1259 = tpu.memref_slice %arg9[%dma_wait3A_1252, %dma_wait3A_1258] : memref<2x6144xi32, #tpu.memory_space<vmem>> -> memref<1x6144xi32, #tpu.memory_space<vmem>>
    %dma_wait3A_1260 = tpu.memref_squeeze %dma_wait3A_1259 : memref<1x6144xi32, #tpu.memory_space<vmem>> -> memref<6144xi32, #tpu.memory_space<vmem>>
    %dma_wait3A_1261 = arith.constant 92160 : i32
    %dma_wait3A_1262 = tpu.memref_slice %arg2[%dma_wait3A_1261] : memref<122880xi32, #tpu.memory_space<hbm>> -> memref<6144xi32, #tpu.memory_space<hbm>>
    tpu.wait_dma2 semaphore(%arg16 : memref<!tpu.dma_semaphore, #tpu.memory_space<semaphore_mem>>) src(%dma_wait3A_1262 : memref<6144xi32, #tpu.memory_space<hbm>>) dst(%dma_wait3A_1260 : memref<6144xi32, #tpu.memory_space<vmem>>)
    %dma_wait3A_1263 = arith.constant 1 : i32
    %dma_wait3A_1264 = arith.constant 0 : i32
    %dma_wait3A_1265 = tpu.memref_slice %arg10[%dma_wait3A_1263, %dma_wait3A_1264] : memref<2x6144xi32, #tpu.memory_space<vmem>> -> memref<1x6144xi32, #tpu.memory_space<vmem>>
    %dma_wait3A_1266 = tpu.memref_squeeze %dma_wait3A_1265 : memref<1x6144xi32, #tpu.memory_space<vmem>> -> memref<6144xi32, #tpu.memory_space<vmem>>
    %dma_wait3A_1267 = arith.constant 92160 : i32
    %dma_wait3A_1268 = tpu.memref_slice %arg3[%dma_wait3A_1267] : memref<122880xi32, #tpu.memory_space<hbm>> -> memref<6144xi32, #tpu.memory_space<hbm>>
    %dma_wait3A_1269 = arith.constant 0 : i32
    %dma_wait3A_1270 = tpu.memref_slice %arg10[%dma_wait3A_1263, %dma_wait3A_1269] : memref<2x6144xi32, #tpu.memory_space<vmem>> -> memref<1x6144xi32, #tpu.memory_space<vmem>>
    %dma_wait3A_1271 = tpu.memref_squeeze %dma_wait3A_1270 : memref<1x6144xi32, #tpu.memory_space<vmem>> -> memref<6144xi32, #tpu.memory_space<vmem>>
    %dma_wait3A_1272 = arith.constant 92160 : i32
    %dma_wait3A_1273 = tpu.memref_slice %arg3[%dma_wait3A_1272] : memref<122880xi32, #tpu.memory_space<hbm>> -> memref<6144xi32, #tpu.memory_space<hbm>>
    tpu.wait_dma2 semaphore(%arg16 : memref<!tpu.dma_semaphore, #tpu.memory_space<semaphore_mem>>) src(%dma_wait3A_1273 : memref<6144xi32, #tpu.memory_space<hbm>>) dst(%dma_wait3A_1271 : memref<6144xi32, #tpu.memory_space<vmem>>)
    %dma_wait3A_1274 = arith.constant 1 : i32
    %dma_wait3A_1275 = arith.constant 0 : i32
    %dma_wait3A_1276 = tpu.memref_slice %arg11[%dma_wait3A_1274, %dma_wait3A_1275] : memref<2x6144xi32, #tpu.memory_space<vmem>> -> memref<1x6144xi32, #tpu.memory_space<vmem>>
    %dma_wait3A_1277 = tpu.memref_squeeze %dma_wait3A_1276 : memref<1x6144xi32, #tpu.memory_space<vmem>> -> memref<6144xi32, #tpu.memory_space<vmem>>
    %dma_wait3A_1278 = arith.constant 92160 : i32
    %dma_wait3A_1279 = tpu.memref_slice %arg4[%dma_wait3A_1278] : memref<122880xi32, #tpu.memory_space<hbm>> -> memref<6144xi32, #tpu.memory_space<hbm>>
    %dma_wait3A_1280 = arith.constant 0 : i32
    %dma_wait3A_1281 = tpu.memref_slice %arg11[%dma_wait3A_1274, %dma_wait3A_1280] : memref<2x6144xi32, #tpu.memory_space<vmem>> -> memref<1x6144xi32, #tpu.memory_space<vmem>>
    %dma_wait3A_1282 = tpu.memref_squeeze %dma_wait3A_1281 : memref<1x6144xi32, #tpu.memory_space<vmem>> -> memref<6144xi32, #tpu.memory_space<vmem>>
    %dma_wait3A_1283 = arith.constant 92160 : i32
    %dma_wait3A_1284 = tpu.memref_slice %arg4[%dma_wait3A_1283] : memref<122880xi32, #tpu.memory_space<hbm>> -> memref<6144xi32, #tpu.memory_space<hbm>>
    tpu.wait_dma2 semaphore(%arg16 : memref<!tpu.dma_semaphore, #tpu.memory_space<semaphore_mem>>) src(%dma_wait3A_1284 : memref<6144xi32, #tpu.memory_space<hbm>>) dst(%dma_wait3A_1282 : memref<6144xi32, #tpu.memory_space<vmem>>)
    %scan3A_1285 = arith.constant 1 : i32
    %scan3A_1286 = arith.constant 1 : i32
    %scan3A_1287 = arith.constant 1 : i32
    %scan3A_1288 = arith.constant 0 : i32
    %scan3A_1289 = arith.constant 0 : i32
    %scan3A_1290 = arith.constant 384 : i32
    %scan3A_1291 = arith.addi %scan3A_1289, %scan3A_1290 : i32
    %scan3A_1292 = arith.constant 1 : i32
    %scan3A_1293 = scf.for %scan3A_1575 = %scan3A_1289 to %scan3A_1291 step %scan3A_1292 iter_args(%scan3A_1576 = %scan3A_1288) -> (i32)  : i32 {
      %mul3A_1577 = arith.constant 16 : i32
      %mul3A_1578 = arith.muli %scan3A_1575, %mul3A_1577 : i32
      %get3A_1579 = arith.constant 0 : i32
      %get3A_1580 = tpu.memref_slice %arg9[%scan3A_1285, %get3A_1579] : memref<2x6144xi32, #tpu.memory_space<vmem>> -> memref<1x6144xi32, #tpu.memory_space<vmem>>
      %get3A_1581 = tpu.memref_squeeze %get3A_1580 : memref<1x6144xi32, #tpu.memory_space<vmem>> -> memref<6144xi32, #tpu.memory_space<vmem>>
      %get3A_1582 = arith.index_cast %mul3A_1578 : i32 to index
      %get3A_1583 = tpu.vector_load %get3A_1581[%get3A_1582] {strides = array<i32>} : memref<6144xi32, #tpu.memory_space<vmem>>, vector<16xi32>,
      %get3A_1584 = arith.constant 0 : i32
      %get3A_1585 = tpu.memref_slice %arg10[%scan3A_1286, %get3A_1584] : memref<2x6144xi32, #tpu.memory_space<vmem>> -> memref<1x6144xi32, #tpu.memory_space<vmem>>
      %get3A_1586 = tpu.memref_squeeze %get3A_1585 : memref<1x6144xi32, #tpu.memory_space<vmem>> -> memref<6144xi32, #tpu.memory_space<vmem>>
      %get3A_1587 = arith.index_cast %mul3A_1578 : i32 to index
      %get3A_1588 = tpu.vector_load %get3A_1586[%get3A_1587] {strides = array<i32>} : memref<6144xi32, #tpu.memory_space<vmem>>, vector<16xi32>,
      %get3A_1589 = arith.constant 0 : i32
      %get3A_1590 = tpu.memref_slice %arg11[%scan3A_1287, %get3A_1589] : memref<2x6144xi32, #tpu.memory_space<vmem>> -> memref<1x6144xi32, #tpu.memory_space<vmem>>
      %get3A_1591 = tpu.memref_squeeze %get3A_1590 : memref<1x6144xi32, #tpu.memory_space<vmem>> -> memref<6144xi32, #tpu.memory_space<vmem>>
      %get3A_1592 = arith.index_cast %mul3A_1578 : i32 to index
      %get3A_1593 = tpu.vector_load %get3A_1591[%get3A_1592] {strides = array<i32>} : memref<6144xi32, #tpu.memory_space<vmem>>, vector<16xi32>,
      %eq3A_1594 = vector.broadcast %select_n3A : i32 to vector<16xi32>
      %eq3A_1595 = arith.cmpi eq, %get3A_1583, %eq3A_1594 : vector<16xi32>
      %lt3A_1596 = arith.cmpi slt, %get3A_1583, %get3A_47 : vector<16xi32>
      %and3A_1597 = arith.andi %eq3A_1595, %lt3A_1596 : vector<16xi1>
      %ge3A = vector.broadcast %mul3A_32 : i32 to vector<16xi32>
      %ge3A_1598 = arith.cmpi sge, %get3A_1593, %ge3A : vector<16xi32>
      %and3A_1599 = arith.andi %and3A_1597, %ge3A_1598 : vector<16xi1>
      %add3A_1600 = arith.constant 64 : i32
      %add3A_1601 = arith.addi %mul3A_32, %add3A_1600 : i32
      %lt3A_1602 = vector.broadcast %add3A_1601 : i32 to vector<16xi32>
      %lt3A_1603 = arith.cmpi slt, %get3A_1593, %lt3A_1602 : vector<16xi32>
      %and3A_1604 = arith.andi %and3A_1599, %lt3A_1603 : vector<16xi1>
      %sub3A_1605 = vector.broadcast %mul3A_32 : i32 to vector<16xi32>
      %sub3A_1606 = arith.subi %get3A_1593, %sub3A_1605 : vector<16xi32>
      %mul3A_1607 = arith.constant 512 : i32
      %mul3A_1608 = vector.broadcast %mul3A_1607 : i32 to vector<16xi32>
      %mul3A_1609 = arith.muli %sub3A_1606, %mul3A_1608 : vector<16xi32>
      %add3A_1610 = arith.addi %mul3A_1609, %get3A_1588 : vector<16xi32>
      %jit3A_1611 = arith.constant 0 : i32
      %broadcast_in_dim3A_1612 = vector.broadcast %jit3A_1611 : i32 to vector<16xi32>
      %select_n3A_1613 = arith.select %and3A_1604, %add3A_1610, %broadcast_in_dim3A_1612 : vector<16xi1>, vector<16xi32>
      %add3A_1614 = arith.constant 92160 : i32
      %add3A_1615 = arith.addi %add3A_1614, %mul3A_1578 : i32
      %add3A_1616 = vector.broadcast %add3A_1615 : i32 to vector<16xi32>
      %add3A_1617 = arith.addi %add3A_1616, %iota3A : vector<16xi32>
      %add3A_1618 = arith.constant 1 : i32
      %add3A_1619 = vector.broadcast %add3A_1618 : i32 to vector<16xi32>
      %add3A_1620 = arith.addi %add3A_1617, %add3A_1619 : vector<16xi32>
      tpu.vector_store_idx %arg13[%select_n3A_1613], %add3A_1620 masked %and3A_1604 : memref<32768xi32, #tpu.memory_space<vmem>>[vector<16xi32>], vector<16xi32>, vector<16xi1>
      %scan3A_1621 = arith.constant 0 : i32
      scf.yield %scan3A_1621 : i32
    }
    %scan3A_1294 = arith.constant 384 : i32
    %dma_start3A_1295 = arith.constant 1 : i32
    %dma_start3A_1296 = arith.constant 0 : i32
    %dma_start3A_1297 = tpu.memref_slice %arg9[%dma_start3A_1295, %dma_start3A_1296] : memref<2x6144xi32, #tpu.memory_space<vmem>> -> memref<1x6144xi32, #tpu.memory_space<vmem>>
    %dma_start3A_1298 = tpu.memref_squeeze %dma_start3A_1297 : memref<1x6144xi32, #tpu.memory_space<vmem>> -> memref<6144xi32, #tpu.memory_space<vmem>>
    %dma_start3A_1299 = arith.constant 104448 : i32
    %dma_start3A_1300 = tpu.memref_slice %arg2[%dma_start3A_1299] : memref<122880xi32, #tpu.memory_space<hbm>> -> memref<6144xi32, #tpu.memory_space<hbm>>
    %dma_start3A_1301 = arith.constant 0 : i32
    %dma_start3A_1302 = tpu.memref_slice %arg9[%dma_start3A_1295, %dma_start3A_1301] : memref<2x6144xi32, #tpu.memory_space<vmem>> -> memref<1x6144xi32, #tpu.memory_space<vmem>>
    %dma_start3A_1303 = tpu.memref_squeeze %dma_start3A_1302 : memref<1x6144xi32, #tpu.memory_space<vmem>> -> memref<6144xi32, #tpu.memory_space<vmem>>
    %dma_start3A_1304 = arith.constant 104448 : i32
    %dma_start3A_1305 = tpu.memref_slice %arg2[%dma_start3A_1304] : memref<122880xi32, #tpu.memory_space<hbm>> -> memref<6144xi32, #tpu.memory_space<hbm>>
    tpu.enqueue_dma source(%dma_start3A_1305 : memref<6144xi32, #tpu.memory_space<hbm>>) target(%dma_start3A_1303 : memref<6144xi32, #tpu.memory_space<vmem>>) target_semaphore(%arg16 : memref<!tpu.dma_semaphore, #tpu.memory_space<semaphore_mem>>)
    %dma_start3A_1306 = arith.constant 1 : i32
    %dma_start3A_1307 = arith.constant 0 : i32
    %dma_start3A_1308 = tpu.memref_slice %arg10[%dma_start3A_1306, %dma_start3A_1307] : memref<2x6144xi32, #tpu.memory_space<vmem>> -> memref<1x6144xi32, #tpu.memory_space<vmem>>
    %dma_start3A_1309 = tpu.memref_squeeze %dma_start3A_1308 : memref<1x6144xi32, #tpu.memory_space<vmem>> -> memref<6144xi32, #tpu.memory_space<vmem>>
    %dma_start3A_1310 = arith.constant 104448 : i32
    %dma_start3A_1311 = tpu.memref_slice %arg3[%dma_start3A_1310] : memref<122880xi32, #tpu.memory_space<hbm>> -> memref<6144xi32, #tpu.memory_space<hbm>>
    %dma_start3A_1312 = arith.constant 0 : i32
    %dma_start3A_1313 = tpu.memref_slice %arg10[%dma_start3A_1306, %dma_start3A_1312] : memref<2x6144xi32, #tpu.memory_space<vmem>> -> memref<1x6144xi32, #tpu.memory_space<vmem>>
    %dma_start3A_1314 = tpu.memref_squeeze %dma_start3A_1313 : memref<1x6144xi32, #tpu.memory_space<vmem>> -> memref<6144xi32, #tpu.memory_space<vmem>>
    %dma_start3A_1315 = arith.constant 104448 : i32
    %dma_start3A_1316 = tpu.memref_slice %arg3[%dma_start3A_1315] : memref<122880xi32, #tpu.memory_space<hbm>> -> memref<6144xi32, #tpu.memory_space<hbm>>
    tpu.enqueue_dma source(%dma_start3A_1316 : memref<6144xi32, #tpu.memory_space<hbm>>) target(%dma_start3A_1314 : memref<6144xi32, #tpu.memory_space<vmem>>) target_semaphore(%arg16 : memref<!tpu.dma_semaphore, #tpu.memory_space<semaphore_mem>>)
    %dma_start3A_1317 = arith.constant 1 : i32
    %dma_start3A_1318 = arith.constant 0 : i32
    %dma_start3A_1319 = tpu.memref_slice %arg11[%dma_start3A_1317, %dma_start3A_1318] : memref<2x6144xi32, #tpu.memory_space<vmem>> -> memref<1x6144xi32, #tpu.memory_space<vmem>>
    %dma_start3A_1320 = tpu.memref_squeeze %dma_start3A_1319 : memref<1x6144xi32, #tpu.memory_space<vmem>> -> memref<6144xi32, #tpu.memory_space<vmem>>
    %dma_start3A_1321 = arith.constant 104448 : i32
    %dma_start3A_1322 = tpu.memref_slice %arg4[%dma_start3A_1321] : memref<122880xi32, #tpu.memory_space<hbm>> -> memref<6144xi32, #tpu.memory_space<hbm>>
    %dma_start3A_1323 = arith.constant 0 : i32
    %dma_start3A_1324 = tpu.memref_slice %arg11[%dma_start3A_1317, %dma_start3A_1323] : memref<2x6144xi32, #tpu.memory_space<vmem>> -> memref<1x6144xi32, #tpu.memory_space<vmem>>
    %dma_start3A_1325 = tpu.memref_squeeze %dma_start3A_1324 : memref<1x6144xi32, #tpu.memory_space<vmem>> -> memref<6144xi32, #tpu.memory_space<vmem>>
    %dma_start3A_1326 = arith.constant 104448 : i32
    %dma_start3A_1327 = tpu.memref_slice %arg4[%dma_start3A_1326] : memref<122880xi32, #tpu.memory_space<hbm>> -> memref<6144xi32, #tpu.memory_space<hbm>>
    tpu.enqueue_dma source(%dma_start3A_1327 : memref<6144xi32, #tpu.memory_space<hbm>>) target(%dma_start3A_1325 : memref<6144xi32, #tpu.memory_space<vmem>>) target_semaphore(%arg16 : memref<!tpu.dma_semaphore, #tpu.memory_space<semaphore_mem>>)
    %dma_wait3A_1328 = arith.constant 0 : i32
    %dma_wait3A_1329 = arith.constant 0 : i32
    %dma_wait3A_1330 = tpu.memref_slice %arg9[%dma_wait3A_1328, %dma_wait3A_1329] : memref<2x6144xi32, #tpu.memory_space<vmem>> -> memref<1x6144xi32, #tpu.memory_space<vmem>>
    %dma_wait3A_1331 = tpu.memref_squeeze %dma_wait3A_1330 : memref<1x6144xi32, #tpu.memory_space<vmem>> -> memref<6144xi32, #tpu.memory_space<vmem>>
    %dma_wait3A_1332 = arith.constant 98304 : i32
    %dma_wait3A_1333 = tpu.memref_slice %arg2[%dma_wait3A_1332] : memref<122880xi32, #tpu.memory_space<hbm>> -> memref<6144xi32, #tpu.memory_space<hbm>>
    %dma_wait3A_1334 = arith.constant 0 : i32
    %dma_wait3A_1335 = tpu.memref_slice %arg9[%dma_wait3A_1328, %dma_wait3A_1334] : memref<2x6144xi32, #tpu.memory_space<vmem>> -> memref<1x6144xi32, #tpu.memory_space<vmem>>
    %dma_wait3A_1336 = tpu.memref_squeeze %dma_wait3A_1335 : memref<1x6144xi32, #tpu.memory_space<vmem>> -> memref<6144xi32, #tpu.memory_space<vmem>>
    %dma_wait3A_1337 = arith.constant 98304 : i32
    %dma_wait3A_1338 = tpu.memref_slice %arg2[%dma_wait3A_1337] : memref<122880xi32, #tpu.memory_space<hbm>> -> memref<6144xi32, #tpu.memory_space<hbm>>
    tpu.wait_dma2 semaphore(%arg16 : memref<!tpu.dma_semaphore, #tpu.memory_space<semaphore_mem>>) src(%dma_wait3A_1338 : memref<6144xi32, #tpu.memory_space<hbm>>) dst(%dma_wait3A_1336 : memref<6144xi32, #tpu.memory_space<vmem>>)
    %dma_wait3A_1339 = arith.constant 0 : i32
    %dma_wait3A_1340 = arith.constant 0 : i32
    %dma_wait3A_1341 = tpu.memref_slice %arg10[%dma_wait3A_1339, %dma_wait3A_1340] : memref<2x6144xi32, #tpu.memory_space<vmem>> -> memref<1x6144xi32, #tpu.memory_space<vmem>>
    %dma_wait3A_1342 = tpu.memref_squeeze %dma_wait3A_1341 : memref<1x6144xi32, #tpu.memory_space<vmem>> -> memref<6144xi32, #tpu.memory_space<vmem>>
    %dma_wait3A_1343 = arith.constant 98304 : i32
    %dma_wait3A_1344 = tpu.memref_slice %arg3[%dma_wait3A_1343] : memref<122880xi32, #tpu.memory_space<hbm>> -> memref<6144xi32, #tpu.memory_space<hbm>>
    %dma_wait3A_1345 = arith.constant 0 : i32
    %dma_wait3A_1346 = tpu.memref_slice %arg10[%dma_wait3A_1339, %dma_wait3A_1345] : memref<2x6144xi32, #tpu.memory_space<vmem>> -> memref<1x6144xi32, #tpu.memory_space<vmem>>
    %dma_wait3A_1347 = tpu.memref_squeeze %dma_wait3A_1346 : memref<1x6144xi32, #tpu.memory_space<vmem>> -> memref<6144xi32, #tpu.memory_space<vmem>>
    %dma_wait3A_1348 = arith.constant 98304 : i32
    %dma_wait3A_1349 = tpu.memref_slice %arg3[%dma_wait3A_1348] : memref<122880xi32, #tpu.memory_space<hbm>> -> memref<6144xi32, #tpu.memory_space<hbm>>
    tpu.wait_dma2 semaphore(%arg16 : memref<!tpu.dma_semaphore, #tpu.memory_space<semaphore_mem>>) src(%dma_wait3A_1349 : memref<6144xi32, #tpu.memory_space<hbm>>) dst(%dma_wait3A_1347 : memref<6144xi32, #tpu.memory_space<vmem>>)
    %dma_wait3A_1350 = arith.constant 0 : i32
    %dma_wait3A_1351 = arith.constant 0 : i32
    %dma_wait3A_1352 = tpu.memref_slice %arg11[%dma_wait3A_1350, %dma_wait3A_1351] : memref<2x6144xi32, #tpu.memory_space<vmem>> -> memref<1x6144xi32, #tpu.memory_space<vmem>>
    %dma_wait3A_1353 = tpu.memref_squeeze %dma_wait3A_1352 : memref<1x6144xi32, #tpu.memory_space<vmem>> -> memref<6144xi32, #tpu.memory_space<vmem>>
    %dma_wait3A_1354 = arith.constant 98304 : i32
    %dma_wait3A_1355 = tpu.memref_slice %arg4[%dma_wait3A_1354] : memref<122880xi32, #tpu.memory_space<hbm>> -> memref<6144xi32, #tpu.memory_space<hbm>>
    %dma_wait3A_1356 = arith.constant 0 : i32
    %dma_wait3A_1357 = tpu.memref_slice %arg11[%dma_wait3A_1350, %dma_wait3A_1356] : memref<2x6144xi32, #tpu.memory_space<vmem>> -> memref<1x6144xi32, #tpu.memory_space<vmem>>
    %dma_wait3A_1358 = tpu.memref_squeeze %dma_wait3A_1357 : memref<1x6144xi32, #tpu.memory_space<vmem>> -> memref<6144xi32, #tpu.memory_space<vmem>>
    %dma_wait3A_1359 = arith.constant 98304 : i32
    %dma_wait3A_1360 = tpu.memref_slice %arg4[%dma_wait3A_1359] : memref<122880xi32, #tpu.memory_space<hbm>> -> memref<6144xi32, #tpu.memory_space<hbm>>
    tpu.wait_dma2 semaphore(%arg16 : memref<!tpu.dma_semaphore, #tpu.memory_space<semaphore_mem>>) src(%dma_wait3A_1360 : memref<6144xi32, #tpu.memory_space<hbm>>) dst(%dma_wait3A_1358 : memref<6144xi32, #tpu.memory_space<vmem>>)
    %scan3A_1361 = arith.constant 0 : i32
    %scan3A_1362 = arith.constant 0 : i32
    %scan3A_1363 = arith.constant 0 : i32
    %scan3A_1364 = arith.constant 0 : i32
    %scan3A_1365 = arith.constant 0 : i32
    %scan3A_1366 = arith.constant 384 : i32
    %scan3A_1367 = arith.addi %scan3A_1365, %scan3A_1366 : i32
    %scan3A_1368 = arith.constant 1 : i32
    %scan3A_1369 = scf.for %scan3A_1575 = %scan3A_1365 to %scan3A_1367 step %scan3A_1368 iter_args(%scan3A_1576 = %scan3A_1364) -> (i32)  : i32 {
      %mul3A_1577 = arith.constant 16 : i32
      %mul3A_1578 = arith.muli %scan3A_1575, %mul3A_1577 : i32
      %get3A_1579 = arith.constant 0 : i32
      %get3A_1580 = tpu.memref_slice %arg9[%scan3A_1361, %get3A_1579] : memref<2x6144xi32, #tpu.memory_space<vmem>> -> memref<1x6144xi32, #tpu.memory_space<vmem>>
      %get3A_1581 = tpu.memref_squeeze %get3A_1580 : memref<1x6144xi32, #tpu.memory_space<vmem>> -> memref<6144xi32, #tpu.memory_space<vmem>>
      %get3A_1582 = arith.index_cast %mul3A_1578 : i32 to index
      %get3A_1583 = tpu.vector_load %get3A_1581[%get3A_1582] {strides = array<i32>} : memref<6144xi32, #tpu.memory_space<vmem>>, vector<16xi32>,
      %get3A_1584 = arith.constant 0 : i32
      %get3A_1585 = tpu.memref_slice %arg10[%scan3A_1362, %get3A_1584] : memref<2x6144xi32, #tpu.memory_space<vmem>> -> memref<1x6144xi32, #tpu.memory_space<vmem>>
      %get3A_1586 = tpu.memref_squeeze %get3A_1585 : memref<1x6144xi32, #tpu.memory_space<vmem>> -> memref<6144xi32, #tpu.memory_space<vmem>>
      %get3A_1587 = arith.index_cast %mul3A_1578 : i32 to index
      %get3A_1588 = tpu.vector_load %get3A_1586[%get3A_1587] {strides = array<i32>} : memref<6144xi32, #tpu.memory_space<vmem>>, vector<16xi32>,
      %get3A_1589 = arith.constant 0 : i32
      %get3A_1590 = tpu.memref_slice %arg11[%scan3A_1363, %get3A_1589] : memref<2x6144xi32, #tpu.memory_space<vmem>> -> memref<1x6144xi32, #tpu.memory_space<vmem>>
      %get3A_1591 = tpu.memref_squeeze %get3A_1590 : memref<1x6144xi32, #tpu.memory_space<vmem>> -> memref<6144xi32, #tpu.memory_space<vmem>>
      %get3A_1592 = arith.index_cast %mul3A_1578 : i32 to index
      %get3A_1593 = tpu.vector_load %get3A_1591[%get3A_1592] {strides = array<i32>} : memref<6144xi32, #tpu.memory_space<vmem>>, vector<16xi32>,
      %eq3A_1594 = vector.broadcast %select_n3A : i32 to vector<16xi32>
      %eq3A_1595 = arith.cmpi eq, %get3A_1583, %eq3A_1594 : vector<16xi32>
      %lt3A_1596 = arith.cmpi slt, %get3A_1583, %get3A_47 : vector<16xi32>
      %and3A_1597 = arith.andi %eq3A_1595, %lt3A_1596 : vector<16xi1>
      %ge3A = vector.broadcast %mul3A_32 : i32 to vector<16xi32>
      %ge3A_1598 = arith.cmpi sge, %get3A_1593, %ge3A : vector<16xi32>
      %and3A_1599 = arith.andi %and3A_1597, %ge3A_1598 : vector<16xi1>
      %add3A_1600 = arith.constant 64 : i32
      %add3A_1601 = arith.addi %mul3A_32, %add3A_1600 : i32
      %lt3A_1602 = vector.broadcast %add3A_1601 : i32 to vector<16xi32>
      %lt3A_1603 = arith.cmpi slt, %get3A_1593, %lt3A_1602 : vector<16xi32>
      %and3A_1604 = arith.andi %and3A_1599, %lt3A_1603 : vector<16xi1>
      %sub3A_1605 = vector.broadcast %mul3A_32 : i32 to vector<16xi32>
      %sub3A_1606 = arith.subi %get3A_1593, %sub3A_1605 : vector<16xi32>
      %mul3A_1607 = arith.constant 512 : i32
      %mul3A_1608 = vector.broadcast %mul3A_1607 : i32 to vector<16xi32>
      %mul3A_1609 = arith.muli %sub3A_1606, %mul3A_1608 : vector<16xi32>
      %add3A_1610 = arith.addi %mul3A_1609, %get3A_1588 : vector<16xi32>
      %jit3A_1611 = arith.constant 0 : i32
      %broadcast_in_dim3A_1612 = vector.broadcast %jit3A_1611 : i32 to vector<16xi32>
      %select_n3A_1613 = arith.select %and3A_1604, %add3A_1610, %broadcast_in_dim3A_1612 : vector<16xi1>, vector<16xi32>
      %add3A_1614 = arith.constant 98304 : i32
      %add3A_1615 = arith.addi %add3A_1614, %mul3A_1578 : i32
      %add3A_1616 = vector.broadcast %add3A_1615 : i32 to vector<16xi32>
      %add3A_1617 = arith.addi %add3A_1616, %iota3A : vector<16xi32>
      %add3A_1618 = arith.constant 1 : i32
      %add3A_1619 = vector.broadcast %add3A_1618 : i32 to vector<16xi32>
      %add3A_1620 = arith.addi %add3A_1617, %add3A_1619 : vector<16xi32>
      tpu.vector_store_idx %arg13[%select_n3A_1613], %add3A_1620 masked %and3A_1604 : memref<32768xi32, #tpu.memory_space<vmem>>[vector<16xi32>], vector<16xi32>, vector<16xi1>
      %scan3A_1621 = arith.constant 0 : i32
      scf.yield %scan3A_1621 : i32
    }
    %scan3A_1370 = arith.constant 384 : i32
    %dma_start3A_1371 = arith.constant 0 : i32
    %dma_start3A_1372 = arith.constant 0 : i32
    %dma_start3A_1373 = tpu.memref_slice %arg9[%dma_start3A_1371, %dma_start3A_1372] : memref<2x6144xi32, #tpu.memory_space<vmem>> -> memref<1x6144xi32, #tpu.memory_space<vmem>>
    %dma_start3A_1374 = tpu.memref_squeeze %dma_start3A_1373 : memref<1x6144xi32, #tpu.memory_space<vmem>> -> memref<6144xi32, #tpu.memory_space<vmem>>
    %dma_start3A_1375 = arith.constant 110592 : i32
    %dma_start3A_1376 = tpu.memref_slice %arg2[%dma_start3A_1375] : memref<122880xi32, #tpu.memory_space<hbm>> -> memref<6144xi32, #tpu.memory_space<hbm>>
    %dma_start3A_1377 = arith.constant 0 : i32
    %dma_start3A_1378 = tpu.memref_slice %arg9[%dma_start3A_1371, %dma_start3A_1377] : memref<2x6144xi32, #tpu.memory_space<vmem>> -> memref<1x6144xi32, #tpu.memory_space<vmem>>
    %dma_start3A_1379 = tpu.memref_squeeze %dma_start3A_1378 : memref<1x6144xi32, #tpu.memory_space<vmem>> -> memref<6144xi32, #tpu.memory_space<vmem>>
    %dma_start3A_1380 = arith.constant 110592 : i32
    %dma_start3A_1381 = tpu.memref_slice %arg2[%dma_start3A_1380] : memref<122880xi32, #tpu.memory_space<hbm>> -> memref<6144xi32, #tpu.memory_space<hbm>>
    tpu.enqueue_dma source(%dma_start3A_1381 : memref<6144xi32, #tpu.memory_space<hbm>>) target(%dma_start3A_1379 : memref<6144xi32, #tpu.memory_space<vmem>>) target_semaphore(%arg16 : memref<!tpu.dma_semaphore, #tpu.memory_space<semaphore_mem>>)
    %dma_start3A_1382 = arith.constant 0 : i32
    %dma_start3A_1383 = arith.constant 0 : i32
    %dma_start3A_1384 = tpu.memref_slice %arg10[%dma_start3A_1382, %dma_start3A_1383] : memref<2x6144xi32, #tpu.memory_space<vmem>> -> memref<1x6144xi32, #tpu.memory_space<vmem>>
    %dma_start3A_1385 = tpu.memref_squeeze %dma_start3A_1384 : memref<1x6144xi32, #tpu.memory_space<vmem>> -> memref<6144xi32, #tpu.memory_space<vmem>>
    %dma_start3A_1386 = arith.constant 110592 : i32
    %dma_start3A_1387 = tpu.memref_slice %arg3[%dma_start3A_1386] : memref<122880xi32, #tpu.memory_space<hbm>> -> memref<6144xi32, #tpu.memory_space<hbm>>
    %dma_start3A_1388 = arith.constant 0 : i32
    %dma_start3A_1389 = tpu.memref_slice %arg10[%dma_start3A_1382, %dma_start3A_1388] : memref<2x6144xi32, #tpu.memory_space<vmem>> -> memref<1x6144xi32, #tpu.memory_space<vmem>>
    %dma_start3A_1390 = tpu.memref_squeeze %dma_start3A_1389 : memref<1x6144xi32, #tpu.memory_space<vmem>> -> memref<6144xi32, #tpu.memory_space<vmem>>
    %dma_start3A_1391 = arith.constant 110592 : i32
    %dma_start3A_1392 = tpu.memref_slice %arg3[%dma_start3A_1391] : memref<122880xi32, #tpu.memory_space<hbm>> -> memref<6144xi32, #tpu.memory_space<hbm>>
    tpu.enqueue_dma source(%dma_start3A_1392 : memref<6144xi32, #tpu.memory_space<hbm>>) target(%dma_start3A_1390 : memref<6144xi32, #tpu.memory_space<vmem>>) target_semaphore(%arg16 : memref<!tpu.dma_semaphore, #tpu.memory_space<semaphore_mem>>)
    %dma_start3A_1393 = arith.constant 0 : i32
    %dma_start3A_1394 = arith.constant 0 : i32
    %dma_start3A_1395 = tpu.memref_slice %arg11[%dma_start3A_1393, %dma_start3A_1394] : memref<2x6144xi32, #tpu.memory_space<vmem>> -> memref<1x6144xi32, #tpu.memory_space<vmem>>
    %dma_start3A_1396 = tpu.memref_squeeze %dma_start3A_1395 : memref<1x6144xi32, #tpu.memory_space<vmem>> -> memref<6144xi32, #tpu.memory_space<vmem>>
    %dma_start3A_1397 = arith.constant 110592 : i32
    %dma_start3A_1398 = tpu.memref_slice %arg4[%dma_start3A_1397] : memref<122880xi32, #tpu.memory_space<hbm>> -> memref<6144xi32, #tpu.memory_space<hbm>>
    %dma_start3A_1399 = arith.constant 0 : i32
    %dma_start3A_1400 = tpu.memref_slice %arg11[%dma_start3A_1393, %dma_start3A_1399] : memref<2x6144xi32, #tpu.memory_space<vmem>> -> memref<1x6144xi32, #tpu.memory_space<vmem>>
    %dma_start3A_1401 = tpu.memref_squeeze %dma_start3A_1400 : memref<1x6144xi32, #tpu.memory_space<vmem>> -> memref<6144xi32, #tpu.memory_space<vmem>>
    %dma_start3A_1402 = arith.constant 110592 : i32
    %dma_start3A_1403 = tpu.memref_slice %arg4[%dma_start3A_1402] : memref<122880xi32, #tpu.memory_space<hbm>> -> memref<6144xi32, #tpu.memory_space<hbm>>
    tpu.enqueue_dma source(%dma_start3A_1403 : memref<6144xi32, #tpu.memory_space<hbm>>) target(%dma_start3A_1401 : memref<6144xi32, #tpu.memory_space<vmem>>) target_semaphore(%arg16 : memref<!tpu.dma_semaphore, #tpu.memory_space<semaphore_mem>>)
    %dma_wait3A_1404 = arith.constant 1 : i32
    %dma_wait3A_1405 = arith.constant 0 : i32
    %dma_wait3A_1406 = tpu.memref_slice %arg9[%dma_wait3A_1404, %dma_wait3A_1405] : memref<2x6144xi32, #tpu.memory_space<vmem>> -> memref<1x6144xi32, #tpu.memory_space<vmem>>
    %dma_wait3A_1407 = tpu.memref_squeeze %dma_wait3A_1406 : memref<1x6144xi32, #tpu.memory_space<vmem>> -> memref<6144xi32, #tpu.memory_space<vmem>>
    %dma_wait3A_1408 = arith.constant 104448 : i32
    %dma_wait3A_1409 = tpu.memref_slice %arg2[%dma_wait3A_1408] : memref<122880xi32, #tpu.memory_space<hbm>> -> memref<6144xi32, #tpu.memory_space<hbm>>
    %dma_wait3A_1410 = arith.constant 0 : i32
    %dma_wait3A_1411 = tpu.memref_slice %arg9[%dma_wait3A_1404, %dma_wait3A_1410] : memref<2x6144xi32, #tpu.memory_space<vmem>> -> memref<1x6144xi32, #tpu.memory_space<vmem>>
    %dma_wait3A_1412 = tpu.memref_squeeze %dma_wait3A_1411 : memref<1x6144xi32, #tpu.memory_space<vmem>> -> memref<6144xi32, #tpu.memory_space<vmem>>
    %dma_wait3A_1413 = arith.constant 104448 : i32
    %dma_wait3A_1414 = tpu.memref_slice %arg2[%dma_wait3A_1413] : memref<122880xi32, #tpu.memory_space<hbm>> -> memref<6144xi32, #tpu.memory_space<hbm>>
    tpu.wait_dma2 semaphore(%arg16 : memref<!tpu.dma_semaphore, #tpu.memory_space<semaphore_mem>>) src(%dma_wait3A_1414 : memref<6144xi32, #tpu.memory_space<hbm>>) dst(%dma_wait3A_1412 : memref<6144xi32, #tpu.memory_space<vmem>>)
    %dma_wait3A_1415 = arith.constant 1 : i32
    %dma_wait3A_1416 = arith.constant 0 : i32
    %dma_wait3A_1417 = tpu.memref_slice %arg10[%dma_wait3A_1415, %dma_wait3A_1416] : memref<2x6144xi32, #tpu.memory_space<vmem>> -> memref<1x6144xi32, #tpu.memory_space<vmem>>
    %dma_wait3A_1418 = tpu.memref_squeeze %dma_wait3A_1417 : memref<1x6144xi32, #tpu.memory_space<vmem>> -> memref<6144xi32, #tpu.memory_space<vmem>>
    %dma_wait3A_1419 = arith.constant 104448 : i32
    %dma_wait3A_1420 = tpu.memref_slice %arg3[%dma_wait3A_1419] : memref<122880xi32, #tpu.memory_space<hbm>> -> memref<6144xi32, #tpu.memory_space<hbm>>
    %dma_wait3A_1421 = arith.constant 0 : i32
    %dma_wait3A_1422 = tpu.memref_slice %arg10[%dma_wait3A_1415, %dma_wait3A_1421] : memref<2x6144xi32, #tpu.memory_space<vmem>> -> memref<1x6144xi32, #tpu.memory_space<vmem>>
    %dma_wait3A_1423 = tpu.memref_squeeze %dma_wait3A_1422 : memref<1x6144xi32, #tpu.memory_space<vmem>> -> memref<6144xi32, #tpu.memory_space<vmem>>
    %dma_wait3A_1424 = arith.constant 104448 : i32
    %dma_wait3A_1425 = tpu.memref_slice %arg3[%dma_wait3A_1424] : memref<122880xi32, #tpu.memory_space<hbm>> -> memref<6144xi32, #tpu.memory_space<hbm>>
    tpu.wait_dma2 semaphore(%arg16 : memref<!tpu.dma_semaphore, #tpu.memory_space<semaphore_mem>>) src(%dma_wait3A_1425 : memref<6144xi32, #tpu.memory_space<hbm>>) dst(%dma_wait3A_1423 : memref<6144xi32, #tpu.memory_space<vmem>>)
    %dma_wait3A_1426 = arith.constant 1 : i32
    %dma_wait3A_1427 = arith.constant 0 : i32
    %dma_wait3A_1428 = tpu.memref_slice %arg11[%dma_wait3A_1426, %dma_wait3A_1427] : memref<2x6144xi32, #tpu.memory_space<vmem>> -> memref<1x6144xi32, #tpu.memory_space<vmem>>
    %dma_wait3A_1429 = tpu.memref_squeeze %dma_wait3A_1428 : memref<1x6144xi32, #tpu.memory_space<vmem>> -> memref<6144xi32, #tpu.memory_space<vmem>>
    %dma_wait3A_1430 = arith.constant 104448 : i32
    %dma_wait3A_1431 = tpu.memref_slice %arg4[%dma_wait3A_1430] : memref<122880xi32, #tpu.memory_space<hbm>> -> memref<6144xi32, #tpu.memory_space<hbm>>
    %dma_wait3A_1432 = arith.constant 0 : i32
    %dma_wait3A_1433 = tpu.memref_slice %arg11[%dma_wait3A_1426, %dma_wait3A_1432] : memref<2x6144xi32, #tpu.memory_space<vmem>> -> memref<1x6144xi32, #tpu.memory_space<vmem>>
    %dma_wait3A_1434 = tpu.memref_squeeze %dma_wait3A_1433 : memref<1x6144xi32, #tpu.memory_space<vmem>> -> memref<6144xi32, #tpu.memory_space<vmem>>
    %dma_wait3A_1435 = arith.constant 104448 : i32
    %dma_wait3A_1436 = tpu.memref_slice %arg4[%dma_wait3A_1435] : memref<122880xi32, #tpu.memory_space<hbm>> -> memref<6144xi32, #tpu.memory_space<hbm>>
    tpu.wait_dma2 semaphore(%arg16 : memref<!tpu.dma_semaphore, #tpu.memory_space<semaphore_mem>>) src(%dma_wait3A_1436 : memref<6144xi32, #tpu.memory_space<hbm>>) dst(%dma_wait3A_1434 : memref<6144xi32, #tpu.memory_space<vmem>>)
    %scan3A_1437 = arith.constant 1 : i32
    %scan3A_1438 = arith.constant 1 : i32
    %scan3A_1439 = arith.constant 1 : i32
    %scan3A_1440 = arith.constant 0 : i32
    %scan3A_1441 = arith.constant 0 : i32
    %scan3A_1442 = arith.constant 384 : i32
    %scan3A_1443 = arith.addi %scan3A_1441, %scan3A_1442 : i32
    %scan3A_1444 = arith.constant 1 : i32
    %scan3A_1445 = scf.for %scan3A_1575 = %scan3A_1441 to %scan3A_1443 step %scan3A_1444 iter_args(%scan3A_1576 = %scan3A_1440) -> (i32)  : i32 {
      %mul3A_1577 = arith.constant 16 : i32
      %mul3A_1578 = arith.muli %scan3A_1575, %mul3A_1577 : i32
      %get3A_1579 = arith.constant 0 : i32
      %get3A_1580 = tpu.memref_slice %arg9[%scan3A_1437, %get3A_1579] : memref<2x6144xi32, #tpu.memory_space<vmem>> -> memref<1x6144xi32, #tpu.memory_space<vmem>>
      %get3A_1581 = tpu.memref_squeeze %get3A_1580 : memref<1x6144xi32, #tpu.memory_space<vmem>> -> memref<6144xi32, #tpu.memory_space<vmem>>
      %get3A_1582 = arith.index_cast %mul3A_1578 : i32 to index
      %get3A_1583 = tpu.vector_load %get3A_1581[%get3A_1582] {strides = array<i32>} : memref<6144xi32, #tpu.memory_space<vmem>>, vector<16xi32>,
      %get3A_1584 = arith.constant 0 : i32
      %get3A_1585 = tpu.memref_slice %arg10[%scan3A_1438, %get3A_1584] : memref<2x6144xi32, #tpu.memory_space<vmem>> -> memref<1x6144xi32, #tpu.memory_space<vmem>>
      %get3A_1586 = tpu.memref_squeeze %get3A_1585 : memref<1x6144xi32, #tpu.memory_space<vmem>> -> memref<6144xi32, #tpu.memory_space<vmem>>
      %get3A_1587 = arith.index_cast %mul3A_1578 : i32 to index
      %get3A_1588 = tpu.vector_load %get3A_1586[%get3A_1587] {strides = array<i32>} : memref<6144xi32, #tpu.memory_space<vmem>>, vector<16xi32>,
      %get3A_1589 = arith.constant 0 : i32
      %get3A_1590 = tpu.memref_slice %arg11[%scan3A_1439, %get3A_1589] : memref<2x6144xi32, #tpu.memory_space<vmem>> -> memref<1x6144xi32, #tpu.memory_space<vmem>>
      %get3A_1591 = tpu.memref_squeeze %get3A_1590 : memref<1x6144xi32, #tpu.memory_space<vmem>> -> memref<6144xi32, #tpu.memory_space<vmem>>
      %get3A_1592 = arith.index_cast %mul3A_1578 : i32 to index
      %get3A_1593 = tpu.vector_load %get3A_1591[%get3A_1592] {strides = array<i32>} : memref<6144xi32, #tpu.memory_space<vmem>>, vector<16xi32>,
      %eq3A_1594 = vector.broadcast %select_n3A : i32 to vector<16xi32>
      %eq3A_1595 = arith.cmpi eq, %get3A_1583, %eq3A_1594 : vector<16xi32>
      %lt3A_1596 = arith.cmpi slt, %get3A_1583, %get3A_47 : vector<16xi32>
      %and3A_1597 = arith.andi %eq3A_1595, %lt3A_1596 : vector<16xi1>
      %ge3A = vector.broadcast %mul3A_32 : i32 to vector<16xi32>
      %ge3A_1598 = arith.cmpi sge, %get3A_1593, %ge3A : vector<16xi32>
      %and3A_1599 = arith.andi %and3A_1597, %ge3A_1598 : vector<16xi1>
      %add3A_1600 = arith.constant 64 : i32
      %add3A_1601 = arith.addi %mul3A_32, %add3A_1600 : i32
      %lt3A_1602 = vector.broadcast %add3A_1601 : i32 to vector<16xi32>
      %lt3A_1603 = arith.cmpi slt, %get3A_1593, %lt3A_1602 : vector<16xi32>
      %and3A_1604 = arith.andi %and3A_1599, %lt3A_1603 : vector<16xi1>
      %sub3A_1605 = vector.broadcast %mul3A_32 : i32 to vector<16xi32>
      %sub3A_1606 = arith.subi %get3A_1593, %sub3A_1605 : vector<16xi32>
      %mul3A_1607 = arith.constant 512 : i32
      %mul3A_1608 = vector.broadcast %mul3A_1607 : i32 to vector<16xi32>
      %mul3A_1609 = arith.muli %sub3A_1606, %mul3A_1608 : vector<16xi32>
      %add3A_1610 = arith.addi %mul3A_1609, %get3A_1588 : vector<16xi32>
      %jit3A_1611 = arith.constant 0 : i32
      %broadcast_in_dim3A_1612 = vector.broadcast %jit3A_1611 : i32 to vector<16xi32>
      %select_n3A_1613 = arith.select %and3A_1604, %add3A_1610, %broadcast_in_dim3A_1612 : vector<16xi1>, vector<16xi32>
      %add3A_1614 = arith.constant 104448 : i32
      %add3A_1615 = arith.addi %add3A_1614, %mul3A_1578 : i32
      %add3A_1616 = vector.broadcast %add3A_1615 : i32 to vector<16xi32>
      %add3A_1617 = arith.addi %add3A_1616, %iota3A : vector<16xi32>
      %add3A_1618 = arith.constant 1 : i32
      %add3A_1619 = vector.broadcast %add3A_1618 : i32 to vector<16xi32>
      %add3A_1620 = arith.addi %add3A_1617, %add3A_1619 : vector<16xi32>
      tpu.vector_store_idx %arg13[%select_n3A_1613], %add3A_1620 masked %and3A_1604 : memref<32768xi32, #tpu.memory_space<vmem>>[vector<16xi32>], vector<16xi32>, vector<16xi1>
      %scan3A_1621 = arith.constant 0 : i32
      scf.yield %scan3A_1621 : i32
    }
    %scan3A_1446 = arith.constant 384 : i32
    %dma_start3A_1447 = arith.constant 1 : i32
    %dma_start3A_1448 = arith.constant 0 : i32
    %dma_start3A_1449 = tpu.memref_slice %arg9[%dma_start3A_1447, %dma_start3A_1448] : memref<2x6144xi32, #tpu.memory_space<vmem>> -> memref<1x6144xi32, #tpu.memory_space<vmem>>
    %dma_start3A_1450 = tpu.memref_squeeze %dma_start3A_1449 : memref<1x6144xi32, #tpu.memory_space<vmem>> -> memref<6144xi32, #tpu.memory_space<vmem>>
    %dma_start3A_1451 = arith.constant 116736 : i32
    %dma_start3A_1452 = tpu.memref_slice %arg2[%dma_start3A_1451] : memref<122880xi32, #tpu.memory_space<hbm>> -> memref<6144xi32, #tpu.memory_space<hbm>>
    %dma_start3A_1453 = arith.constant 0 : i32
    %dma_start3A_1454 = tpu.memref_slice %arg9[%dma_start3A_1447, %dma_start3A_1453] : memref<2x6144xi32, #tpu.memory_space<vmem>> -> memref<1x6144xi32, #tpu.memory_space<vmem>>
    %dma_start3A_1455 = tpu.memref_squeeze %dma_start3A_1454 : memref<1x6144xi32, #tpu.memory_space<vmem>> -> memref<6144xi32, #tpu.memory_space<vmem>>
    %dma_start3A_1456 = arith.constant 116736 : i32
    %dma_start3A_1457 = tpu.memref_slice %arg2[%dma_start3A_1456] : memref<122880xi32, #tpu.memory_space<hbm>> -> memref<6144xi32, #tpu.memory_space<hbm>>
    tpu.enqueue_dma source(%dma_start3A_1457 : memref<6144xi32, #tpu.memory_space<hbm>>) target(%dma_start3A_1455 : memref<6144xi32, #tpu.memory_space<vmem>>) target_semaphore(%arg16 : memref<!tpu.dma_semaphore, #tpu.memory_space<semaphore_mem>>)
    %dma_start3A_1458 = arith.constant 1 : i32
    %dma_start3A_1459 = arith.constant 0 : i32
    %dma_start3A_1460 = tpu.memref_slice %arg10[%dma_start3A_1458, %dma_start3A_1459] : memref<2x6144xi32, #tpu.memory_space<vmem>> -> memref<1x6144xi32, #tpu.memory_space<vmem>>
    %dma_start3A_1461 = tpu.memref_squeeze %dma_start3A_1460 : memref<1x6144xi32, #tpu.memory_space<vmem>> -> memref<6144xi32, #tpu.memory_space<vmem>>
    %dma_start3A_1462 = arith.constant 116736 : i32
    %dma_start3A_1463 = tpu.memref_slice %arg3[%dma_start3A_1462] : memref<122880xi32, #tpu.memory_space<hbm>> -> memref<6144xi32, #tpu.memory_space<hbm>>
    %dma_start3A_1464 = arith.constant 0 : i32
    %dma_start3A_1465 = tpu.memref_slice %arg10[%dma_start3A_1458, %dma_start3A_1464] : memref<2x6144xi32, #tpu.memory_space<vmem>> -> memref<1x6144xi32, #tpu.memory_space<vmem>>
    %dma_start3A_1466 = tpu.memref_squeeze %dma_start3A_1465 : memref<1x6144xi32, #tpu.memory_space<vmem>> -> memref<6144xi32, #tpu.memory_space<vmem>>
    %dma_start3A_1467 = arith.constant 116736 : i32
    %dma_start3A_1468 = tpu.memref_slice %arg3[%dma_start3A_1467] : memref<122880xi32, #tpu.memory_space<hbm>> -> memref<6144xi32, #tpu.memory_space<hbm>>
    tpu.enqueue_dma source(%dma_start3A_1468 : memref<6144xi32, #tpu.memory_space<hbm>>) target(%dma_start3A_1466 : memref<6144xi32, #tpu.memory_space<vmem>>) target_semaphore(%arg16 : memref<!tpu.dma_semaphore, #tpu.memory_space<semaphore_mem>>)
    %dma_start3A_1469 = arith.constant 1 : i32
    %dma_start3A_1470 = arith.constant 0 : i32
    %dma_start3A_1471 = tpu.memref_slice %arg11[%dma_start3A_1469, %dma_start3A_1470] : memref<2x6144xi32, #tpu.memory_space<vmem>> -> memref<1x6144xi32, #tpu.memory_space<vmem>>
    %dma_start3A_1472 = tpu.memref_squeeze %dma_start3A_1471 : memref<1x6144xi32, #tpu.memory_space<vmem>> -> memref<6144xi32, #tpu.memory_space<vmem>>
    %dma_start3A_1473 = arith.constant 116736 : i32
    %dma_start3A_1474 = tpu.memref_slice %arg4[%dma_start3A_1473] : memref<122880xi32, #tpu.memory_space<hbm>> -> memref<6144xi32, #tpu.memory_space<hbm>>
    %dma_start3A_1475 = arith.constant 0 : i32
    %dma_start3A_1476 = tpu.memref_slice %arg11[%dma_start3A_1469, %dma_start3A_1475] : memref<2x6144xi32, #tpu.memory_space<vmem>> -> memref<1x6144xi32, #tpu.memory_space<vmem>>
    %dma_start3A_1477 = tpu.memref_squeeze %dma_start3A_1476 : memref<1x6144xi32, #tpu.memory_space<vmem>> -> memref<6144xi32, #tpu.memory_space<vmem>>
    %dma_start3A_1478 = arith.constant 116736 : i32
    %dma_start3A_1479 = tpu.memref_slice %arg4[%dma_start3A_1478] : memref<122880xi32, #tpu.memory_space<hbm>> -> memref<6144xi32, #tpu.memory_space<hbm>>
    tpu.enqueue_dma source(%dma_start3A_1479 : memref<6144xi32, #tpu.memory_space<hbm>>) target(%dma_start3A_1477 : memref<6144xi32, #tpu.memory_space<vmem>>) target_semaphore(%arg16 : memref<!tpu.dma_semaphore, #tpu.memory_space<semaphore_mem>>)
    %dma_wait3A_1480 = arith.constant 0 : i32
    %dma_wait3A_1481 = arith.constant 0 : i32
    %dma_wait3A_1482 = tpu.memref_slice %arg9[%dma_wait3A_1480, %dma_wait3A_1481] : memref<2x6144xi32, #tpu.memory_space<vmem>> -> memref<1x6144xi32, #tpu.memory_space<vmem>>
    %dma_wait3A_1483 = tpu.memref_squeeze %dma_wait3A_1482 : memref<1x6144xi32, #tpu.memory_space<vmem>> -> memref<6144xi32, #tpu.memory_space<vmem>>
    %dma_wait3A_1484 = arith.constant 110592 : i32
    %dma_wait3A_1485 = tpu.memref_slice %arg2[%dma_wait3A_1484] : memref<122880xi32, #tpu.memory_space<hbm>> -> memref<6144xi32, #tpu.memory_space<hbm>>
    %dma_wait3A_1486 = arith.constant 0 : i32
    %dma_wait3A_1487 = tpu.memref_slice %arg9[%dma_wait3A_1480, %dma_wait3A_1486] : memref<2x6144xi32, #tpu.memory_space<vmem>> -> memref<1x6144xi32, #tpu.memory_space<vmem>>
    %dma_wait3A_1488 = tpu.memref_squeeze %dma_wait3A_1487 : memref<1x6144xi32, #tpu.memory_space<vmem>> -> memref<6144xi32, #tpu.memory_space<vmem>>
    %dma_wait3A_1489 = arith.constant 110592 : i32
    %dma_wait3A_1490 = tpu.memref_slice %arg2[%dma_wait3A_1489] : memref<122880xi32, #tpu.memory_space<hbm>> -> memref<6144xi32, #tpu.memory_space<hbm>>
    tpu.wait_dma2 semaphore(%arg16 : memref<!tpu.dma_semaphore, #tpu.memory_space<semaphore_mem>>) src(%dma_wait3A_1490 : memref<6144xi32, #tpu.memory_space<hbm>>) dst(%dma_wait3A_1488 : memref<6144xi32, #tpu.memory_space<vmem>>)
    %dma_wait3A_1491 = arith.constant 0 : i32
    %dma_wait3A_1492 = arith.constant 0 : i32
    %dma_wait3A_1493 = tpu.memref_slice %arg10[%dma_wait3A_1491, %dma_wait3A_1492] : memref<2x6144xi32, #tpu.memory_space<vmem>> -> memref<1x6144xi32, #tpu.memory_space<vmem>>
    %dma_wait3A_1494 = tpu.memref_squeeze %dma_wait3A_1493 : memref<1x6144xi32, #tpu.memory_space<vmem>> -> memref<6144xi32, #tpu.memory_space<vmem>>
    %dma_wait3A_1495 = arith.constant 110592 : i32
    %dma_wait3A_1496 = tpu.memref_slice %arg3[%dma_wait3A_1495] : memref<122880xi32, #tpu.memory_space<hbm>> -> memref<6144xi32, #tpu.memory_space<hbm>>
    %dma_wait3A_1497 = arith.constant 0 : i32
    %dma_wait3A_1498 = tpu.memref_slice %arg10[%dma_wait3A_1491, %dma_wait3A_1497] : memref<2x6144xi32, #tpu.memory_space<vmem>> -> memref<1x6144xi32, #tpu.memory_space<vmem>>
    %dma_wait3A_1499 = tpu.memref_squeeze %dma_wait3A_1498 : memref<1x6144xi32, #tpu.memory_space<vmem>> -> memref<6144xi32, #tpu.memory_space<vmem>>
    %dma_wait3A_1500 = arith.constant 110592 : i32
    %dma_wait3A_1501 = tpu.memref_slice %arg3[%dma_wait3A_1500] : memref<122880xi32, #tpu.memory_space<hbm>> -> memref<6144xi32, #tpu.memory_space<hbm>>
    tpu.wait_dma2 semaphore(%arg16 : memref<!tpu.dma_semaphore, #tpu.memory_space<semaphore_mem>>) src(%dma_wait3A_1501 : memref<6144xi32, #tpu.memory_space<hbm>>) dst(%dma_wait3A_1499 : memref<6144xi32, #tpu.memory_space<vmem>>)
    %dma_wait3A_1502 = arith.constant 0 : i32
    %dma_wait3A_1503 = arith.constant 0 : i32
    %dma_wait3A_1504 = tpu.memref_slice %arg11[%dma_wait3A_1502, %dma_wait3A_1503] : memref<2x6144xi32, #tpu.memory_space<vmem>> -> memref<1x6144xi32, #tpu.memory_space<vmem>>
    %dma_wait3A_1505 = tpu.memref_squeeze %dma_wait3A_1504 : memref<1x6144xi32, #tpu.memory_space<vmem>> -> memref<6144xi32, #tpu.memory_space<vmem>>
    %dma_wait3A_1506 = arith.constant 110592 : i32
    %dma_wait3A_1507 = tpu.memref_slice %arg4[%dma_wait3A_1506] : memref<122880xi32, #tpu.memory_space<hbm>> -> memref<6144xi32, #tpu.memory_space<hbm>>
    %dma_wait3A_1508 = arith.constant 0 : i32
    %dma_wait3A_1509 = tpu.memref_slice %arg11[%dma_wait3A_1502, %dma_wait3A_1508] : memref<2x6144xi32, #tpu.memory_space<vmem>> -> memref<1x6144xi32, #tpu.memory_space<vmem>>
    %dma_wait3A_1510 = tpu.memref_squeeze %dma_wait3A_1509 : memref<1x6144xi32, #tpu.memory_space<vmem>> -> memref<6144xi32, #tpu.memory_space<vmem>>
    %dma_wait3A_1511 = arith.constant 110592 : i32
    %dma_wait3A_1512 = tpu.memref_slice %arg4[%dma_wait3A_1511] : memref<122880xi32, #tpu.memory_space<hbm>> -> memref<6144xi32, #tpu.memory_space<hbm>>
    tpu.wait_dma2 semaphore(%arg16 : memref<!tpu.dma_semaphore, #tpu.memory_space<semaphore_mem>>) src(%dma_wait3A_1512 : memref<6144xi32, #tpu.memory_space<hbm>>) dst(%dma_wait3A_1510 : memref<6144xi32, #tpu.memory_space<vmem>>)
    %scan3A_1513 = arith.constant 0 : i32
    %scan3A_1514 = arith.constant 0 : i32
    %scan3A_1515 = arith.constant 0 : i32
    %scan3A_1516 = arith.constant 0 : i32
    %scan3A_1517 = arith.constant 0 : i32
    %scan3A_1518 = arith.constant 384 : i32
    %scan3A_1519 = arith.addi %scan3A_1517, %scan3A_1518 : i32
    %scan3A_1520 = arith.constant 1 : i32
    %scan3A_1521 = scf.for %scan3A_1575 = %scan3A_1517 to %scan3A_1519 step %scan3A_1520 iter_args(%scan3A_1576 = %scan3A_1516) -> (i32)  : i32 {
      %mul3A_1577 = arith.constant 16 : i32
      %mul3A_1578 = arith.muli %scan3A_1575, %mul3A_1577 : i32
      %get3A_1579 = arith.constant 0 : i32
      %get3A_1580 = tpu.memref_slice %arg9[%scan3A_1513, %get3A_1579] : memref<2x6144xi32, #tpu.memory_space<vmem>> -> memref<1x6144xi32, #tpu.memory_space<vmem>>
      %get3A_1581 = tpu.memref_squeeze %get3A_1580 : memref<1x6144xi32, #tpu.memory_space<vmem>> -> memref<6144xi32, #tpu.memory_space<vmem>>
      %get3A_1582 = arith.index_cast %mul3A_1578 : i32 to index
      %get3A_1583 = tpu.vector_load %get3A_1581[%get3A_1582] {strides = array<i32>} : memref<6144xi32, #tpu.memory_space<vmem>>, vector<16xi32>,
      %get3A_1584 = arith.constant 0 : i32
      %get3A_1585 = tpu.memref_slice %arg10[%scan3A_1514, %get3A_1584] : memref<2x6144xi32, #tpu.memory_space<vmem>> -> memref<1x6144xi32, #tpu.memory_space<vmem>>
      %get3A_1586 = tpu.memref_squeeze %get3A_1585 : memref<1x6144xi32, #tpu.memory_space<vmem>> -> memref<6144xi32, #tpu.memory_space<vmem>>
      %get3A_1587 = arith.index_cast %mul3A_1578 : i32 to index
      %get3A_1588 = tpu.vector_load %get3A_1586[%get3A_1587] {strides = array<i32>} : memref<6144xi32, #tpu.memory_space<vmem>>, vector<16xi32>,
      %get3A_1589 = arith.constant 0 : i32
      %get3A_1590 = tpu.memref_slice %arg11[%scan3A_1515, %get3A_1589] : memref<2x6144xi32, #tpu.memory_space<vmem>> -> memref<1x6144xi32, #tpu.memory_space<vmem>>
      %get3A_1591 = tpu.memref_squeeze %get3A_1590 : memref<1x6144xi32, #tpu.memory_space<vmem>> -> memref<6144xi32, #tpu.memory_space<vmem>>
      %get3A_1592 = arith.index_cast %mul3A_1578 : i32 to index
      %get3A_1593 = tpu.vector_load %get3A_1591[%get3A_1592] {strides = array<i32>} : memref<6144xi32, #tpu.memory_space<vmem>>, vector<16xi32>,
      %eq3A_1594 = vector.broadcast %select_n3A : i32 to vector<16xi32>
      %eq3A_1595 = arith.cmpi eq, %get3A_1583, %eq3A_1594 : vector<16xi32>
      %lt3A_1596 = arith.cmpi slt, %get3A_1583, %get3A_47 : vector<16xi32>
      %and3A_1597 = arith.andi %eq3A_1595, %lt3A_1596 : vector<16xi1>
      %ge3A = vector.broadcast %mul3A_32 : i32 to vector<16xi32>
      %ge3A_1598 = arith.cmpi sge, %get3A_1593, %ge3A : vector<16xi32>
      %and3A_1599 = arith.andi %and3A_1597, %ge3A_1598 : vector<16xi1>
      %add3A_1600 = arith.constant 64 : i32
      %add3A_1601 = arith.addi %mul3A_32, %add3A_1600 : i32
      %lt3A_1602 = vector.broadcast %add3A_1601 : i32 to vector<16xi32>
      %lt3A_1603 = arith.cmpi slt, %get3A_1593, %lt3A_1602 : vector<16xi32>
      %and3A_1604 = arith.andi %and3A_1599, %lt3A_1603 : vector<16xi1>
      %sub3A_1605 = vector.broadcast %mul3A_32 : i32 to vector<16xi32>
      %sub3A_1606 = arith.subi %get3A_1593, %sub3A_1605 : vector<16xi32>
      %mul3A_1607 = arith.constant 512 : i32
      %mul3A_1608 = vector.broadcast %mul3A_1607 : i32 to vector<16xi32>
      %mul3A_1609 = arith.muli %sub3A_1606, %mul3A_1608 : vector<16xi32>
      %add3A_1610 = arith.addi %mul3A_1609, %get3A_1588 : vector<16xi32>
      %jit3A_1611 = arith.constant 0 : i32
      %broadcast_in_dim3A_1612 = vector.broadcast %jit3A_1611 : i32 to vector<16xi32>
      %select_n3A_1613 = arith.select %and3A_1604, %add3A_1610, %broadcast_in_dim3A_1612 : vector<16xi1>, vector<16xi32>
      %add3A_1614 = arith.constant 110592 : i32
      %add3A_1615 = arith.addi %add3A_1614, %mul3A_1578 : i32
      %add3A_1616 = vector.broadcast %add3A_1615 : i32 to vector<16xi32>
      %add3A_1617 = arith.addi %add3A_1616, %iota3A : vector<16xi32>
      %add3A_1618 = arith.constant 1 : i32
      %add3A_1619 = vector.broadcast %add3A_1618 : i32 to vector<16xi32>
      %add3A_1620 = arith.addi %add3A_1617, %add3A_1619 : vector<16xi32>
      tpu.vector_store_idx %arg13[%select_n3A_1613], %add3A_1620 masked %and3A_1604 : memref<32768xi32, #tpu.memory_space<vmem>>[vector<16xi32>], vector<16xi32>, vector<16xi1>
      %scan3A_1621 = arith.constant 0 : i32
      scf.yield %scan3A_1621 : i32
    }
    %scan3A_1522 = arith.constant 384 : i32
    %dma_wait3A_1523 = arith.constant 1 : i32
    %dma_wait3A_1524 = arith.constant 0 : i32
    %dma_wait3A_1525 = tpu.memref_slice %arg9[%dma_wait3A_1523, %dma_wait3A_1524] : memref<2x6144xi32, #tpu.memory_space<vmem>> -> memref<1x6144xi32, #tpu.memory_space<vmem>>
    %dma_wait3A_1526 = tpu.memref_squeeze %dma_wait3A_1525 : memref<1x6144xi32, #tpu.memory_space<vmem>> -> memref<6144xi32, #tpu.memory_space<vmem>>
    %dma_wait3A_1527 = arith.constant 116736 : i32
    %dma_wait3A_1528 = tpu.memref_slice %arg2[%dma_wait3A_1527] : memref<122880xi32, #tpu.memory_space<hbm>> -> memref<6144xi32, #tpu.memory_space<hbm>>
    %dma_wait3A_1529 = arith.constant 0 : i32
    %dma_wait3A_1530 = tpu.memref_slice %arg9[%dma_wait3A_1523, %dma_wait3A_1529] : memref<2x6144xi32, #tpu.memory_space<vmem>> -> memref<1x6144xi32, #tpu.memory_space<vmem>>
    %dma_wait3A_1531 = tpu.memref_squeeze %dma_wait3A_1530 : memref<1x6144xi32, #tpu.memory_space<vmem>> -> memref<6144xi32, #tpu.memory_space<vmem>>
    %dma_wait3A_1532 = arith.constant 116736 : i32
    %dma_wait3A_1533 = tpu.memref_slice %arg2[%dma_wait3A_1532] : memref<122880xi32, #tpu.memory_space<hbm>> -> memref<6144xi32, #tpu.memory_space<hbm>>
    tpu.wait_dma2 semaphore(%arg16 : memref<!tpu.dma_semaphore, #tpu.memory_space<semaphore_mem>>) src(%dma_wait3A_1533 : memref<6144xi32, #tpu.memory_space<hbm>>) dst(%dma_wait3A_1531 : memref<6144xi32, #tpu.memory_space<vmem>>)
    %dma_wait3A_1534 = arith.constant 1 : i32
    %dma_wait3A_1535 = arith.constant 0 : i32
    %dma_wait3A_1536 = tpu.memref_slice %arg10[%dma_wait3A_1534, %dma_wait3A_1535] : memref<2x6144xi32, #tpu.memory_space<vmem>> -> memref<1x6144xi32, #tpu.memory_space<vmem>>
    %dma_wait3A_1537 = tpu.memref_squeeze %dma_wait3A_1536 : memref<1x6144xi32, #tpu.memory_space<vmem>> -> memref<6144xi32, #tpu.memory_space<vmem>>
    %dma_wait3A_1538 = arith.constant 116736 : i32
    %dma_wait3A_1539 = tpu.memref_slice %arg3[%dma_wait3A_1538] : memref<122880xi32, #tpu.memory_space<hbm>> -> memref<6144xi32, #tpu.memory_space<hbm>>
    %dma_wait3A_1540 = arith.constant 0 : i32
    %dma_wait3A_1541 = tpu.memref_slice %arg10[%dma_wait3A_1534, %dma_wait3A_1540] : memref<2x6144xi32, #tpu.memory_space<vmem>> -> memref<1x6144xi32, #tpu.memory_space<vmem>>
    %dma_wait3A_1542 = tpu.memref_squeeze %dma_wait3A_1541 : memref<1x6144xi32, #tpu.memory_space<vmem>> -> memref<6144xi32, #tpu.memory_space<vmem>>
    %dma_wait3A_1543 = arith.constant 116736 : i32
    %dma_wait3A_1544 = tpu.memref_slice %arg3[%dma_wait3A_1543] : memref<122880xi32, #tpu.memory_space<hbm>> -> memref<6144xi32, #tpu.memory_space<hbm>>
    tpu.wait_dma2 semaphore(%arg16 : memref<!tpu.dma_semaphore, #tpu.memory_space<semaphore_mem>>) src(%dma_wait3A_1544 : memref<6144xi32, #tpu.memory_space<hbm>>) dst(%dma_wait3A_1542 : memref<6144xi32, #tpu.memory_space<vmem>>)
    %dma_wait3A_1545 = arith.constant 1 : i32
    %dma_wait3A_1546 = arith.constant 0 : i32
    %dma_wait3A_1547 = tpu.memref_slice %arg11[%dma_wait3A_1545, %dma_wait3A_1546] : memref<2x6144xi32, #tpu.memory_space<vmem>> -> memref<1x6144xi32, #tpu.memory_space<vmem>>
    %dma_wait3A_1548 = tpu.memref_squeeze %dma_wait3A_1547 : memref<1x6144xi32, #tpu.memory_space<vmem>> -> memref<6144xi32, #tpu.memory_space<vmem>>
    %dma_wait3A_1549 = arith.constant 116736 : i32
    %dma_wait3A_1550 = tpu.memref_slice %arg4[%dma_wait3A_1549] : memref<122880xi32, #tpu.memory_space<hbm>> -> memref<6144xi32, #tpu.memory_space<hbm>>
    %dma_wait3A_1551 = arith.constant 0 : i32
    %dma_wait3A_1552 = tpu.memref_slice %arg11[%dma_wait3A_1545, %dma_wait3A_1551] : memref<2x6144xi32, #tpu.memory_space<vmem>> -> memref<1x6144xi32, #tpu.memory_space<vmem>>
    %dma_wait3A_1553 = tpu.memref_squeeze %dma_wait3A_1552 : memref<1x6144xi32, #tpu.memory_space<vmem>> -> memref<6144xi32, #tpu.memory_space<vmem>>
    %dma_wait3A_1554 = arith.constant 116736 : i32
    %dma_wait3A_1555 = tpu.memref_slice %arg4[%dma_wait3A_1554] : memref<122880xi32, #tpu.memory_space<hbm>> -> memref<6144xi32, #tpu.memory_space<hbm>>
    tpu.wait_dma2 semaphore(%arg16 : memref<!tpu.dma_semaphore, #tpu.memory_space<semaphore_mem>>) src(%dma_wait3A_1555 : memref<6144xi32, #tpu.memory_space<hbm>>) dst(%dma_wait3A_1553 : memref<6144xi32, #tpu.memory_space<vmem>>)
    %scan3A_1556 = arith.constant 1 : i32
    %scan3A_1557 = arith.constant 1 : i32
    %scan3A_1558 = arith.constant 1 : i32
    %scan3A_1559 = arith.constant 0 : i32
    %scan3A_1560 = arith.constant 0 : i32
    %scan3A_1561 = arith.constant 384 : i32
    %scan3A_1562 = arith.addi %scan3A_1560, %scan3A_1561 : i32
    %scan3A_1563 = arith.constant 1 : i32
    %scan3A_1564 = scf.for %scan3A_1575 = %scan3A_1560 to %scan3A_1562 step %scan3A_1563 iter_args(%scan3A_1576 = %scan3A_1559) -> (i32)  : i32 {
      %mul3A_1577 = arith.constant 16 : i32
      %mul3A_1578 = arith.muli %scan3A_1575, %mul3A_1577 : i32
      %get3A_1579 = arith.constant 0 : i32
      %get3A_1580 = tpu.memref_slice %arg9[%scan3A_1556, %get3A_1579] : memref<2x6144xi32, #tpu.memory_space<vmem>> -> memref<1x6144xi32, #tpu.memory_space<vmem>>
      %get3A_1581 = tpu.memref_squeeze %get3A_1580 : memref<1x6144xi32, #tpu.memory_space<vmem>> -> memref<6144xi32, #tpu.memory_space<vmem>>
      %get3A_1582 = arith.index_cast %mul3A_1578 : i32 to index
      %get3A_1583 = tpu.vector_load %get3A_1581[%get3A_1582] {strides = array<i32>} : memref<6144xi32, #tpu.memory_space<vmem>>, vector<16xi32>,
      %get3A_1584 = arith.constant 0 : i32
      %get3A_1585 = tpu.memref_slice %arg10[%scan3A_1557, %get3A_1584] : memref<2x6144xi32, #tpu.memory_space<vmem>> -> memref<1x6144xi32, #tpu.memory_space<vmem>>
      %get3A_1586 = tpu.memref_squeeze %get3A_1585 : memref<1x6144xi32, #tpu.memory_space<vmem>> -> memref<6144xi32, #tpu.memory_space<vmem>>
      %get3A_1587 = arith.index_cast %mul3A_1578 : i32 to index
      %get3A_1588 = tpu.vector_load %get3A_1586[%get3A_1587] {strides = array<i32>} : memref<6144xi32, #tpu.memory_space<vmem>>, vector<16xi32>,
      %get3A_1589 = arith.constant 0 : i32
      %get3A_1590 = tpu.memref_slice %arg11[%scan3A_1558, %get3A_1589] : memref<2x6144xi32, #tpu.memory_space<vmem>> -> memref<1x6144xi32, #tpu.memory_space<vmem>>
      %get3A_1591 = tpu.memref_squeeze %get3A_1590 : memref<1x6144xi32, #tpu.memory_space<vmem>> -> memref<6144xi32, #tpu.memory_space<vmem>>
      %get3A_1592 = arith.index_cast %mul3A_1578 : i32 to index
      %get3A_1593 = tpu.vector_load %get3A_1591[%get3A_1592] {strides = array<i32>} : memref<6144xi32, #tpu.memory_space<vmem>>, vector<16xi32>,
      %eq3A_1594 = vector.broadcast %select_n3A : i32 to vector<16xi32>
      %eq3A_1595 = arith.cmpi eq, %get3A_1583, %eq3A_1594 : vector<16xi32>
      %lt3A_1596 = arith.cmpi slt, %get3A_1583, %get3A_47 : vector<16xi32>
      %and3A_1597 = arith.andi %eq3A_1595, %lt3A_1596 : vector<16xi1>
      %ge3A = vector.broadcast %mul3A_32 : i32 to vector<16xi32>
      %ge3A_1598 = arith.cmpi sge, %get3A_1593, %ge3A : vector<16xi32>
      %and3A_1599 = arith.andi %and3A_1597, %ge3A_1598 : vector<16xi1>
      %add3A_1600 = arith.constant 64 : i32
      %add3A_1601 = arith.addi %mul3A_32, %add3A_1600 : i32
      %lt3A_1602 = vector.broadcast %add3A_1601 : i32 to vector<16xi32>
      %lt3A_1603 = arith.cmpi slt, %get3A_1593, %lt3A_1602 : vector<16xi32>
      %and3A_1604 = arith.andi %and3A_1599, %lt3A_1603 : vector<16xi1>
      %sub3A_1605 = vector.broadcast %mul3A_32 : i32 to vector<16xi32>
      %sub3A_1606 = arith.subi %get3A_1593, %sub3A_1605 : vector<16xi32>
      %mul3A_1607 = arith.constant 512 : i32
      %mul3A_1608 = vector.broadcast %mul3A_1607 : i32 to vector<16xi32>
      %mul3A_1609 = arith.muli %sub3A_1606, %mul3A_1608 : vector<16xi32>
      %add3A_1610 = arith.addi %mul3A_1609, %get3A_1588 : vector<16xi32>
      %jit3A_1611 = arith.constant 0 : i32
      %broadcast_in_dim3A_1612 = vector.broadcast %jit3A_1611 : i32 to vector<16xi32>
      %select_n3A_1613 = arith.select %and3A_1604, %add3A_1610, %broadcast_in_dim3A_1612 : vector<16xi1>, vector<16xi32>
      %add3A_1614 = arith.constant 116736 : i32
      %add3A_1615 = arith.addi %add3A_1614, %mul3A_1578 : i32
      %add3A_1616 = vector.broadcast %add3A_1615 : i32 to vector<16xi32>
      %add3A_1617 = arith.addi %add3A_1616, %iota3A : vector<16xi32>
      %add3A_1618 = arith.constant 1 : i32
      %add3A_1619 = vector.broadcast %add3A_1618 : i32 to vector<16xi32>
      %add3A_1620 = arith.addi %add3A_1617, %add3A_1619 : vector<16xi32>
      tpu.vector_store_idx %arg13[%select_n3A_1613], %add3A_1620 masked %and3A_1604 : memref<32768xi32, #tpu.memory_space<vmem>>[vector<16xi32>], vector<16xi32>, vector<16xi1>
      %scan3A_1621 = arith.constant 0 : i32
      scf.yield %scan3A_1621 : i32
    }
    %scan3A_1565 = arith.constant 384 : i32
    %scan3A_1566 = arith.constant 0 : i32
    %scan3A_1567 = arith.constant 0 : i32
    %scan3A_1568 = arith.constant 2048 : i32
    %scan3A_1569 = arith.addi %scan3A_1567, %scan3A_1568 : i32
    %scan3A_1570 = arith.constant 1 : i32
    %scan3A_1571 = scf.for %scan3A_1575 = %scan3A_1567 to %scan3A_1569 step %scan3A_1570 iter_args(%scan3A_1576 = %scan3A_1566) -> (i32)  : i32 {
      %mul3A_1577 = arith.constant 16 : i32
      %mul3A_1578 = arith.muli %scan3A_1575, %mul3A_1577 : i32
      %get3A_1579 = arith.index_cast %mul3A_1578 : i32 to index
      %get3A_1580 = tpu.vector_load %arg13[%get3A_1579] {strides = array<i32>} : memref<32768xi32, #tpu.memory_space<vmem>>, vector<16xi32>,
      %gt3A = arith.constant 0 : i32
      %gt3A_1581 = vector.broadcast %gt3A : i32 to vector<16xi32>
      %gt3A_1582 = arith.cmpi sgt, %get3A_1580, %gt3A_1581 : vector<16xi32>
      %mul3A_1583 = arith.constant 16 : i32
      %mul3A_1584 = arith.muli %scan3A_1575, %mul3A_1583 : i32
      %add3A_1585 = vector.broadcast %mul3A_1584 : i32 to vector<16xi32>
      %add3A_1586 = arith.addi %add3A_1585, %iota3A : vector<16xi32>
      %swap3A_1587 = arith.index_cast %scan3A_1576 : i32 to index
      %swap3A_1588 = tpu.vector_load %arg14[%swap3A_1587] masked %gt3A_1582 {strides = array<i32>} : memref<2176xi32, #tpu.memory_space<vmem>>, vector<16xi32>, vector<16xi1>
      tpu.vector_store %arg14[%swap3A_1587], %add3A_1586 masked %gt3A_1582 {strides = array<i32>} : memref<2176xi32, #tpu.memory_space<vmem>>, vector<16xi32>, vector<16xi1>
      %sub3A_1589 = arith.constant 1 : i32
      %sub3A_1590 = vector.broadcast %sub3A_1589 : i32 to vector<16xi32>
      %sub3A_1591 = arith.subi %get3A_1580, %sub3A_1590 : vector<16xi32>
      %swap3A_1592 = arith.index_cast %scan3A_1576 : i32 to index
      %swap3A_1593 = tpu.vector_load %arg15[%swap3A_1592] masked %gt3A_1582 {strides = array<i32>} : memref<2176xi32, #tpu.memory_space<vmem>>, vector<16xi32>, vector<16xi1>
      tpu.vector_store %arg15[%swap3A_1592], %sub3A_1591 masked %gt3A_1582 {strides = array<i32>} : memref<2176xi32, #tpu.memory_space<vmem>>, vector<16xi32>, vector<16xi1>
      %convert_element_type3A = arith.extui %gt3A_1582 : vector<16xi1> to vector<16xi32>
      %reduce_sum3A = arith.constant true
      %reduce_sum3A_1594 = vector.broadcast %reduce_sum3A : i1 to vector<16xi1>
      %reduce_sum3A_1595 = tpu.scan <sum>, %convert_element_type3A masked %reduce_sum3A_1594 : vector<16xi32>, vector<16xi1> -> vector<16xi32>
      %reduce_sum3A_1596 = vector.extract %reduce_sum3A_1595[15] : i32 from vector<16xi32>
      %add3A_1597 = arith.addi %scan3A_1576, %reduce_sum3A_1596 : i32
      %min3A = arith.constant 2032 : i32
      %min3A_1598 = arith.minsi %add3A_1597, %min3A : i32
      scf.yield %min3A_1598 : i32
    }
    %scan3A_1572 = arith.constant 2048 : i32
    "tpu.region"() ({
      %run_scoped3A = tpu.sem_alloc : memref<!tpu.dma_semaphore, #tpu.memory_space<semaphore_mem>>
      %dma_start3A_1575 = arith.constant 0 : i32
      %dma_start3A_1576 = tpu.memref_slice %arg6[%add3A, %dma_start3A_1575] : memref<32x2176xi32, #tpu.memory_space<hbm>> -> memref<1x2176xi32, #tpu.memory_space<hbm>>
      %dma_start3A_1577 = tpu.memref_squeeze %dma_start3A_1576 : memref<1x2176xi32, #tpu.memory_space<hbm>> -> memref<2176xi32, #tpu.memory_space<hbm>>
      %dma_start3A_1578 = arith.constant 0 : i32
      %dma_start3A_1579 = tpu.memref_slice %arg6[%add3A, %dma_start3A_1578] : memref<32x2176xi32, #tpu.memory_space<hbm>> -> memref<1x2176xi32, #tpu.memory_space<hbm>>
      %dma_start3A_1580 = tpu.memref_squeeze %dma_start3A_1579 : memref<1x2176xi32, #tpu.memory_space<hbm>> -> memref<2176xi32, #tpu.memory_space<hbm>>
      tpu.enqueue_dma source(%arg14 : memref<2176xi32, #tpu.memory_space<vmem>>) target(%dma_start3A_1580 : memref<2176xi32, #tpu.memory_space<hbm>>) target_semaphore(%run_scoped3A : memref<!tpu.dma_semaphore, #tpu.memory_space<semaphore_mem>>)
      %dma_wait3A_1581 = arith.constant 0 : i32
      %dma_wait3A_1582 = tpu.memref_slice %arg6[%add3A, %dma_wait3A_1581] : memref<32x2176xi32, #tpu.memory_space<hbm>> -> memref<1x2176xi32, #tpu.memory_space<hbm>>
      %dma_wait3A_1583 = tpu.memref_squeeze %dma_wait3A_1582 : memref<1x2176xi32, #tpu.memory_space<hbm>> -> memref<2176xi32, #tpu.memory_space<hbm>>
      %dma_wait3A_1584 = arith.constant 0 : i32
      %dma_wait3A_1585 = tpu.memref_slice %arg6[%add3A, %dma_wait3A_1584] : memref<32x2176xi32, #tpu.memory_space<hbm>> -> memref<1x2176xi32, #tpu.memory_space<hbm>>
      %dma_wait3A_1586 = tpu.memref_squeeze %dma_wait3A_1585 : memref<1x2176xi32, #tpu.memory_space<hbm>> -> memref<2176xi32, #tpu.memory_space<hbm>>
      tpu.wait_dma2 semaphore(%run_scoped3A : memref<!tpu.dma_semaphore, #tpu.memory_space<semaphore_mem>>) src(%arg14 : memref<2176xi32, #tpu.memory_space<vmem>>) dst(%dma_wait3A_1586 : memref<2176xi32, #tpu.memory_space<hbm>>)
      tpu.yield
    }) : () -> ()
    "tpu.region"() ({
      %run_scoped3A = tpu.sem_alloc : memref<!tpu.dma_semaphore, #tpu.memory_space<semaphore_mem>>
      %dma_start3A_1575 = arith.constant 0 : i32
      %dma_start3A_1576 = tpu.memref_slice %arg7[%add3A, %dma_start3A_1575] : memref<32x2176xi32, #tpu.memory_space<hbm>> -> memref<1x2176xi32, #tpu.memory_space<hbm>>
      %dma_start3A_1577 = tpu.memref_squeeze %dma_start3A_1576 : memref<1x2176xi32, #tpu.memory_space<hbm>> -> memref<2176xi32, #tpu.memory_space<hbm>>
      %dma_start3A_1578 = arith.constant 0 : i32
      %dma_start3A_1579 = tpu.memref_slice %arg7[%add3A, %dma_start3A_1578] : memref<32x2176xi32, #tpu.memory_space<hbm>> -> memref<1x2176xi32, #tpu.memory_space<hbm>>
      %dma_start3A_1580 = tpu.memref_squeeze %dma_start3A_1579 : memref<1x2176xi32, #tpu.memory_space<hbm>> -> memref<2176xi32, #tpu.memory_space<hbm>>
      tpu.enqueue_dma source(%arg15 : memref<2176xi32, #tpu.memory_space<vmem>>) target(%dma_start3A_1580 : memref<2176xi32, #tpu.memory_space<hbm>>) target_semaphore(%run_scoped3A : memref<!tpu.dma_semaphore, #tpu.memory_space<semaphore_mem>>)
      %dma_wait3A_1581 = arith.constant 0 : i32
      %dma_wait3A_1582 = tpu.memref_slice %arg7[%add3A, %dma_wait3A_1581] : memref<32x2176xi32, #tpu.memory_space<hbm>> -> memref<1x2176xi32, #tpu.memory_space<hbm>>
      %dma_wait3A_1583 = tpu.memref_squeeze %dma_wait3A_1582 : memref<1x2176xi32, #tpu.memory_space<hbm>> -> memref<2176xi32, #tpu.memory_space<hbm>>
      %dma_wait3A_1584 = arith.constant 0 : i32
      %dma_wait3A_1585 = tpu.memref_slice %arg7[%add3A, %dma_wait3A_1584] : memref<32x2176xi32, #tpu.memory_space<hbm>> -> memref<1x2176xi32, #tpu.memory_space<hbm>>
      %dma_wait3A_1586 = tpu.memref_squeeze %dma_wait3A_1585 : memref<1x2176xi32, #tpu.memory_space<hbm>> -> memref<2176xi32, #tpu.memory_space<hbm>>
      tpu.wait_dma2 semaphore(%run_scoped3A : memref<!tpu.dma_semaphore, #tpu.memory_space<semaphore_mem>>) src(%arg15 : memref<2176xi32, #tpu.memory_space<vmem>>) dst(%dma_wait3A_1586 : memref<2176xi32, #tpu.memory_space<hbm>>)
      tpu.yield
    }) : () -> ()
    %broadcast_in_dim3A_1573 = vector.broadcast %scan3A_1571 : i32 to vector<16xi32>
    %swap3A = arith.constant 0 : index
    %swap3A_1574 = tpu.vector_load %arg12[%swap3A] {strides = array<i32>} : memref<16xi32, #tpu.memory_space<vmem>>, vector<16xi32>,
    tpu.vector_store %arg12[%swap3A], %broadcast_in_dim3A_1573 {strides = array<i32>} : memref<16xi32, #tpu.memory_space<vmem>>, vector<16xi32>,
    "tpu.region"() ({
      %run_scoped3A = tpu.sem_alloc : memref<!tpu.dma_semaphore, #tpu.memory_space<semaphore_mem>>
      %dma_start3A_1575 = arith.constant 0 : i32
      %dma_start3A_1576 = tpu.memref_slice %arg8[%add3A, %dma_start3A_1575] : memref<32x16xi32, #tpu.memory_space<hbm>> -> memref<1x16xi32, #tpu.memory_space<hbm>>
      %dma_start3A_1577 = tpu.memref_squeeze %dma_start3A_1576 : memref<1x16xi32, #tpu.memory_space<hbm>> -> memref<16xi32, #tpu.memory_space<hbm>>
      %dma_start3A_1578 = arith.constant 0 : i32
      %dma_start3A_1579 = tpu.memref_slice %arg8[%add3A, %dma_start3A_1578] : memref<32x16xi32, #tpu.memory_space<hbm>> -> memref<1x16xi32, #tpu.memory_space<hbm>>
      %dma_start3A_1580 = tpu.memref_squeeze %dma_start3A_1579 : memref<1x16xi32, #tpu.memory_space<hbm>> -> memref<16xi32, #tpu.memory_space<hbm>>
      tpu.enqueue_dma source(%arg12 : memref<16xi32, #tpu.memory_space<vmem>>) target(%dma_start3A_1580 : memref<16xi32, #tpu.memory_space<hbm>>) target_semaphore(%run_scoped3A : memref<!tpu.dma_semaphore, #tpu.memory_space<semaphore_mem>>)
      %dma_wait3A_1581 = arith.constant 0 : i32
      %dma_wait3A_1582 = tpu.memref_slice %arg8[%add3A, %dma_wait3A_1581] : memref<32x16xi32, #tpu.memory_space<hbm>> -> memref<1x16xi32, #tpu.memory_space<hbm>>
      %dma_wait3A_1583 = tpu.memref_squeeze %dma_wait3A_1582 : memref<1x16xi32, #tpu.memory_space<hbm>> -> memref<16xi32, #tpu.memory_space<hbm>>
      %dma_wait3A_1584 = arith.constant 0 : i32
      %dma_wait3A_1585 = tpu.memref_slice %arg8[%add3A, %dma_wait3A_1584] : memref<32x16xi32, #tpu.memory_space<hbm>> -> memref<1x16xi32, #tpu.memory_space<hbm>>
      %dma_wait3A_1586 = tpu.memref_squeeze %dma_wait3A_1585 : memref<1x16xi32, #tpu.memory_space<hbm>> -> memref<16xi32, #tpu.memory_space<hbm>>
      tpu.wait_dma2 semaphore(%run_scoped3A : memref<!tpu.dma_semaphore, #tpu.memory_space<semaphore_mem>>) src(%arg12 : memref<16xi32, #tpu.memory_space<vmem>>) dst(%dma_wait3A_1586 : memref<16xi32, #tpu.memory_space<hbm>>)
      tpu.yield
    }) : () -> ()
    return
  }
}

module attributes {stable_mosaic.version = 14 : i64} {
  func.func @_zero_body(%arg0: i32, %arg1: memref<1048576xf32, #tpu.memory_space<vmem>>) attributes {dimension_semantics = [#tpu.dimension_semantics<arbitrary>], iteration_bounds = array<i64: 64>, scalar_prefetch = 0 : i64, scratch_operands = 0 : i64, tpu.core_type = #tpu.core_type<tc>, window_params = [{transform_indices = @transform_0, window_bounds = array<i64: 1048576>}]} {
    %broadcast_in_dim3A = arith.constant 0.000000e+00 : f32
    %broadcast_in_dim3A_0 = vector.broadcast %broadcast_in_dim3A : f32 to vector<1048576xf32>
    %swap3A = arith.constant 0 : index
    %swap3A_1 = vector.load %arg1[%swap3A] : memref<1048576xf32, #tpu.memory_space<vmem>>, vector<1048576xf32>
    tpu.vector_store %arg1[%swap3A], %broadcast_in_dim3A_0 {strides = array<i32>} : memref<1048576xf32, #tpu.memory_space<vmem>>, vector<1048576xf32>,
    return
  }
  func.func @transform_0(%arg0: i32) -> i32 {
    %c0_i32 = arith.constant 0 : i32
    return %arg0 : i32
  }
}

</mosaic_0001>

<sc_bundles>
// kernel: kernel.5.cloned.1.call-start
scs
__scs_entry_jumppad:
0x0: {  	(pc) =	sbr.rel $0x88, $3  }
0x1: {  	(tag) =	ssettag $0x0;
	lr =	simm.s32 $0x1  }
0x2: {  	[smem:$0x3F9E] =	sst lr;
	_ =	strace $0xD0000000  }
0x3: {  	_ = 	snop  }
0x4: {  	_ = 	snop  }
0x5: {  	_ = 	snop  }
0x6: {  	_ = 	snop  }
0x7: {  	_ = 	snop  }
__scs_overlays_trampoline_lowered:
0x8: {  	[smem:$0x3FAD] =	sst s0  }
0x9: {  	[smem:$0x3FAE] =	sst s1  }
0xa: {  	[smem:$0x3FAF] =	sst s2  }
0xb: {  	[smem:$0x3FB0] =	sst s3  }
0xc: {  	[smem:$0x3FB1] =	sst s4  }
0xd: {  	[smem:$0x3FB2] =	sst s5  }
0xe: {  	[smem:$0x3FB3] =	sst s6  }
0xf: {  	[smem:$0x3FB4] =	sst s7  }
0x10: {  	[smem:$0x3FB5] =	sst s8  }
0x11: {  	[smem:$0x3FB6] =	sst s9;
	s0 =	simm.s32 @!p0 $0x0  }
0x12: {  	s1 =	sld [smem:$0x3F9C];
	s0 =	simm.s32 @p0 $0x1  }
0x13: {  	[smem:$0x3FB7] =	sst s0;
	s0 =	simm.s32 @!p1 $0x0  }
0x14: {  	s2 =	sld [smem:$0x3F9B];
	s0 =	simm.s32 @p1 $0x1  }
0x15: {  	[smem:$0x3FB8] =	sst s0;
	s0 =	simm.s32 @!p2 $0x0  }
0x16: {  	s3 =	sld [smem:$0x3FDB];
	s0 =	simm.s32 @p2 $0x1  }
0x17: {  	s4 =	simm.s32 $0x1BF5;
	[smem:$0x3FBA] =	sst s0  }
0x18: {  	s0 =	sld [smem:$0x3F9D];
	_ =	swait.ge [sflag:s4], $0x0  }
0x19: {  	s7 =	sld [smem:$0x3F9E]  }
0x1a: {  	s8 =	sadd.s32 $0xFFFFE003, lr  }
0x1b: {  	s9 =	sadd.s32 $0xFFFFFEF7, lr;
	s5 =	simm.s32 $0xFFFFFFFF;
	p2 =	slt.u32 s8, $0xFFFFF086  }
0x1c: {  	p1 =	slt.u32 s9, $0xF7A;
	s5 =	simm.s32 @!p2 $0x0  }
0x1d: {  	s5 =	simm.s32 @p1 $0x1;
	p0 =	seq.s32 s7, s2  }
0x1e: {  	s7 =	smul.u32 @!p0 $0xF7A, s2;
	p2 =	seq.s32 @!p0 s5, $0x0  }
0x1f: {  	s9 =	smul.u32 $0xF7A, s1;
	s8 =	simm.s32 @!p0 $0x1BF5;
	p2 =	por !p2, p0  }
0x20: {  	[sflag:s8] =	ssyncset.s32 @!p0 $0xFFFFF086;
	s6 =	sadd.s32 @!p0 s3, s7;
	s7 =	simm.s32 @!p0 $0x108  }
0x21: {  	s3 =	sadd.s32 s3, s9;
	s6 =	sadd.s32 @!p0 $0x88, s6;
	s7 =	simm.s32 @p2 $0x1082  }
0x22: {  	[simem:s7], [sflag:s8] =	dma.local @!p0 [hbm:s6], $0xF7A  }
0x23: {  	s9 =	sor.u32 $0xD0000000, s2;
	s6 =	simm.s32 $0x108;
	_ =	swait.ge @!p0 [sflag:s8], $0x0  }
0x24: {  	s3 =	sadd.s32 $0x88, s3;
	s6 =	simm.s32 @!p1 $0x1082;
	[sflag:s4] =	ssyncset.s32 $0xFFFFF086  }
0x25: {  	[simem:s6], [sflag:s4] =	dma.local [hbm:s3], $0xF7A  }
0x26: {  	[smem:$0x3F9E] =	sst s1;
	(tag) =	ssettag s2;
	_ =	strace s9  }
0x27: {  	s1 =	sld [smem:$0x3FAE]  }
0x28: {  	s2 =	sld [smem:$0x3FAF]  }
0x29: {  	s4 =	sld [smem:$0x3FB1]  }
0x2a: {  	p0 =	seq.s32 s5, $0x0;
	s5 =	sld [smem:$0x3FB2]  }
0x2b: {  	s6 =	sld [smem:$0x3FB3]  }
0x2c: {  	s7 =	sld [smem:$0x3FB4]  }
0x2d: {  	s3 =	simm.s32 $0x108;
	s8 =	sld [smem:$0x3FB5]  }
0x2e: {  	s3 =	simm.s32 @!p0 $0x1082;
	s9 =	sld [smem:$0x3FB6]  }
0x2f: {  	lr =	sadd.s32 s0, s3;
	s0 =	sld [smem:$0x3FAD]  }
0x30: {  	s3 =	sld [smem:$0x3FB0]  }
0x31: {  	[smem:$0x3FB9] =	sst s10  }
0x32: {  	s10 =	sld [smem:$0x3FB7];
	_ =	sdelay $0x3  }
0x33: {  	p0 =	seq.s32 s10, $0x1;
	s10 =	sld [smem:$0x3FB9];
	_ =	sdelay $0x3  }
0x34: {  	[smem:$0x3FB9] =	sst s10  }
0x35: {  	s10 =	sld [smem:$0x3FB8];
	_ =	sdelay $0x3  }
0x36: {  	p1 =	seq.s32 s10, $0x1;
	s10 =	sld [smem:$0x3FB9];
	_ =	sdelay $0x3  }
0x37: {  	[smem:$0x3FB9] =	sst s10  }
0x38: {  	s10 =	sld [smem:$0x3FBA]  }
0x39: {  	_ = 	snop;
	(pc) =	sbr.ind lr, $3  }
0x3a: {  	_ = 	snop  }
0x3b: {  	_ = 	snop  }
0x3c: {  	p2 =	seq.s32 s10, $0x1;
	s10 =	sld [smem:$0x3FB9]  }
0x3d: {  	_ =	shalt  }
0x3e: {  	_ =	shalt  }
0x3f: {  	_ =	shalt  }
0x40: {  	_ =	shalt  }
0x41: {  	_ =	shalt  }
0x42: {  	_ =	shalt  }
0x43: {  	_ =	shalt  }
0x44: {  	_ =	shalt  }
0x45: {  	_ =	shalt  }
0x46: {  	_ =	shalt  }
0x47: {  	_ =	shalt  }
0x48: {  	_ =	shalt  }
0x49: {  	_ =	shalt  }
0x4a: {  	_ =	shalt  }
0x4b: {  	_ =	shalt  }
0x4c: {  	_ =	shalt  }
0x4d: {  	_ =	shalt  }
0x4e: {  	_ =	shalt  }
0x4f: {  	_ =	shalt  }
0x50: {  	_ =	shalt  }
0x51: {  	_ =	shalt  }
0x52: {  	_ =	shalt  }
0x53: {  	_ =	shalt  }
0x54: {  	_ =	shalt  }
0x55: {  	_ =	shalt  }
0x56: {  	_ =	shalt  }
0x57: {  	_ =	shalt  }
0x58: {  	_ =	shalt  }
0x59: {  	_ =	shalt  }
0x5a: {  	_ =	shalt  }
0x5b: {  	_ =	shalt  }
0x5c: {  	_ =	shalt  }
0x5d: {  	_ =	shalt  }
0x5e: {  	_ =	shalt  }
0x5f: {  	_ =	shalt  }
0x60: {  	_ =	shalt  }
0x61: {  	_ =	shalt  }
0x62: {  	_ =	shalt  }
0x63: {  	_ =	shalt  }
0x64: {  	_ =	shalt  }
0x65: {  	_ =	shalt  }
0x66: {  	_ =	shalt  }
0x67: {  	_ =	shalt  }
0x68: {  	_ =	shalt  }
0x69: {  	_ =	shalt  }
0x6a: {  	_ =	shalt  }
0x6b: {  	_ =	shalt  }
0x6c: {  	_ =	shalt  }
0x6d: {  	_ =	shalt  }
0x6e: {  	_ =	shalt  }
0x6f: {  	_ =	shalt  }
0x70: {  	_ =	shalt  }
0x71: {  	_ =	shalt  }
0x72: {  	_ =	shalt  }
0x73: {  	_ =	shalt  }
0x74: {  	_ =	shalt  }
0x75: {  	_ =	shalt  }
0x76: {  	_ =	shalt  }
0x77: {  	_ =	shalt  }
0x78: {  	_ =	shalt  }
0x79: {  	_ =	shalt  }
0x7a: {  	_ =	shalt  }
0x7b: {  	_ =	shalt  }
0x7c: {  	_ =	shalt  }
0x7d: {  	_ =	shalt  }
0x7e: {  	_ =	shalt  }
0x7f: {  	_ =	shalt  }
0x80: {  	_ =	shalt  }
0x81: {  	_ =	shalt  }
0x82: {  	_ =	shalt  }
0x83: {  	_ =	shalt  }
0x84: {  	_ =	shalt  }
0x85: {  	_ =	shalt  }
0x86: {  	_ =	shalt  }
0x87: {  	_ =	shalt  }
.Lfunc_end0:
.L_simem_size_0:
called_computation_lowered:
.L_overlay_start_0:
0x88: {  	s2 =	sld [smem:$0x3FD9]  }
0x89: {  	s3 =	sld [smem:$0x3FFE];
	_ =	sdelay $0x1  }
0x8a: {  	s1 =	srdreg.scid  }
0x8b: {  	s0 =	sand.u32 $0x1, s1  }
0x8c: {  	s16 =	sshll.u32 s0, $0xA;
	s2 =	sadd.s32 s3, s2  }
0x8d: {  	s2 =	sadd.s32 s2, s16  }
0x8e: {  	[smem:$0x3FC5] =	sst s2  }
0x8f: {  	_ = 	snop  }
0x90: {  	(tm) =	ssettm $0x1  }
0x91: {  	s17 =	sld [smem:$0x3FFB];
	_ =	sdelay $0x3  }
0x92: {  	_ =	strace s17  }
0x93: {  	s2 =	sld [smem:$0x3FFC];
	_ =	sdelay $0x3  }
0x94: {  	_ =	strace s2  }
0x95: {  	s2 =	sld [smem:$0x3FFD];
	_ =	sdelay $0x3  }
0x96: {  	_ =	strace s2  }
0x97: {  	_ =	strace $0x8FFFFFFF  }
0x98: {  	s18 =	sld [smem:$0x3FDB];
	_ =	sdelay $0x1  }
0x99: {  	s19 =	simm.s32 $_scs_section_size  }
0x9a: {  	s4 =	simm.s32 $_size__tile_overlayer_lowered;
	s5 =	simm.s32 $_tile_overlayer_lowered  }
0x9b: {  	s22 =	simm.s32 $0x1BFF;
	s21 =	sshll.u32 s5, $0x1;
	s2 =	sadd.s32 s19, s18  }
0x9c: {  	s6 =	simm.s32 $0x0;
	s20 =	sshll.u32 s4, $0x1;
	s4 =	sadd.s32 s21, s2  }
0x9d: {  	[timem:s6], [sflag:s22] =	dma.local [hbm:s4], s20  }
0x9e: {  	_ =	swait.ge [sflag:s22], s20  }
0x9f: {  	s3 =	ssub.s32 $0x0, s20;
	[sflag:s22] =	ssyncset.done $0x0  }
0xa0: {  	[sflag:s22] =	ssyncadd.s32 s3;
	_ =	sdelay $0x1  }
0xa1: {  	s23 =	simm.s32 $0x1B8B  }
0xa2: {  	_ =	swait.ge [sflag:s23], $0x1  }
0xa3: {  	[sflag:s23] =	ssyncset.done $0x0  }
0xa4: {  	s25 =	simm.s32 $0x1B8E;
	s24 =	sld [smem:$0x3FFE];
	[sflag:s23] =	ssyncadd.s32 $0xFFFFFFFF  }
0xa5: {  	s26 =	simm.s32 $execute0_lowered;
	[smem:$0x3FD2] =	sst s25  }
0xa6: {  	s4 =	sshll.u32 s26, $0x1;
	_ =	strace $0x80000046;
	[dreg:$0x1] =	wrdreg $0xFFFFFFFF  }
0xa7: {  	s28 =	simm.s32 $_size_execute0_lowered;
	s2 =	sadd.s32 s2, s4;
	[dreg:$0x0] =	wrdreg $0x0  }
0xa8: {  	s4 =	sshll.u32 s28, $0x1;
	[dreg:$0x2] =	wrdreg s2  }
0xa9: {  	[dreg:$0x3] =	wrdreg s4  }
0xaa: {  	[dreg:$0x4] =	wrdreg $0xC0  }
0xab: {  	_ =	task [dreg:s6], $0x5FFFF  }
0xac: {  	[dreg:$0x1] =	wrdreg $0xFFFFFFFF  }
0xad: {  	[dreg:$0x0] =	wrdreg $0x60  }
0xae: {  	[dreg:$0x2] =	wrdreg s24  }
0xaf: {  	[dreg:$0x3] =	wrdreg $0x9  }
0xb0: {  	_ =	task.clear_ibuf [dreg:s6], $0x4FFFF;
	_ =	strace $0x90000046  }
0xb1: {  	s29 =	simm.s32 $0x9;
	_ =	strace $0x80000048  }
0xb2: {  	_ =	swait.ge [sflag:s29], $0x1  }
0xb3: {  	[sflag:s29] =	ssyncadd.s32 $0xFFFFFFFF  }
0xb4: {  	_ =	strace $0x90000048  }
0xb5: {  	_ =	sfence  }
0xb6: {  	s30 =	sld [smem:$0x0];
	_ =	sdelay $0x2  }
0xb7: {  	s31 =	sshll.u32 s1, $0xD;
	s1 =	sshrl.u32 s1, $0x2  }
0xb8: {  	s3 =	sand.u32 $0x4000, s31;
	s1 =	sadd.s32 s1, s30  }
0xb9: {  	s0 =	sor.u32 s3, s0;
	s1 =	sshll.u32 s1, $0x11  }
0xba: {  	s0 =	sor.u32 s1, s0  }
0xbb: {  	s0 =	sadd.s32 $0x8F2B, s0  }
0xbc: {  	[sflag:s0] =	ssyncadd.remote.s32 $0x1  }
0xbd: {  	_ =	sfence.sel $0xFFFF  }
0xbe: {  	[dreg:$0x0] =	wrdreg $0xFFFFFFFF;
	(pc) =	sbr.abs _section_cstart, $3  }
0xbf: {  	[dreg:$0x1] =	wrdreg $0xFFFFFFFF  }
0xc0: {  	_ =	task.clear_ibuf [dreg:s6], $0x2FFFF;
	_ =	strace $0x9FFFFFFF  }
0xc1: {  	(tm) =	ssettm $0x7FFFFFFF  }
tec
execute0_lowered:
.L_overlay_start_1:
0x0: {  	(tag) =	ssettag $0x1  }
0x1: {  	s3 =	rddreg [dreg:$0x0];
	s2 =	simm.s32 $0x0  }
0x2: {  	[smem:$0x7FF] =	sst s2;
	s5 =	sadd.s32 $0x9600, s3  }
0x3: {  	s16 =	sadd.s32 $0x5A00, s3;
	_ =	strace $0x80000047;
	[dreg:$0x2] =	wrdreg s5  }
0x4: {  	s17 =	sadd.s32 $0x1E00, s3;
	[dreg:$0x3] =	wrdreg s16  }
0x5: {  	s18 =	sadd.s32 $0xD200, s3;
	[dreg:$0x4] =	wrdreg s17  }
0x6: {  	s20 =	sadd.s32 $0x9900, s3;
	[dreg:$0x5] =	wrdreg s18  }
0x7: {  	s21 =	sadd.s32 $0x5D00, s3;
	[dreg:$0x6] =	wrdreg s20  }
0x8: {  	s22 =	sadd.s32 $0x2100, s3;
	[dreg:$0x7] =	wrdreg s21  }
0x9: {  	s23 =	sadd.s32 $0x9C00, s3;
	[dreg:$0x8] =	wrdreg s22  }
0xa: {  	s24 =	sadd.s32 $0x6000, s3;
	[dreg:$0x9] =	wrdreg s23  }
0xb: {  	s25 =	sadd.s32 $0x2400, s3;
	[dreg:$0xa] =	wrdreg s24  }
0xc: {  	s26 =	sadd.s32 $0x9F00, s3;
	[dreg:$0xb] =	wrdreg s25  }
0xd: {  	s10 =	sadd.s32 $0x6600, s3;
	[dreg:$0xc] =	wrdreg s26  }
0xe: {  	s11 =	sadd.s32 $0x2A00, s3;
	[dreg:$0x10] =	wrdreg s10  }
0xf: {  	s12 =	sadd.s32 $0xA500, s3;
	[dreg:$0x11] =	wrdreg s11  }
0x10: {  	s14 =	sadd.s32 $0x6900, s3;
	[dreg:$0x12] =	wrdreg s12  }
0x11: {  	s15 =	sadd.s32 $0x2D00, s3;
	[dreg:$0x13] =	wrdreg s14  }
0x12: {  	[dreg:$0x14] =	wrdreg s15;
	s16 =	sadd.s32 $0xA800, s3  }
0x13: {  	s17 =	sadd.s32 $0x6C00, s3;
	[dreg:$0x15] =	wrdreg s16  }
0x14: {  	s0 =	srdreg.scid;
	s18 =	sadd.s32 $0x3000, s3;
	[dreg:$0x16] =	wrdreg s17  }
0x15: {  	s9 =	stileid.u32;
	s20 =	sadd.s32 $0x6F00, s3;
	[dreg:$0x17] =	wrdreg s18  }
0x16: {  	s0 =	sand.u32 $0x1, s0;
	s21 =	sadd.s32 $0x3300, s3;
	[dreg:$0x19] =	wrdreg s20  }
0x17: {  	s1 =	sshll.u32 s9, $0x1;
	s22 =	sadd.s32 $0xAE00, s3;
	[dreg:$0x1a] =	wrdreg s21  }
0x18: {  	s28 =	sadd.s32 $0x5100, s3;
	s23 =	sadd.s32 $0x7200, s3;
	[dreg:$0x1b] =	wrdreg s22  }
0x19: {  	s29 =	sadd.s32 $0xCC00, s3;
	s24 =	sadd.s32 $0x3600, s3;
	[dreg:$0x1c] =	wrdreg s23  }
0x1a: {  	s30 =	sadd.s32 $0x9000, s3;
	s25 =	sadd.s32 $0xB100, s3;
	[dreg:$0x1d] =	wrdreg s24  }
0x1b: {  	s31 =	sadd.s32 $0x5400, s3;
	s26 =	sadd.s32 $0x7500, s3;
	[dreg:$0x1e] =	wrdreg s25  }
0x1c: {  	s1 =	sor.u32 s0, s1;
	s10 =	sadd.s32 $0x3C00, s3;
	[dreg:$0x1f] =	wrdreg s26  }
0x1d: {  	s0 =	ssub.s32 $0x2, s0;
	s11 =	sadd.s32 $0xB700, s3;
	[smem:$0x7EE] =	sst s10  }
0x1e: {  	s12 =	sadd.s32 $0x7B00, s3;
	s14 =	sadd.s32 $0x3F00, s3;
	[smem:$0x7EF] =	sst s11  }
0x1f: {  	s15 =	sadd.s32 $0xBA00, s3;
	s4 =	smul.u32 $0x110, s1;
	[smem:$0x7F0] =	sst s12  }
0x20: {  	s19 =	sshll.u32 s1, $0x1;
	s6 =	sshrl.u32 s0, $0x1;
	[smem:$0x7F1] =	sst s14  }
0x21: {  	s1 =	sshll.u32 s1, $0x6;
	[smem:$0x7F2] =	sst s15;
	s16 =	sadd.s32 $0x7E00, s3  }
0x22: {  	s17 =	sadd.s32 $0x4200, s3;
	s18 =	sadd.s32 $0xBD00, s3;
	s20 =	sadd.s32 $0x4500, s3  }
0x23: {  	s21 =	sadd.s32 $0xC000, s3;
	s22 =	sadd.s32 $0x8400, s3;
	[smem:$0x7F3] =	sst s16  }
0x24: {  	s23 =	sadd.s32 $0x4800, s3;
	s24 =	sadd.s32 $0xC300, s3;
	[smem:$0x7F4] =	sst s17  }
0x25: {  	s25 =	sadd.s32 $0x8700, s3;
	s26 =	sadd.s32 $0x4B00, s3;
	[smem:$0x7F5] =	sst s18  }
0x26: {  	s14 =	sshrl.u32 s9, $0x2;
	s9 =	simm.s32 $0x2;
	[smem:$0x7F7] =	sst s20  }
0x27: {  	s10 =	simm.s32 $0x4800;
	s11 =	simm.s32 $0x7800;
	[smem:$0x7F8] =	sst s21  }
0x28: {  	s12 =	simm.s32 $0x1;
	s15 =	simm.s32 $0x6000;
	[smem:$0x7F9] =	sst s22  }
0x29: {  	s7 =	sadd.s32 s19, s3;
	s8 =	ssub.s32 s0, s6;
	[smem:$0x7FA] =	sst s23  }
0x2a: {  	s13 =	sand.u32 $0x1C0, s1;
	s1 =	sadd.s32 $0x6300, s3;
	[smem:$0x7FB] =	sst s24  }
0x2b: {  	s6 =	sadd.s32 $0xA200, s3;
	s19 =	sadd.s32 $0xAB00, s3;
	[smem:$0x7FC] =	sst s25  }
0x2c: {  	[smem:$0x7FD] =	sst s26;
	s22 =	sadd.s32 $0xC600, s3;
	s23 =	sadd.s32 $0x8A00, s3  }
0x2d: {  	s24 =	sadd.s32 $0x4E00, s3;
	s25 =	sadd.s32 $0xC900, s3;
	[dreg:$0xd] =	wrdreg s1  }
0x2e: {  	s26 =	sadd.s32 $0x8D00, s3;
	s0 =	sadd.s32 $0xCF00, s3;
	[dreg:$0xf] =	wrdreg s6  }
0x2f: {  	s5 =	sadd.s32 s4, s3;
	s4 =	sadd.s32 $0x2700, s3;
	[dreg:$0x18] =	wrdreg s19  }
0x30: {  	s20 =	simm.s32 $0x9000;
	s1 =	sadd.s32 $0x3900, s3;
	[dreg:$0xe] =	wrdreg s4  }
0x31: {  	v0 =	vmov s14;
	s14 =	simm.s32 $0x3000;
	s6 =	sadd.s32 $0x7800, s3;
	[smem:$0x7EB] =	sst s1  }
0x32: {  	s19 =	sadd.s32 $0x8100, s3;
	s16 =	sadd.s32 $0x40, s13;
	[smem:$0x7ED] =	sst s6  }
0x33: {  	v1 =	vmov s13;
	s13 =	simm.s32 $0x9010;
	s4 =	sadd.s32 $0xB400, s3;
	[smem:$0x7F6] =	sst s19  }
0x34: {  	s1 =	sadd.s32 $0x9300, s3;
	s3 =	sadd.s32 $0x5700, s3;
	s6 =	sadd.s32 $0x11800, s7  }
0x35: {  	v2 =	vlaneseq.u32;
	s7 =	smax.u32 s8, $0x1;
	s8 =	simm.s32 $0x1800;
	v3 =	vmov s16;
	s16 =	simm.s32 $0x0  }
0x36: {  	v4 =	vimm.s32 $0x0;
	v5 =	vadd.s32 $0x1, v2;
	[smem:$0x7EC] =	sst s4;
	s4 =	sadd.s32 $0xD400, s5;
	s5 =	sadd.s32 $0xF600, s5  }
.LBB2_1:
0x37: {  	s17 =	simm.s32 $0x0  }
.LBB2_2:
0x38: {  	p0 =	sne.s32 s17, $0x1FFC0  }
.Ltmp0:
0x39: {  	_ = 	snop;
	(pc) =	sbr.rel @p0 .LBB2_2-.Ltmp0, $3  }
0x3a: {  	_ =	sdelay $0x1  }
0x3b: {  	s18 =	sshra.s32 s17, $0x2  }
0x3c: {  	s17 =	sadd.s32 $0x40, s17;
	[tilespmem:s18+$0x9010] =	vst v4  }
0x3d: {  	s17 =	simm.s32 $0x40;
	s18 =	simm.s32 $0x0  }
.LBB2_4:
0x3e: {  	p0 =	sne.s32 s17, $0x21C0;
	[tilespmem:s18+$0x11010] =	vst v4;
	s19 =	smov.u32 s17;
	s17 =	sadd.s32 $0x40, s17  }
.Ltmp1:
0x3f: {  	[tilespmem:s18+$0x11890] =	vst v4;
	(pc) =	sbr.rel @p0 .LBB2_4-.Ltmp1, $2  }
0x40: {  	_ =	sdelay $0x2  }
0x41: {  	s18 =	sshra.s32 s19, $0x2  }
0x42: {  	[tilespmem:s18+$0x11010] =	vst v4  }
0x43: {  	[tilespmem:s18+$0x11890] =	vst v4;
	s18 =	simm.s32 $0x0;
	s17 =	rddreg [dreg:$0x5]  }
0x44: {  	[tilespmem:s20], [sflag:$0x2] =	stream.linear.gather [hbm4b:s17+s18], $0x10, $0x38;
	[tilespmem:$0x12110] =	vst v63  }
0x45: {  	_ =	swait.ge [sflag:s9], $0x10  }
0x46: {  	[sflag:s9] =	ssyncset.done $0x0  }
0x47: {  	s20 =	rddreg [dreg:$0x2];
	[sflag:s9] =	ssyncadd.s32 $0xFFFFFFF0  }
0x48: {  	v6 =	vld [tilespmem:$0x9000];
	[tilespmem:s18], [sflag:$0x1] =	stream.linear.gather [hbm4b:s20+s18], $0x1800, $0x38  }
0x49: {  	s17 =	simm.s32 $0x3000;
	s19 =	rddreg [dreg:$0x3]  }
0x4a: {  	[tilespmem:s17], [sflag:$0x1] =	stream.linear.gather [hbm4b:s19+s18], $0x1800, $0x38;
	[tilespmem:$0x12110] =	vst v63  }
0x4b: {  	s21 =	rddreg [dreg:$0x4];
	s19 =	simm.s32 $0x6000  }
0x4c: {  	[tilespmem:s19], [sflag:$0x1] =	stream.linear.gather [hbm4b:s21+s18], $0x1800, $0x38;
	[tilespmem:$0x12110] =	vst v63  }
0x4d: {  	s21 =	rddreg [dreg:$0x6]  }
0x4e: {  	[tilespmem:s8], [sflag:$0x1] =	stream.linear.gather [hbm4b:s21+s18], $0x1800, $0x38;
	[tilespmem:$0x12110] =	vst v63  }
0x4f: {  	s21 =	rddreg [dreg:$0x7]  }
0x50: {  	[tilespmem:s10], [sflag:$0x1] =	stream.linear.gather [hbm4b:s21+s18], $0x1800, $0x38;
	[tilespmem:$0x12110] =	vst v63  }
0x51: {  	s21 =	rddreg [dreg:$0x8]  }
0x52: {  	[tilespmem:s11], [sflag:$0x1] =	stream.linear.gather [hbm4b:s21+s18], $0x1800, $0x38;
	[tilespmem:$0x12110] =	vst v63  }
0x53: {  	_ =	swait.ge [sflag:s12], $0x1800  }
0x54: {  	[sflag:s12] =	ssyncset.done $0x0  }
0x55: {  	[sflag:s12] =	ssyncadd.s32 $0xFFFFE800  }
0x56: {  	_ =	swait.ge [sflag:s12], $0x1800  }
0x57: {  	[sflag:s12] =	ssyncset.done $0x0  }
0x58: {  	[sflag:s12] =	ssyncadd.s32 $0xFFFFE800  }
0x59: {  	_ =	swait.ge [sflag:s12], $0x1800  }
0x5a: {  	[sflag:s12] =	ssyncset.done $0x0  }
0x5b: {  	[sflag:s12] =	ssyncadd.s32 $0xFFFFE800  }
0x5c: {  	v7 =	vld [tilespmem:s18+$0x0]  }
0x5d: {  	v8 =	vld [tilespmem:s19+$0x0];
	_ =	sdelay $0x1  }
0x5e: {  	v9 =	vld [tilespmem:s17+$0x0];
	_ =	sdelay $0x1  }
0x5f: {  	vm0 =	veq.s32 v7, v0;
	vm1 =	vlt.s32 v7, v6  }
0x60: {  	vm14 =	vge.s32 v8, v1;
	v7 =	vsub.s32 v8, v1;
	vm0 =	vmand vm0, vm1  }
0x61: {  	vm15 =	vlt.s32 v8, v3;
	v7 =	vshll.u32 v7, $0x9;
	vm0 =	vmand vm0, vm14  }
0x62: {  	v7 =	vadd.s32 v9, v7;
	vm0 =	vmand vm15, vm0  }
0x63: {  	v7 =	vnsel vm0, $0x0, v7;
	_ =	sdelay $0x3  }
0x64: {  	v8 =	vadd.s32 s18, v5  }
0x65: {  	s18 =	simm.s32 $0x10;
	[tilespmem:v7+s13+$0x0] =	vst.idx.msk vm0, v8  }
0x66: {  	s20 =	simm.s32 $0x20;
	s21 =	simm.s32 $0x10;
	s19 =	simm.s32 $0x6010;
	v7 =	vld [tilespmem:s18+$0x0]  }
.LBB2_6:
0x67: {  	p0 =	sne.s32 s20, $0x17F0;
	v8 =	vld [tilespmem:s19+$0x0]  }
0x68: {  	s17 =	sadd.s32 $0x10, s17  }
0x69: {  	v9 =	vld [tilespmem:s17+$0x0];
	_ =	sdelay $0x1  }
0x6a: {  	vm0 =	veq.s32 v7, v0;
	vm1 =	vlt.s32 v7, v6  }
0x6b: {  	vm0 =	vmand vm0, vm1;
	vm1 =	vge.s32 v8, v1;
	v7 =	vsub.s32 v8, v1  }
0x6c: {  	vm0 =	vmand vm0, vm1;
	vm1 =	vlt.s32 v8, v3;
	v7 =	vshll.u32 v7, $0x9  }
0x6d: {  	vm0 =	vmand vm1, vm0;
	v7 =	vadd.s32 v9, v7  }
0x6e: {  	v7 =	vnsel vm0, $0x0, v7;
	_ =	sdelay $0x1  }
.Ltmp2:
0x6f: {  	(pc) =	sbr.rel @p0 .LBB2_6-.Ltmp2, $4  }
0x70: {  	_ = 	snop  }
0x71: {  	v8 =	vadd.s32 s18, v5;
	s18 =	smov.u32 s20  }
0x72: {  	s21 =	sadd.s32 $0x10, s21;
	[tilespmem:v7+s13+$0x0] =	vst.idx.msk vm0, v8  }
0x73: {  	s19 =	sadd.s32 $0x10, s19;
	s20 =	sadd.s32 $0x10, s20;
	v7 =	vld [tilespmem:s21+$0x0]  }
0x74: {  	v8 =	vld [tilespmem:s19+$0x0]  }
0x75: {  	s17 =	sadd.s32 $0x10, s17  }
0x76: {  	v9 =	vld [tilespmem:s17+$0x0];
	_ =	sdelay $0x1  }
0x77: {  	vm0 =	veq.s32 v7, v0;
	vm1 =	vlt.s32 v7, v6  }
0x78: {  	vm0 =	vmand vm0, vm1;
	vm10 =	vge.s32 v8, v1;
	v7 =	vsub.s32 v8, v1  }
0x79: {  	vm11 =	vlt.s32 v8, v3;
	vm0 =	vmand vm0, vm10;
	v7 =	vshll.u32 v7, $0x9  }
0x7a: {  	vm0 =	vmand vm11, vm0;
	v7 =	vadd.s32 v9, v7  }
0x7b: {  	v7 =	vnsel vm0, $0x0, v7;
	_ =	sdelay $0x3  }
0x7c: {  	v8 =	vadd.s32 s18, v5  }
0x7d: {  	s21 =	rddreg [dreg:$0x9];
	[tilespmem:v7+s13+$0x0] =	vst.idx.msk vm0, v8  }
0x7e: {  	[tilespmem:s2], [sflag:$0x1] =	stream.linear.gather [hbm4b:s21+s2], $0x1800, $0x38;
	[tilespmem:$0x12110] =	vst v63  }
0x7f: {  	s18 =	rddreg [dreg:$0xa]  }
0x80: {  	[tilespmem:s14], [sflag:$0x1] =	stream.linear.gather [hbm4b:s18+s2], $0x1800, $0x38;
	[tilespmem:$0x12110] =	vst v63  }
0x81: {  	s19 =	rddreg [dreg:$0xb]  }
0x82: {  	[tilespmem:s15], [sflag:$0x1] =	stream.linear.gather [hbm4b:s19+s2], $0x1800, $0x38;
	[tilespmem:$0x12110] =	vst v63  }
0x83: {  	_ =	swait.ge [sflag:s12], $0x1800  }
0x84: {  	[sflag:s12] =	ssyncset.done $0x0  }
0x85: {  	[sflag:s12] =	ssyncadd.s32 $0xFFFFE800  }
0x86: {  	_ =	swait.ge [sflag:s12], $0x1800  }
0x87: {  	[sflag:s12] =	ssyncset.done $0x0  }
0x88: {  	[sflag:s12] =	ssyncadd.s32 $0xFFFFE800  }
0x89: {  	_ =	swait.ge [sflag:s12], $0x1800  }
0x8a: {  	[sflag:s12] =	ssyncset.done $0x0  }
0x8b: {  	s20 =	simm.s32 $0x1800;
	[sflag:s12] =	ssyncadd.s32 $0xFFFFE800  }
0x8c: {  	s21 =	simm.s32 $0x7800;
	v7 =	vld [tilespmem:s20+$0x0]  }
0x8d: {  	v8 =	vld [tilespmem:s21+$0x0]  }
0x8e: {  	s17 =	simm.s32 $0x4800  }
0x8f: {  	v63 =	vld [tilespmem:s17+$0x0];
	_ =	sdelay $0x1  }
0x90: {  	vm12 =	veq.s32 v7, v0;
	vm13 =	vlt.s32 v7, v6  }
0x91: {  	vm14 =	vge.s32 v8, v1;
	v7 =	vsub.s32 v8, v1;
	vm0 =	vmand vm12, vm13  }
0x92: {  	vm15 =	vlt.s32 v8, v3;
	v7 =	vshll.u32 v7, $0x9;
	vm0 =	vmand vm0, vm14  }
0x93: {  	v7 =	vadd.s32 v63, v7;
	vm0 =	vmand vm15, vm0  }
0x94: {  	v7 =	vnsel vm0, $0x0, v7;
	_ =	sdelay $0x3  }
0x95: {  	v8 =	vadd.s32 s20, v5  }
0x96: {  	s18 =	simm.s32 $0x1810;
	[tilespmem:v7+s13+$0x0] =	vst.idx.msk vm0, v8  }
0x97: {  	s19 =	simm.s32 $0x7810;
	s21 =	simm.s32 $0x1810;
	s20 =	simm.s32 $0x1820;
	v7 =	vld [tilespmem:s18+$0x0]  }
.LBB2_8:
0x98: {  	p0 =	sne.s32 s20, $0x2FF0;
	v8 =	vld [tilespmem:s19+$0x0]  }
0x99: {  	s17 =	sadd.s32 $0x10, s17  }
0x9a: {  	v9 =	vld [tilespmem:s17+$0x0];
	_ =	sdelay $0x1  }
0x9b: {  	vm0 =	veq.s32 v7, v0;
	vm1 =	vlt.s32 v7, v6  }
0x9c: {  	vm0 =	vmand vm0, vm1;
	vm1 =	vge.s32 v8, v1;
	v7 =	vsub.s32 v8, v1  }
0x9d: {  	vm0 =	vmand vm0, vm1;
	vm1 =	vlt.s32 v8, v3;
	v7 =	vshll.u32 v7, $0x9  }
0x9e: {  	vm0 =	vmand vm1, vm0;
	v7 =	vadd.s32 v9, v7  }
0x9f: {  	v7 =	vnsel vm0, $0x0, v7;
	_ =	sdelay $0x1  }
.Ltmp3:
0xa0: {  	(pc) =	sbr.rel @p0 .LBB2_8-.Ltmp3, $4  }
0xa1: {  	_ = 	snop  }
0xa2: {  	v8 =	vadd.s32 s18, v5;
	s18 =	smov.u32 s20  }
0xa3: {  	s21 =	sadd.s32 $0x10, s21;
	[tilespmem:v7+s13+$0x0] =	vst.idx.msk vm0, v8  }
0xa4: {  	s19 =	sadd.s32 $0x10, s19;
	s20 =	sadd.s32 $0x10, s20;
	v7 =	vld [tilespmem:s21+$0x0]  }
0xa5: {  	v8 =	vld [tilespmem:s19+$0x0]  }
0xa6: {  	s17 =	sadd.s32 $0x10, s17  }
0xa7: {  	v9 =	vld [tilespmem:s17+$0x0];
	_ =	sdelay $0x1  }
0xa8: {  	vm0 =	veq.s32 v7, v0;
	vm1 =	vlt.s32 v7, v6  }
0xa9: {  	vm0 =	vmand vm0, vm1;
	vm10 =	vge.s32 v8, v1;
	v7 =	vsub.s32 v8, v1  }
0xaa: {  	vm11 =	vlt.s32 v8, v3;
	vm0 =	vmand vm0, vm10;
	v7 =	vshll.u32 v7, $0x9  }
0xab: {  	vm0 =	vmand vm11, vm0;
	v7 =	vadd.s32 v9, v7  }
0xac: {  	v7 =	vnsel vm0, $0x0, v7;
	_ =	sdelay $0x3  }
0xad: {  	v8 =	vadd.s32 s18, v5  }
0xae: {  	s21 =	rddreg [dreg:$0xc];
	s17 =	simm.s32 $0x0;
	[tilespmem:v7+s13+$0x0] =	vst.idx.msk vm0, v8  }
0xaf: {  	[tilespmem:s8], [sflag:$0x1] =	stream.linear.gather [hbm4b:s21+s17], $0x1800, $0x38;
	[tilespmem:$0x12110] =	vst v63  }
0xb0: {  	s19 =	rddreg [dreg:$0xd]  }
0xb1: {  	[tilespmem:s10], [sflag:$0x1] =	stream.linear.gather [hbm4b:s19+s17], $0x1800, $0x38;
	[tilespmem:$0x12110] =	vst v63  }
0xb2: {  	s20 =	rddreg [dreg:$0xe]  }
0xb3: {  	[tilespmem:s11], [sflag:$0x1] =	stream.linear.gather [hbm4b:s20+s17], $0x1800, $0x38;
	[tilespmem:$0x12110] =	vst v63  }
0xb4: {  	_ =	swait.ge [sflag:s12], $0x1800  }
0xb5: {  	[sflag:s12] =	ssyncset.done $0x0  }
0xb6: {  	[sflag:s12] =	ssyncadd.s32 $0xFFFFE800  }
0xb7: {  	_ =	swait.ge [sflag:s12], $0x1800  }
0xb8: {  	[sflag:s12] =	ssyncset.done $0x0  }
0xb9: {  	[sflag:s12] =	ssyncadd.s32 $0xFFFFE800  }
0xba: {  	_ =	swait.ge [sflag:s12], $0x1800  }
0xbb: {  	[sflag:s12] =	ssyncset.done $0x0  }
0xbc: {  	[sflag:s12] =	ssyncadd.s32 $0xFFFFE800  }
0xbd: {  	s21 =	simm.s32 $0x6000;
	v7 =	vld [tilespmem:s17+$0x0]  }
0xbe: {  	v8 =	vld [tilespmem:s21+$0x0]  }
0xbf: {  	s17 =	simm.s32 $0x3000  }
0xc0: {  	v63 =	vld [tilespmem:s17+$0x0];
	_ =	sdelay $0x1  }
0xc1: {  	vm12 =	veq.s32 v7, v0;
	vm13 =	vlt.s32 v7, v6  }
0xc2: {  	vm14 =	vge.s32 v8, v1;
	v7 =	vsub.s32 v8, v1;
	vm0 =	vmand vm12, vm13  }
0xc3: {  	vm15 =	vlt.s32 v8, v3;
	v7 =	vshll.u32 v7, $0x9;
	vm0 =	vmand vm0, vm14  }
0xc4: {  	v7 =	vadd.s32 v63, v7;
	vm0 =	vmand vm15, vm0  }
0xc5: {  	v7 =	vnsel vm0, $0x0, v7;
	_ =	sdelay $0x3  }
0xc6: {  	v8 =	vadd.s32 s17, v5  }
0xc7: {  	s19 =	simm.s32 $0x10;
	[tilespmem:v7+s13+$0x0] =	vst.idx.msk vm0, v8  }
0xc8: {  	s18 =	simm.s32 $0x3010;
	s20 =	simm.s32 $0x6010;
	s21 =	simm.s32 $0x3020;
	v7 =	vld [tilespmem:s19+$0x0]  }
.LBB2_10:
0xc9: {  	p0 =	sne.s32 s21, $0x47F0;
	v8 =	vld [tilespmem:s20+$0x0]  }
0xca: {  	s17 =	sadd.s32 $0x10, s17  }
0xcb: {  	v9 =	vld [tilespmem:s17+$0x0];
	_ =	sdelay $0x1  }
0xcc: {  	vm0 =	veq.s32 v7, v0;
	vm1 =	vlt.s32 v7, v6  }
0xcd: {  	vm0 =	vmand vm0, vm1;
	vm1 =	vge.s32 v8, v1;
	v7 =	vsub.s32 v8, v1  }
0xce: {  	vm0 =	vmand vm0, vm1;
	vm1 =	vlt.s32 v8, v3;
	v7 =	vshll.u32 v7, $0x9  }
0xcf: {  	vm0 =	vmand vm1, vm0;
	v7 =	vadd.s32 v9, v7  }
0xd0: {  	v7 =	vnsel vm0, $0x0, v7;
	_ =	sdelay $0x1  }
.Ltmp4:
0xd1: {  	(pc) =	sbr.rel @p0 .LBB2_10-.Ltmp4, $4  }
0xd2: {  	_ = 	snop  }
0xd3: {  	v8 =	vadd.s32 s18, v5;
	s18 =	smov.u32 s21  }
0xd4: {  	s19 =	sadd.s32 $0x10, s19;
	[tilespmem:v7+s13+$0x0] =	vst.idx.msk vm0, v8  }
0xd5: {  	s20 =	sadd.s32 $0x10, s20;
	s21 =	sadd.s32 $0x10, s21;
	v7 =	vld [tilespmem:s19+$0x0]  }
0xd6: {  	v8 =	vld [tilespmem:s20+$0x0]  }
0xd7: {  	s17 =	sadd.s32 $0x10, s17  }
0xd8: {  	v9 =	vld [tilespmem:s17+$0x0];
	_ =	sdelay $0x1  }
0xd9: {  	vm0 =	veq.s32 v7, v0;
	vm1 =	vlt.s32 v7, v6  }
0xda: {  	vm0 =	vmand vm0, vm1;
	vm10 =	vge.s32 v8, v1;
	v7 =	vsub.s32 v8, v1  }
0xdb: {  	vm11 =	vlt.s32 v8, v3;
	vm0 =	vmand vm0, vm10;
	v7 =	vshll.u32 v7, $0x9  }
0xdc: {  	vm0 =	vmand vm11, vm0;
	v7 =	vadd.s32 v9, v7  }
0xdd: {  	v7 =	vnsel vm0, $0x0, v7;
	_ =	sdelay $0x3  }
0xde: {  	v8 =	vadd.s32 s18, v5  }
0xdf: {  	s21 =	rddreg [dreg:$0xf];
	[tilespmem:v7+s13+$0x0] =	vst.idx.msk vm0, v8  }
0xe0: {  	[tilespmem:s2], [sflag:$0x1] =	stream.linear.gather [hbm4b:s21+s2], $0x1800, $0x38;
	[tilespmem:$0x12110] =	vst v63  }
0xe1: {  	s18 =	rddreg [dreg:$0x10]  }
0xe2: {  	[tilespmem:s14], [sflag:$0x1] =	stream.linear.gather [hbm4b:s18+s2], $0x1800, $0x38;
	[tilespmem:$0x12110] =	vst v63  }
0xe3: {  	s19 =	rddreg [dreg:$0x11]  }
0xe4: {  	[tilespmem:s15], [sflag:$0x1] =	stream.linear.gather [hbm4b:s19+s2], $0x1800, $0x38;
	[tilespmem:$0x12110] =	vst v63  }
0xe5: {  	_ =	swait.ge [sflag:s12], $0x1800  }
0xe6: {  	[sflag:s12] =	ssyncset.done $0x0  }
0xe7: {  	[sflag:s12] =	ssyncadd.s32 $0xFFFFE800  }
0xe8: {  	_ =	swait.ge [sflag:s12], $0x1800  }
0xe9: {  	[sflag:s12] =	ssyncset.done $0x0  }
0xea: {  	[sflag:s12] =	ssyncadd.s32 $0xFFFFE800  }
0xeb: {  	_ =	swait.ge [sflag:s12], $0x1800  }
0xec: {  	[sflag:s12] =	ssyncset.done $0x0  }
0xed: {  	s20 =	simm.s32 $0x1800;
	[sflag:s12] =	ssyncadd.s32 $0xFFFFE800  }
0xee: {  	s21 =	simm.s32 $0x7800;
	v7 =	vld [tilespmem:s20+$0x0]  }
0xef: {  	v8 =	vld [tilespmem:s21+$0x0]  }
0xf0: {  	s17 =	simm.s32 $0x4800  }
0xf1: {  	v63 =	vld [tilespmem:s17+$0x0];
	_ =	sdelay $0x1  }
0xf2: {  	vm12 =	veq.s32 v7, v0;
	vm13 =	vlt.s32 v7, v6  }
0xf3: {  	vm14 =	vge.s32 v8, v1;
	v7 =	vsub.s32 v8, v1;
	vm0 =	vmand vm12, vm13  }
0xf4: {  	vm15 =	vlt.s32 v8, v3;
	v7 =	vshll.u32 v7, $0x9;
	vm0 =	vmand vm0, vm14  }
0xf5: {  	v7 =	vadd.s32 v63, v7;
	vm0 =	vmand vm15, vm0  }
0xf6: {  	v7 =	vnsel vm0, $0x0, v7;
	_ =	sdelay $0x3  }
0xf7: {  	v8 =	vadd.s32 s17, v5  }
0xf8: {  	s19 =	simm.s32 $0x1810;
	[tilespmem:v7+s13+$0x0] =	vst.idx.msk vm0, v8  }
0xf9: {  	s18 =	simm.s32 $0x4810;
	s21 =	simm.s32 $0x4820;
	s20 =	simm.s32 $0x7810;
	v7 =	vld [tilespmem:s19+$0x0]  }
.LBB2_12:
0xfa: {  	p0 =	sne.s32 s21, $0x5FF0;
	v8 =	vld [tilespmem:s20+$0x0]  }
0xfb: {  	s17 =	sadd.s32 $0x10, s17  }
0xfc: {  	v9 =	vld [tilespmem:s17+$0x0];
	_ =	sdelay $0x1  }
0xfd: {  	vm0 =	veq.s32 v7, v0;
	vm1 =	vlt.s32 v7, v6  }
0xfe: {  	vm0 =	vmand vm0, vm1;
	vm1 =	vge.s32 v8, v1;
	v7 =	vsub.s32 v8, v1  }
0xff: {  	vm0 =	vmand vm0, vm1;
	vm1 =	vlt.s32 v8, v3;
	v7 =	vshll.u32 v7, $0x9  }
0x100: {  	vm0 =	vmand vm1, vm0;
	v7 =	vadd.s32 v9, v7  }
0x101: {  	v7 =	vnsel vm0, $0x0, v7;
	_ =	sdelay $0x1  }
.Ltmp5:
0x102: {  	(pc) =	sbr.rel @p0 .LBB2_12-.Ltmp5, $4  }
0x103: {  	_ = 	snop  }
0x104: {  	v8 =	vadd.s32 s18, v5;
	s18 =	smov.u32 s21  }
0x105: {  	s19 =	sadd.s32 $0x10, s19;
	[tilespmem:v7+s13+$0x0] =	vst.idx.msk vm0, v8  }
0x106: {  	s20 =	sadd.s32 $0x10, s20;
	s21 =	sadd.s32 $0x10, s21;
	v7 =	vld [tilespmem:s19+$0x0]  }
0x107: {  	v8 =	vld [tilespmem:s20+$0x0]  }
0x108: {  	s17 =	sadd.s32 $0x10, s17  }
0x109: {  	v9 =	vld [tilespmem:s17+$0x0];
	_ =	sdelay $0x1  }
0x10a: {  	vm0 =	veq.s32 v7, v0;
	vm1 =	vlt.s32 v7, v6  }
0x10b: {  	vm0 =	vmand vm0, vm1;
	vm10 =	vge.s32 v8, v1;
	v7 =	vsub.s32 v8, v1  }
0x10c: {  	vm11 =	vlt.s32 v8, v3;
	vm0 =	vmand vm0, vm10;
	v7 =	vshll.u32 v7, $0x9  }
0x10d: {  	vm0 =	vmand vm11, vm0;
	v7 =	vadd.s32 v9, v7  }
0x10e: {  	v7 =	vnsel vm0, $0x0, v7;
	_ =	sdelay $0x3  }
0x10f: {  	v8 =	vadd.s32 s18, v5  }
0x110: {  	s21 =	rddreg [dreg:$0x12];
	s17 =	simm.s32 $0x0;
	[tilespmem:v7+s13+$0x0] =	vst.idx.msk vm0, v8  }
0x111: {  	[tilespmem:s8], [sflag:$0x1] =	stream.linear.gather [hbm4b:s21+s17], $0x1800, $0x38;
	[tilespmem:$0x12110] =	vst v63  }
0x112: {  	s19 =	rddreg [dreg:$0x13]  }
0x113: {  	[tilespmem:s10], [sflag:$0x1] =	stream.linear.gather [hbm4b:s19+s17], $0x1800, $0x38;
	[tilespmem:$0x12110] =	vst v63  }
0x114: {  	s20 =	rddreg [dreg:$0x14]  }
0x115: {  	[tilespmem:s11], [sflag:$0x1] =	stream.linear.gather [hbm4b:s20+s17], $0x1800, $0x38;
	[tilespmem:$0x12110] =	vst v63  }
0x116: {  	_ =	swait.ge [sflag:s12], $0x1800  }
0x117: {  	[sflag:s12] =	ssyncset.done $0x0  }
0x118: {  	[sflag:s12] =	ssyncadd.s32 $0xFFFFE800  }
0x119: {  	_ =	swait.ge [sflag:s12], $0x1800  }
0x11a: {  	[sflag:s12] =	ssyncset.done $0x0  }
0x11b: {  	[sflag:s12] =	ssyncadd.s32 $0xFFFFE800  }
0x11c: {  	_ =	swait.ge [sflag:s12], $0x1800  }
0x11d: {  	[sflag:s12] =	ssyncset.done $0x0  }
0x11e: {  	[sflag:s12] =	ssyncadd.s32 $0xFFFFE800  }
0x11f: {  	s21 =	simm.s32 $0x6000;
	v7 =	vld [tilespmem:s17+$0x0]  }
0x120: {  	v8 =	vld [tilespmem:s21+$0x0]  }
0x121: {  	s17 =	simm.s32 $0x3000  }
0x122: {  	v63 =	vld [tilespmem:s17+$0x0];
	_ =	sdelay $0x1  }
0x123: {  	vm12 =	veq.s32 v7, v0;
	vm13 =	vlt.s32 v7, v6  }
0x124: {  	vm14 =	vge.s32 v8, v1;
	v7 =	vsub.s32 v8, v1;
	vm0 =	vmand vm12, vm13  }
0x125: {  	vm15 =	vlt.s32 v8, v3;
	v7 =	vshll.u32 v7, $0x9;
	vm0 =	vmand vm0, vm14  }
0x126: {  	v7 =	vadd.s32 v63, v7;
	vm0 =	vmand vm15, vm0  }
0x127: {  	v7 =	vnsel vm0, $0x0, v7;
	_ =	sdelay $0x3  }
0x128: {  	v8 =	vadd.s32 s21, v5  }
0x129: {  	s20 =	simm.s32 $0x10;
	[tilespmem:v7+s13+$0x0] =	vst.idx.msk vm0, v8  }
0x12a: {  	s18 =	simm.s32 $0x6010;
	s19 =	simm.s32 $0x6010;
	s21 =	simm.s32 $0x6020;
	v7 =	vld [tilespmem:s20+$0x0]  }
.LBB2_14:
0x12b: {  	p0 =	sne.s32 s21, $0x77F0;
	v8 =	vld [tilespmem:s19+$0x0]  }
0x12c: {  	s17 =	sadd.s32 $0x10, s17  }
0x12d: {  	v9 =	vld [tilespmem:s17+$0x0];
	_ =	sdelay $0x1  }
0x12e: {  	vm0 =	veq.s32 v7, v0;
	vm1 =	vlt.s32 v7, v6  }
0x12f: {  	vm0 =	vmand vm0, vm1;
	vm1 =	vge.s32 v8, v1;
	v7 =	vsub.s32 v8, v1  }
0x130: {  	vm0 =	vmand vm0, vm1;
	vm1 =	vlt.s32 v8, v3;
	v7 =	vshll.u32 v7, $0x9  }
0x131: {  	vm0 =	vmand vm1, vm0;
	v7 =	vadd.s32 v9, v7  }
0x132: {  	v7 =	vnsel vm0, $0x0, v7;
	_ =	sdelay $0x1  }
.Ltmp6:
0x133: {  	(pc) =	sbr.rel @p0 .LBB2_14-.Ltmp6, $4  }
0x134: {  	_ = 	snop  }
0x135: {  	v8 =	vadd.s32 s18, v5;
	s18 =	smov.u32 s21  }
0x136: {  	s20 =	sadd.s32 $0x10, s20;
	[tilespmem:v7+s13+$0x0] =	vst.idx.msk vm0, v8  }
0x137: {  	s19 =	sadd.s32 $0x10, s19;
	s21 =	sadd.s32 $0x10, s21;
	v7 =	vld [tilespmem:s20+$0x0]  }
0x138: {  	v8 =	vld [tilespmem:s19+$0x0]  }
0x139: {  	s17 =	sadd.s32 $0x10, s17  }
0x13a: {  	v9 =	vld [tilespmem:s17+$0x0];
	_ =	sdelay $0x1  }
0x13b: {  	vm0 =	veq.s32 v7, v0;
	vm1 =	vlt.s32 v7, v6  }
0x13c: {  	vm0 =	vmand vm0, vm1;
	vm10 =	vge.s32 v8, v1;
	v7 =	vsub.s32 v8, v1  }
0x13d: {  	vm11 =	vlt.s32 v8, v3;
	vm0 =	vmand vm0, vm10;
	v7 =	vshll.u32 v7, $0x9  }
0x13e: {  	vm0 =	vmand vm11, vm0;
	v7 =	vadd.s32 v9, v7  }
0x13f: {  	v7 =	vnsel vm0, $0x0, v7;
	_ =	sdelay $0x3  }
0x140: {  	v8 =	vadd.s32 s18, v5  }
0x141: {  	s21 =	rddreg [dreg:$0x15];
	[tilespmem:v7+s13+$0x0] =	vst.idx.msk vm0, v8  }
0x142: {  	[tilespmem:s2], [sflag:$0x1] =	stream.linear.gather [hbm4b:s21+s2], $0x1800, $0x38;
	[tilespmem:$0x12110] =	vst v63  }
0x143: {  	s18 =	rddreg [dreg:$0x16]  }
0x144: {  	[tilespmem:s14], [sflag:$0x1] =	stream.linear.gather [hbm4b:s18+s2], $0x1800, $0x38;
	[tilespmem:$0x12110] =	vst v63  }
0x145: {  	s19 =	rddreg [dreg:$0x17]  }
0x146: {  	[tilespmem:s15], [sflag:$0x1] =	stream.linear.gather [hbm4b:s19+s2], $0x1800, $0x38;
	[tilespmem:$0x12110] =	vst v63  }
0x147: {  	_ =	swait.ge [sflag:s12], $0x1800  }
0x148: {  	[sflag:s12] =	ssyncset.done $0x0  }
0x149: {  	[sflag:s12] =	ssyncadd.s32 $0xFFFFE800  }
0x14a: {  	_ =	swait.ge [sflag:s12], $0x1800  }
0x14b: {  	[sflag:s12] =	ssyncset.done $0x0  }
0x14c: {  	[sflag:s12] =	ssyncadd.s32 $0xFFFFE800  }
0x14d: {  	_ =	swait.ge [sflag:s12], $0x1800  }
0x14e: {  	[sflag:s12] =	ssyncset.done $0x0  }
0x14f: {  	s20 =	simm.s32 $0x1800;
	[sflag:s12] =	ssyncadd.s32 $0xFFFFE800  }
0x150: {  	s21 =	simm.s32 $0x7800;
	v7 =	vld [tilespmem:s20+$0x0]  }
0x151: {  	v8 =	vld [tilespmem:s21+$0x0]  }
0x152: {  	s17 =	simm.s32 $0x4800  }
0x153: {  	v63 =	vld [tilespmem:s17+$0x0];
	_ =	sdelay $0x1  }
0x154: {  	vm12 =	veq.s32 v7, v0;
	vm13 =	vlt.s32 v7, v6  }
0x155: {  	vm14 =	vge.s32 v8, v1;
	v7 =	vsub.s32 v8, v1;
	vm0 =	vmand vm12, vm13  }
0x156: {  	vm15 =	vlt.s32 v8, v3;
	v7 =	vshll.u32 v7, $0x9;
	vm0 =	vmand vm0, vm14  }
0x157: {  	v7 =	vadd.s32 v63, v7;
	vm0 =	vmand vm15, vm0  }
0x158: {  	v7 =	vnsel vm0, $0x0, v7;
	_ =	sdelay $0x3  }
0x159: {  	v8 =	vadd.s32 s21, v5  }
0x15a: {  	s20 =	simm.s32 $0x1810;
	[tilespmem:v7+s13+$0x0] =	vst.idx.msk vm0, v8  }
0x15b: {  	s18 =	simm.s32 $0x7810;
	s19 =	simm.s32 $0x7810;
	s21 =	simm.s32 $0x7820;
	v7 =	vld [tilespmem:s20+$0x0]  }
.LBB2_16:
0x15c: {  	p0 =	sne.s32 s21, $0x8FF0;
	v8 =	vld [tilespmem:s19+$0x0]  }
0x15d: {  	s17 =	sadd.s32 $0x10, s17  }
0x15e: {  	v9 =	vld [tilespmem:s17+$0x0];
	_ =	sdelay $0x1  }
0x15f: {  	vm0 =	veq.s32 v7, v0;
	vm1 =	vlt.s32 v7, v6  }
0x160: {  	vm0 =	vmand vm0, vm1;
	vm1 =	vge.s32 v8, v1;
	v7 =	vsub.s32 v8, v1  }
0x161: {  	vm0 =	vmand vm0, vm1;
	vm1 =	vlt.s32 v8, v3;
	v7 =	vshll.u32 v7, $0x9  }
0x162: {  	vm0 =	vmand vm1, vm0;
	v7 =	vadd.s32 v9, v7  }
0x163: {  	v7 =	vnsel vm0, $0x0, v7;
	_ =	sdelay $0x1  }
.Ltmp7:
0x164: {  	(pc) =	sbr.rel @p0 .LBB2_16-.Ltmp7, $4  }
0x165: {  	_ = 	snop  }
0x166: {  	v8 =	vadd.s32 s18, v5;
	s18 =	smov.u32 s21  }
0x167: {  	s20 =	sadd.s32 $0x10, s20;
	[tilespmem:v7+s13+$0x0] =	vst.idx.msk vm0, v8  }
0x168: {  	s19 =	sadd.s32 $0x10, s19;
	s21 =	sadd.s32 $0x10, s21;
	v7 =	vld [tilespmem:s20+$0x0]  }
0x169: {  	v8 =	vld [tilespmem:s19+$0x0]  }
0x16a: {  	s17 =	sadd.s32 $0x10, s17  }
0x16b: {  	v9 =	vld [tilespmem:s17+$0x0];
	_ =	sdelay $0x1  }
0x16c: {  	vm0 =	veq.s32 v7, v0;
	vm1 =	vlt.s32 v7, v6  }
0x16d: {  	vm0 =	vmand vm0, vm1;
	vm10 =	vge.s32 v8, v1;
	v7 =	vsub.s32 v8, v1  }
0x16e: {  	vm11 =	vlt.s32 v8, v3;
	vm0 =	vmand vm0, vm10;
	v7 =	vshll.u32 v7, $0x9  }
0x16f: {  	vm0 =	vmand vm11, vm0;
	v7 =	vadd.s32 v9, v7  }
0x170: {  	v7 =	vnsel vm0, $0x0, v7;
	_ =	sdelay $0x3  }
0x171: {  	v8 =	vadd.s32 s18, v5  }
0x172: {  	s20 =	rddreg [dreg:$0x18];
	s17 =	simm.s32 $0x0;
	[tilespmem:v7+s13+$0x0] =	vst.idx.msk vm0, v8  }
0x173: {  	[tilespmem:s8], [sflag:$0x1] =	stream.linear.gather [hbm4b:s20+s17], $0x1800, $0x38;
	[tilespmem:$0x12110] =	vst v63  }
0x174: {  	s21 =	rddreg [dreg:$0x19]  }
0x175: {  	[tilespmem:s10], [sflag:$0x1] =	stream.linear.gather [hbm4b:s21+s17], $0x1800, $0x38;
	[tilespmem:$0x12110] =	vst v63  }
0x176: {  	s19 =	rddreg [dreg:$0x1a]  }
0x177: {  	[tilespmem:s11], [sflag:$0x1] =	stream.linear.gather [hbm4b:s19+s17], $0x1800, $0x38;
	[tilespmem:$0x12110] =	vst v63  }
0x178: {  	_ =	swait.ge [sflag:s12], $0x1800  }
0x179: {  	[sflag:s12] =	ssyncset.done $0x0  }
0x17a: {  	[sflag:s12] =	ssyncadd.s32 $0xFFFFE800  }
0x17b: {  	_ =	swait.ge [sflag:s12], $0x1800  }
0x17c: {  	[sflag:s12] =	ssyncset.done $0x0  }
0x17d: {  	[sflag:s12] =	ssyncadd.s32 $0xFFFFE800  }
0x17e: {  	_ =	swait.ge [sflag:s12], $0x1800  }
0x17f: {  	[sflag:s12] =	ssyncset.done $0x0  }
0x180: {  	[sflag:s12] =	ssyncadd.s32 $0xFFFFE800  }
0x181: {  	s20 =	simm.s32 $0x6000;
	v7 =	vld [tilespmem:s17+$0x0]  }
0x182: {  	v8 =	vld [tilespmem:s20+$0x0]  }
0x183: {  	s17 =	simm.s32 $0x3000  }
0x184: {  	v63 =	vld [tilespmem:s17+$0x0];
	_ =	sdelay $0x1  }
0x185: {  	vm12 =	veq.s32 v7, v0;
	vm13 =	vlt.s32 v7, v6  }
0x186: {  	vm14 =	vge.s32 v8, v1;
	v7 =	vsub.s32 v8, v1;
	vm0 =	vmand vm12, vm13  }
0x187: {  	vm15 =	vlt.s32 v8, v3;
	v7 =	vshll.u32 v7, $0x9;
	vm0 =	vmand vm0, vm14  }
0x188: {  	v7 =	vadd.s32 v63, v7;
	vm0 =	vmand vm15, vm0  }
0x189: {  	v7 =	vnsel vm0, $0x0, v7;
	_ =	sdelay $0x2  }
0x18a: {  	s21 =	simm.s32 $0x9000  }
0x18b: {  	v8 =	vadd.s32 s21, v5  }
0x18c: {  	s19 =	simm.s32 $0x10;
	[tilespmem:v7+s13+$0x0] =	vst.idx.msk vm0, v8  }
0x18d: {  	s18 =	simm.s32 $0x9010;
	s20 =	simm.s32 $0x6010;
	s21 =	simm.s32 $0x9020;
	v7 =	vld [tilespmem:s19+$0x0]  }
.LBB2_18:
0x18e: {  	p0 =	sne.s32 s21, $0xA7F0;
	v8 =	vld [tilespmem:s20+$0x0]  }
0x18f: {  	s17 =	sadd.s32 $0x10, s17  }
0x190: {  	v9 =	vld [tilespmem:s17+$0x0];
	_ =	sdelay $0x1  }
0x191: {  	vm0 =	veq.s32 v7, v0;
	vm1 =	vlt.s32 v7, v6  }
0x192: {  	vm0 =	vmand vm0, vm1;
	vm1 =	vge.s32 v8, v1;
	v7 =	vsub.s32 v8, v1  }
0x193: {  	vm0 =	vmand vm0, vm1;
	vm1 =	vlt.s32 v8, v3;
	v7 =	vshll.u32 v7, $0x9  }
0x194: {  	vm0 =	vmand vm1, vm0;
	v7 =	vadd.s32 v9, v7  }
0x195: {  	v7 =	vnsel vm0, $0x0, v7;
	_ =	sdelay $0x1  }
.Ltmp8:
0x196: {  	(pc) =	sbr.rel @p0 .LBB2_18-.Ltmp8, $4  }
0x197: {  	_ = 	snop  }
0x198: {  	v8 =	vadd.s32 s18, v5;
	s18 =	smov.u32 s21  }
0x199: {  	s19 =	sadd.s32 $0x10, s19;
	[tilespmem:v7+s13+$0x0] =	vst.idx.msk vm0, v8  }
0x19a: {  	s20 =	sadd.s32 $0x10, s20;
	s21 =	sadd.s32 $0x10, s21;
	v7 =	vld [tilespmem:s19+$0x0]  }
0x19b: {  	v8 =	vld [tilespmem:s20+$0x0]  }
0x19c: {  	s17 =	sadd.s32 $0x10, s17  }
0x19d: {  	v9 =	vld [tilespmem:s17+$0x0];
	_ =	sdelay $0x1  }
0x19e: {  	vm0 =	veq.s32 v7, v0;
	vm1 =	vlt.s32 v7, v6  }
0x19f: {  	vm0 =	vmand vm0, vm1;
	vm10 =	vge.s32 v8, v1;
	v7 =	vsub.s32 v8, v1  }
0x1a0: {  	vm11 =	vlt.s32 v8, v3;
	vm0 =	vmand vm0, vm10;
	v7 =	vshll.u32 v7, $0x9  }
0x1a1: {  	vm0 =	vmand vm11, vm0;
	v7 =	vadd.s32 v9, v7  }
0x1a2: {  	v7 =	vnsel vm0, $0x0, v7;
	_ =	sdelay $0x3  }
0x1a3: {  	v8 =	vadd.s32 s18, v5  }
0x1a4: {  	s20 =	rddreg [dreg:$0x1b];
	[tilespmem:v7+s13+$0x0] =	vst.idx.msk vm0, v8  }
0x1a5: {  	[tilespmem:s2], [sflag:$0x1] =	stream.linear.gather [hbm4b:s20+s2], $0x1800, $0x38;
	[tilespmem:$0x12110] =	vst v63  }
0x1a6: {  	s21 =	rddreg [dreg:$0x1c]  }
0x1a7: {  	[tilespmem:s14], [sflag:$0x1] =	stream.linear.gather [hbm4b:s21+s2], $0x1800, $0x38;
	[tilespmem:$0x12110] =	vst v63  }
0x1a8: {  	s18 =	rddreg [dreg:$0x1d]  }
0x1a9: {  	[tilespmem:s15], [sflag:$0x1] =	stream.linear.gather [hbm4b:s18+s2], $0x1800, $0x38;
	[tilespmem:$0x12110] =	vst v63  }
0x1aa: {  	_ =	swait.ge [sflag:s12], $0x1800  }
0x1ab: {  	[sflag:s12] =	ssyncset.done $0x0  }
0x1ac: {  	[sflag:s12] =	ssyncadd.s32 $0xFFFFE800  }
0x1ad: {  	_ =	swait.ge [sflag:s12], $0x1800  }
0x1ae: {  	[sflag:s12] =	ssyncset.done $0x0  }
0x1af: {  	[sflag:s12] =	ssyncadd.s32 $0xFFFFE800  }
0x1b0: {  	_ =	swait.ge [sflag:s12], $0x1800  }
0x1b1: {  	[sflag:s12] =	ssyncset.done $0x0  }
0x1b2: {  	s19 =	simm.s32 $0x1800;
	[sflag:s12] =	ssyncadd.s32 $0xFFFFE800  }
0x1b3: {  	s20 =	simm.s32 $0x7800;
	v7 =	vld [tilespmem:s19+$0x0]  }
0x1b4: {  	v8 =	vld [tilespmem:s20+$0x0]  }
0x1b5: {  	s17 =	simm.s32 $0x4800  }
0x1b6: {  	v63 =	vld [tilespmem:s17+$0x0];
	_ =	sdelay $0x1  }
0x1b7: {  	vm12 =	veq.s32 v7, v0;
	vm13 =	vlt.s32 v7, v6  }
0x1b8: {  	vm14 =	vge.s32 v8, v1;
	v7 =	vsub.s32 v8, v1;
	vm0 =	vmand vm12, vm13  }
0x1b9: {  	vm15 =	vlt.s32 v8, v3;
	v7 =	vshll.u32 v7, $0x9;
	vm0 =	vmand vm0, vm14  }
0x1ba: {  	v7 =	vadd.s32 v63, v7;
	vm0 =	vmand vm15, vm0  }
0x1bb: {  	v7 =	vnsel vm0, $0x0, v7;
	_ =	sdelay $0x2  }
0x1bc: {  	s21 =	simm.s32 $0xA800  }
0x1bd: {  	v8 =	vadd.s32 s21, v5  }
0x1be: {  	s19 =	simm.s32 $0x1810;
	[tilespmem:v7+s13+$0x0] =	vst.idx.msk vm0, v8  }
0x1bf: {  	s18 =	simm.s32 $0xA810;
	s20 =	simm.s32 $0x7810;
	s21 =	simm.s32 $0xA820;
	v7 =	vld [tilespmem:s19+$0x0]  }
.LBB2_20:
0x1c0: {  	p0 =	sne.s32 s21, $0xBFF0;
	v8 =	vld [tilespmem:s20+$0x0]  }
0x1c1: {  	s17 =	sadd.s32 $0x10, s17  }
0x1c2: {  	v9 =	vld [tilespmem:s17+$0x0];
	_ =	sdelay $0x1  }
0x1c3: {  	vm0 =	veq.s32 v7, v0;
	vm1 =	vlt.s32 v7, v6  }
0x1c4: {  	vm0 =	vmand vm0, vm1;
	vm1 =	vge.s32 v8, v1;
	v7 =	vsub.s32 v8, v1  }
0x1c5: {  	vm0 =	vmand vm0, vm1;
	vm1 =	vlt.s32 v8, v3;
	v7 =	vshll.u32 v7, $0x9  }
0x1c6: {  	vm0 =	vmand vm1, vm0;
	v7 =	vadd.s32 v9, v7  }
0x1c7: {  	v7 =	vnsel vm0, $0x0, v7;
	_ =	sdelay $0x1  }
.Ltmp9:
0x1c8: {  	(pc) =	sbr.rel @p0 .LBB2_20-.Ltmp9, $4  }
0x1c9: {  	_ = 	snop  }
0x1ca: {  	v8 =	vadd.s32 s18, v5;
	s18 =	smov.u32 s21  }
0x1cb: {  	s19 =	sadd.s32 $0x10, s19;
	[tilespmem:v7+s13+$0x0] =	vst.idx.msk vm0, v8  }
0x1cc: {  	s20 =	sadd.s32 $0x10, s20;
	s21 =	sadd.s32 $0x10, s21;
	v7 =	vld [tilespmem:s19+$0x0]  }
0x1cd: {  	v8 =	vld [tilespmem:s20+$0x0]  }
0x1ce: {  	s17 =	sadd.s32 $0x10, s17  }
0x1cf: {  	v9 =	vld [tilespmem:s17+$0x0];
	_ =	sdelay $0x1  }
0x1d0: {  	vm0 =	veq.s32 v7, v0;
	vm1 =	vlt.s32 v7, v6  }
0x1d1: {  	vm0 =	vmand vm0, vm1;
	vm10 =	vge.s32 v8, v1;
	v7 =	vsub.s32 v8, v1  }
0x1d2: {  	vm11 =	vlt.s32 v8, v3;
	vm0 =	vmand vm0, vm10;
	v7 =	vshll.u32 v7, $0x9  }
0x1d3: {  	vm0 =	vmand vm11, vm0;
	v7 =	vadd.s32 v9, v7  }
0x1d4: {  	v7 =	vnsel vm0, $0x0, v7;
	_ =	sdelay $0x3  }
0x1d5: {  	s20 =	rddreg [dreg:$0x1e];
	v8 =	vadd.s32 s18, v5  }
0x1d6: {  	s21 =	rddreg [dreg:$0x1f];
	s17 =	simm.s32 $0x0;
	[tilespmem:v7+s13+$0x0] =	vst.idx.msk vm0, v8  }
0x1d7: {  	[tilespmem:s8], [sflag:$0x1] =	stream.linear.gather [hbm4b:s20+s17], $0x1800, $0x38;
	[tilespmem:$0x12110] =	vst v63  }
0x1d8: {  	s19 =	sld [smem:$0x7EB]  }
0x1d9: {  	[tilespmem:s10], [sflag:$0x1] =	stream.linear.gather [hbm4b:s21+s17], $0x1800, $0x38;
	[tilespmem:$0x12110] =	vst v63  }
0x1da: {  	_ = 	snop  }
0x1db: {  	[tilespmem:s11], [sflag:$0x1] =	stream.linear.gather [hbm4b:s19+s17], $0x1800, $0x38;
	[tilespmem:$0x12110] =	vst v63  }
0x1dc: {  	_ =	swait.ge [sflag:s12], $0x1800  }
0x1dd: {  	[sflag:s12] =	ssyncset.done $0x0  }
0x1de: {  	[sflag:s12] =	ssyncadd.s32 $0xFFFFE800  }
0x1df: {  	_ =	swait.ge [sflag:s12], $0x1800  }
0x1e0: {  	[sflag:s12] =	ssyncset.done $0x0  }
0x1e1: {  	[sflag:s12] =	ssyncadd.s32 $0xFFFFE800  }
0x1e2: {  	_ =	swait.ge [sflag:s12], $0x1800  }
0x1e3: {  	[sflag:s12] =	ssyncset.done $0x0  }
0x1e4: {  	[sflag:s12] =	ssyncadd.s32 $0xFFFFE800  }
0x1e5: {  	s20 =	simm.s32 $0x6000;
	v7 =	vld [tilespmem:s17+$0x0]  }
0x1e6: {  	v8 =	vld [tilespmem:s20+$0x0]  }
0x1e7: {  	s17 =	simm.s32 $0x3000  }
0x1e8: {  	v63 =	vld [tilespmem:s17+$0x0];
	_ =	sdelay $0x1  }
0x1e9: {  	vm12 =	veq.s32 v7, v0;
	vm13 =	vlt.s32 v7, v6  }
0x1ea: {  	vm14 =	vge.s32 v8, v1;
	v7 =	vsub.s32 v8, v1;
	vm0 =	vmand vm12, vm13  }
0x1eb: {  	vm15 =	vlt.s32 v8, v3;
	v7 =	vshll.u32 v7, $0x9;
	vm0 =	vmand vm0, vm14  }
0x1ec: {  	v7 =	vadd.s32 v63, v7;
	vm0 =	vmand vm15, vm0  }
0x1ed: {  	v7 =	vnsel vm0, $0x0, v7;
	_ =	sdelay $0x2  }
0x1ee: {  	s21 =	simm.s32 $0xC000  }
0x1ef: {  	v8 =	vadd.s32 s21, v5  }
0x1f0: {  	s19 =	simm.s32 $0x10;
	[tilespmem:v7+s13+$0x0] =	vst.idx.msk vm0, v8  }
0x1f1: {  	s18 =	simm.s32 $0xC010;
	s20 =	simm.s32 $0x6010;
	s21 =	simm.s32 $0xC020;
	v7 =	vld [tilespmem:s19+$0x0]  }
.LBB2_22:
0x1f2: {  	p0 =	sne.s32 s21, $0xD7F0;
	v8 =	vld [tilespmem:s20+$0x0]  }
0x1f3: {  	s17 =	sadd.s32 $0x10, s17  }
0x1f4: {  	v9 =	vld [tilespmem:s17+$0x0];
	_ =	sdelay $0x1  }
0x1f5: {  	vm0 =	veq.s32 v7, v0;
	vm1 =	vlt.s32 v7, v6  }
0x1f6: {  	vm0 =	vmand vm0, vm1;
	vm1 =	vge.s32 v8, v1;
	v7 =	vsub.s32 v8, v1  }
0x1f7: {  	vm0 =	vmand vm0, vm1;
	vm1 =	vlt.s32 v8, v3;
	v7 =	vshll.u32 v7, $0x9  }
0x1f8: {  	vm0 =	vmand vm1, vm0;
	v7 =	vadd.s32 v9, v7  }
0x1f9: {  	v7 =	vnsel vm0, $0x0, v7;
	_ =	sdelay $0x1  }
.Ltmp10:
0x1fa: {  	(pc) =	sbr.rel @p0 .LBB2_22-.Ltmp10, $4  }
0x1fb: {  	_ = 	snop  }
0x1fc: {  	v8 =	vadd.s32 s18, v5;
	s18 =	smov.u32 s21  }
0x1fd: {  	s19 =	sadd.s32 $0x10, s19;
	[tilespmem:v7+s13+$0x0] =	vst.idx.msk vm0, v8  }
0x1fe: {  	s20 =	sadd.s32 $0x10, s20;
	s21 =	sadd.s32 $0x10, s21;
	v7 =	vld [tilespmem:s19+$0x0]  }
0x1ff: {  	v8 =	vld [tilespmem:s20+$0x0]  }
0x200: {  	s17 =	sadd.s32 $0x10, s17  }
0x201: {  	v9 =	vld [tilespmem:s17+$0x0];
	_ =	sdelay $0x1  }
0x202: {  	vm0 =	veq.s32 v7, v0;
	vm1 =	vlt.s32 v7, v6  }
0x203: {  	vm0 =	vmand vm0, vm1;
	vm10 =	vge.s32 v8, v1;
	v7 =	vsub.s32 v8, v1  }
0x204: {  	vm11 =	vlt.s32 v8, v3;
	vm0 =	vmand vm0, vm10;
	v7 =	vshll.u32 v7, $0x9  }
0x205: {  	vm0 =	vmand vm11, vm0;
	v7 =	vadd.s32 v9, v7  }
0x206: {  	v7 =	vnsel vm0, $0x0, v7;
	_ =	sdelay $0x2  }
0x207: {  	s20 =	sld [smem:$0x7EC]  }
0x208: {  	v8 =	vadd.s32 s18, v5  }
0x209: {  	s21 =	sld [smem:$0x7ED];
	[tilespmem:v7+s13+$0x0] =	vst.idx.msk vm0, v8  }
0x20a: {  	[tilespmem:s2], [sflag:$0x1] =	stream.linear.gather [hbm4b:s20+s2], $0x1800, $0x38;
	[tilespmem:$0x12110] =	vst v63  }
0x20b: {  	s18 =	sld [smem:$0x7EE]  }
0x20c: {  	[tilespmem:s14], [sflag:$0x1] =	stream.linear.gather [hbm4b:s21+s2], $0x1800, $0x38;
	[tilespmem:$0x12110] =	vst v63  }
0x20d: {  	_ = 	snop  }
0x20e: {  	[tilespmem:s15], [sflag:$0x1] =	stream.linear.gather [hbm4b:s18+s2], $0x1800, $0x38;
	[tilespmem:$0x12110] =	vst v63  }
0x20f: {  	_ =	swait.ge [sflag:s12], $0x1800  }
0x210: {  	[sflag:s12] =	ssyncset.done $0x0  }
0x211: {  	[sflag:s12] =	ssyncadd.s32 $0xFFFFE800  }
0x212: {  	_ =	swait.ge [sflag:s12], $0x1800  }
0x213: {  	[sflag:s12] =	ssyncset.done $0x0  }
0x214: {  	[sflag:s12] =	ssyncadd.s32 $0xFFFFE800  }
0x215: {  	_ =	swait.ge [sflag:s12], $0x1800  }
0x216: {  	[sflag:s12] =	ssyncset.done $0x0  }
0x217: {  	s19 =	simm.s32 $0x1800;
	[sflag:s12] =	ssyncadd.s32 $0xFFFFE800  }
0x218: {  	s20 =	simm.s32 $0x7800;
	v7 =	vld [tilespmem:s19+$0x0]  }
0x219: {  	v8 =	vld [tilespmem:s20+$0x0]  }
0x21a: {  	s17 =	simm.s32 $0x4800  }
0x21b: {  	v63 =	vld [tilespmem:s17+$0x0];
	_ =	sdelay $0x1  }
0x21c: {  	vm12 =	veq.s32 v7, v0;
	vm13 =	vlt.s32 v7, v6  }
0x21d: {  	vm14 =	vge.s32 v8, v1;
	v7 =	vsub.s32 v8, v1;
	vm0 =	vmand vm12, vm13  }
0x21e: {  	vm15 =	vlt.s32 v8, v3;
	v7 =	vshll.u32 v7, $0x9;
	vm0 =	vmand vm0, vm14  }
0x21f: {  	v7 =	vadd.s32 v63, v7;
	vm0 =	vmand vm15, vm0  }
0x220: {  	v7 =	vnsel vm0, $0x0, v7;
	_ =	sdelay $0x2  }
0x221: {  	s21 =	simm.s32 $0xD800  }
0x222: {  	v8 =	vadd.s32 s21, v5  }
0x223: {  	s19 =	simm.s32 $0x1810;
	[tilespmem:v7+s13+$0x0] =	vst.idx.msk vm0, v8  }
0x224: {  	s18 =	simm.s32 $0xD810;
	s20 =	simm.s32 $0x7810;
	s21 =	simm.s32 $0xD820;
	v7 =	vld [tilespmem:s19+$0x0]  }
.LBB2_24:
0x225: {  	p0 =	sne.s32 s21, $0xEFF0;
	v8 =	vld [tilespmem:s20+$0x0]  }
0x226: {  	s17 =	sadd.s32 $0x10, s17  }
0x227: {  	v9 =	vld [tilespmem:s17+$0x0];
	_ =	sdelay $0x1  }
0x228: {  	vm0 =	veq.s32 v7, v0;
	vm1 =	vlt.s32 v7, v6  }
0x229: {  	vm0 =	vmand vm0, vm1;
	vm1 =	vge.s32 v8, v1;
	v7 =	vsub.s32 v8, v1  }
0x22a: {  	vm0 =	vmand vm0, vm1;
	vm1 =	vlt.s32 v8, v3;
	v7 =	vshll.u32 v7, $0x9  }
0x22b: {  	vm0 =	vmand vm1, vm0;
	v7 =	vadd.s32 v9, v7  }
0x22c: {  	v7 =	vnsel vm0, $0x0, v7;
	_ =	sdelay $0x1  }
.Ltmp11:
0x22d: {  	(pc) =	sbr.rel @p0 .LBB2_24-.Ltmp11, $4  }
0x22e: {  	_ = 	snop  }
0x22f: {  	v8 =	vadd.s32 s18, v5;
	s18 =	smov.u32 s21  }
0x230: {  	s19 =	sadd.s32 $0x10, s19;
	[tilespmem:v7+s13+$0x0] =	vst.idx.msk vm0, v8  }
0x231: {  	s20 =	sadd.s32 $0x10, s20;
	s21 =	sadd.s32 $0x10, s21;
	v7 =	vld [tilespmem:s19+$0x0]  }
0x232: {  	v8 =	vld [tilespmem:s20+$0x0]  }
0x233: {  	s17 =	sadd.s32 $0x10, s17  }
0x234: {  	v9 =	vld [tilespmem:s17+$0x0];
	_ =	sdelay $0x1  }
0x235: {  	vm0 =	veq.s32 v7, v0;
	vm1 =	vlt.s32 v7, v6  }
0x236: {  	vm0 =	vmand vm0, vm1;
	vm10 =	vge.s32 v8, v1;
	v7 =	vsub.s32 v8, v1  }
0x237: {  	vm11 =	vlt.s32 v8, v3;
	vm0 =	vmand vm0, vm10;
	v7 =	vshll.u32 v7, $0x9  }
0x238: {  	vm0 =	vmand vm11, vm0;
	v7 =	vadd.s32 v9, v7  }
0x239: {  	v7 =	vnsel vm0, $0x0, v7;
	_ =	sdelay $0x2  }
0x23a: {  	s20 =	sld [smem:$0x7EF]  }
0x23b: {  	v8 =	vadd.s32 s18, v5  }
0x23c: {  	s21 =	sld [smem:$0x7F0];
	s17 =	simm.s32 $0x0;
	[tilespmem:v7+s13+$0x0] =	vst.idx.msk vm0, v8  }
0x23d: {  	[tilespmem:s8], [sflag:$0x1] =	stream.linear.gather [hbm4b:s20+s17], $0x1800, $0x38;
	[tilespmem:$0x12110] =	vst v63  }
0x23e: {  	s19 =	sld [smem:$0x7F1]  }
0x23f: {  	[tilespmem:s10], [sflag:$0x1] =	stream.linear.gather [hbm4b:s21+s17], $0x1800, $0x38;
	[tilespmem:$0x12110] =	vst v63  }
0x240: {  	_ = 	snop  }
0x241: {  	[tilespmem:s11], [sflag:$0x1] =	stream.linear.gather [hbm4b:s19+s17], $0x1800, $0x38;
	[tilespmem:$0x12110] =	vst v63  }
0x242: {  	_ =	swait.ge [sflag:s12], $0x1800  }
0x243: {  	[sflag:s12] =	ssyncset.done $0x0  }
0x244: {  	[sflag:s12] =	ssyncadd.s32 $0xFFFFE800  }
0x245: {  	_ =	swait.ge [sflag:s12], $0x1800  }
0x246: {  	[sflag:s12] =	ssyncset.done $0x0  }
0x247: {  	[sflag:s12] =	ssyncadd.s32 $0xFFFFE800  }
0x248: {  	_ =	swait.ge [sflag:s12], $0x1800  }
0x249: {  	[sflag:s12] =	ssyncset.done $0x0  }
0x24a: {  	[sflag:s12] =	ssyncadd.s32 $0xFFFFE800  }
0x24b: {  	s20 =	simm.s32 $0x6000;
	v7 =	vld [tilespmem:s17+$0x0]  }
0x24c: {  	v8 =	vld [tilespmem:s20+$0x0]  }
0x24d: {  	s17 =	simm.s32 $0x3000  }
0x24e: {  	v63 =	vld [tilespmem:s17+$0x0];
	_ =	sdelay $0x1  }
0x24f: {  	vm12 =	veq.s32 v7, v0;
	vm13 =	vlt.s32 v7, v6  }
0x250: {  	vm14 =	vge.s32 v8, v1;
	v7 =	vsub.s32 v8, v1;
	vm0 =	vmand vm12, vm13  }
0x251: {  	vm15 =	vlt.s32 v8, v3;
	v7 =	vshll.u32 v7, $0x9;
	vm0 =	vmand vm0, vm14  }
0x252: {  	v7 =	vadd.s32 v63, v7;
	vm0 =	vmand vm15, vm0  }
0x253: {  	v7 =	vnsel vm0, $0x0, v7;
	_ =	sdelay $0x2  }
0x254: {  	s21 =	simm.s32 $0xF000  }
0x255: {  	v8 =	vadd.s32 s21, v5  }
0x256: {  	s19 =	simm.s32 $0x10;
	[tilespmem:v7+s13+$0x0] =	vst.idx.msk vm0, v8  }
0x257: {  	s18 =	simm.s32 $0xF010;
	s20 =	simm.s32 $0x6010;
	s21 =	simm.s32 $0xF020;
	v7 =	vld [tilespmem:s19+$0x0]  }
.LBB2_26:
0x258: {  	p0 =	sne.s32 s21, $0x107F0;
	v8 =	vld [tilespmem:s20+$0x0]  }
0x259: {  	s17 =	sadd.s32 $0x10, s17  }
0x25a: {  	v9 =	vld [tilespmem:s17+$0x0];
	_ =	sdelay $0x1  }
0x25b: {  	vm0 =	veq.s32 v7, v0;
	vm1 =	vlt.s32 v7, v6  }
0x25c: {  	vm0 =	vmand vm0, vm1;
	vm1 =	vge.s32 v8, v1;
	v7 =	vsub.s32 v8, v1  }
0x25d: {  	vm0 =	vmand vm0, vm1;
	vm1 =	vlt.s32 v8, v3;
	v7 =	vshll.u32 v7, $0x9  }
0x25e: {  	vm0 =	vmand vm1, vm0;
	v7 =	vadd.s32 v9, v7  }
0x25f: {  	v7 =	vnsel vm0, $0x0, v7;
	_ =	sdelay $0x1  }
.Ltmp12:
0x260: {  	(pc) =	sbr.rel @p0 .LBB2_26-.Ltmp12, $4  }
0x261: {  	_ = 	snop  }
0x262: {  	v8 =	vadd.s32 s18, v5;
	s18 =	smov.u32 s21  }
0x263: {  	s19 =	sadd.s32 $0x10, s19;
	[tilespmem:v7+s13+$0x0] =	vst.idx.msk vm0, v8  }
0x264: {  	s20 =	sadd.s32 $0x10, s20;
	s21 =	sadd.s32 $0x10, s21;
	v7 =	vld [tilespmem:s19+$0x0]  }
0x265: {  	v8 =	vld [tilespmem:s20+$0x0]  }
0x266: {  	s17 =	sadd.s32 $0x10, s17  }
0x267: {  	v9 =	vld [tilespmem:s17+$0x0];
	_ =	sdelay $0x1  }
0x268: {  	vm0 =	veq.s32 v7, v0;
	vm1 =	vlt.s32 v7, v6  }
0x269: {  	vm0 =	vmand vm0, vm1;
	vm10 =	vge.s32 v8, v1;
	v7 =	vsub.s32 v8, v1  }
0x26a: {  	vm11 =	vlt.s32 v8, v3;
	vm0 =	vmand vm0, vm10;
	v7 =	vshll.u32 v7, $0x9  }
0x26b: {  	vm0 =	vmand vm11, vm0;
	v7 =	vadd.s32 v9, v7  }
0x26c: {  	v7 =	vnsel vm0, $0x0, v7;
	_ =	sdelay $0x2  }
0x26d: {  	s20 =	sld [smem:$0x7F2]  }
0x26e: {  	v8 =	vadd.s32 s18, v5  }
0x26f: {  	s21 =	sld [smem:$0x7F3];
	[tilespmem:v7+s13+$0x0] =	vst.idx.msk vm0, v8  }
0x270: {  	[tilespmem:s2], [sflag:$0x1] =	stream.linear.gather [hbm4b:s20+s2], $0x1800, $0x38;
	[tilespmem:$0x12110] =	vst v63  }
0x271: {  	s18 =	sld [smem:$0x7F4]  }
0x272: {  	[tilespmem:s14], [sflag:$0x1] =	stream.linear.gather [hbm4b:s21+s2], $0x1800, $0x38;
	[tilespmem:$0x12110] =	vst v63  }
0x273: {  	_ = 	snop  }
0x274: {  	[tilespmem:s15], [sflag:$0x1] =	stream.linear.gather [hbm4b:s18+s2], $0x1800, $0x38;
	[tilespmem:$0x12110] =	vst v63  }
0x275: {  	_ =	swait.ge [sflag:s12], $0x1800  }
0x276: {  	[sflag:s12] =	ssyncset.done $0x0  }
0x277: {  	[sflag:s12] =	ssyncadd.s32 $0xFFFFE800  }
0x278: {  	_ =	swait.ge [sflag:s12], $0x1800  }
0x279: {  	[sflag:s12] =	ssyncset.done $0x0  }
0x27a: {  	[sflag:s12] =	ssyncadd.s32 $0xFFFFE800  }
0x27b: {  	_ =	swait.ge [sflag:s12], $0x1800  }
0x27c: {  	[sflag:s12] =	ssyncset.done $0x0  }
0x27d: {  	s19 =	simm.s32 $0x1800;
	[sflag:s12] =	ssyncadd.s32 $0xFFFFE800  }
0x27e: {  	s20 =	simm.s32 $0x7800;
	v7 =	vld [tilespmem:s19+$0x0]  }
0x27f: {  	v8 =	vld [tilespmem:s20+$0x0]  }
0x280: {  	s17 =	simm.s32 $0x4800  }
0x281: {  	v63 =	vld [tilespmem:s17+$0x0];
	_ =	sdelay $0x1  }
0x282: {  	vm12 =	veq.s32 v7, v0;
	vm13 =	vlt.s32 v7, v6  }
0x283: {  	vm14 =	vge.s32 v8, v1;
	v7 =	vsub.s32 v8, v1;
	vm0 =	vmand vm12, vm13  }
0x284: {  	vm15 =	vlt.s32 v8, v3;
	v7 =	vshll.u32 v7, $0x9;
	vm0 =	vmand vm0, vm14  }
0x285: {  	v7 =	vadd.s32 v63, v7;
	vm0 =	vmand vm15, vm0  }
0x286: {  	v7 =	vnsel vm0, $0x0, v7;
	_ =	sdelay $0x2  }
0x287: {  	s21 =	simm.s32 $0x10800  }
0x288: {  	v8 =	vadd.s32 s21, v5  }
0x289: {  	s19 =	simm.s32 $0x1810;
	[tilespmem:v7+s13+$0x0] =	vst.idx.msk vm0, v8  }
0x28a: {  	s18 =	simm.s32 $0x10810;
	s20 =	simm.s32 $0x7810;
	s21 =	simm.s32 $0x10820;
	v7 =	vld [tilespmem:s19+$0x0]  }
.LBB2_28:
0x28b: {  	p0 =	sne.s32 s21, $0x11FF0;
	v8 =	vld [tilespmem:s20+$0x0]  }
0x28c: {  	s17 =	sadd.s32 $0x10, s17  }
0x28d: {  	v9 =	vld [tilespmem:s17+$0x0];
	_ =	sdelay $0x1  }
0x28e: {  	vm0 =	veq.s32 v7, v0;
	vm1 =	vlt.s32 v7, v6  }
0x28f: {  	vm0 =	vmand vm0, vm1;
	vm1 =	vge.s32 v8, v1;
	v7 =	vsub.s32 v8, v1  }
0x290: {  	vm0 =	vmand vm0, vm1;
	vm1 =	vlt.s32 v8, v3;
	v7 =	vshll.u32 v7, $0x9  }
0x291: {  	vm0 =	vmand vm1, vm0;
	v7 =	vadd.s32 v9, v7  }
0x292: {  	v7 =	vnsel vm0, $0x0, v7;
	_ =	sdelay $0x1  }
.Ltmp13:
0x293: {  	(pc) =	sbr.rel @p0 .LBB2_28-.Ltmp13, $4  }
0x294: {  	_ = 	snop  }
0x295: {  	v8 =	vadd.s32 s18, v5;
	s18 =	smov.u32 s21  }
0x296: {  	s19 =	sadd.s32 $0x10, s19;
	[tilespmem:v7+s13+$0x0] =	vst.idx.msk vm0, v8  }
0x297: {  	s20 =	sadd.s32 $0x10, s20;
	s21 =	sadd.s32 $0x10, s21;
	v7 =	vld [tilespmem:s19+$0x0]  }
0x298: {  	v8 =	vld [tilespmem:s20+$0x0]  }
0x299: {  	s17 =	sadd.s32 $0x10, s17  }
0x29a: {  	v9 =	vld [tilespmem:s17+$0x0];
	_ =	sdelay $0x1  }
0x29b: {  	vm0 =	veq.s32 v7, v0;
	vm1 =	vlt.s32 v7, v6  }
0x29c: {  	vm0 =	vmand vm0, vm1;
	vm10 =	vge.s32 v8, v1;
	v7 =	vsub.s32 v8, v1  }
0x29d: {  	vm11 =	vlt.s32 v8, v3;
	vm0 =	vmand vm0, vm10;
	v7 =	vshll.u32 v7, $0x9  }
0x29e: {  	vm0 =	vmand vm11, vm0;
	v7 =	vadd.s32 v9, v7  }
0x29f: {  	v7 =	vnsel vm0, $0x0, v7;
	_ =	sdelay $0x2  }
0x2a0: {  	s20 =	sld [smem:$0x7F5]  }
0x2a1: {  	v8 =	vadd.s32 s18, v5  }
0x2a2: {  	s21 =	sld [smem:$0x7F6];
	s17 =	simm.s32 $0x0;
	[tilespmem:v7+s13+$0x0] =	vst.idx.msk vm0, v8  }
0x2a3: {  	[tilespmem:s8], [sflag:$0x1] =	stream.linear.gather [hbm4b:s20+s17], $0x1800, $0x38;
	[tilespmem:$0x12110] =	vst v63  }
0x2a4: {  	s19 =	sld [smem:$0x7F7]  }
0x2a5: {  	[tilespmem:s10], [sflag:$0x1] =	stream.linear.gather [hbm4b:s21+s17], $0x1800, $0x38;
	[tilespmem:$0x12110] =	vst v63  }
0x2a6: {  	_ = 	snop  }
0x2a7: {  	[tilespmem:s11], [sflag:$0x1] =	stream.linear.gather [hbm4b:s19+s17], $0x1800, $0x38;
	[tilespmem:$0x12110] =	vst v63  }
0x2a8: {  	_ =	swait.ge [sflag:s12], $0x1800  }
0x2a9: {  	[sflag:s12] =	ssyncset.done $0x0  }
0x2aa: {  	[sflag:s12] =	ssyncadd.s32 $0xFFFFE800  }
0x2ab: {  	_ =	swait.ge [sflag:s12], $0x1800  }
0x2ac: {  	[sflag:s12] =	ssyncset.done $0x0  }
0x2ad: {  	[sflag:s12] =	ssyncadd.s32 $0xFFFFE800  }
0x2ae: {  	_ =	swait.ge [sflag:s12], $0x1800  }
0x2af: {  	[sflag:s12] =	ssyncset.done $0x0  }
0x2b0: {  	[sflag:s12] =	ssyncadd.s32 $0xFFFFE800  }
0x2b1: {  	s20 =	simm.s32 $0x6000;
	v7 =	vld [tilespmem:s17+$0x0]  }
0x2b2: {  	v8 =	vld [tilespmem:s20+$0x0]  }
0x2b3: {  	s17 =	simm.s32 $0x3000  }
0x2b4: {  	v63 =	vld [tilespmem:s17+$0x0];
	_ =	sdelay $0x1  }
0x2b5: {  	vm12 =	veq.s32 v7, v0;
	vm13 =	vlt.s32 v7, v6  }
0x2b6: {  	vm14 =	vge.s32 v8, v1;
	v7 =	vsub.s32 v8, v1;
	vm0 =	vmand vm12, vm13  }
0x2b7: {  	vm15 =	vlt.s32 v8, v3;
	v7 =	vshll.u32 v7, $0x9;
	vm0 =	vmand vm0, vm14  }
0x2b8: {  	v7 =	vadd.s32 v63, v7;
	vm0 =	vmand vm15, vm0  }
0x2b9: {  	v7 =	vnsel vm0, $0x0, v7;
	_ =	sdelay $0x2  }
0x2ba: {  	s21 =	simm.s32 $0x12000  }
0x2bb: {  	v8 =	vadd.s32 s21, v5  }
0x2bc: {  	s19 =	simm.s32 $0x10;
	[tilespmem:v7+s13+$0x0] =	vst.idx.msk vm0, v8  }
0x2bd: {  	s18 =	simm.s32 $0x12010;
	s20 =	simm.s32 $0x6010;
	s21 =	simm.s32 $0x12020;
	v7 =	vld [tilespmem:s19+$0x0]  }
.LBB2_30:
0x2be: {  	p0 =	sne.s32 s21, $0x137F0;
	v8 =	vld [tilespmem:s20+$0x0]  }
0x2bf: {  	s17 =	sadd.s32 $0x10, s17  }
0x2c0: {  	v9 =	vld [tilespmem:s17+$0x0];
	_ =	sdelay $0x1  }
0x2c1: {  	vm0 =	veq.s32 v7, v0;
	vm1 =	vlt.s32 v7, v6  }
0x2c2: {  	vm0 =	vmand vm0, vm1;
	vm1 =	vge.s32 v8, v1;
	v7 =	vsub.s32 v8, v1  }
0x2c3: {  	vm0 =	vmand vm0, vm1;
	vm1 =	vlt.s32 v8, v3;
	v7 =	vshll.u32 v7, $0x9  }
0x2c4: {  	vm0 =	vmand vm1, vm0;
	v7 =	vadd.s32 v9, v7  }
0x2c5: {  	v7 =	vnsel vm0, $0x0, v7;
	_ =	sdelay $0x1  }
.Ltmp14:
0x2c6: {  	(pc) =	sbr.rel @p0 .LBB2_30-.Ltmp14, $4  }
0x2c7: {  	_ = 	snop  }
0x2c8: {  	v8 =	vadd.s32 s18, v5;
	s18 =	smov.u32 s21  }
0x2c9: {  	s19 =	sadd.s32 $0x10, s19;
	[tilespmem:v7+s13+$0x0] =	vst.idx.msk vm0, v8  }
0x2ca: {  	s20 =	sadd.s32 $0x10, s20;
	s21 =	sadd.s32 $0x10, s21;
	v7 =	vld [tilespmem:s19+$0x0]  }
0x2cb: {  	v8 =	vld [tilespmem:s20+$0x0]  }
0x2cc: {  	s17 =	sadd.s32 $0x10, s17  }
0x2cd: {  	v9 =	vld [tilespmem:s17+$0x0];
	_ =	sdelay $0x1  }
0x2ce: {  	vm0 =	veq.s32 v7, v0;
	vm1 =	vlt.s32 v7, v6  }
0x2cf: {  	vm0 =	vmand vm0, vm1;
	vm10 =	vge.s32 v8, v1;
	v7 =	vsub.s32 v8, v1  }
0x2d0: {  	vm11 =	vlt.s32 v8, v3;
	vm0 =	vmand vm0, vm10;
	v7 =	vshll.u32 v7, $0x9  }
0x2d1: {  	vm0 =	vmand vm11, vm0;
	v7 =	vadd.s32 v9, v7  }
0x2d2: {  	v7 =	vnsel vm0, $0x0, v7;
	_ =	sdelay $0x2  }
0x2d3: {  	s20 =	sld [smem:$0x7F8]  }
0x2d4: {  	v8 =	vadd.s32 s18, v5  }
0x2d5: {  	s21 =	sld [smem:$0x7F9];
	[tilespmem:v7+s13+$0x0] =	vst.idx.msk vm0, v8  }
0x2d6: {  	[tilespmem:s2], [sflag:$0x1] =	stream.linear.gather [hbm4b:s20+s2], $0x1800, $0x38;
	[tilespmem:$0x12110] =	vst v63  }
0x2d7: {  	s18 =	sld [smem:$0x7FA]  }
0x2d8: {  	[tilespmem:s14], [sflag:$0x1] =	stream.linear.gather [hbm4b:s21+s2], $0x1800, $0x38;
	[tilespmem:$0x12110] =	vst v63  }
0x2d9: {  	_ = 	snop  }
0x2da: {  	[tilespmem:s15], [sflag:$0x1] =	stream.linear.gather [hbm4b:s18+s2], $0x1800, $0x38;
	[tilespmem:$0x12110] =	vst v63  }
0x2db: {  	_ =	swait.ge [sflag:s12], $0x1800  }
0x2dc: {  	[sflag:s12] =	ssyncset.done $0x0  }
0x2dd: {  	[sflag:s12] =	ssyncadd.s32 $0xFFFFE800  }
0x2de: {  	_ =	swait.ge [sflag:s12], $0x1800  }
0x2df: {  	[sflag:s12] =	ssyncset.done $0x0  }
0x2e0: {  	[sflag:s12] =	ssyncadd.s32 $0xFFFFE800  }
0x2e1: {  	_ =	swait.ge [sflag:s12], $0x1800  }
0x2e2: {  	[sflag:s12] =	ssyncset.done $0x0  }
0x2e3: {  	s19 =	simm.s32 $0x1800;
	[sflag:s12] =	ssyncadd.s32 $0xFFFFE800  }
0x2e4: {  	s20 =	simm.s32 $0x7800;
	v7 =	vld [tilespmem:s19+$0x0]  }
0x2e5: {  	v8 =	vld [tilespmem:s20+$0x0]  }
0x2e6: {  	s17 =	simm.s32 $0x4800  }
0x2e7: {  	v63 =	vld [tilespmem:s17+$0x0];
	_ =	sdelay $0x1  }
0x2e8: {  	vm12 =	veq.s32 v7, v0;
	vm13 =	vlt.s32 v7, v6  }
0x2e9: {  	vm14 =	vge.s32 v8, v1;
	v7 =	vsub.s32 v8, v1;
	vm0 =	vmand vm12, vm13  }
0x2ea: {  	vm15 =	vlt.s32 v8, v3;
	v7 =	vshll.u32 v7, $0x9;
	vm0 =	vmand vm0, vm14  }
0x2eb: {  	v7 =	vadd.s32 v63, v7;
	vm0 =	vmand vm15, vm0  }
0x2ec: {  	v7 =	vnsel vm0, $0x0, v7;
	_ =	sdelay $0x2  }
0x2ed: {  	s21 =	simm.s32 $0x13800  }
0x2ee: {  	v8 =	vadd.s32 s21, v5  }
0x2ef: {  	s19 =	simm.s32 $0x1810;
	[tilespmem:v7+s13+$0x0] =	vst.idx.msk vm0, v8  }
0x2f0: {  	s18 =	simm.s32 $0x13810;
	s20 =	simm.s32 $0x7810;
	s21 =	simm.s32 $0x13820;
	v7 =	vld [tilespmem:s19+$0x0]  }
.LBB2_32:
0x2f1: {  	p0 =	sne.s32 s21, $0x14FF0;
	v8 =	vld [tilespmem:s20+$0x0]  }
0x2f2: {  	s17 =	sadd.s32 $0x10, s17  }
0x2f3: {  	v9 =	vld [tilespmem:s17+$0x0];
	_ =	sdelay $0x1  }
0x2f4: {  	vm0 =	veq.s32 v7, v0;
	vm1 =	vlt.s32 v7, v6  }
0x2f5: {  	vm0 =	vmand vm0, vm1;
	vm1 =	vge.s32 v8, v1;
	v7 =	vsub.s32 v8, v1  }
0x2f6: {  	vm0 =	vmand vm0, vm1;
	vm1 =	vlt.s32 v8, v3;
	v7 =	vshll.u32 v7, $0x9  }
0x2f7: {  	vm0 =	vmand vm1, vm0;
	v7 =	vadd.s32 v9, v7  }
0x2f8: {  	v7 =	vnsel vm0, $0x0, v7;
	_ =	sdelay $0x1  }
.Ltmp15:
0x2f9: {  	(pc) =	sbr.rel @p0 .LBB2_32-.Ltmp15, $4  }
0x2fa: {  	_ = 	snop  }
0x2fb: {  	v8 =	vadd.s32 s18, v5;
	s18 =	smov.u32 s21  }
0x2fc: {  	s19 =	sadd.s32 $0x10, s19;
	[tilespmem:v7+s13+$0x0] =	vst.idx.msk vm0, v8  }
0x2fd: {  	s20 =	sadd.s32 $0x10, s20;
	s21 =	sadd.s32 $0x10, s21;
	v7 =	vld [tilespmem:s19+$0x0]  }
0x2fe: {  	v8 =	vld [tilespmem:s20+$0x0]  }
0x2ff: {  	s17 =	sadd.s32 $0x10, s17  }
0x300: {  	v9 =	vld [tilespmem:s17+$0x0];
	_ =	sdelay $0x1  }
0x301: {  	vm0 =	veq.s32 v7, v0;
	vm1 =	vlt.s32 v7, v6  }
0x302: {  	vm0 =	vmand vm0, vm1;
	vm10 =	vge.s32 v8, v1;
	v7 =	vsub.s32 v8, v1  }
0x303: {  	vm11 =	vlt.s32 v8, v3;
	vm0 =	vmand vm0, vm10;
	v7 =	vshll.u32 v7, $0x9  }
0x304: {  	vm0 =	vmand vm11, vm0;
	v7 =	vadd.s32 v9, v7  }
0x305: {  	v7 =	vnsel vm0, $0x0, v7;
	_ =	sdelay $0x2  }
0x306: {  	s20 =	sld [smem:$0x7FB]  }
0x307: {  	v8 =	vadd.s32 s18, v5  }
0x308: {  	s21 =	sld [smem:$0x7FC];
	s17 =	simm.s32 $0x0;
	[tilespmem:v7+s13+$0x0] =	vst.idx.msk vm0, v8  }
0x309: {  	[tilespmem:s8], [sflag:$0x1] =	stream.linear.gather [hbm4b:s20+s17], $0x1800, $0x38;
	[tilespmem:$0x12110] =	vst v63  }
0x30a: {  	s19 =	sld [smem:$0x7FD]  }
0x30b: {  	[tilespmem:s10], [sflag:$0x1] =	stream.linear.gather [hbm4b:s21+s17], $0x1800, $0x38;
	[tilespmem:$0x12110] =	vst v63  }
0x30c: {  	_ = 	snop  }
0x30d: {  	[tilespmem:s11], [sflag:$0x1] =	stream.linear.gather [hbm4b:s19+s17], $0x1800, $0x38;
	[tilespmem:$0x12110] =	vst v63  }
0x30e: {  	_ =	swait.ge [sflag:s12], $0x1800  }
0x30f: {  	[sflag:s12] =	ssyncset.done $0x0  }
0x310: {  	[sflag:s12] =	ssyncadd.s32 $0xFFFFE800  }
0x311: {  	_ =	swait.ge [sflag:s12], $0x1800  }
0x312: {  	[sflag:s12] =	ssyncset.done $0x0  }
0x313: {  	[sflag:s12] =	ssyncadd.s32 $0xFFFFE800  }
0x314: {  	_ =	swait.ge [sflag:s12], $0x1800  }
0x315: {  	[sflag:s12] =	ssyncset.done $0x0  }
0x316: {  	[sflag:s12] =	ssyncadd.s32 $0xFFFFE800  }
0x317: {  	s20 =	simm.s32 $0x6000;
	v7 =	vld [tilespmem:s17+$0x0]  }
0x318: {  	v8 =	vld [tilespmem:s20+$0x0]  }
0x319: {  	s17 =	simm.s32 $0x3000  }
0x31a: {  	v63 =	vld [tilespmem:s17+$0x0];
	_ =	sdelay $0x1  }
0x31b: {  	vm12 =	veq.s32 v7, v0;
	vm13 =	vlt.s32 v7, v6  }
0x31c: {  	vm14 =	vge.s32 v8, v1;
	v7 =	vsub.s32 v8, v1;
	vm0 =	vmand vm12, vm13  }
0x31d: {  	vm15 =	vlt.s32 v8, v3;
	v7 =	vshll.u32 v7, $0x9;
	vm0 =	vmand vm0, vm14  }
0x31e: {  	v7 =	vadd.s32 v63, v7;
	vm0 =	vmand vm15, vm0  }
0x31f: {  	v7 =	vnsel vm0, $0x0, v7;
	_ =	sdelay $0x2  }
0x320: {  	s21 =	simm.s32 $0x15000  }
0x321: {  	v8 =	vadd.s32 s21, v5  }
0x322: {  	s19 =	simm.s32 $0x10;
	[tilespmem:v7+s13+$0x0] =	vst.idx.msk vm0, v8  }
0x323: {  	s18 =	simm.s32 $0x15010;
	s20 =	simm.s32 $0x6010;
	s21 =	simm.s32 $0x15020;
	v7 =	vld [tilespmem:s19+$0x0]  }
.LBB2_34:
0x324: {  	p0 =	sne.s32 s21, $0x167F0;
	v8 =	vld [tilespmem:s20+$0x0]  }
0x325: {  	s17 =	sadd.s32 $0x10, s17  }
0x326: {  	v9 =	vld [tilespmem:s17+$0x0];
	_ =	sdelay $0x1  }
0x327: {  	vm0 =	veq.s32 v7, v0;
	vm1 =	vlt.s32 v7, v6  }
0x328: {  	vm0 =	vmand vm0, vm1;
	vm1 =	vge.s32 v8, v1;
	v7 =	vsub.s32 v8, v1  }
0x329: {  	vm0 =	vmand vm0, vm1;
	vm1 =	vlt.s32 v8, v3;
	v7 =	vshll.u32 v7, $0x9  }
0x32a: {  	vm0 =	vmand vm1, vm0;
	v7 =	vadd.s32 v9, v7  }
0x32b: {  	v7 =	vnsel vm0, $0x0, v7;
	_ =	sdelay $0x1  }
.Ltmp16:
0x32c: {  	(pc) =	sbr.rel @p0 .LBB2_34-.Ltmp16, $4  }
0x32d: {  	_ = 	snop  }
0x32e: {  	v8 =	vadd.s32 s18, v5;
	s18 =	smov.u32 s21  }
0x32f: {  	s19 =	sadd.s32 $0x10, s19;
	[tilespmem:v7+s13+$0x0] =	vst.idx.msk vm0, v8  }
0x330: {  	s20 =	sadd.s32 $0x10, s20;
	s21 =	sadd.s32 $0x10, s21;
	v7 =	vld [tilespmem:s19+$0x0]  }
0x331: {  	v8 =	vld [tilespmem:s20+$0x0]  }
0x332: {  	s17 =	sadd.s32 $0x10, s17  }
0x333: {  	v9 =	vld [tilespmem:s17+$0x0];
	_ =	sdelay $0x1  }
0x334: {  	vm0 =	veq.s32 v7, v0;
	vm1 =	vlt.s32 v7, v6  }
0x335: {  	vm0 =	vmand vm0, vm1;
	vm10 =	vge.s32 v8, v1;
	v7 =	vsub.s32 v8, v1  }
0x336: {  	vm11 =	vlt.s32 v8, v3;
	vm0 =	vmand vm0, vm10;
	v7 =	vshll.u32 v7, $0x9  }
0x337: {  	vm0 =	vmand vm11, vm0;
	v7 =	vadd.s32 v9, v7  }
0x338: {  	v7 =	vnsel vm0, $0x0, v7;
	_ =	sdelay $0x3  }
0x339: {  	v8 =	vadd.s32 s18, v5  }
0x33a: {  	[tilespmem:v7+s13+$0x0] =	vst.idx.msk vm0, v8  }
0x33b: {  	[tilespmem:s2], [sflag:$0x1] =	stream.linear.gather [hbm4b:s22+s2], $0x1800, $0x38;
	[tilespmem:$0x12110] =	vst v63  }
0x33c: {  	_ = 	snop  }
0x33d: {  	[tilespmem:s14], [sflag:$0x1] =	stream.linear.gather [hbm4b:s23+s2], $0x1800, $0x38;
	[tilespmem:$0x12110] =	vst v63  }
0x33e: {  	_ = 	snop  }
0x33f: {  	[tilespmem:s15], [sflag:$0x1] =	stream.linear.gather [hbm4b:s24+s2], $0x1800, $0x38;
	[tilespmem:$0x12110] =	vst v63  }
0x340: {  	_ =	swait.ge [sflag:s12], $0x1800  }
0x341: {  	[sflag:s12] =	ssyncset.done $0x0  }
0x342: {  	[sflag:s12] =	ssyncadd.s32 $0xFFFFE800  }
0x343: {  	_ =	swait.ge [sflag:s12], $0x1800  }
0x344: {  	[sflag:s12] =	ssyncset.done $0x0  }
0x345: {  	[sflag:s12] =	ssyncadd.s32 $0xFFFFE800  }
0x346: {  	_ =	swait.ge [sflag:s12], $0x1800  }
0x347: {  	[sflag:s12] =	ssyncset.done $0x0  }
0x348: {  	s19 =	simm.s32 $0x1800;
	[sflag:s12] =	ssyncadd.s32 $0xFFFFE800  }
0x349: {  	s20 =	simm.s32 $0x7800;
	v7 =	vld [tilespmem:s19+$0x0]  }
0x34a: {  	v8 =	vld [tilespmem:s20+$0x0]  }
0x34b: {  	s17 =	simm.s32 $0x4800  }
0x34c: {  	v63 =	vld [tilespmem:s17+$0x0];
	_ =	sdelay $0x1  }
0x34d: {  	vm12 =	veq.s32 v7, v0;
	vm13 =	vlt.s32 v7, v6  }
0x34e: {  	vm14 =	vge.s32 v8, v1;
	v7 =	vsub.s32 v8, v1;
	vm0 =	vmand vm12, vm13  }
0x34f: {  	vm15 =	vlt.s32 v8, v3;
	v7 =	vshll.u32 v7, $0x9;
	vm0 =	vmand vm0, vm14  }
0x350: {  	v7 =	vadd.s32 v63, v7;
	vm0 =	vmand vm15, vm0  }
0x351: {  	v7 =	vnsel vm0, $0x0, v7;
	_ =	sdelay $0x2  }
0x352: {  	s21 =	simm.s32 $0x16800  }
0x353: {  	v8 =	vadd.s32 s21, v5  }
0x354: {  	s19 =	simm.s32 $0x1810;
	[tilespmem:v7+s13+$0x0] =	vst.idx.msk vm0, v8  }
0x355: {  	s18 =	simm.s32 $0x16810;
	s20 =	simm.s32 $0x7810;
	s21 =	simm.s32 $0x16820;
	v7 =	vld [tilespmem:s19+$0x0]  }
.LBB2_36:
0x356: {  	p0 =	sne.s32 s21, $0x17FF0;
	v8 =	vld [tilespmem:s20+$0x0]  }
0x357: {  	s17 =	sadd.s32 $0x10, s17  }
0x358: {  	v9 =	vld [tilespmem:s17+$0x0];
	_ =	sdelay $0x1  }
0x359: {  	vm0 =	veq.s32 v7, v0;
	vm1 =	vlt.s32 v7, v6  }
0x35a: {  	vm0 =	vmand vm0, vm1;
	vm1 =	vge.s32 v8, v1;
	v7 =	vsub.s32 v8, v1  }
0x35b: {  	vm0 =	vmand vm0, vm1;
	vm1 =	vlt.s32 v8, v3;
	v7 =	vshll.u32 v7, $0x9  }
0x35c: {  	vm0 =	vmand vm1, vm0;
	v7 =	vadd.s32 v9, v7  }
0x35d: {  	v7 =	vnsel vm0, $0x0, v7;
	_ =	sdelay $0x1  }
.Ltmp17:
0x35e: {  	(pc) =	sbr.rel @p0 .LBB2_36-.Ltmp17, $4  }
0x35f: {  	_ = 	snop  }
0x360: {  	v8 =	vadd.s32 s18, v5;
	s18 =	smov.u32 s21  }
0x361: {  	s19 =	sadd.s32 $0x10, s19;
	[tilespmem:v7+s13+$0x0] =	vst.idx.msk vm0, v8  }
0x362: {  	s20 =	sadd.s32 $0x10, s20;
	s21 =	sadd.s32 $0x10, s21;
	v7 =	vld [tilespmem:s19+$0x0]  }
0x363: {  	v8 =	vld [tilespmem:s20+$0x0]  }
0x364: {  	s17 =	sadd.s32 $0x10, s17  }
0x365: {  	v9 =	vld [tilespmem:s17+$0x0];
	_ =	sdelay $0x1  }
0x366: {  	vm0 =	veq.s32 v7, v0;
	vm1 =	vlt.s32 v7, v6  }
0x367: {  	vm0 =	vmand vm0, vm1;
	vm10 =	vge.s32 v8, v1;
	v7 =	vsub.s32 v8, v1  }
0x368: {  	vm11 =	vlt.s32 v8, v3;
	vm0 =	vmand vm0, vm10;
	v7 =	vshll.u32 v7, $0x9  }
0x369: {  	vm0 =	vmand vm11, vm0;
	v7 =	vadd.s32 v9, v7  }
0x36a: {  	v7 =	vnsel vm0, $0x0, v7;
	_ =	sdelay $0x3  }
0x36b: {  	v8 =	vadd.s32 s18, v5  }
0x36c: {  	s19 =	simm.s32 $0x0;
	[tilespmem:v7+s13+$0x0] =	vst.idx.msk vm0, v8  }
0x36d: {  	[tilespmem:s8], [sflag:$0x1] =	stream.linear.gather [hbm4b:s25+s19], $0x1800, $0x38;
	[tilespmem:$0x12110] =	vst v63  }
0x36e: {  	_ = 	snop  }
0x36f: {  	[tilespmem:s10], [sflag:$0x1] =	stream.linear.gather [hbm4b:s26+s19], $0x1800, $0x38;
	[tilespmem:$0x12110] =	vst v63  }
0x370: {  	_ = 	snop  }
0x371: {  	[tilespmem:s11], [sflag:$0x1] =	stream.linear.gather [hbm4b:s28+s19], $0x1800, $0x38;
	[tilespmem:$0x12110] =	vst v63  }
0x372: {  	_ =	swait.ge [sflag:s12], $0x1800  }
0x373: {  	[sflag:s12] =	ssyncset.done $0x0  }
0x374: {  	[sflag:s12] =	ssyncadd.s32 $0xFFFFE800  }
0x375: {  	_ =	swait.ge [sflag:s12], $0x1800  }
0x376: {  	[sflag:s12] =	ssyncset.done $0x0  }
0x377: {  	[sflag:s12] =	ssyncadd.s32 $0xFFFFE800  }
0x378: {  	_ =	swait.ge [sflag:s12], $0x1800  }
0x379: {  	[sflag:s12] =	ssyncset.done $0x0  }
0x37a: {  	[sflag:s12] =	ssyncadd.s32 $0xFFFFE800  }
0x37b: {  	s20 =	simm.s32 $0x6000;
	v7 =	vld [tilespmem:s19+$0x0]  }
0x37c: {  	v8 =	vld [tilespmem:s20+$0x0]  }
0x37d: {  	s17 =	simm.s32 $0x3000  }
0x37e: {  	v63 =	vld [tilespmem:s17+$0x0];
	_ =	sdelay $0x1  }
0x37f: {  	vm12 =	veq.s32 v7, v0;
	vm13 =	vlt.s32 v7, v6  }
0x380: {  	vm14 =	vge.s32 v8, v1;
	v7 =	vsub.s32 v8, v1;
	vm0 =	vmand vm12, vm13  }
0x381: {  	vm15 =	vlt.s32 v8, v3;
	v7 =	vshll.u32 v7, $0x9;
	vm0 =	vmand vm0, vm14  }
0x382: {  	v7 =	vadd.s32 v63, v7;
	vm0 =	vmand vm15, vm0  }
0x383: {  	v7 =	vnsel vm0, $0x0, v7;
	_ =	sdelay $0x2  }
0x384: {  	s21 =	simm.s32 $0x18000  }
0x385: {  	v8 =	vadd.s32 s21, v5  }
0x386: {  	s19 =	simm.s32 $0x10;
	[tilespmem:v7+s13+$0x0] =	vst.idx.msk vm0, v8  }
0x387: {  	s18 =	simm.s32 $0x18010;
	s20 =	simm.s32 $0x6010;
	s21 =	simm.s32 $0x18020;
	v7 =	vld [tilespmem:s19+$0x0]  }
.LBB2_38:
0x388: {  	p0 =	sne.s32 s21, $0x197F0;
	v8 =	vld [tilespmem:s20+$0x0]  }
0x389: {  	s17 =	sadd.s32 $0x10, s17  }
0x38a: {  	v9 =	vld [tilespmem:s17+$0x0];
	_ =	sdelay $0x1  }
0x38b: {  	vm0 =	veq.s32 v7, v0;
	vm1 =	vlt.s32 v7, v6  }
0x38c: {  	vm0 =	vmand vm0, vm1;
	vm1 =	vge.s32 v8, v1;
	v7 =	vsub.s32 v8, v1  }
0x38d: {  	vm0 =	vmand vm0, vm1;
	vm1 =	vlt.s32 v8, v3;
	v7 =	vshll.u32 v7, $0x9  }
0x38e: {  	vm0 =	vmand vm1, vm0;
	v7 =	vadd.s32 v9, v7  }
0x38f: {  	v7 =	vnsel vm0, $0x0, v7;
	_ =	sdelay $0x1  }
.Ltmp18:
0x390: {  	(pc) =	sbr.rel @p0 .LBB2_38-.Ltmp18, $4  }
0x391: {  	_ = 	snop  }
0x392: {  	v8 =	vadd.s32 s18, v5;
	s18 =	smov.u32 s21  }
0x393: {  	s19 =	sadd.s32 $0x10, s19;
	[tilespmem:v7+s13+$0x0] =	vst.idx.msk vm0, v8  }
0x394: {  	s20 =	sadd.s32 $0x10, s20;
	s21 =	sadd.s32 $0x10, s21;
	v7 =	vld [tilespmem:s19+$0x0]  }
0x395: {  	v8 =	vld [tilespmem:s20+$0x0]  }
0x396: {  	s17 =	sadd.s32 $0x10, s17  }
0x397: {  	v9 =	vld [tilespmem:s17+$0x0];
	_ =	sdelay $0x1  }
0x398: {  	vm0 =	veq.s32 v7, v0;
	vm1 =	vlt.s32 v7, v6  }
0x399: {  	vm0 =	vmand vm0, vm1;
	vm10 =	vge.s32 v8, v1;
	v7 =	vsub.s32 v8, v1  }
0x39a: {  	vm11 =	vlt.s32 v8, v3;
	vm0 =	vmand vm0, vm10;
	v7 =	vshll.u32 v7, $0x9  }
0x39b: {  	vm0 =	vmand vm11, vm0;
	v7 =	vadd.s32 v9, v7  }
0x39c: {  	v7 =	vnsel vm0, $0x0, v7;
	_ =	sdelay $0x3  }
0x39d: {  	v8 =	vadd.s32 s18, v5  }
0x39e: {  	[tilespmem:v7+s13+$0x0] =	vst.idx.msk vm0, v8  }
0x39f: {  	[tilespmem:s2], [sflag:$0x1] =	stream.linear.gather [hbm4b:s29+s2], $0x1800, $0x38;
	[tilespmem:$0x12110] =	vst v63  }
0x3a0: {  	_ = 	snop  }
0x3a1: {  	[tilespmem:s14], [sflag:$0x1] =	stream.linear.gather [hbm4b:s30+s2], $0x1800, $0x38;
	[tilespmem:$0x12110] =	vst v63  }
0x3a2: {  	_ = 	snop  }
0x3a3: {  	[tilespmem:s15], [sflag:$0x1] =	stream.linear.gather [hbm4b:s31+s2], $0x1800, $0x38;
	[tilespmem:$0x12110] =	vst v63  }
0x3a4: {  	_ =	swait.ge [sflag:s12], $0x1800  }
0x3a5: {  	[sflag:s12] =	ssyncset.done $0x0  }
0x3a6: {  	[sflag:s12] =	ssyncadd.s32 $0xFFFFE800  }
0x3a7: {  	_ =	swait.ge [sflag:s12], $0x1800  }
0x3a8: {  	[sflag:s12] =	ssyncset.done $0x0  }
0x3a9: {  	[sflag:s12] =	ssyncadd.s32 $0xFFFFE800  }
0x3aa: {  	_ =	swait.ge [sflag:s12], $0x1800  }
0x3ab: {  	[sflag:s12] =	ssyncset.done $0x0  }
0x3ac: {  	s19 =	simm.s32 $0x1800;
	[sflag:s12] =	ssyncadd.s32 $0xFFFFE800  }
0x3ad: {  	s20 =	simm.s32 $0x7800;
	v7 =	vld [tilespmem:s19+$0x0]  }
0x3ae: {  	v8 =	vld [tilespmem:s20+$0x0]  }
0x3af: {  	s17 =	simm.s32 $0x4800  }
0x3b0: {  	v63 =	vld [tilespmem:s17+$0x0];
	_ =	sdelay $0x1  }
0x3b1: {  	vm12 =	veq.s32 v7, v0;
	vm13 =	vlt.s32 v7, v6  }
0x3b2: {  	vm14 =	vge.s32 v8, v1;
	v7 =	vsub.s32 v8, v1;
	vm0 =	vmand vm12, vm13  }
0x3b3: {  	vm15 =	vlt.s32 v8, v3;
	v7 =	vshll.u32 v7, $0x9;
	vm0 =	vmand vm0, vm14  }
0x3b4: {  	v7 =	vadd.s32 v63, v7;
	vm0 =	vmand vm15, vm0  }
0x3b5: {  	v7 =	vnsel vm0, $0x0, v7;
	_ =	sdelay $0x2  }
0x3b6: {  	s21 =	simm.s32 $0x19800  }
0x3b7: {  	v8 =	vadd.s32 s21, v5  }
0x3b8: {  	s19 =	simm.s32 $0x1810;
	[tilespmem:v7+s13+$0x0] =	vst.idx.msk vm0, v8  }
0x3b9: {  	s18 =	simm.s32 $0x19810;
	s20 =	simm.s32 $0x7810;
	s21 =	simm.s32 $0x19820;
	v7 =	vld [tilespmem:s19+$0x0]  }
.LBB2_40:
0x3ba: {  	p0 =	sne.s32 s21, $0x1AFF0;
	v8 =	vld [tilespmem:s20+$0x0]  }
0x3bb: {  	s17 =	sadd.s32 $0x10, s17  }
0x3bc: {  	v9 =	vld [tilespmem:s17+$0x0];
	_ =	sdelay $0x1  }
0x3bd: {  	vm0 =	veq.s32 v7, v0;
	vm1 =	vlt.s32 v7, v6  }
0x3be: {  	vm0 =	vmand vm0, vm1;
	vm1 =	vge.s32 v8, v1;
	v7 =	vsub.s32 v8, v1  }
0x3bf: {  	vm0 =	vmand vm0, vm1;
	vm1 =	vlt.s32 v8, v3;
	v7 =	vshll.u32 v7, $0x9  }
0x3c0: {  	vm0 =	vmand vm1, vm0;
	v7 =	vadd.s32 v9, v7  }
0x3c1: {  	v7 =	vnsel vm0, $0x0, v7;
	_ =	sdelay $0x1  }
.Ltmp19:
0x3c2: {  	(pc) =	sbr.rel @p0 .LBB2_40-.Ltmp19, $4  }
0x3c3: {  	_ = 	snop  }
0x3c4: {  	v8 =	vadd.s32 s18, v5;
	s18 =	smov.u32 s21  }
0x3c5: {  	s19 =	sadd.s32 $0x10, s19;
	[tilespmem:v7+s13+$0x0] =	vst.idx.msk vm0, v8  }
0x3c6: {  	s20 =	sadd.s32 $0x10, s20;
	s21 =	sadd.s32 $0x10, s21;
	v7 =	vld [tilespmem:s19+$0x0]  }
0x3c7: {  	v8 =	vld [tilespmem:s20+$0x0]  }
0x3c8: {  	s17 =	sadd.s32 $0x10, s17  }
0x3c9: {  	v9 =	vld [tilespmem:s17+$0x0];
	_ =	sdelay $0x1  }
0x3ca: {  	vm0 =	veq.s32 v7, v0;
	vm1 =	vlt.s32 v7, v6  }
0x3cb: {  	vm0 =	vmand vm0, vm1;
	vm10 =	vge.s32 v8, v1;
	v7 =	vsub.s32 v8, v1  }
0x3cc: {  	vm11 =	vlt.s32 v8, v3;
	vm0 =	vmand vm0, vm10;
	v7 =	vshll.u32 v7, $0x9  }
0x3cd: {  	vm0 =	vmand vm11, vm0;
	v7 =	vadd.s32 v9, v7  }
0x3ce: {  	v7 =	vnsel vm0, $0x0, v7;
	_ =	sdelay $0x3  }
0x3cf: {  	v8 =	vadd.s32 s18, v5  }
0x3d0: {  	s19 =	simm.s32 $0x0;
	[tilespmem:v7+s13+$0x0] =	vst.idx.msk vm0, v8  }
0x3d1: {  	[tilespmem:s8], [sflag:$0x1] =	stream.linear.gather [hbm4b:s0+s19], $0x1800, $0x38;
	[tilespmem:$0x12110] =	vst v63  }
0x3d2: {  	_ = 	snop  }
0x3d3: {  	[tilespmem:s10], [sflag:$0x1] =	stream.linear.gather [hbm4b:s1+s19], $0x1800, $0x38;
	[tilespmem:$0x12110] =	vst v63  }
0x3d4: {  	_ = 	snop  }
0x3d5: {  	[tilespmem:s11], [sflag:$0x1] =	stream.linear.gather [hbm4b:s3+s19], $0x1800, $0x38;
	[tilespmem:$0x12110] =	vst v63  }
0x3d6: {  	_ =	swait.ge [sflag:s12], $0x1800  }
0x3d7: {  	[sflag:s12] =	ssyncset.done $0x0  }
0x3d8: {  	[sflag:s12] =	ssyncadd.s32 $0xFFFFE800  }
0x3d9: {  	_ =	swait.ge [sflag:s12], $0x1800  }
0x3da: {  	[sflag:s12] =	ssyncset.done $0x0  }
0x3db: {  	[sflag:s12] =	ssyncadd.s32 $0xFFFFE800  }
0x3dc: {  	_ =	swait.ge [sflag:s12], $0x1800  }
0x3dd: {  	[sflag:s12] =	ssyncset.done $0x0  }
0x3de: {  	[sflag:s12] =	ssyncadd.s32 $0xFFFFE800  }
0x3df: {  	s20 =	simm.s32 $0x6000;
	v7 =	vld [tilespmem:s19+$0x0]  }
0x3e0: {  	v8 =	vld [tilespmem:s20+$0x0]  }
0x3e1: {  	s17 =	simm.s32 $0x3000  }
0x3e2: {  	v63 =	vld [tilespmem:s17+$0x0];
	_ =	sdelay $0x1  }
0x3e3: {  	vm12 =	veq.s32 v7, v0;
	vm13 =	vlt.s32 v7, v6  }
0x3e4: {  	vm14 =	vge.s32 v8, v1;
	v7 =	vsub.s32 v8, v1;
	vm0 =	vmand vm12, vm13  }
0x3e5: {  	vm15 =	vlt.s32 v8, v3;
	v7 =	vshll.u32 v7, $0x9;
	vm0 =	vmand vm0, vm14  }
0x3e6: {  	v7 =	vadd.s32 v63, v7;
	vm0 =	vmand vm15, vm0  }
0x3e7: {  	v7 =	vnsel vm0, $0x0, v7;
	_ =	sdelay $0x2  }
0x3e8: {  	s21 =	simm.s32 $0x1B000  }
0x3e9: {  	v8 =	vadd.s32 s21, v5  }
0x3ea: {  	s19 =	simm.s32 $0x10;
	[tilespmem:v7+s13+$0x0] =	vst.idx.msk vm0, v8  }
0x3eb: {  	s18 =	simm.s32 $0x1B010;
	s20 =	simm.s32 $0x6010;
	s21 =	simm.s32 $0x1B020;
	v7 =	vld [tilespmem:s19+$0x0]  }
.LBB2_42:
0x3ec: {  	p0 =	sne.s32 s21, $0x1C7F0;
	v8 =	vld [tilespmem:s20+$0x0]  }
0x3ed: {  	s17 =	sadd.s32 $0x10, s17  }
0x3ee: {  	v9 =	vld [tilespmem:s17+$0x0];
	_ =	sdelay $0x1  }
0x3ef: {  	vm0 =	veq.s32 v7, v0;
	vm1 =	vlt.s32 v7, v6  }
0x3f0: {  	vm0 =	vmand vm0, vm1;
	vm1 =	vge.s32 v8, v1;
	v7 =	vsub.s32 v8, v1  }
0x3f1: {  	vm0 =	vmand vm0, vm1;
	vm1 =	vlt.s32 v8, v3;
	v7 =	vshll.u32 v7, $0x9  }
0x3f2: {  	vm0 =	vmand vm1, vm0;
	v7 =	vadd.s32 v9, v7  }
0x3f3: {  	v7 =	vnsel vm0, $0x0, v7;
	_ =	sdelay $0x1  }
.Ltmp20:
0x3f4: {  	(pc) =	sbr.rel @p0 .LBB2_42-.Ltmp20, $4  }
0x3f5: {  	_ = 	snop  }
0x3f6: {  	v8 =	vadd.s32 s18, v5;
	s18 =	smov.u32 s21  }
0x3f7: {  	s19 =	sadd.s32 $0x10, s19;
	[tilespmem:v7+s13+$0x0] =	vst.idx.msk vm0, v8  }
0x3f8: {  	s20 =	sadd.s32 $0x10, s20;
	s21 =	sadd.s32 $0x10, s21;
	v7 =	vld [tilespmem:s19+$0x0]  }
0x3f9: {  	v8 =	vld [tilespmem:s20+$0x0]  }
0x3fa: {  	s17 =	sadd.s32 $0x10, s17  }
0x3fb: {  	v9 =	vld [tilespmem:s17+$0x0];
	_ =	sdelay $0x1  }
0x3fc: {  	vm0 =	veq.s32 v7, v0;
	vm1 =	vlt.s32 v7, v6  }
0x3fd: {  	vm0 =	vmand vm0, vm1;
	vm14 =	vge.s32 v8, v1;
	v7 =	vsub.s32 v8, v1  }
0x3fe: {  	vm15 =	vlt.s32 v8, v3;
	vm0 =	vmand vm0, vm14;
	v7 =	vshll.u32 v7, $0x9  }
0x3ff: {  	vm0 =	vmand vm15, vm0;
	v7 =	vadd.s32 v9, v7  }
0x400: {  	v7 =	vnsel vm0, $0x0, v7;
	_ =	sdelay $0x3  }
0x401: {  	v8 =	vadd.s32 s18, v5  }
0x402: {  	[tilespmem:v7+s13+$0x0] =	vst.idx.msk vm0, v8  }
0x403: {  	_ =	swait.ge [sflag:s12], $0x1800  }
0x404: {  	[sflag:s12] =	ssyncset.done $0x0  }
0x405: {  	[sflag:s12] =	ssyncadd.s32 $0xFFFFE800  }
0x406: {  	_ =	swait.ge [sflag:s12], $0x1800  }
0x407: {  	[sflag:s12] =	ssyncset.done $0x0  }
0x408: {  	[sflag:s12] =	ssyncadd.s32 $0xFFFFE800  }
0x409: {  	_ =	swait.ge [sflag:s12], $0x1800  }
0x40a: {  	s19 =	simm.s32 $0x4800;
	s20 =	simm.s32 $0x7800;
	[sflag:s12] =	ssyncset.done $0x0  }
0x40b: {  	s17 =	simm.s32 $0x1C800;
	s18 =	simm.s32 $0x1800;
	[sflag:s12] =	ssyncadd.s32 $0xFFFFE800  }
.LBB2_44:
0x40c: {  	v7 =	vld [tilespmem:s18+$0x0]  }
0x40d: {  	v8 =	vld [tilespmem:s20+$0x0];
	_ =	sdelay $0x1  }
0x40e: {  	v9 =	vld [tilespmem:s19+$0x0];
	_ =	sdelay $0x1  }
0x40f: {  	vm0 =	veq.s32 v7, v0;
	vm1 =	vlt.s32 v7, v6  }
0x410: {  	vm14 =	vge.s32 v8, v1;
	v7 =	vsub.s32 v8, v1;
	vm0 =	vmand vm0, vm1  }
0x411: {  	vm15 =	vlt.s32 v8, v3;
	v7 =	vshll.u32 v7, $0x9;
	vm0 =	vmand vm0, vm14  }
0x412: {  	v7 =	vadd.s32 v9, v7;
	vm0 =	vmand vm15, vm0  }
0x413: {  	p0 =	sne.s32 s17, $0x1DFF0;
	v7 =	vnsel vm0, $0x0, v7  }
.Ltmp21:
0x414: {  	_ = 	snop;
	(pc) =	sbr.rel @p0 .LBB2_44-.Ltmp21, $3  }
0x415: {  	_ =	sdelay $0x1  }
0x416: {  	s21 =	simm.s32 $0x9010;
	s18 =	sadd.s32 $0x10, s18;
	v8 =	vadd.s32 s17, v5  }
0x417: {  	s19 =	sadd.s32 $0x10, s19;
	s20 =	sadd.s32 $0x10, s20;
	s17 =	sadd.s32 $0x10, s17;
	[tilespmem:v7+s21+$0x0] =	vst.idx.msk vm0, v8  }
0x418: {  	v6 =	vld [tilespmem:s21+$0x0];
	_ =	sdelay $0x4  }
0x419: {  	vm0 =	vgt.s32 v6, $0x0  }
0x41a: {  	v7 =	vsel vm0, $0x1, v4  }
0x41b: {  	(xrf0) =	vadd.scan.msk.s32 $0xffff, v7;
	_ =	sdelay $0x1  }
0x41c: {  	s17 =	simm.s32 $0x0  }
0x41d: {  	v7 =	vor.u32 s17, v2;
	_ =	sdelay $0x2  }
0x41e: {  	[tilespmem:s17+$0x11010] =	vst.msk vm0, v7;
	v7, _, _ =	vpop (xrf0)  }
0x41f: {  	(v2sf) =	vpush v7, $0xF;
	_ =	sdelay $0x1  }
0x420: {  	v6 =	vadd.s32 $0xFFFFFFFF, v6  }
0x421: {  	s19 =	simm.s32 $0x9020;
	[tilespmem:s17+$0x11890] =	vst.msk vm0, v6  }
0x422: {  	s18 =	simm.s32 $0x10;
	s20 =	simm.s32 $0x20;
	v6 =	vld [tilespmem:s19+$0x0]  }
.LBB2_46:
0x423: {  	p0 =	sne.s32 s20, $0x7FF0;
	_ =	sdelay $0x3  }
0x424: {  	vm0 =	vgt.s32 v6, $0x0;
	v6 =	vadd.s32 $0xFFFFFFFF, v6  }
0x425: {  	v7 =	vsel vm0, $0x1, v4  }
0x426: {  	(xrf0) =	vadd.scan.msk.s32 $0xffff, v7;
	_ =	sdelay $0x3  }
0x427: {  	s21 =	spop (v2sf)  }
0x428: {  	s17 =	sadd.s32 s17, s21  }
0x429: {  	v7, _, _ =	vpop (xrf0);
	p1 =	slt.s32 s17, $0x7F0  }
.Ltmp22:
0x42a: {  	v8 =	vor.u32 s18, v2;
	s18 =	smov.u32 s20;
	(v2sf) =	vpush v7, $0xF;
	s17 =	simm.s32 @!p1 $0x7F0;
	(pc) =	sbr.rel @p0 .LBB2_46-.Ltmp22, $4  }
0x42b: {  	[tilespmem:s17+$0x11010] =	vst.msk vm0, v8  }
0x42c: {  	[tilespmem:s17+$0x11890] =	vst.msk vm0, v6  }
0x42d: {  	s19 =	sadd.s32 $0x10, s19  }
0x42e: {  	s20 =	sadd.s32 $0x10, s20;
	v6 =	vld [tilespmem:s19+$0x0]  }
0x42f: {  	_ =	sdelay $0x3  }
0x430: {  	vm0 =	vgt.s32 v6, $0x0  }
0x431: {  	v7 =	vsel vm0, $0x1, v4  }
0x432: {  	(xrf0) =	vadd.scan.msk.s32 $0xffff, v7;
	_ =	sdelay $0x5  }
0x433: {  	v7, _, _ =	vpop (xrf0)  }
0x434: {  	(v2sf) =	vpush v7, $0xF;
	_ =	sdelay $0x7  }
0x435: {  	s19 =	spop (v2sf)  }
0x436: {  	s17 =	sadd.s32 s17, s19  }
0x437: {  	p0 =	slt.s32 s17, $0x7F0  }
0x438: {  	v7 =	vor.u32 s18, v2;
	s17 =	simm.s32 @!p0 $0x7F0  }
0x439: {  	v6 =	vadd.s32 $0xFFFFFFFF, v6;
	[tilespmem:s17+$0x11010] =	vst.msk vm0, v7  }
0x43a: {  	s20 =	simm.s32 $0x11010;
	[tilespmem:s17+$0x11890] =	vst.msk vm0, v6  }
0x43b: {  	[hbm4b:s4+s2] =	stream.linear.scatter [tilespmem:s20], [sflag:$0x2], $0x880, $0x38;
	[tilespmem:$0x12110] =	vst v63  }
0x43c: {  	s21 =	spop (v2sf)  }
0x43d: {  	_ =	swait.ge [sflag:s9], $0x880  }
0x43e: {  	[sflag:s9] =	ssyncset.done $0x0  }
0x43f: {  	s17 =	sadd.s32 s17, s21;
	s21 =	simm.s32 $0x11890;
	[sflag:s9] =	ssyncadd.s32 $0xFFFFF780  }
0x440: {  	[hbm4b:s5+s2] =	stream.linear.scatter [tilespmem:s21], [sflag:$0x2], $0x880, $0x38;
	[tilespmem:$0x12110] =	vst v63  }
0x441: {  	p0 =	slt.s32 s17, $0x7F0;
	_ =	swait.ge [sflag:s9], $0x880  }
0x442: {  	s16 =	sadd.s32 $0x1, s16;
	s17 =	simm.s32 @!p0 $0x7F0;
	[sflag:s9] =	ssyncset.done $0x0  }
0x443: {  	p0 =	sne.s32 s16, s7;
	v6 =	vmov s17;
	[sflag:s9] =	ssyncadd.s32 $0xFFFFF780  }
.Ltmp23:
0x444: {  	s20 =	simm.s32 $0x9000;
	[tilespmem:$0x9000] =	vst v6;
	(pc) =	sbr.rel @p0 .LBB2_1-.Ltmp23, $4  }
0x445: {  	[hbm4b:s6+s2] =	stream.linear.scatter [tilespmem:s20], [sflag:$0x2], $0x10, $0x38;
	[tilespmem:$0x12110] =	vst v63  }
0x446: {  	_ =	swait.ge [sflag:s9], $0x10  }
0x447: {  	[sflag:s9] =	ssyncset.done $0x0  }
0x448: {  	[sflag:s9] =	ssyncadd.s32 $0xFFFFFFF0  }
0x449: {  	_ =	sfence.sel $0x180000  }
0x44a: {  	[bflag:$0x0] =	sbarrier.arrive $0xFFFF  }
0x44b: {  	_ =	strace $0x90000047  }
0x44c: {  	s0 =	stileid.u32;
	[bflag:$0x2] =	sbarrier.arrive $0xFFFF  }
0x44d: {  	p0 =	sne.s32 s0, $0x0;
	s0 =	rddreg [dreg:$0x1]  }
0x44e: {  	s0 =	sadd.s32 @!p0 $0x100000, s0  }
0x44f: {  	[sflag:s0] =	ssyncadd.tile.s32 @!p0 $0x1;
	_ =	shalt  }
.Lfunc_end2:
_tile_overlayer_lowered:
.L_overlay_start_2:
0x450: {  	(tag) =	ssettag $0x2  }
0x451: {  	s0 =	rddreg [dreg:$0x0];
	s2 =	stileid.u32  }
0x452: {  	s1 =	rddreg [dreg:$0x1];
	p0 =	sne.s32 s2, $0x0  }
0x453: {  	s3 =	rddreg [dreg:$0x2];
	[bflag:$0x3] =	sbarrier.arrive $0xFFFF;
	s2 =	simm.s32 @!p0 $0x1C02  }
0x454: {  	[timem:s3], [sflag:s2] =	dma.local @!p0 [hbm:s0], s1  }
0x455: {  	s0 =	simm.s32 @!p0 $0x2  }
0x456: {  	_ =	swait.ge @!p0 [sflag:s0], s1  }
0x457: {  	s1 =	ssub.s32 @!p0 $0x0, s1;
	[sflag:s0] =	ssyncset.done @!p0 $0x0  }
0x458: {  	[sflag:s0] =	ssyncadd.s32 @!p0 s1  }
0x459: {  	[bflag:$0x3] =	sbarrier.arrive $0xFFFF  }
0x45a: {  	_ =	shalt  }

// kernel: kernel.8.cloned.1.call-start
scs
__scs_entry_jumppad:
0x0: {  	(pc) =	sbr.rel $0x88, $3  }
0x1: {  	(tag) =	ssettag $0x0;
	lr =	simm.s32 $0x1  }
0x2: {  	[smem:$0x3F9E] =	sst lr;
	_ =	strace $0xD0000000  }
0x3: {  	_ = 	snop  }
0x4: {  	_ = 	snop  }
0x5: {  	_ = 	snop  }
0x6: {  	_ = 	snop  }
0x7: {  	_ = 	snop  }
__scs_overlays_trampoline_lowered:
0x8: {  	[smem:$0x3FAD] =	sst s0  }
0x9: {  	[smem:$0x3FAE] =	sst s1  }
0xa: {  	[smem:$0x3FAF] =	sst s2  }
0xb: {  	[smem:$0x3FB0] =	sst s3  }
0xc: {  	[smem:$0x3FB1] =	sst s4  }
0xd: {  	[smem:$0x3FB2] =	sst s5  }
0xe: {  	[smem:$0x3FB3] =	sst s6  }
0xf: {  	[smem:$0x3FB4] =	sst s7  }
0x10: {  	[smem:$0x3FB5] =	sst s8  }
0x11: {  	[smem:$0x3FB6] =	sst s9;
	s0 =	simm.s32 @!p0 $0x0  }
0x12: {  	s1 =	sld [smem:$0x3F9C];
	s0 =	simm.s32 @p0 $0x1  }
0x13: {  	[smem:$0x3FB7] =	sst s0;
	s0 =	simm.s32 @!p1 $0x0  }
0x14: {  	s2 =	sld [smem:$0x3F9B];
	s0 =	simm.s32 @p1 $0x1  }
0x15: {  	[smem:$0x3FB8] =	sst s0;
	s0 =	simm.s32 @!p2 $0x0  }
0x16: {  	s3 =	sld [smem:$0x3FDB];
	s0 =	simm.s32 @p2 $0x1  }
0x17: {  	s4 =	simm.s32 $0x1BF5;
	[smem:$0x3FBA] =	sst s0  }
0x18: {  	s0 =	sld [smem:$0x3F9D];
	_ =	swait.ge [sflag:s4], $0x0  }
0x19: {  	s7 =	sld [smem:$0x3F9E]  }
0x1a: {  	s8 =	sadd.s32 $0xFFFFE003, lr  }
0x1b: {  	s9 =	sadd.s32 $0xFFFFFEF7, lr;
	s5 =	simm.s32 $0xFFFFFFFF;
	p2 =	slt.u32 s8, $0xFFFFF086  }
0x1c: {  	p1 =	slt.u32 s9, $0xF7A;
	s5 =	simm.s32 @!p2 $0x0  }
0x1d: {  	s5 =	simm.s32 @p1 $0x1;
	p0 =	seq.s32 s7, s2  }
0x1e: {  	s7 =	smul.u32 @!p0 $0xF7A, s2;
	p2 =	seq.s32 @!p0 s5, $0x0  }
0x1f: {  	s9 =	smul.u32 $0xF7A, s1;
	s8 =	simm.s32 @!p0 $0x1BF5;
	p2 =	por !p2, p0  }
0x20: {  	[sflag:s8] =	ssyncset.s32 @!p0 $0xFFFFF086;
	s6 =	sadd.s32 @!p0 s3, s7;
	s7 =	simm.s32 @!p0 $0x108  }
0x21: {  	s3 =	sadd.s32 s3, s9;
	s6 =	sadd.s32 @!p0 $0x88, s6;
	s7 =	simm.s32 @p2 $0x1082  }
0x22: {  	[simem:s7], [sflag:s8] =	dma.local @!p0 [hbm:s6], $0xF7A  }
0x23: {  	s9 =	sor.u32 $0xD0000000, s2;
	s6 =	simm.s32 $0x108;
	_ =	swait.ge @!p0 [sflag:s8], $0x0  }
0x24: {  	s3 =	sadd.s32 $0x88, s3;
	s6 =	simm.s32 @!p1 $0x1082;
	[sflag:s4] =	ssyncset.s32 $0xFFFFF086  }
0x25: {  	[simem:s6], [sflag:s4] =	dma.local [hbm:s3], $0xF7A  }
0x26: {  	[smem:$0x3F9E] =	sst s1;
	(tag) =	ssettag s2;
	_ =	strace s9  }
0x27: {  	s1 =	sld [smem:$0x3FAE]  }
0x28: {  	s2 =	sld [smem:$0x3FAF]  }
0x29: {  	s4 =	sld [smem:$0x3FB1]  }
0x2a: {  	p0 =	seq.s32 s5, $0x0;
	s5 =	sld [smem:$0x3FB2]  }
0x2b: {  	s6 =	sld [smem:$0x3FB3]  }
0x2c: {  	s7 =	sld [smem:$0x3FB4]  }
0x2d: {  	s3 =	simm.s32 $0x108;
	s8 =	sld [smem:$0x3FB5]  }
0x2e: {  	s3 =	simm.s32 @!p0 $0x1082;
	s9 =	sld [smem:$0x3FB6]  }
0x2f: {  	lr =	sadd.s32 s0, s3;
	s0 =	sld [smem:$0x3FAD]  }
0x30: {  	s3 =	sld [smem:$0x3FB0]  }
0x31: {  	[smem:$0x3FB9] =	sst s10  }
0x32: {  	s10 =	sld [smem:$0x3FB7];
	_ =	sdelay $0x3  }
0x33: {  	p0 =	seq.s32 s10, $0x1;
	s10 =	sld [smem:$0x3FB9];
	_ =	sdelay $0x3  }
0x34: {  	[smem:$0x3FB9] =	sst s10  }
0x35: {  	s10 =	sld [smem:$0x3FB8];
	_ =	sdelay $0x3  }
0x36: {  	p1 =	seq.s32 s10, $0x1;
	s10 =	sld [smem:$0x3FB9];
	_ =	sdelay $0x3  }
0x37: {  	[smem:$0x3FB9] =	sst s10  }
0x38: {  	s10 =	sld [smem:$0x3FBA]  }
0x39: {  	_ = 	snop;
	(pc) =	sbr.ind lr, $3  }
0x3a: {  	_ = 	snop  }
0x3b: {  	_ = 	snop  }
0x3c: {  	p2 =	seq.s32 s10, $0x1;
	s10 =	sld [smem:$0x3FB9]  }
0x3d: {  	_ =	shalt  }
0x3e: {  	_ =	shalt  }
0x3f: {  	_ =	shalt  }
0x40: {  	_ =	shalt  }
0x41: {  	_ =	shalt  }
0x42: {  	_ =	shalt  }
0x43: {  	_ =	shalt  }
0x44: {  	_ =	shalt  }
0x45: {  	_ =	shalt  }
0x46: {  	_ =	shalt  }
0x47: {  	_ =	shalt  }
0x48: {  	_ =	shalt  }
0x49: {  	_ =	shalt  }
0x4a: {  	_ =	shalt  }
0x4b: {  	_ =	shalt  }
0x4c: {  	_ =	shalt  }
0x4d: {  	_ =	shalt  }
0x4e: {  	_ =	shalt  }
0x4f: {  	_ =	shalt  }
0x50: {  	_ =	shalt  }
0x51: {  	_ =	shalt  }
0x52: {  	_ =	shalt  }
0x53: {  	_ =	shalt  }
0x54: {  	_ =	shalt  }
0x55: {  	_ =	shalt  }
0x56: {  	_ =	shalt  }
0x57: {  	_ =	shalt  }
0x58: {  	_ =	shalt  }
0x59: {  	_ =	shalt  }
0x5a: {  	_ =	shalt  }
0x5b: {  	_ =	shalt  }
0x5c: {  	_ =	shalt  }
0x5d: {  	_ =	shalt  }
0x5e: {  	_ =	shalt  }
0x5f: {  	_ =	shalt  }
0x60: {  	_ =	shalt  }
0x61: {  	_ =	shalt  }
0x62: {  	_ =	shalt  }
0x63: {  	_ =	shalt  }
0x64: {  	_ =	shalt  }
0x65: {  	_ =	shalt  }
0x66: {  	_ =	shalt  }
0x67: {  	_ =	shalt  }
0x68: {  	_ =	shalt  }
0x69: {  	_ =	shalt  }
0x6a: {  	_ =	shalt  }
0x6b: {  	_ =	shalt  }
0x6c: {  	_ =	shalt  }
0x6d: {  	_ =	shalt  }
0x6e: {  	_ =	shalt  }
0x6f: {  	_ =	shalt  }
0x70: {  	_ =	shalt  }
0x71: {  	_ =	shalt  }
0x72: {  	_ =	shalt  }
0x73: {  	_ =	shalt  }
0x74: {  	_ =	shalt  }
0x75: {  	_ =	shalt  }
0x76: {  	_ =	shalt  }
0x77: {  	_ =	shalt  }
0x78: {  	_ =	shalt  }
0x79: {  	_ =	shalt  }
0x7a: {  	_ =	shalt  }
0x7b: {  	_ =	shalt  }
0x7c: {  	_ =	shalt  }
0x7d: {  	_ =	shalt  }
0x7e: {  	_ =	shalt  }
0x7f: {  	_ =	shalt  }
0x80: {  	_ =	shalt  }
0x81: {  	_ =	shalt  }
0x82: {  	_ =	shalt  }
0x83: {  	_ =	shalt  }
0x84: {  	_ =	shalt  }
0x85: {  	_ =	shalt  }
0x86: {  	_ =	shalt  }
0x87: {  	_ =	shalt  }
.Lfunc_end0:
.L_simem_size_0:
called_computation.1_lowered:
.L_overlay_start_0:
0x88: {  	s2 =	sld [smem:$0x3FD9]  }
0x89: {  	s3 =	sld [smem:$0x3FFE];
	_ =	sdelay $0x1  }
0x8a: {  	s1 =	srdreg.scid  }
0x8b: {  	s0 =	sand.u32 $0x1, s1  }
0x8c: {  	s16 =	sshll.u32 s0, $0xA;
	s2 =	sadd.s32 s3, s2  }
0x8d: {  	s2 =	sadd.s32 s2, s16  }
0x8e: {  	[smem:$0x3FC5] =	sst s2  }
0x8f: {  	_ = 	snop  }
0x90: {  	(tm) =	ssettm $0x1  }
0x91: {  	s17 =	sld [smem:$0x3FFB];
	_ =	sdelay $0x3  }
0x92: {  	_ =	strace s17  }
0x93: {  	s2 =	sld [smem:$0x3FFC];
	_ =	sdelay $0x3  }
0x94: {  	_ =	strace s2  }
0x95: {  	s2 =	sld [smem:$0x3FFD];
	_ =	sdelay $0x3  }
0x96: {  	_ =	strace s2  }
0x97: {  	_ =	strace $0x8FFFFFFF  }
0x98: {  	s18 =	sld [smem:$0x3FDB];
	_ =	sdelay $0x1  }
0x99: {  	s19 =	simm.s32 $_scs_section_size  }
0x9a: {  	s4 =	simm.s32 $_size__tile_overlayer_lowered;
	s5 =	simm.s32 $_tile_overlayer_lowered  }
0x9b: {  	s22 =	simm.s32 $0x1BFF;
	s21 =	sshll.u32 s5, $0x1;
	s2 =	sadd.s32 s19, s18  }
0x9c: {  	s6 =	simm.s32 $0x0;
	s20 =	sshll.u32 s4, $0x1;
	s4 =	sadd.s32 s21, s2  }
0x9d: {  	[timem:s6], [sflag:s22] =	dma.local [hbm:s4], s20  }
0x9e: {  	_ =	swait.ge [sflag:s22], s20  }
0x9f: {  	s3 =	ssub.s32 $0x0, s20;
	[sflag:s22] =	ssyncset.done $0x0  }
0xa0: {  	[sflag:s22] =	ssyncadd.s32 s3;
	_ =	sdelay $0x1  }
0xa1: {  	s23 =	simm.s32 $0x1B8B  }
0xa2: {  	_ =	swait.ge [sflag:s23], $0x1  }
0xa3: {  	[sflag:s23] =	ssyncset.done $0x0  }
0xa4: {  	s25 =	simm.s32 $0x1B8E;
	s24 =	sld [smem:$0x3FFE];
	[sflag:s23] =	ssyncadd.s32 $0xFFFFFFFF  }
0xa5: {  	s26 =	simm.s32 $execute0_lowered;
	[smem:$0x3FD2] =	sst s25  }
0xa6: {  	s4 =	sshll.u32 s26, $0x1;
	_ =	strace $0x80000049;
	[dreg:$0x1] =	wrdreg $0xFFFFFFFF  }
0xa7: {  	s28 =	simm.s32 $_size_execute0_lowered;
	s2 =	sadd.s32 s2, s4;
	[dreg:$0x0] =	wrdreg $0x0  }
0xa8: {  	s4 =	sshll.u32 s28, $0x1;
	[dreg:$0x2] =	wrdreg s2  }
0xa9: {  	[dreg:$0x3] =	wrdreg s4  }
0xaa: {  	[dreg:$0x4] =	wrdreg $0xC0  }
0xab: {  	_ =	task [dreg:s6], $0x5FFFF  }
0xac: {  	[dreg:$0x1] =	wrdreg $0xFFFFFFFF  }
0xad: {  	[dreg:$0x0] =	wrdreg $0x60  }
0xae: {  	[dreg:$0x2] =	wrdreg s24  }
0xaf: {  	[dreg:$0x3] =	wrdreg $0x9  }
0xb0: {  	_ =	task.clear_ibuf [dreg:s6], $0x4FFFF;
	_ =	strace $0x90000049  }
0xb1: {  	s29 =	simm.s32 $0x9;
	_ =	strace $0x8000004B  }
0xb2: {  	_ =	swait.ge [sflag:s29], $0x1  }
0xb3: {  	[sflag:s29] =	ssyncadd.s32 $0xFFFFFFFF  }
0xb4: {  	_ =	strace $0x9000004B  }
0xb5: {  	_ =	sfence  }
0xb6: {  	s30 =	sld [smem:$0x0];
	_ =	sdelay $0x2  }
0xb7: {  	s31 =	sshll.u32 s1, $0xD;
	s1 =	sshrl.u32 s1, $0x2  }
0xb8: {  	s3 =	sand.u32 $0x4000, s31;
	s1 =	sadd.s32 s1, s30  }
0xb9: {  	s0 =	sor.u32 s3, s0;
	s1 =	sshll.u32 s1, $0x11  }
0xba: {  	s0 =	sor.u32 s1, s0  }
0xbb: {  	s0 =	sadd.s32 $0x8F2B, s0  }
0xbc: {  	[sflag:s0] =	ssyncadd.remote.s32 $0x1  }
0xbd: {  	_ =	sfence.sel $0xFFFF  }
0xbe: {  	[dreg:$0x0] =	wrdreg $0xFFFFFFFF;
	(pc) =	sbr.abs _section_cstart, $3  }
0xbf: {  	[dreg:$0x1] =	wrdreg $0xFFFFFFFF  }
0xc0: {  	_ =	task.clear_ibuf [dreg:s6], $0x2FFFF;
	_ =	strace $0x9FFFFFFF  }
0xc1: {  	(tm) =	ssettm $0x7FFFFFFF  }
tec
execute0_lowered:
.L_overlay_start_1:
0x0: {  	(tag) =	ssettag $0x1  }
0x1: {  	s1 =	srdreg.scid  }
0x2: {  	s0 =	stileid.u32;
	s4 =	rddreg [dreg:$0x0];
	s2 =	simm.s32 $0x0  }
0x3: {  	s13 =	simm.s32 $0x20;
	s14 =	simm.s32 $0x1110;
	s15 =	simm.s32 $0x1  }
0x4: {  	s16 =	simm.s32 $0x1910;
	s18 =	simm.s32 $0x2;
	s19 =	simm.s32 $0x0  }
0x5: {  	s5 =	sand.u32 $0x1, s1;
	s3 =	sshll.u32 s0, $0x1;
	s1 =	rddreg [dreg:$0x1]  }
0x6: {  	[smem:$0x7FF] =	sst s2;
	s10 =	sshll.u32 s0, $0x16;
	s11 =	sshll.u32 s0, $0x10  }
0x7: {  	s6 =	sor.u32 s5, s3;
	_ =	strace $0x8000004A;
	s3 =	sadd.s32 $0x811A00, s4  }
0x8: {  	s9 =	ssub.s32 $0x2, s5;
	s5 =	sshll.u32 s5, $0xF;
	s7 =	smul.u32 $0x110, s6  }
0x9: {  	s8 =	sshll.u32 s6, $0x1;
	s6 =	sshll.u32 s6, $0xF;
	s12 =	sshrl.u32 s9, $0x1  }
0xa: {  	v0 =	vlaneseq.u32;
	s5 =	sor.u32 s5, s11;
	s11 =	simm.s32 $0x880;
	s8 =	sadd.s32 s8, s4  }
.Ltmp0:
0xb: {  	v4 =	vmul.u32 $0x40000, v0;
	s6 =	sor.u32 s10, s6;
	s9 =	ssub.s32 s9, s12;
	(pc) =	sbr.rel .LBB2_1-.Ltmp0, $4  }
0xc: {  	s10 =	sor.u32 s5, s10;
	s12 =	simm.s32 $0x1100;
	s7 =	sadd.s32 s7, s4  }
0xd: {  	v2 =	vmul.u32 $0x40, v0;
	v3 =	vor.u32 $0x400000, v4;
	v5 =	vor.u32 $0x800000, v4;
	s4 =	sadd.s32 $0x11A00, s4;
	s17 =	sand.u32 $0x3038000, s6;
	s5 =	sadd.s32 $0xD400, s7  }
0xe: {  	v6 =	vor.u32 $0xC00000, v4;
	s6 =	sadd.s32 $0xF600, s7;
	s7 =	sadd.s32 $0x11800, s8;
	s8 =	smax.u32 s9, $0x1;
	v1 =	vor.u32 s17, v4;
	v3 =	vor.u32 s17, v3  }
0xf: {  	s9 =	sand.u32 $0x3038000, s10;
	s10 =	simm.s32 $0x3;
	v4 =	vor.u32 s17, v5;
	v5 =	vor.u32 s17, v6;
	v6 =	vor.u32 $0x400, v2;
	s17 =	simm.s32 $0x80  }
.LBB2_18:
0x10: {  	s19 =	sadd.s32 $0x1, s19  }
0x11: {  	p0 =	sne.s32 s19, s8  }
.Ltmp1:
0x12: {  	_ = 	snop;
	(pc) =	sbr.rel @!p0 .LBB2_19-.Ltmp1, $1  }
0x13: {  	_ =	sdelay $0x3  }
.LBB2_1:
0x14: {  	[tilespmem:s2], [sflag:$0x3] =	stream.linear.gather [hbm4b:s5+s2], $0x880, $0x38;
	[tilespmem:$0x2910] =	vst v63  }
0x15: {  	_ =	swait.ge [sflag:s10], $0x880  }
0x16: {  	[sflag:s10] =	ssyncset.done $0x0  }
0x17: {  	[sflag:s10] =	ssyncadd.s32 $0xFFFFF780  }
0x18: {  	[tilespmem:s11], [sflag:$0x3] =	stream.linear.gather [hbm4b:s6+s2], $0x880, $0x38;
	[tilespmem:$0x2910] =	vst v63  }
0x19: {  	_ =	swait.ge [sflag:s10], $0x880  }
0x1a: {  	[sflag:s10] =	ssyncset.done $0x0  }
0x1b: {  	[sflag:s10] =	ssyncadd.s32 $0xFFFFF780  }
0x1c: {  	[tilespmem:s12], [sflag:$0x3] =	stream.linear.gather [hbm4b:s7+s2], $0x10, $0x38;
	[tilespmem:$0x2910] =	vst v63  }
0x1d: {  	_ =	swait.ge [sflag:s10], $0x10  }
0x1e: {  	[sflag:s10] =	ssyncset.done $0x0  }
0x1f: {  	[sflag:s10] =	ssyncadd.s32 $0xFFFFFFF0  }
0x20: {  	v7 =	vld [tilespmem:$0x1100];
	_ =	sdelay $0x4  }
0x21: {  	v7 =	vxor.u32 $0x80000000, v7  }
0x22: {  	(xrf0) =	vmax.scan.msk.u32 $0xffff, v7;
	_ =	sdelay $0x5  }
0x23: {  	v7, _, _ =	vpop (xrf0)  }
0x24: {  	(v2sf) =	vpush v7, $0xF;
	_ =	sdelay $0xb  }
.Ltmp2:
0x25: {  	_ = 	snop;
	(pc) =	sbr.rel .LBB2_2-.Ltmp2, $3  }
0x26: {  	_ =	sdelay $0x1  }
0x27: {  	s20 =	spop (v2sf)  }
0x28: {  	s21 =	simm.s32 $0x0;
	s20 =	sxor.u32 $0x80000000, s20  }
.LBB2_15:
0x29: {  	[sflag:s18] =	ssyncadd.s32 $0xFFFFFF80  }
.LBB2_16:
0x2a: {  	s22 =	simm.s32 @!p0 $0x2  }
0x2b: {  	_ =	swait.ge @!p0 [sflag:s22], $0x10  }
0x2c: {  	[sflag:s22] =	ssyncset.done @!p0 $0x0  }
0x2d: {  	[sflag:s22] =	ssyncadd.s32 @!p0 $0xFFFFFFF0  }
0x2e: {  	_ =	swait.ge @!p0 [sflag:s22], $0x10  }
0x2f: {  	[sflag:s22] =	ssyncset.done @!p0 $0x0  }
0x30: {  	[sflag:s22] =	ssyncadd.s32 @!p0 $0xFFFFFFF0  }
0x31: {  	_ =	swait.ge @!p0 [sflag:s22], $0x10  }
0x32: {  	[sflag:s22] =	ssyncset.done @!p0 $0x0  }
0x33: {  	[sflag:s22] =	ssyncadd.s32 @!p0 $0xFFFFFFF0  }
0x34: {  	_ =	swait.ge @!p0 [sflag:s22], $0x10  }
0x35: {  	[sflag:s22] =	ssyncset.done @!p0 $0x0  }
0x36: {  	[sflag:s22] =	ssyncadd.s32 @!p0 $0xFFFFFFF0  }
.LBB2_17:
0x37: {  	s21 =	sadd.s32 $0x1, s21  }
0x38: {  	p0 =	sne.s32 s21, $0x40  }
.Ltmp3:
0x39: {  	_ = 	snop;
	(pc) =	sbr.rel @!p0 .LBB2_18-.Ltmp3, $1  }
0x3a: {  	_ =	sdelay $0x3  }
.LBB2_2:
0x3b: {  	s22 =	sshll.u32 s21, $0x5  }
0x3c: {  	p0 =	sle.s32 s20, s22  }
.Ltmp4:
0x3d: {  	_ = 	snop;
	(pc) =	sbr.rel @p0 .LBB2_17-.Ltmp4, $1  }
0x3e: {  	_ =	sdelay $0x3  }
0x3f: {  	s23 =	simm.s32 $0x0;
	s24 =	simm.s32 $0x0  }
0x40: {  	s23 =	sand.u32 $0x30, s23;
	s24 =	sand.u32 $0xFFFFFFC0, s24  }
0x41: {  	s23 =	sor.u32 s23, s24  }
0x42: {  	s29 =	sadd.s32 $0x880, s22;
	v7 =	vor.u32 s23, v0  }
0x43: {  	[tilespmem:s14], [sflag:$0x1] =	stream.indirect.gather [hbm4b:s3+s13], $0x40, s29, s13, $0xb8;
	[tilespmem:$0x2910] =	vst v63  }
0x44: {  	_ =	swait.ge [sflag:s15], $0x800  }
0x45: {  	s30 =	simm.s32 $0x10;
	s31 =	simm.s32 $0x10;
	[sflag:s15] =	ssyncset.done $0x0  }
0x46: {  	s25 =	sand.u32 $0xFFFFFFC0, s30;
	s24 =	sand.u32 $0x30, s31;
	[sflag:s15] =	ssyncadd.s32 $0xFFFFF800  }
0x47: {  	s24 =	sor.u32 s24, s25;
	v8 =	vld.idx.msk [tilespmem:v7+s14+$0x0], $0xffff  }
0x48: {  	v7 =	vor.u32 s24, v0;
	_ =	sdelay $0x2  }
0x49: {  	s23 =	simm.s32 $0x2110  }
0x4a: {  	s26 =	simm.s32 $0x20;
	s25 =	simm.s32 $0x3;
	s24 =	simm.s32 $0x20;
	[tilespmem:s23+$0x0] =	vst v8  }
.LBB2_4:
0x4b: {  	p0 =	sne.s32 s25, $0x7F;
	s28 =	sand.u32 $0x30, s24;
	s26 =	sand.u32 $0xFFFFFFC0, s26;
	v8 =	vld.idx.msk [tilespmem:v7+s14+$0x0], $0xffff  }
0x4c: {  	s26 =	sor.u32 s28, s26  }
.Ltmp5:
0x4d: {  	v7 =	vor.u32 s26, v0;
	(pc) =	sbr.rel @p0 .LBB2_4-.Ltmp5, $3  }
0x4e: {  	_ =	sdelay $0x1  }
0x4f: {  	s23 =	sadd.s32 $0x10, s23  }
0x50: {  	s24 =	sadd.s32 $0x10, s24;
	s26 =	sshll.u32 s25, $0x4;
	s25 =	sadd.s32 $0x1, s25;
	[tilespmem:s23+$0x0] =	vst v8  }
0x51: {  	_ =	sdelay $0x2  }
0x52: {  	s24 =	sand.u32 $0x30, s24;
	s25 =	sand.u32 $0xFFFFFFC0, s26  }
0x53: {  	v7 =	vld.idx.msk [tilespmem:v7+s14+$0x0], $0xffff;
	s24 =	sor.u32 s24, s25  }
0x54: {  	v8 =	vor.u32 s24, v0;
	_ =	sdelay $0x2  }
0x55: {  	s23 =	sadd.s32 $0x10, s23  }
0x56: {  	[tilespmem:s23+$0x0] =	vst v7  }
0x57: {  	v7 =	vld.idx.msk [tilespmem:v8+s14+$0x0], $0xffff;
	_ =	sdelay $0x3  }
0x58: {  	s23 =	sadd.s32 $0x10, s23  }
0x59: {  	[tilespmem:s23+$0x0] =	vst v7  }
0x5a: {  	s31 =	simm.s32 $0x0;
	v7 =	vld [tilespmem:s22+$0x0]  }
0x5b: {  	v8 =	vor.u32 s31, v2;
	_ =	sdelay $0x3  }
0x5c: {  	v9 =	vadd.s32 s9, v7  }
0x5d: {  	s24 =	smov.u32 s9;
	s23 =	simm.s32 $0x1;
	[tilespmem:v8+s16+$0x0] =	vst.idx.msk $0xffff, v9  }
.LBB2_6:
0x5e: {  	v8 =	vor.u32 s23, v2;
	p0 =	sne.s32 s23, $0x3F;
	s23 =	sadd.s32 $0x1, s23  }
.Ltmp6:
0x5f: {  	(pc) =	sbr.rel @p0 .LBB2_6-.Ltmp6, $4  }
0x60: {  	_ = 	snop  }
0x61: {  	s24 =	sadd.s32 $0x40000, s24  }
0x62: {  	v9 =	vadd.s32 s24, v7  }
0x63: {  	[tilespmem:v8+s16+$0x0] =	vst.idx.msk $0xffff, v9  }
0x64: {  	v7 =	vld [tilespmem:s22+$0x10];
	s23 =	simm.s32 $0x0  }
0x65: {  	v8 =	vor.u32 s23, v6;
	_ =	sdelay $0x3  }
0x66: {  	v9 =	vadd.s32 s9, v7  }
0x67: {  	s24 =	smov.u32 s9;
	s23 =	simm.s32 $0x1;
	[tilespmem:v8+s16+$0x0] =	vst.idx.msk $0xffff, v9  }
.LBB2_8:
0x68: {  	v8 =	vor.u32 s23, v6;
	p0 =	sne.s32 s23, $0x3F;
	s23 =	sadd.s32 $0x1, s23  }
.Ltmp7:
0x69: {  	(pc) =	sbr.rel @p0 .LBB2_8-.Ltmp7, $4  }
0x6a: {  	_ = 	snop  }
0x6b: {  	s24 =	sadd.s32 $0x40000, s24  }
0x6c: {  	v9 =	vadd.s32 s24, v7  }
0x6d: {  	[tilespmem:v8+s16+$0x0] =	vst.idx.msk $0xffff, v9  }
0x6e: {  	s24 =	ssub.s32 s20, s22  }
0x6f: {  	p0 =	slt.s32 s24, $0x20  }
0x70: {  	s24 =	simm.s32 @!p0 $0x20  }
0x71: {  	s23 =	sshra.s32 s24, $0x1  }
0x72: {  	p1 =	slt.s32 s23, $0x1  }
.Ltmp8:
0x73: {  	_ = 	snop;
	(pc) =	sbr.rel @p1 .LBB2_12-.Ltmp8, $1  }
0x74: {  	_ =	sdelay $0x3  }
0x75: {  	p0 =	sne.s32 s23, $0x1  }
.Ltmp9:
0x76: {  	_ = 	snop;
	(pc) =	sbr.rel @!p0 .LBB2_12-.Ltmp9, $3  }
0x77: {  	_ =	sdelay $0x1  }
0x78: {  	s25 =	simm.s32 $0x2110;
	s26 =	simm.s32 $0x1910;
	s28 =	sadd.s32 $0xFFFFFFFF, s23  }
0x79: {  	[hbm4b:s4+s17] =	stream.indirect.scatter [tilespmem:s25], [sflag:$0x2], $0x1, s26, s17, $0xb8;
	[tilespmem:$0x2910] =	vst v63  }
.LBB2_11:
0x7a: {  	p0 =	sne.s32 s28, $0x1  }
.Ltmp10:
0x7b: {  	_ = 	snop;
	(pc) =	sbr.rel @p0 .LBB2_11-.Ltmp10, $4  }
0x7c: {  	_ = 	snop  }
0x7d: {  	s25 =	sadd.s32 $0x80, s25;
	s26 =	sadd.s32 $0x80, s26  }
0x7e: {  	s28 =	sadd.s32 $0xFFFFFFFF, s28  }
0x7f: {  	[hbm4b:s4+s17] =	stream.indirect.scatter [tilespmem:s25], [sflag:$0x2], $0x1, s26, s17, $0xb8;
	[tilespmem:$0x2910] =	vst v63  }
.LBB2_12:
0x80: {  	s25 =	sand.u32 $0x1, s24  }
0x81: {  	p0 =	seq.s32 s25, $0x0  }
0x82: {  	s22 =	sadd.s32 @!p0 s24, s22  }
0x83: {  	s22 =	sadd.s32 @!p0 $0xFFFFFFFF, s22  }
0x84: {  	v7 =	vmov @!p0 s22  }
0x85: {  	v7 =	vand.u32 @!p0 $0xFFFFFFFE, v7  }
0x86: {  	v7 =	vbroadcast @!p0 v7, $0x0;
	_ =	sdelay $0x4  }
0x87: {  	s22 =	simm.s32 @!p0 $0x0  }
0x88: {  	v7 =	vld.idx.msk @!p0 [tilespmem:v7+s22+$0x0], $0xffff;
	_ =	sdelay $0x4  }
0x89: {  	v8 =	vadd.s32 @!p0 v7, v1;
	_ =	sdelay $0x1  }
0x8a: {  	s24 =	sshll.u32 @!p0 s24, $0x8;
	v9 =	vadd.s32 @!p0 v7, v3  }
0x8b: {  	s24 =	sshra.s32 @!p0 s24, $0x2  }
0x8c: {  	vm0 =	vmmov @!p0 $0xffff;
	s25 =	sadd.s32 @!p0 $0x20D0, s24  }
0x8d: {  	v10 =	vadd.s32 @!p0 v7, v4;
	[hbm4b:s4+s22] =	stream.indirect_vreg.scatter @!p0 [tilespmem:s25], [sflag:$0x2], $0x1, v8, vm0, $0xb8;
	[tilespmem:$0x2910] =	vst v63  }
0x8e: {  	s25 =	sadd.s32 @!p0 $0x20E0, s24  }
0x8f: {  	v7 =	vadd.s32 @!p0 v7, v5;
	[hbm4b:s4+s22] =	stream.indirect_vreg.scatter @!p0 [tilespmem:s25], [sflag:$0x2], $0x1, v9, vm0, $0xb8;
	[tilespmem:$0x2910] =	vst v63  }
.Ltmp11:
0x90: {  	_ = 	snop;
	(pc) =	sbr.rel @p1 .LBB2_16-.Ltmp11, $4  }
0x91: {  	s25 =	sadd.s32 @!p0 $0x20F0, s24  }
0x92: {  	[hbm4b:s4+s22] =	stream.indirect_vreg.scatter @!p0 [tilespmem:s25], [sflag:$0x2], $0x1, v10, vm0, $0xb8;
	[tilespmem:$0x2910] =	vst v63  }
0x93: {  	s24 =	sadd.s32 @!p0 $0x2100, s24  }
0x94: {  	[hbm4b:s4+s22] =	stream.indirect_vreg.scatter @!p0 [tilespmem:s24], [sflag:$0x2], $0x1, v7, vm0, $0xb8;
	[tilespmem:$0x2910] =	vst v63  }
0x95: {  	p1 =	sne.s32 s23, $0x1  }
.Ltmp12:
0x96: {  	_ = 	snop;
	(pc) =	sbr.rel @!p1 .LBB2_15-.Ltmp12, $3  }
0x97: {  	_ =	sdelay $0x1  }
0x98: {  	_ =	swait.ge [sflag:s18], $0x80  }
0x99: {  	s22 =	sadd.s32 $0xFFFFFFFF, s23;
	[sflag:s18] =	ssyncset.done $0x0  }
.LBB2_14:
0x9a: {  	p1 =	sne.s32 s22, $0x1;
	s22 =	sadd.s32 $0xFFFFFFFF, s22;
	[sflag:s18] =	ssyncadd.s32 $0xFFFFFF80  }
.Ltmp13:
0x9b: {  	(pc) =	sbr.rel @p1 .LBB2_14-.Ltmp13, $3  }
0x9c: {  	_ =	sdelay $0x1  }
0x9d: {  	_ =	swait.ge [sflag:s18], $0x80  }
0x9e: {  	[sflag:s18] =	ssyncset.done $0x0  }
.Ltmp14:
0x9f: {  	_ = 	snop;
	(pc) =	sbr.rel .LBB2_15-.Ltmp14, $1  }
0xa0: {  	_ =	sdelay $0x3  }
.LBB2_19:
0xa1: {  	_ =	sfence.sel $0x180000  }
0xa2: {  	[bflag:$0x0] =	sbarrier.arrive $0xFFFF  }
0xa3: {  	p0 =	sne.s32 s0, $0x0;
	_ =	strace $0x9000004A  }
0xa4: {  	s0 =	sadd.s32 @!p0 $0x100000, s1;
	[bflag:$0x2] =	sbarrier.arrive $0xFFFF  }
0xa5: {  	[sflag:s0] =	ssyncadd.tile.s32 @!p0 $0x1;
	_ =	shalt  }
.Lfunc_end2:
_tile_overlayer_lowered:
.L_overlay_start_2:
0xa6: {  	(tag) =	ssettag $0x2  }
0xa7: {  	s0 =	rddreg [dreg:$0x0];
	s2 =	stileid.u32  }
0xa8: {  	s1 =	rddreg [dreg:$0x1];
	p0 =	sne.s32 s2, $0x0  }
0xa9: {  	s3 =	rddreg [dreg:$0x2];
	[bflag:$0x3] =	sbarrier.arrive $0xFFFF;
	s2 =	simm.s32 @!p0 $0x1C03  }
0xaa: {  	[timem:s3], [sflag:s2] =	dma.local @!p0 [hbm:s0], s1  }
0xab: {  	s0 =	simm.s32 @!p0 $0x3  }
0xac: {  	_ =	swait.ge @!p0 [sflag:s0], s1  }
0xad: {  	s1 =	ssub.s32 @!p0 $0x0, s1;
	[sflag:s0] =	ssyncset.done @!p0 $0x0  }
0xae: {  	[sflag:s0] =	ssyncadd.s32 @!p0 s1  }
0xaf: {  	[bflag:$0x3] =	sbarrier.arrive $0xFFFF  }
0xb0: {  	_ =	shalt  }

</sc_bundles>
